<compile_context>
chip_gen: v7x
topology: tpu7x:2x2x1
jax: 0.10.2.dev20260603
libtpu: 0.0.44.dev20260713+nightly
codegen_flags: <defaults>
</compile_context>

<pallas_src>
import functools

import jax
import jax.numpy as jnp
from jax import lax
from jax.experimental import pallas as pl
from jax.experimental.pallas import tpu as pltpu
from jax.experimental.pallas import tpu_sc as plsc

N = 50000
NH = 9
E = 128
B = N * NH
NC = 2
NS = 16
NW = NC * NS
_MESH = plsc.VectorSubcoreMesh(
    core_axis_name="c", subcore_axis_name="s", num_cores=NC, num_subcores=NS
)


CC = 720
NCH2 = B // CC
STEPS2 = NCH2 // NW
TAIL2 = NCH2 - STEPS2 * NW
assert STEPS2 % 2 == 1


@functools.partial(
    pl.kernel,
    out_type=[
        jax.ShapeDtypeStruct((B,), jnp.float32),
        jax.ShapeDtypeStruct((B,), jnp.float32),
    ],
    mesh=_MESH,
    compiler_params=pltpu.CompilerParams(needs_layout_passes=False),
    scratch_types=[
        pltpu.VMEM((N,), jnp.float32),
        pltpu.VMEM((N,), jnp.float32),
        pltpu.VMEM((STEPS2 * CC,), jnp.int32),
        [pltpu.VMEM((CC,), jnp.float32)] * 2,
        [pltpu.VMEM((CC,), jnp.float32)] * 2,
        pltpu.SemaphoreType.DMA,
        [pltpu.SemaphoreType.DMA] * 2,
    ],
)
def _sc_coords(lon_hbm, lat_hbm, idxt_hbm, lon_o_hbm, lat_o_hbm,
               lon_tab, lat_tab, idx_all, lon_v, lat_v, sem_pf, sem_s):
    wid = lax.axis_index("s") * NC + lax.axis_index("c")
    start = wid * STEPS2 + jnp.minimum(wid, TAIL2)

    pltpu.make_async_copy(lon_hbm, lon_tab, sem_pf).start()
    pltpu.make_async_copy(lat_hbm, lat_tab, sem_pf).start()
    pltpu.make_async_copy(
        idxt_hbm.at[pl.ds(start * CC, STEPS2 * CC)], idx_all, sem_pf
    ).start()
    pltpu.make_async_copy(lon_hbm, lon_tab, sem_pf).wait()
    pltpu.make_async_copy(lat_hbm, lat_tab, sem_pf).wait()
    pltpu.make_async_copy(
        idxt_hbm.at[pl.ds(start * CC, STEPS2 * CC)], idx_all, sem_pf
    ).wait()

    def compute_chunk(k, b):
        for u in range(CC // 16):
            i16 = idx_all[pl.ds(k * CC + u * 16, 16)]
            lon_v[b][pl.ds(u * 16, 16)] = plsc.load_gather(lon_tab, [i16])
            lat_v[b][pl.ds(u * 16, 16)] = plsc.load_gather(lat_tab, [i16])

    def stores(off, b):
        yield pltpu.make_async_copy(lon_v[b], lon_o_hbm.at[pl.ds(off, CC)], sem_s[b])
        yield pltpu.make_async_copy(lat_v[b], lat_o_hbm.at[pl.ds(off, CC)], sem_s[b])

    def step(k, b):
        @pl.when(k >= 2)
        def _():
            for d in stores((start + jnp.maximum(k - 2, 0)) * CC, b):
                d.wait()
        compute_chunk(k, b)
        for d in stores((start + k) * CC, b):
            d.start()

    step(0, 0)

    def pair_body(m, carry):
        step(2 * m + 1, 1)
        step(2 * m + 2, 0)
        return carry

    lax.fori_loop(0, (STEPS2 - 1) // 2, pair_body, 0)

    for d in stores((start + STEPS2 - 2) * CC, 1):
        d.wait()
    for d in stores((start + STEPS2 - 1) * CC, 0):
        d.wait()

    @pl.when(wid < TAIL2)
    def _():
        toff = (start + STEPS2) * CC
        pltpu.sync_copy(idxt_hbm.at[pl.ds(toff, CC)], idx_all.at[pl.ds(0, CC)])
        compute_chunk(0, 0)
        for d in stores(toff, 0):
            d.start()
        for d in stores(toff, 0):
            d.wait()


RB = 3
XSUB = 120
XNSUB = 2
XCHUNK = XSUB * XNSUB
XNCH = B // XCHUNK
XSTEPS = XNCH // NW
XTAIL = XNCH - XSTEPS * NW


@functools.partial(
    pl.kernel,
    out_type=jax.ShapeDtypeStruct((B, E), jnp.float32),
    mesh=_MESH,
    scratch_types=[
        pltpu.VMEM((XSTEPS * XCHUNK,), jnp.int32),
        [pltpu.VMEM((XCHUNK, E), jnp.float32)] * RB,
        pltpu.SemaphoreType.DMA,
        [pltpu.SemaphoreType.DMA] * RB,
        [pltpu.SemaphoreType.DMA] * RB,
    ],
)
def _sc_xgather(x_hbm, idxt_hbm, xg_hbm, idx_all, rows_v, sem_pf, sem_g, sem_s):
    wid = lax.axis_index("s") * NC + lax.axis_index("c")
    start = wid * XSTEPS + jnp.minimum(wid, XTAIL)

    pltpu.make_async_copy(
        idxt_hbm.at[pl.ds(start * XCHUNK, XSTEPS * XCHUNK)], idx_all, sem_pf
    ).start()
    pltpu.make_async_copy(
        idxt_hbm.at[pl.ds(start * XCHUNK, XSTEPS * XCHUNK)], idx_all, sem_pf
    ).wait()

    def gathers(k, b):
        for s in range(XNSUB):
            isl = pl.ds(k * XCHUNK + s * XSUB, XSUB)
            osl = pl.ds(s * XSUB, XSUB)
            yield pltpu.make_async_copy(
                x_hbm.at[idx_all.at[isl]], rows_v[b].at[osl], sem_g[b]
            )

    def stores(k, b):
        yield pltpu.make_async_copy(
            rows_v[b], xg_hbm.at[pl.ds((start + k) * XCHUNK, XCHUNK)], sem_s[b]
        )

    def fire(descs):
        for d in descs:
            d.start()

    def drain(descs):
        for d in descs:
            d.wait()

    for b in range(RB - 1):
        fire(gathers(b, b))

    def block_body(mm, carry):
        for u in range(RB):
            p = mm * RB + u

            @pl.when(p < XSTEPS)
            def _():
                @pl.when((p >= 1) & (p + RB - 1 < XSTEPS))
                def _():
                    drain(stores(jnp.maximum(p - 1, 0), (u - 1) % RB))

                @pl.when(p + RB - 1 < XSTEPS)
                def _():
                    fire(gathers(p + RB - 1, (u - 1) % RB))

                drain(gathers(p, u))
                fire(stores(p, u))
        return carry

    lax.fori_loop(0, pl.cdiv(XSTEPS, RB), block_body, 0)

    for p in range(XSTEPS - RB, XSTEPS):
        drain(stores(p, p % RB))

    @pl.when(wid < XTAIL)
    def _():
        toff = (start + XSTEPS) * XCHUNK
        pltpu.sync_copy(idxt_hbm.at[pl.ds(toff, XCHUNK)],
                        idx_all.at[pl.ds(0, XCHUNK)])
        fire(gathers(0, 0))
        drain(gathers(0, 0))
        pltpu.make_async_copy(rows_v[0], xg_hbm.at[pl.ds(toff, XCHUNK)],
                              sem_s[0]).start()
        pltpu.make_async_copy(rows_v[0], xg_hbm.at[pl.ds(toff, XCHUNK)],
                              sem_s[0]).wait()


_TC_BLOCK = 4096


def _tc_body(lon_ref, lat_ref, d_ref, p_ref):
    lon2 = lon_ref[...]
    lat2 = lat_ref[...]
    lon1 = lon2[0:1, :]
    lat1 = lat2[0:1, :]
    dlon = lon2 - lon1
    dlat = lat2 - lat1
    s_half = jnp.sin(dlon * 0.5)
    c_half = jnp.cos(dlon * 0.5)
    sin_dlon = 2.0 * s_half * c_half
    cos_dlon = 1.0 - 2.0 * s_half * s_half
    sdlat = jnp.sin(dlat * 0.5)
    cos_lat1 = jnp.cos(lat1)
    sin_lat1 = jnp.sin(lat1)
    cos_lat2 = jnp.cos(lat2)
    sin_lat2 = jnp.sin(lat2)
    a = sdlat * sdlat + cos_lat1 * cos_lat2 * (s_half * s_half)
    a = jnp.clip(a, 0.0, 1.0)
    d_ref[...] = 2.0 * jnp.arctan2(jnp.sqrt(a), jnp.sqrt(1.0 - a))
    y = sin_dlon * cos_lat2
    xq = cos_lat1 * sin_lat2 - sin_lat1 * cos_lat2 * cos_dlon
    p_ref[...] = jnp.arctan2(y, xq)


def _tc_distance_angle(lon_t, lat_t):
    grid = (pl.cdiv(N, _TC_BLOCK),)
    spec = pl.BlockSpec((NH, _TC_BLOCK), lambda i: (0, i))
    return pl.pallas_call(
        _tc_body,
        grid=grid,
        in_specs=[spec, spec],
        out_specs=[spec, spec],
        out_shape=[
            jax.ShapeDtypeStruct((NH, N), jnp.float32),
            jax.ShapeDtypeStruct((NH, N), jnp.float32),
        ],
    )(lon_t, lat_t)


def kernel(x, coordinates, local_indices, batch_sample_indices, sample_level,
           adjc, adjc_mask):
    x2d = x.reshape(N, E)
    lon = coordinates[0]
    lat = coordinates[1]
    idxt = adjc.T.reshape(B)

    lon_t, lat_t = _sc_coords(lon, lat, idxt)
    xg = _sc_xgather(x2d, idxt)

    dists_t, phis_t = _tc_distance_angle(
        lon_t.reshape(NH, N), lat_t.reshape(NH, N)
    )

    x_nh = xg.reshape(1, NH, N, E).transpose(0, 2, 1, 3)
    mask = jnp.logical_not(adjc_mask)[None]
    dists = dists_t.T.reshape(1, N, NH)
    phis = phis_t.T.reshape(1, N, NH)
    return x_nh, mask, dists, phis

# --- scband reference (transcript-rebuilt; emitter-appended) ---
"""Pipeline reference for scband-processing-layer-20091857011263 (READ-ONLY COPY).

The authoritative reference and input builder live on the scoring server;
editing this copy changes nothing except your own understanding.
"""

import jax, jax.numpy as jnp
import numpy as np

GLOBAL_LEVEL = 0

def get_distance_angle(lon1, lat1, lon2, lat2, base='polar', periodic_fov=None):
    dlon = lon2 - lon1
    dlat = lat2 - lat1
    if base == 'polar':
        a = jnp.sin(dlat / 2.0) ** 2 + jnp.cos(lat1) * jnp.cos(lat2) * jnp.sin(dlon / 2.0) ** 2
        dists = 2.0 * jnp.arcsin(jnp.sqrt(jnp.clip(a, 0.0, 1.0)))
        phis = jnp.arctan2(jnp.sin(dlon) * jnp.cos(lat2), jnp.cos(lat1) * jnp.sin(lat2) - jnp.sin(lat1) * jnp.cos(lat2) * jnp.cos(dlon))
    else:
        dists = jnp.sqrt(dlon ** 2 + dlat ** 2)
        phis = jnp.arctan2(dlat, dlon)
    return dists.astype(jnp.float32), phis.astype(jnp.float32)

def gather_nh_data(x, indices_nh, batch_sample_indices, sampled_level, global_level):
    b, n, e = x.shape
    nh = indices_nh.shape[-1]
    offset = (batch_sample_indices * (4 ** (sampled_level - global_level))).reshape(-1, 1, 1)
    idx = (indices_nh - offset).reshape(b, -1, 1)
    out = jnp.take_along_axis(x.reshape(b, -1, e), idx, axis=1)
    return out.reshape(b, n, nh, e)

def setup_inputs(seed: int = 0):
    key = jax.random.key(seed)
    b, n, nh, e = 1, 50000, 9, 128
    k1, k2, k3 = jax.random.split(key, 3)
    x = jax.random.normal(k1, (b, n, e), dtype=jnp.float32)
    local_indices = jnp.arange(b * n, dtype=jnp.int32).reshape(b, n) % n
    adjc = jax.random.randint(k2, (n, nh), 0, n, dtype=jnp.int32)
    adjc_mask = jnp.ones((n, nh), dtype=bool)
    coordinates = jax.random.uniform(k3, (2, n), dtype=jnp.float32)
    batch_sample_indices = jnp.zeros((b,), dtype=jnp.int32)
    return {"x": x, "coordinates": coordinates, "local_indices": local_indices, "batch_sample_indices": batch_sample_indices, "sample_level": 0, "adjc": adjc, "adjc_mask": adjc_mask}

def reference(x, coordinates, local_indices, batch_sample_indices, sample_level, adjc, adjc_mask):
    # grid_layer.get_nh(x, local_indices, sample_dict, relative_coordinates=True)
    global_level = GLOBAL_LEVEL
    # get_nh_indices: gather neighborhood index table rows (memory-bound gather)
    indices_nh = adjc[local_indices]  # [b, n, nh]
    nh_mask = jnp.zeros(indices_nh.shape, dtype=bool)
    adjc_mask_inv = jnp.logical_not(adjc_mask)  # buffer stores adjc_mask == False
    mask = jnp.logical_or(nh_mask, adjc_mask_inv[local_indices])
    # gather_nh_data: gather node features for each neighborhood slot
    x_nh = gather_nh_data(x, indices_nh, batch_sample_indices, sample_level, global_level)
    # relative coordinates of each neighbor w.r.t. the center cell (slot 0)
    coords = coordinates[:, indices_nh]  # [2, b, n, nh]
    dists, phis = get_distance_angle(coords[0, :, :, 0:1], coords[1, :, :, 0:1], coords[0], coords[1], base='polar')
    return x_nh, mask, dists, phis

if __name__ == "__main__":
    import jax
    _d = setup_inputs()
    print(jax.jit(kernel)(*tuple(_d.values())))

</pallas_src>

<mosaic_0001>
#map = affine_map<(d0, d1) -> (0, 0)>
#map1 = affine_map<(d0, d1) -> (0)>
module attributes {stable_mosaic.version = 14 : i64} {
  func.func @_sc_xgather(%arg0: i32, %arg1: i32, %arg2: memref<50000x128xf32, #tpu.memory_space<hbm>>, %arg3: memref<450000xi32, #tpu.memory_space<hbm>>, %arg4: memref<450000x128xf32, #tpu.memory_space<hbm>>, %arg5: memref<13920xi32, #tpu.memory_space<vmem>>, %arg6: memref<240x128xf32, #tpu.memory_space<vmem>>, %arg7: memref<240x128xf32, #tpu.memory_space<vmem>>, %arg8: memref<240x128xf32, #tpu.memory_space<vmem>>, %arg9: memref<!tpu.dma_semaphore, #tpu.memory_space<semaphore_mem>>, %arg10: memref<!tpu.dma_semaphore, #tpu.memory_space<semaphore_mem>>, %arg11: memref<!tpu.dma_semaphore, #tpu.memory_space<semaphore_mem>>, %arg12: memref<!tpu.dma_semaphore, #tpu.memory_space<semaphore_mem>>, %arg13: memref<!tpu.dma_semaphore, #tpu.memory_space<semaphore_mem>>, %arg14: memref<!tpu.dma_semaphore, #tpu.memory_space<semaphore_mem>>, %arg15: memref<!tpu.dma_semaphore, #tpu.memory_space<semaphore_mem>>) attributes {dimension_semantics = [#tpu.dimension_semantics<core_parallel>, #tpu.dimension_semantics<subcore_parallel>], iteration_bounds = array<i64: 2, 16>, scalar_prefetch = 0 : i64, scratch_operands = 11 : i64, tpu.core_type = #tpu.core_type<sc_vector_subcore>, window_params = [{transform_indices = #map}, {transform_indices = #map1}, {transform_indices = #map}]} {
    %mul3A = arith.constant 2 : i32
    %mul3A_0 = arith.muli %arg1, %mul3A : i32
    %add3A = arith.addi %mul3A_0, %arg0 : i32
    %mul3A_1 = arith.constant 58 : i32
    %mul3A_2 = arith.muli %add3A, %mul3A_1 : i32
    %min3A = arith.constant 19 : i32
    %min3A_3 = arith.minsi %add3A, %min3A : i32
    %add3A_4 = arith.addi %mul3A_2, %min3A_3 : i32
    %mul3A_5 = arith.constant 240 : i32
    %mul3A_6 = arith.muli %add3A_4, %mul3A_5 : i32
    %dma_start3A = tpu.memref_slice %arg3[%mul3A_6] : memref<450000xi32, #tpu.memory_space<hbm>> -> memref<13920xi32, #tpu.memory_space<hbm>>
    %dma_start3A_7 = tpu.memref_slice %arg3[%mul3A_6] : memref<450000xi32, #tpu.memory_space<hbm>> -> memref<13920xi32, #tpu.memory_space<hbm>>
    tpu.enqueue_dma source(%dma_start3A_7 : memref<13920xi32, #tpu.memory_space<hbm>>) target(%arg5 : memref<13920xi32, #tpu.memory_space<vmem>>) target_semaphore(%arg9 : memref<!tpu.dma_semaphore, #tpu.memory_space<semaphore_mem>>)
    %mul3A_8 = arith.constant 240 : i32
    %mul3A_9 = arith.muli %add3A_4, %mul3A_8 : i32
    %dma_wait3A = tpu.memref_slice %arg3[%mul3A_9] : memref<450000xi32, #tpu.memory_space<hbm>> -> memref<13920xi32, #tpu.memory_space<hbm>>
    %dma_wait3A_10 = tpu.memref_slice %arg3[%mul3A_9] : memref<450000xi32, #tpu.memory_space<hbm>> -> memref<13920xi32, #tpu.memory_space<hbm>>
    tpu.wait_dma2 semaphore(%arg9 : memref<!tpu.dma_semaphore, #tpu.memory_space<semaphore_mem>>) src(%dma_wait3A_10 : memref<13920xi32, #tpu.memory_space<hbm>>) dst(%arg5 : memref<13920xi32, #tpu.memory_space<vmem>>)
    %dma_start3A_11 = arith.constant 0 : i32
    %dma_start3A_12 = arith.constant 0 : i32
    %dma_start3A_13 = tpu.memref_slice %arg6[%dma_start3A_11, %dma_start3A_12] : memref<240x128xf32, #tpu.memory_space<vmem>> -> memref<120x128xf32, #tpu.memory_space<vmem>>
    %dma_start3A_14 = arith.constant 0 : i32
    %dma_start3A_15 = tpu.memref_slice %arg5[%dma_start3A_14] : memref<13920xi32, #tpu.memory_space<vmem>> -> memref<120xi32, #tpu.memory_space<vmem>>
    %dma_start3A_16 = arith.constant 0 : i32
    %dma_start3A_17 = arith.constant 0 : i32
    %dma_start3A_18 = tpu.memref_slice %arg2[%dma_start3A_16, %dma_start3A_17] : memref<50000x128xf32, #tpu.memory_space<hbm>> -> memref<50000x128xf32, #tpu.memory_space<hbm>>
    tpu.enqueue_indirect_dma source(%dma_start3A_18 : memref<50000x128xf32, #tpu.memory_space<hbm>>) target(%dma_start3A_13 : memref<120x128xf32, #tpu.memory_space<vmem>>) offsets(%dma_start3A_15 : memref<120xi32, #tpu.memory_space<vmem>>) semaphore(%arg10 : memref<!tpu.dma_semaphore, #tpu.memory_space<semaphore_mem>>)
    %dma_start3A_19 = arith.constant 120 : i32
    %dma_start3A_20 = arith.constant 0 : i32
    %dma_start3A_21 = tpu.memref_slice %arg6[%dma_start3A_19, %dma_start3A_20] : memref<240x128xf32, #tpu.memory_space<vmem>> -> memref<120x128xf32, #tpu.memory_space<vmem>>
    %dma_start3A_22 = arith.constant 120 : i32
    %dma_start3A_23 = tpu.memref_slice %arg5[%dma_start3A_22] : memref<13920xi32, #tpu.memory_space<vmem>> -> memref<120xi32, #tpu.memory_space<vmem>>
    %dma_start3A_24 = arith.constant 0 : i32
    %dma_start3A_25 = arith.constant 0 : i32
    %dma_start3A_26 = tpu.memref_slice %arg2[%dma_start3A_24, %dma_start3A_25] : memref<50000x128xf32, #tpu.memory_space<hbm>> -> memref<50000x128xf32, #tpu.memory_space<hbm>>
    tpu.enqueue_indirect_dma source(%dma_start3A_26 : memref<50000x128xf32, #tpu.memory_space<hbm>>) target(%dma_start3A_21 : memref<120x128xf32, #tpu.memory_space<vmem>>) offsets(%dma_start3A_23 : memref<120xi32, #tpu.memory_space<vmem>>) semaphore(%arg10 : memref<!tpu.dma_semaphore, #tpu.memory_space<semaphore_mem>>)
    %dma_start3A_27 = arith.constant 0 : i32
    %dma_start3A_28 = arith.constant 0 : i32
    %dma_start3A_29 = tpu.memref_slice %arg7[%dma_start3A_27, %dma_start3A_28] : memref<240x128xf32, #tpu.memory_space<vmem>> -> memref<120x128xf32, #tpu.memory_space<vmem>>
    %dma_start3A_30 = arith.constant 240 : i32
    %dma_start3A_31 = tpu.memref_slice %arg5[%dma_start3A_30] : memref<13920xi32, #tpu.memory_space<vmem>> -> memref<120xi32, #tpu.memory_space<vmem>>
    %dma_start3A_32 = arith.constant 0 : i32
    %dma_start3A_33 = arith.constant 0 : i32
    %dma_start3A_34 = tpu.memref_slice %arg2[%dma_start3A_32, %dma_start3A_33] : memref<50000x128xf32, #tpu.memory_space<hbm>> -> memref<50000x128xf32, #tpu.memory_space<hbm>>
    tpu.enqueue_indirect_dma source(%dma_start3A_34 : memref<50000x128xf32, #tpu.memory_space<hbm>>) target(%dma_start3A_29 : memref<120x128xf32, #tpu.memory_space<vmem>>) offsets(%dma_start3A_31 : memref<120xi32, #tpu.memory_space<vmem>>) semaphore(%arg11 : memref<!tpu.dma_semaphore, #tpu.memory_space<semaphore_mem>>)
    %dma_start3A_35 = arith.constant 120 : i32
    %dma_start3A_36 = arith.constant 0 : i32
    %dma_start3A_37 = tpu.memref_slice %arg7[%dma_start3A_35, %dma_start3A_36] : memref<240x128xf32, #tpu.memory_space<vmem>> -> memref<120x128xf32, #tpu.memory_space<vmem>>
    %dma_start3A_38 = arith.constant 360 : i32
    %dma_start3A_39 = tpu.memref_slice %arg5[%dma_start3A_38] : memref<13920xi32, #tpu.memory_space<vmem>> -> memref<120xi32, #tpu.memory_space<vmem>>
    %dma_start3A_40 = arith.constant 0 : i32
    %dma_start3A_41 = arith.constant 0 : i32
    %dma_start3A_42 = tpu.memref_slice %arg2[%dma_start3A_40, %dma_start3A_41] : memref<50000x128xf32, #tpu.memory_space<hbm>> -> memref<50000x128xf32, #tpu.memory_space<hbm>>
    tpu.enqueue_indirect_dma source(%dma_start3A_42 : memref<50000x128xf32, #tpu.memory_space<hbm>>) target(%dma_start3A_37 : memref<120x128xf32, #tpu.memory_space<vmem>>) offsets(%dma_start3A_39 : memref<120xi32, #tpu.memory_space<vmem>>) semaphore(%arg11 : memref<!tpu.dma_semaphore, #tpu.memory_space<semaphore_mem>>)
    %scan3A = arith.constant 0 : i32
    %scan3A_43 = arith.constant 0 : i32
    %scan3A_44 = arith.constant 20 : i32
    %scan3A_45 = arith.addi %scan3A_43, %scan3A_44 : i32
    %scan3A_46 = arith.constant 1 : i32
    scf.for %scan3A_74 = %scan3A_43 to %scan3A_45 step %scan3A_46  : i32 {
      %mul3A_75 = arith.constant 3 : i32
      %mul3A_76 = arith.muli %scan3A_74, %mul3A_75 : i32
      %add3A_77 = arith.constant 0 : i32
      %add3A_78 = arith.addi %mul3A_76, %add3A_77 : i32
      %lt3A_79 = arith.constant 58 : i32
      %lt3A_80 = arith.cmpi slt, %add3A_78, %lt3A_79 : i32
      %convert_element_type3A_81 = arith.extui %lt3A_80 : i1 to i32
      %cond3A_82 = arith.constant 0 : i32
      %cond3A_83 = arith.cmpi ne, %convert_element_type3A_81, %cond3A_82 : i32
      scf.if %cond3A_83 {
        %ge3A = arith.constant 1 : i32
        %ge3A_102 = arith.cmpi sge, %add3A_78, %ge3A : i32
        %add3A_103 = arith.constant 3 : i32
        %add3A_104 = arith.addi %add3A_78, %add3A_103 : i32
        %sub3A = arith.constant 1 : i32
        %sub3A_105 = arith.subi %add3A_104, %sub3A : i32
        %lt3A_106 = arith.constant 58 : i32
        %lt3A_107 = arith.cmpi slt, %sub3A_105, %lt3A_106 : i32
        %and3A = arith.andi %ge3A_102, %lt3A_107 : i1
        %convert_element_type3A_108 = arith.extui %and3A : i1 to i32
        %cond3A_109 = arith.constant 0 : i32
        %cond3A_110 = arith.cmpi ne, %convert_element_type3A_108, %cond3A_109 : i32
        scf.if %cond3A_110 {
          %sub3A_149 = arith.constant 1 : i32
          %sub3A_150 = arith.subi %add3A_78, %sub3A_149 : i32
          %max3A = arith.constant 0 : i32
          %max3A_151 = arith.maxsi %sub3A_150, %max3A : i32
          %add3A_152 = arith.addi %add3A_4, %max3A_151 : i32
          %mul3A_153 = arith.constant 240 : i32
          %mul3A_154 = arith.muli %add3A_152, %mul3A_153 : i32
          %dma_wait3A_155 = arith.constant 0 : i32
          %dma_wait3A_156 = tpu.memref_slice %arg4[%mul3A_154, %dma_wait3A_155] : memref<450000x128xf32, #tpu.memory_space<hbm>> -> memref<240x128xf32, #tpu.memory_space<hbm>>
          %dma_wait3A_157 = arith.constant 0 : i32
          %dma_wait3A_158 = tpu.memref_slice %arg4[%mul3A_154, %dma_wait3A_157] : memref<450000x128xf32, #tpu.memory_space<hbm>> -> memref<240x128xf32, #tpu.memory_space<hbm>>
          tpu.wait_dma2 semaphore(%arg15 : memref<!tpu.dma_semaphore, #tpu.memory_space<semaphore_mem>>) src(%arg8 : memref<240x128xf32, #tpu.memory_space<vmem>>) dst(%dma_wait3A_158 : memref<240x128xf32, #tpu.memory_space<hbm>>)
        } else {
        }
        %add3A_111 = arith.constant 3 : i32
        %add3A_112 = arith.addi %add3A_78, %add3A_111 : i32
        %sub3A_113 = arith.constant 1 : i32
        %sub3A_114 = arith.subi %add3A_112, %sub3A_113 : i32
        %lt3A_115 = arith.constant 58 : i32
        %lt3A_116 = arith.cmpi slt, %sub3A_114, %lt3A_115 : i32
        %convert_element_type3A_117 = arith.extui %lt3A_116 : i1 to i32
        %cond3A_118 = arith.constant 0 : i32
        %cond3A_119 = arith.cmpi ne, %convert_element_type3A_117, %cond3A_118 : i32
        scf.if %cond3A_119 {
          %add3A_149 = arith.constant 3 : i32
          %add3A_150 = arith.addi %add3A_78, %add3A_149 : i32
          %sub3A_151 = arith.constant 1 : i32
          %sub3A_152 = arith.subi %add3A_150, %sub3A_151 : i32
          %mul3A_153 = arith.constant 240 : i32
          %mul3A_154 = arith.muli %sub3A_152, %mul3A_153 : i32
          %add3A_155 = arith.constant 0 : i32
          %add3A_156 = arith.addi %mul3A_154, %add3A_155 : i32
          %dma_start3A_157 = arith.constant 0 : i32
          %dma_start3A_158 = arith.constant 0 : i32
          %dma_start3A_159 = tpu.memref_slice %arg8[%dma_start3A_157, %dma_start3A_158] : memref<240x128xf32, #tpu.memory_space<vmem>> -> memref<120x128xf32, #tpu.memory_space<vmem>>
          %dma_start3A_160 = tpu.memref_slice %arg5[%add3A_156] : memref<13920xi32, #tpu.memory_space<vmem>> -> memref<120xi32, #tpu.memory_space<vmem>>
          %dma_start3A_161 = arith.constant 0 : i32
          %dma_start3A_162 = arith.constant 0 : i32
          %dma_start3A_163 = tpu.memref_slice %arg2[%dma_start3A_161, %dma_start3A_162] : memref<50000x128xf32, #tpu.memory_space<hbm>> -> memref<50000x128xf32, #tpu.memory_space<hbm>>
          tpu.enqueue_indirect_dma source(%dma_start3A_163 : memref<50000x128xf32, #tpu.memory_space<hbm>>) target(%dma_start3A_159 : memref<120x128xf32, #tpu.memory_space<vmem>>) offsets(%dma_start3A_160 : memref<120xi32, #tpu.memory_space<vmem>>) semaphore(%arg12 : memref<!tpu.dma_semaphore, #tpu.memory_space<semaphore_mem>>)
          %mul3A_164 = arith.constant 240 : i32
          %mul3A_165 = arith.muli %sub3A_152, %mul3A_164 : i32
          %add3A_166 = arith.constant 120 : i32
          %add3A_167 = arith.addi %mul3A_165, %add3A_166 : i32
          %dma_start3A_168 = arith.constant 120 : i32
          %dma_start3A_169 = arith.constant 0 : i32
          %dma_start3A_170 = tpu.memref_slice %arg8[%dma_start3A_168, %dma_start3A_169] : memref<240x128xf32, #tpu.memory_space<vmem>> -> memref<120x128xf32, #tpu.memory_space<vmem>>
          %dma_start3A_171 = tpu.memref_slice %arg5[%add3A_167] : memref<13920xi32, #tpu.memory_space<vmem>> -> memref<120xi32, #tpu.memory_space<vmem>>
          %dma_start3A_172 = arith.constant 0 : i32
          %dma_start3A_173 = arith.constant 0 : i32
          %dma_start3A_174 = tpu.memref_slice %arg2[%dma_start3A_172, %dma_start3A_173] : memref<50000x128xf32, #tpu.memory_space<hbm>> -> memref<50000x128xf32, #tpu.memory_space<hbm>>
          tpu.enqueue_indirect_dma source(%dma_start3A_174 : memref<50000x128xf32, #tpu.memory_space<hbm>>) target(%dma_start3A_170 : memref<120x128xf32, #tpu.memory_space<vmem>>) offsets(%dma_start3A_171 : memref<120xi32, #tpu.memory_space<vmem>>) semaphore(%arg12 : memref<!tpu.dma_semaphore, #tpu.memory_space<semaphore_mem>>)
        } else {
        }
        %mul3A_120 = arith.constant 240 : i32
        %mul3A_121 = arith.muli %add3A_78, %mul3A_120 : i32
        %add3A_122 = arith.constant 0 : i32
        %add3A_123 = arith.addi %mul3A_121, %add3A_122 : i32
        %dma_wait3A_124 = arith.constant 0 : i32
        %dma_wait3A_125 = arith.constant 0 : i32
        %dma_wait3A_126 = tpu.memref_slice %arg6[%dma_wait3A_124, %dma_wait3A_125] : memref<240x128xf32, #tpu.memory_space<vmem>> -> memref<120x128xf32, #tpu.memory_space<vmem>>
        %dma_wait3A_127 = tpu.memref_slice %arg5[%add3A_123] : memref<13920xi32, #tpu.memory_space<vmem>> -> memref<120xi32, #tpu.memory_space<vmem>>
        %dma_wait3A_128 = arith.constant 0 : i32
        %dma_wait3A_129 = arith.constant 0 : i32
        %dma_wait3A_130 = tpu.memref_slice %arg2[%dma_wait3A_128, %dma_wait3A_129] : memref<50000x128xf32, #tpu.memory_space<hbm>> -> memref<50000x128xf32, #tpu.memory_space<hbm>>
        tpu.wait_indirect_dma semaphore(%arg10 : memref<!tpu.dma_semaphore, #tpu.memory_space<semaphore_mem>>) src(%dma_wait3A_130 : memref<50000x128xf32, #tpu.memory_space<hbm>>) dst(%dma_wait3A_126 : memref<120x128xf32, #tpu.memory_space<vmem>>)
        %mul3A_131 = arith.constant 240 : i32
        %mul3A_132 = arith.muli %add3A_78, %mul3A_131 : i32
        %add3A_133 = arith.constant 120 : i32
        %add3A_134 = arith.addi %mul3A_132, %add3A_133 : i32
        %dma_wait3A_135 = arith.constant 120 : i32
        %dma_wait3A_136 = arith.constant 0 : i32
        %dma_wait3A_137 = tpu.memref_slice %arg6[%dma_wait3A_135, %dma_wait3A_136] : memref<240x128xf32, #tpu.memory_space<vmem>> -> memref<120x128xf32, #tpu.memory_space<vmem>>
        %dma_wait3A_138 = tpu.memref_slice %arg5[%add3A_134] : memref<13920xi32, #tpu.memory_space<vmem>> -> memref<120xi32, #tpu.memory_space<vmem>>
        %dma_wait3A_139 = arith.constant 0 : i32
        %dma_wait3A_140 = arith.constant 0 : i32
        %dma_wait3A_141 = tpu.memref_slice %arg2[%dma_wait3A_139, %dma_wait3A_140] : memref<50000x128xf32, #tpu.memory_space<hbm>> -> memref<50000x128xf32, #tpu.memory_space<hbm>>
        tpu.wait_indirect_dma semaphore(%arg10 : memref<!tpu.dma_semaphore, #tpu.memory_space<semaphore_mem>>) src(%dma_wait3A_141 : memref<50000x128xf32, #tpu.memory_space<hbm>>) dst(%dma_wait3A_137 : memref<120x128xf32, #tpu.memory_space<vmem>>)
        %add3A_142 = arith.addi %add3A_4, %add3A_78 : i32
        %mul3A_143 = arith.constant 240 : i32
        %mul3A_144 = arith.muli %add3A_142, %mul3A_143 : i32
        %dma_start3A_145 = arith.constant 0 : i32
        %dma_start3A_146 = tpu.memref_slice %arg4[%mul3A_144, %dma_start3A_145] : memref<450000x128xf32, #tpu.memory_space<hbm>> -> memref<240x128xf32, #tpu.memory_space<hbm>>
        %dma_start3A_147 = arith.constant 0 : i32
        %dma_start3A_148 = tpu.memref_slice %arg4[%mul3A_144, %dma_start3A_147] : memref<450000x128xf32, #tpu.memory_space<hbm>> -> memref<240x128xf32, #tpu.memory_space<hbm>>
        tpu.enqueue_dma source(%arg6 : memref<240x128xf32, #tpu.memory_space<vmem>>) target(%dma_start3A_148 : memref<240x128xf32, #tpu.memory_space<hbm>>) target_semaphore(%arg13 : memref<!tpu.dma_semaphore, #tpu.memory_space<semaphore_mem>>)
      } else {
      }
      %mul3A_84 = arith.constant 3 : i32
      %mul3A_85 = arith.muli %scan3A_74, %mul3A_84 : i32
      %add3A_86 = arith.constant 1 : i32
      %add3A_87 = arith.addi %mul3A_85, %add3A_86 : i32
      %lt3A_88 = arith.constant 58 : i32
      %lt3A_89 = arith.cmpi slt, %add3A_87, %lt3A_88 : i32
      %convert_element_type3A_90 = arith.extui %lt3A_89 : i1 to i32
      %cond3A_91 = arith.constant 0 : i32
      %cond3A_92 = arith.cmpi ne, %convert_element_type3A_90, %cond3A_91 : i32
      scf.if %cond3A_92 {
        %ge3A = arith.constant 1 : i32
        %ge3A_102 = arith.cmpi sge, %add3A_87, %ge3A : i32
        %add3A_103 = arith.constant 3 : i32
        %add3A_104 = arith.addi %add3A_87, %add3A_103 : i32
        %sub3A = arith.constant 1 : i32
        %sub3A_105 = arith.subi %add3A_104, %sub3A : i32
        %lt3A_106 = arith.constant 58 : i32
        %lt3A_107 = arith.cmpi slt, %sub3A_105, %lt3A_106 : i32
        %and3A = arith.andi %ge3A_102, %lt3A_107 : i1
        %convert_element_type3A_108 = arith.extui %and3A : i1 to i32
        %cond3A_109 = arith.constant 0 : i32
        %cond3A_110 = arith.cmpi ne, %convert_element_type3A_108, %cond3A_109 : i32
        scf.if %cond3A_110 {
          %sub3A_149 = arith.constant 1 : i32
          %sub3A_150 = arith.subi %add3A_87, %sub3A_149 : i32
          %max3A = arith.constant 0 : i32
          %max3A_151 = arith.maxsi %sub3A_150, %max3A : i32
          %add3A_152 = arith.addi %add3A_4, %max3A_151 : i32
          %mul3A_153 = arith.constant 240 : i32
          %mul3A_154 = arith.muli %add3A_152, %mul3A_153 : i32
          %dma_wait3A_155 = arith.constant 0 : i32
          %dma_wait3A_156 = tpu.memref_slice %arg4[%mul3A_154, %dma_wait3A_155] : memref<450000x128xf32, #tpu.memory_space<hbm>> -> memref<240x128xf32, #tpu.memory_space<hbm>>
          %dma_wait3A_157 = arith.constant 0 : i32
          %dma_wait3A_158 = tpu.memref_slice %arg4[%mul3A_154, %dma_wait3A_157] : memref<450000x128xf32, #tpu.memory_space<hbm>> -> memref<240x128xf32, #tpu.memory_space<hbm>>
          tpu.wait_dma2 semaphore(%arg13 : memref<!tpu.dma_semaphore, #tpu.memory_space<semaphore_mem>>) src(%arg6 : memref<240x128xf32, #tpu.memory_space<vmem>>) dst(%dma_wait3A_158 : memref<240x128xf32, #tpu.memory_space<hbm>>)
        } else {
        }
        %add3A_111 = arith.constant 3 : i32
        %add3A_112 = arith.addi %add3A_87, %add3A_111 : i32
        %sub3A_113 = arith.constant 1 : i32
        %sub3A_114 = arith.subi %add3A_112, %sub3A_113 : i32
        %lt3A_115 = arith.constant 58 : i32
        %lt3A_116 = arith.cmpi slt, %sub3A_114, %lt3A_115 : i32
        %convert_element_type3A_117 = arith.extui %lt3A_116 : i1 to i32
        %cond3A_118 = arith.constant 0 : i32
        %cond3A_119 = arith.cmpi ne, %convert_element_type3A_117, %cond3A_118 : i32
        scf.if %cond3A_119 {
          %add3A_149 = arith.constant 3 : i32
          %add3A_150 = arith.addi %add3A_87, %add3A_149 : i32
          %sub3A_151 = arith.constant 1 : i32
          %sub3A_152 = arith.subi %add3A_150, %sub3A_151 : i32
          %mul3A_153 = arith.constant 240 : i32
          %mul3A_154 = arith.muli %sub3A_152, %mul3A_153 : i32
          %add3A_155 = arith.constant 0 : i32
          %add3A_156 = arith.addi %mul3A_154, %add3A_155 : i32
          %dma_start3A_157 = arith.constant 0 : i32
          %dma_start3A_158 = arith.constant 0 : i32
          %dma_start3A_159 = tpu.memref_slice %arg6[%dma_start3A_157, %dma_start3A_158] : memref<240x128xf32, #tpu.memory_space<vmem>> -> memref<120x128xf32, #tpu.memory_space<vmem>>
          %dma_start3A_160 = tpu.memref_slice %arg5[%add3A_156] : memref<13920xi32, #tpu.memory_space<vmem>> -> memref<120xi32, #tpu.memory_space<vmem>>
          %dma_start3A_161 = arith.constant 0 : i32
          %dma_start3A_162 = arith.constant 0 : i32
          %dma_start3A_163 = tpu.memref_slice %arg2[%dma_start3A_161, %dma_start3A_162] : memref<50000x128xf32, #tpu.memory_space<hbm>> -> memref<50000x128xf32, #tpu.memory_space<hbm>>
          tpu.enqueue_indirect_dma source(%dma_start3A_163 : memref<50000x128xf32, #tpu.memory_space<hbm>>) target(%dma_start3A_159 : memref<120x128xf32, #tpu.memory_space<vmem>>) offsets(%dma_start3A_160 : memref<120xi32, #tpu.memory_space<vmem>>) semaphore(%arg10 : memref<!tpu.dma_semaphore, #tpu.memory_space<semaphore_mem>>)
          %mul3A_164 = arith.constant 240 : i32
          %mul3A_165 = arith.muli %sub3A_152, %mul3A_164 : i32
          %add3A_166 = arith.constant 120 : i32
          %add3A_167 = arith.addi %mul3A_165, %add3A_166 : i32
          %dma_start3A_168 = arith.constant 120 : i32
          %dma_start3A_169 = arith.constant 0 : i32
          %dma_start3A_170 = tpu.memref_slice %arg6[%dma_start3A_168, %dma_start3A_169] : memref<240x128xf32, #tpu.memory_space<vmem>> -> memref<120x128xf32, #tpu.memory_space<vmem>>
          %dma_start3A_171 = tpu.memref_slice %arg5[%add3A_167] : memref<13920xi32, #tpu.memory_space<vmem>> -> memref<120xi32, #tpu.memory_space<vmem>>
          %dma_start3A_172 = arith.constant 0 : i32
          %dma_start3A_173 = arith.constant 0 : i32
          %dma_start3A_174 = tpu.memref_slice %arg2[%dma_start3A_172, %dma_start3A_173] : memref<50000x128xf32, #tpu.memory_space<hbm>> -> memref<50000x128xf32, #tpu.memory_space<hbm>>
          tpu.enqueue_indirect_dma source(%dma_start3A_174 : memref<50000x128xf32, #tpu.memory_space<hbm>>) target(%dma_start3A_170 : memref<120x128xf32, #tpu.memory_space<vmem>>) offsets(%dma_start3A_171 : memref<120xi32, #tpu.memory_space<vmem>>) semaphore(%arg10 : memref<!tpu.dma_semaphore, #tpu.memory_space<semaphore_mem>>)
        } else {
        }
        %mul3A_120 = arith.constant 240 : i32
        %mul3A_121 = arith.muli %add3A_87, %mul3A_120 : i32
        %add3A_122 = arith.constant 0 : i32
        %add3A_123 = arith.addi %mul3A_121, %add3A_122 : i32
        %dma_wait3A_124 = arith.constant 0 : i32
        %dma_wait3A_125 = arith.constant 0 : i32
        %dma_wait3A_126 = tpu.memref_slice %arg7[%dma_wait3A_124, %dma_wait3A_125] : memref<240x128xf32, #tpu.memory_space<vmem>> -> memref<120x128xf32, #tpu.memory_space<vmem>>
        %dma_wait3A_127 = tpu.memref_slice %arg5[%add3A_123] : memref<13920xi32, #tpu.memory_space<vmem>> -> memref<120xi32, #tpu.memory_space<vmem>>
        %dma_wait3A_128 = arith.constant 0 : i32
        %dma_wait3A_129 = arith.constant 0 : i32
        %dma_wait3A_130 = tpu.memref_slice %arg2[%dma_wait3A_128, %dma_wait3A_129] : memref<50000x128xf32, #tpu.memory_space<hbm>> -> memref<50000x128xf32, #tpu.memory_space<hbm>>
        tpu.wait_indirect_dma semaphore(%arg11 : memref<!tpu.dma_semaphore, #tpu.memory_space<semaphore_mem>>) src(%dma_wait3A_130 : memref<50000x128xf32, #tpu.memory_space<hbm>>) dst(%dma_wait3A_126 : memref<120x128xf32, #tpu.memory_space<vmem>>)
        %mul3A_131 = arith.constant 240 : i32
        %mul3A_132 = arith.muli %add3A_87, %mul3A_131 : i32
        %add3A_133 = arith.constant 120 : i32
        %add3A_134 = arith.addi %mul3A_132, %add3A_133 : i32
        %dma_wait3A_135 = arith.constant 120 : i32
        %dma_wait3A_136 = arith.constant 0 : i32
        %dma_wait3A_137 = tpu.memref_slice %arg7[%dma_wait3A_135, %dma_wait3A_136] : memref<240x128xf32, #tpu.memory_space<vmem>> -> memref<120x128xf32, #tpu.memory_space<vmem>>
        %dma_wait3A_138 = tpu.memref_slice %arg5[%add3A_134] : memref<13920xi32, #tpu.memory_space<vmem>> -> memref<120xi32, #tpu.memory_space<vmem>>
        %dma_wait3A_139 = arith.constant 0 : i32
        %dma_wait3A_140 = arith.constant 0 : i32
        %dma_wait3A_141 = tpu.memref_slice %arg2[%dma_wait3A_139, %dma_wait3A_140] : memref<50000x128xf32, #tpu.memory_space<hbm>> -> memref<50000x128xf32, #tpu.memory_space<hbm>>
        tpu.wait_indirect_dma semaphore(%arg11 : memref<!tpu.dma_semaphore, #tpu.memory_space<semaphore_mem>>) src(%dma_wait3A_141 : memref<50000x128xf32, #tpu.memory_space<hbm>>) dst(%dma_wait3A_137 : memref<120x128xf32, #tpu.memory_space<vmem>>)
        %add3A_142 = arith.addi %add3A_4, %add3A_87 : i32
        %mul3A_143 = arith.constant 240 : i32
        %mul3A_144 = arith.muli %add3A_142, %mul3A_143 : i32
        %dma_start3A_145 = arith.constant 0 : i32
        %dma_start3A_146 = tpu.memref_slice %arg4[%mul3A_144, %dma_start3A_145] : memref<450000x128xf32, #tpu.memory_space<hbm>> -> memref<240x128xf32, #tpu.memory_space<hbm>>
        %dma_start3A_147 = arith.constant 0 : i32
        %dma_start3A_148 = tpu.memref_slice %arg4[%mul3A_144, %dma_start3A_147] : memref<450000x128xf32, #tpu.memory_space<hbm>> -> memref<240x128xf32, #tpu.memory_space<hbm>>
        tpu.enqueue_dma source(%arg7 : memref<240x128xf32, #tpu.memory_space<vmem>>) target(%dma_start3A_148 : memref<240x128xf32, #tpu.memory_space<hbm>>) target_semaphore(%arg14 : memref<!tpu.dma_semaphore, #tpu.memory_space<semaphore_mem>>)
      } else {
      }
      %mul3A_93 = arith.constant 3 : i32
      %mul3A_94 = arith.muli %scan3A_74, %mul3A_93 : i32
      %add3A_95 = arith.constant 2 : i32
      %add3A_96 = arith.addi %mul3A_94, %add3A_95 : i32
      %lt3A_97 = arith.constant 58 : i32
      %lt3A_98 = arith.cmpi slt, %add3A_96, %lt3A_97 : i32
      %convert_element_type3A_99 = arith.extui %lt3A_98 : i1 to i32
      %cond3A_100 = arith.constant 0 : i32
      %cond3A_101 = arith.cmpi ne, %convert_element_type3A_99, %cond3A_100 : i32
      scf.if %cond3A_101 {
        %ge3A = arith.constant 1 : i32
        %ge3A_102 = arith.cmpi sge, %add3A_96, %ge3A : i32
        %add3A_103 = arith.constant 3 : i32
        %add3A_104 = arith.addi %add3A_96, %add3A_103 : i32
        %sub3A = arith.constant 1 : i32
        %sub3A_105 = arith.subi %add3A_104, %sub3A : i32
        %lt3A_106 = arith.constant 58 : i32
        %lt3A_107 = arith.cmpi slt, %sub3A_105, %lt3A_106 : i32
        %and3A = arith.andi %ge3A_102, %lt3A_107 : i1
        %convert_element_type3A_108 = arith.extui %and3A : i1 to i32
        %cond3A_109 = arith.constant 0 : i32
        %cond3A_110 = arith.cmpi ne, %convert_element_type3A_108, %cond3A_109 : i32
        scf.if %cond3A_110 {
          %sub3A_149 = arith.constant 1 : i32
          %sub3A_150 = arith.subi %add3A_96, %sub3A_149 : i32
          %max3A = arith.constant 0 : i32
          %max3A_151 = arith.maxsi %sub3A_150, %max3A : i32
          %add3A_152 = arith.addi %add3A_4, %max3A_151 : i32
          %mul3A_153 = arith.constant 240 : i32
          %mul3A_154 = arith.muli %add3A_152, %mul3A_153 : i32
          %dma_wait3A_155 = arith.constant 0 : i32
          %dma_wait3A_156 = tpu.memref_slice %arg4[%mul3A_154, %dma_wait3A_155] : memref<450000x128xf32, #tpu.memory_space<hbm>> -> memref<240x128xf32, #tpu.memory_space<hbm>>
          %dma_wait3A_157 = arith.constant 0 : i32
          %dma_wait3A_158 = tpu.memref_slice %arg4[%mul3A_154, %dma_wait3A_157] : memref<450000x128xf32, #tpu.memory_space<hbm>> -> memref<240x128xf32, #tpu.memory_space<hbm>>
          tpu.wait_dma2 semaphore(%arg14 : memref<!tpu.dma_semaphore, #tpu.memory_space<semaphore_mem>>) src(%arg7 : memref<240x128xf32, #tpu.memory_space<vmem>>) dst(%dma_wait3A_158 : memref<240x128xf32, #tpu.memory_space<hbm>>)
        } else {
        }
        %add3A_111 = arith.constant 3 : i32
        %add3A_112 = arith.addi %add3A_96, %add3A_111 : i32
        %sub3A_113 = arith.constant 1 : i32
        %sub3A_114 = arith.subi %add3A_112, %sub3A_113 : i32
        %lt3A_115 = arith.constant 58 : i32
        %lt3A_116 = arith.cmpi slt, %sub3A_114, %lt3A_115 : i32
        %convert_element_type3A_117 = arith.extui %lt3A_116 : i1 to i32
        %cond3A_118 = arith.constant 0 : i32
        %cond3A_119 = arith.cmpi ne, %convert_element_type3A_117, %cond3A_118 : i32
        scf.if %cond3A_119 {
          %add3A_149 = arith.constant 3 : i32
          %add3A_150 = arith.addi %add3A_96, %add3A_149 : i32
          %sub3A_151 = arith.constant 1 : i32
          %sub3A_152 = arith.subi %add3A_150, %sub3A_151 : i32
          %mul3A_153 = arith.constant 240 : i32
          %mul3A_154 = arith.muli %sub3A_152, %mul3A_153 : i32
          %add3A_155 = arith.constant 0 : i32
          %add3A_156 = arith.addi %mul3A_154, %add3A_155 : i32
          %dma_start3A_157 = arith.constant 0 : i32
          %dma_start3A_158 = arith.constant 0 : i32
          %dma_start3A_159 = tpu.memref_slice %arg7[%dma_start3A_157, %dma_start3A_158] : memref<240x128xf32, #tpu.memory_space<vmem>> -> memref<120x128xf32, #tpu.memory_space<vmem>>
          %dma_start3A_160 = tpu.memref_slice %arg5[%add3A_156] : memref<13920xi32, #tpu.memory_space<vmem>> -> memref<120xi32, #tpu.memory_space<vmem>>
          %dma_start3A_161 = arith.constant 0 : i32
          %dma_start3A_162 = arith.constant 0 : i32
          %dma_start3A_163 = tpu.memref_slice %arg2[%dma_start3A_161, %dma_start3A_162] : memref<50000x128xf32, #tpu.memory_space<hbm>> -> memref<50000x128xf32, #tpu.memory_space<hbm>>
          tpu.enqueue_indirect_dma source(%dma_start3A_163 : memref<50000x128xf32, #tpu.memory_space<hbm>>) target(%dma_start3A_159 : memref<120x128xf32, #tpu.memory_space<vmem>>) offsets(%dma_start3A_160 : memref<120xi32, #tpu.memory_space<vmem>>) semaphore(%arg11 : memref<!tpu.dma_semaphore, #tpu.memory_space<semaphore_mem>>)
          %mul3A_164 = arith.constant 240 : i32
          %mul3A_165 = arith.muli %sub3A_152, %mul3A_164 : i32
          %add3A_166 = arith.constant 120 : i32
          %add3A_167 = arith.addi %mul3A_165, %add3A_166 : i32
          %dma_start3A_168 = arith.constant 120 : i32
          %dma_start3A_169 = arith.constant 0 : i32
          %dma_start3A_170 = tpu.memref_slice %arg7[%dma_start3A_168, %dma_start3A_169] : memref<240x128xf32, #tpu.memory_space<vmem>> -> memref<120x128xf32, #tpu.memory_space<vmem>>
          %dma_start3A_171 = tpu.memref_slice %arg5[%add3A_167] : memref<13920xi32, #tpu.memory_space<vmem>> -> memref<120xi32, #tpu.memory_space<vmem>>
          %dma_start3A_172 = arith.constant 0 : i32
          %dma_start3A_173 = arith.constant 0 : i32
          %dma_start3A_174 = tpu.memref_slice %arg2[%dma_start3A_172, %dma_start3A_173] : memref<50000x128xf32, #tpu.memory_space<hbm>> -> memref<50000x128xf32, #tpu.memory_space<hbm>>
          tpu.enqueue_indirect_dma source(%dma_start3A_174 : memref<50000x128xf32, #tpu.memory_space<hbm>>) target(%dma_start3A_170 : memref<120x128xf32, #tpu.memory_space<vmem>>) offsets(%dma_start3A_171 : memref<120xi32, #tpu.memory_space<vmem>>) semaphore(%arg11 : memref<!tpu.dma_semaphore, #tpu.memory_space<semaphore_mem>>)
        } else {
        }
        %mul3A_120 = arith.constant 240 : i32
        %mul3A_121 = arith.muli %add3A_96, %mul3A_120 : i32
        %add3A_122 = arith.constant 0 : i32
        %add3A_123 = arith.addi %mul3A_121, %add3A_122 : i32
        %dma_wait3A_124 = arith.constant 0 : i32
        %dma_wait3A_125 = arith.constant 0 : i32
        %dma_wait3A_126 = tpu.memref_slice %arg8[%dma_wait3A_124, %dma_wait3A_125] : memref<240x128xf32, #tpu.memory_space<vmem>> -> memref<120x128xf32, #tpu.memory_space<vmem>>
        %dma_wait3A_127 = tpu.memref_slice %arg5[%add3A_123] : memref<13920xi32, #tpu.memory_space<vmem>> -> memref<120xi32, #tpu.memory_space<vmem>>
        %dma_wait3A_128 = arith.constant 0 : i32
        %dma_wait3A_129 = arith.constant 0 : i32
        %dma_wait3A_130 = tpu.memref_slice %arg2[%dma_wait3A_128, %dma_wait3A_129] : memref<50000x128xf32, #tpu.memory_space<hbm>> -> memref<50000x128xf32, #tpu.memory_space<hbm>>
        tpu.wait_indirect_dma semaphore(%arg12 : memref<!tpu.dma_semaphore, #tpu.memory_space<semaphore_mem>>) src(%dma_wait3A_130 : memref<50000x128xf32, #tpu.memory_space<hbm>>) dst(%dma_wait3A_126 : memref<120x128xf32, #tpu.memory_space<vmem>>)
        %mul3A_131 = arith.constant 240 : i32
        %mul3A_132 = arith.muli %add3A_96, %mul3A_131 : i32
        %add3A_133 = arith.constant 120 : i32
        %add3A_134 = arith.addi %mul3A_132, %add3A_133 : i32
        %dma_wait3A_135 = arith.constant 120 : i32
        %dma_wait3A_136 = arith.constant 0 : i32
        %dma_wait3A_137 = tpu.memref_slice %arg8[%dma_wait3A_135, %dma_wait3A_136] : memref<240x128xf32, #tpu.memory_space<vmem>> -> memref<120x128xf32, #tpu.memory_space<vmem>>
        %dma_wait3A_138 = tpu.memref_slice %arg5[%add3A_134] : memref<13920xi32, #tpu.memory_space<vmem>> -> memref<120xi32, #tpu.memory_space<vmem>>
        %dma_wait3A_139 = arith.constant 0 : i32
        %dma_wait3A_140 = arith.constant 0 : i32
        %dma_wait3A_141 = tpu.memref_slice %arg2[%dma_wait3A_139, %dma_wait3A_140] : memref<50000x128xf32, #tpu.memory_space<hbm>> -> memref<50000x128xf32, #tpu.memory_space<hbm>>
        tpu.wait_indirect_dma semaphore(%arg12 : memref<!tpu.dma_semaphore, #tpu.memory_space<semaphore_mem>>) src(%dma_wait3A_141 : memref<50000x128xf32, #tpu.memory_space<hbm>>) dst(%dma_wait3A_137 : memref<120x128xf32, #tpu.memory_space<vmem>>)
        %add3A_142 = arith.addi %add3A_4, %add3A_96 : i32
        %mul3A_143 = arith.constant 240 : i32
        %mul3A_144 = arith.muli %add3A_142, %mul3A_143 : i32
        %dma_start3A_145 = arith.constant 0 : i32
        %dma_start3A_146 = tpu.memref_slice %arg4[%mul3A_144, %dma_start3A_145] : memref<450000x128xf32, #tpu.memory_space<hbm>> -> memref<240x128xf32, #tpu.memory_space<hbm>>
        %dma_start3A_147 = arith.constant 0 : i32
        %dma_start3A_148 = tpu.memref_slice %arg4[%mul3A_144, %dma_start3A_147] : memref<450000x128xf32, #tpu.memory_space<hbm>> -> memref<240x128xf32, #tpu.memory_space<hbm>>
        tpu.enqueue_dma source(%arg8 : memref<240x128xf32, #tpu.memory_space<vmem>>) target(%dma_start3A_148 : memref<240x128xf32, #tpu.memory_space<hbm>>) target_semaphore(%arg15 : memref<!tpu.dma_semaphore, #tpu.memory_space<semaphore_mem>>)
      } else {
      }
    }
    %scan3A_47 = arith.constant 20 : i32
    %add3A_48 = arith.constant 55 : i32
    %add3A_49 = arith.addi %add3A_4, %add3A_48 : i32
    %mul3A_50 = arith.constant 240 : i32
    %mul3A_51 = arith.muli %add3A_49, %mul3A_50 : i32
    %dma_wait3A_52 = arith.constant 0 : i32
    %dma_wait3A_53 = tpu.memref_slice %arg4[%mul3A_51, %dma_wait3A_52] : memref<450000x128xf32, #tpu.memory_space<hbm>> -> memref<240x128xf32, #tpu.memory_space<hbm>>
    %dma_wait3A_54 = arith.constant 0 : i32
    %dma_wait3A_55 = tpu.memref_slice %arg4[%mul3A_51, %dma_wait3A_54] : memref<450000x128xf32, #tpu.memory_space<hbm>> -> memref<240x128xf32, #tpu.memory_space<hbm>>
    tpu.wait_dma2 semaphore(%arg14 : memref<!tpu.dma_semaphore, #tpu.memory_space<semaphore_mem>>) src(%arg7 : memref<240x128xf32, #tpu.memory_space<vmem>>) dst(%dma_wait3A_55 : memref<240x128xf32, #tpu.memory_space<hbm>>)
    %add3A_56 = arith.constant 56 : i32
    %add3A_57 = arith.addi %add3A_4, %add3A_56 : i32
    %mul3A_58 = arith.constant 240 : i32
    %mul3A_59 = arith.muli %add3A_57, %mul3A_58 : i32
    %dma_wait3A_60 = arith.constant 0 : i32
    %dma_wait3A_61 = tpu.memref_slice %arg4[%mul3A_59, %dma_wait3A_60] : memref<450000x128xf32, #tpu.memory_space<hbm>> -> memref<240x128xf32, #tpu.memory_space<hbm>>
    %dma_wait3A_62 = arith.constant 0 : i32
    %dma_wait3A_63 = tpu.memref_slice %arg4[%mul3A_59, %dma_wait3A_62] : memref<450000x128xf32, #tpu.memory_space<hbm>> -> memref<240x128xf32, #tpu.memory_space<hbm>>
    tpu.wait_dma2 semaphore(%arg15 : memref<!tpu.dma_semaphore, #tpu.memory_space<semaphore_mem>>) src(%arg8 : memref<240x128xf32, #tpu.memory_space<vmem>>) dst(%dma_wait3A_63 : memref<240x128xf32, #tpu.memory_space<hbm>>)
    %add3A_64 = arith.constant 57 : i32
    %add3A_65 = arith.addi %add3A_4, %add3A_64 : i32
    %mul3A_66 = arith.constant 240 : i32
    %mul3A_67 = arith.muli %add3A_65, %mul3A_66 : i32
    %dma_wait3A_68 = arith.constant 0 : i32
    %dma_wait3A_69 = tpu.memref_slice %arg4[%mul3A_67, %dma_wait3A_68] : memref<450000x128xf32, #tpu.memory_space<hbm>> -> memref<240x128xf32, #tpu.memory_space<hbm>>
    %dma_wait3A_70 = arith.constant 0 : i32
    %dma_wait3A_71 = tpu.memref_slice %arg4[%mul3A_67, %dma_wait3A_70] : memref<450000x128xf32, #tpu.memory_space<hbm>> -> memref<240x128xf32, #tpu.memory_space<hbm>>
    tpu.wait_dma2 semaphore(%arg13 : memref<!tpu.dma_semaphore, #tpu.memory_space<semaphore_mem>>) src(%arg6 : memref<240x128xf32, #tpu.memory_space<vmem>>) dst(%dma_wait3A_71 : memref<240x128xf32, #tpu.memory_space<hbm>>)
    %lt3A = arith.constant 19 : i32
    %lt3A_72 = arith.cmpi slt, %add3A, %lt3A : i32
    %convert_element_type3A = arith.extui %lt3A_72 : i1 to i32
    %cond3A = arith.constant 0 : i32
    %cond3A_73 = arith.cmpi ne, %convert_element_type3A, %cond3A : i32
    scf.if %cond3A_73 {
      %add3A_74 = arith.constant 58 : i32
      %add3A_75 = arith.addi %add3A_4, %add3A_74 : i32
      %mul3A_76 = arith.constant 240 : i32
      %mul3A_77 = arith.muli %add3A_75, %mul3A_76 : i32
      "tpu.region"() ({
        %run_scoped3A = tpu.sem_alloc : memref<!tpu.dma_semaphore, #tpu.memory_space<semaphore_mem>>
        %dma_start3A_118 = arith.constant 0 : i32
        %dma_start3A_119 = tpu.memref_slice %arg5[%dma_start3A_118] : memref<13920xi32, #tpu.memory_space<vmem>> -> memref<240xi32, #tpu.memory_space<vmem>>
        %dma_start3A_120 = tpu.memref_slice %arg3[%mul3A_77] : memref<450000xi32, #tpu.memory_space<hbm>> -> memref<240xi32, #tpu.memory_space<hbm>>
        %dma_start3A_121 = arith.constant 0 : i32
        %dma_start3A_122 = tpu.memref_slice %arg5[%dma_start3A_121] : memref<13920xi32, #tpu.memory_space<vmem>> -> memref<240xi32, #tpu.memory_space<vmem>>
        %dma_start3A_123 = tpu.memref_slice %arg3[%mul3A_77] : memref<450000xi32, #tpu.memory_space<hbm>> -> memref<240xi32, #tpu.memory_space<hbm>>
        tpu.enqueue_dma source(%dma_start3A_123 : memref<240xi32, #tpu.memory_space<hbm>>) target(%dma_start3A_122 : memref<240xi32, #tpu.memory_space<vmem>>) target_semaphore(%run_scoped3A : memref<!tpu.dma_semaphore, #tpu.memory_space<semaphore_mem>>)
        %dma_wait3A_124 = arith.constant 0 : i32
        %dma_wait3A_125 = tpu.memref_slice %arg5[%dma_wait3A_124] : memref<13920xi32, #tpu.memory_space<vmem>> -> memref<240xi32, #tpu.memory_space<vmem>>
        %dma_wait3A_126 = tpu.memref_slice %arg3[%mul3A_77] : memref<450000xi32, #tpu.memory_space<hbm>> -> memref<240xi32, #tpu.memory_space<hbm>>
        %dma_wait3A_127 = arith.constant 0 : i32
        %dma_wait3A_128 = tpu.memref_slice %arg5[%dma_wait3A_127] : memref<13920xi32, #tpu.memory_space<vmem>> -> memref<240xi32, #tpu.memory_space<vmem>>
        %dma_wait3A_129 = tpu.memref_slice %arg3[%mul3A_77] : memref<450000xi32, #tpu.memory_space<hbm>> -> memref<240xi32, #tpu.memory_space<hbm>>
        tpu.wait_dma2 semaphore(%run_scoped3A : memref<!tpu.dma_semaphore, #tpu.memory_space<semaphore_mem>>) src(%dma_wait3A_129 : memref<240xi32, #tpu.memory_space<hbm>>) dst(%dma_wait3A_128 : memref<240xi32, #tpu.memory_space<vmem>>)
        tpu.yield
      }) : () -> ()
      %dma_start3A_78 = arith.constant 0 : i32
      %dma_start3A_79 = arith.constant 0 : i32
      %dma_start3A_80 = tpu.memref_slice %arg6[%dma_start3A_78, %dma_start3A_79] : memref<240x128xf32, #tpu.memory_space<vmem>> -> memref<120x128xf32, #tpu.memory_space<vmem>>
      %dma_start3A_81 = arith.constant 0 : i32
      %dma_start3A_82 = tpu.memref_slice %arg5[%dma_start3A_81] : memref<13920xi32, #tpu.memory_space<vmem>> -> memref<120xi32, #tpu.memory_space<vmem>>
      %dma_start3A_83 = arith.constant 0 : i32
      %dma_start3A_84 = arith.constant 0 : i32
      %dma_start3A_85 = tpu.memref_slice %arg2[%dma_start3A_83, %dma_start3A_84] : memref<50000x128xf32, #tpu.memory_space<hbm>> -> memref<50000x128xf32, #tpu.memory_space<hbm>>
      tpu.enqueue_indirect_dma source(%dma_start3A_85 : memref<50000x128xf32, #tpu.memory_space<hbm>>) target(%dma_start3A_80 : memref<120x128xf32, #tpu.memory_space<vmem>>) offsets(%dma_start3A_82 : memref<120xi32, #tpu.memory_space<vmem>>) semaphore(%arg10 : memref<!tpu.dma_semaphore, #tpu.memory_space<semaphore_mem>>)
      %dma_start3A_86 = arith.constant 120 : i32
      %dma_start3A_87 = arith.constant 0 : i32
      %dma_start3A_88 = tpu.memref_slice %arg6[%dma_start3A_86, %dma_start3A_87] : memref<240x128xf32, #tpu.memory_space<vmem>> -> memref<120x128xf32, #tpu.memory_space<vmem>>
      %dma_start3A_89 = arith.constant 120 : i32
      %dma_start3A_90 = tpu.memref_slice %arg5[%dma_start3A_89] : memref<13920xi32, #tpu.memory_space<vmem>> -> memref<120xi32, #tpu.memory_space<vmem>>
      %dma_start3A_91 = arith.constant 0 : i32
      %dma_start3A_92 = arith.constant 0 : i32
      %dma_start3A_93 = tpu.memref_slice %arg2[%dma_start3A_91, %dma_start3A_92] : memref<50000x128xf32, #tpu.memory_space<hbm>> -> memref<50000x128xf32, #tpu.memory_space<hbm>>
      tpu.enqueue_indirect_dma source(%dma_start3A_93 : memref<50000x128xf32, #tpu.memory_space<hbm>>) target(%dma_start3A_88 : memref<120x128xf32, #tpu.memory_space<vmem>>) offsets(%dma_start3A_90 : memref<120xi32, #tpu.memory_space<vmem>>) semaphore(%arg10 : memref<!tpu.dma_semaphore, #tpu.memory_space<semaphore_mem>>)
      %dma_wait3A_94 = arith.constant 0 : i32
      %dma_wait3A_95 = arith.constant 0 : i32
      %dma_wait3A_96 = tpu.memref_slice %arg6[%dma_wait3A_94, %dma_wait3A_95] : memref<240x128xf32, #tpu.memory_space<vmem>> -> memref<120x128xf32, #tpu.memory_space<vmem>>
      %dma_wait3A_97 = arith.constant 0 : i32
      %dma_wait3A_98 = tpu.memref_slice %arg5[%dma_wait3A_97] : memref<13920xi32, #tpu.memory_space<vmem>> -> memref<120xi32, #tpu.memory_space<vmem>>
      %dma_wait3A_99 = arith.constant 0 : i32
      %dma_wait3A_100 = arith.constant 0 : i32
      %dma_wait3A_101 = tpu.memref_slice %arg2[%dma_wait3A_99, %dma_wait3A_100] : memref<50000x128xf32, #tpu.memory_space<hbm>> -> memref<50000x128xf32, #tpu.memory_space<hbm>>
      tpu.wait_indirect_dma semaphore(%arg10 : memref<!tpu.dma_semaphore, #tpu.memory_space<semaphore_mem>>) src(%dma_wait3A_101 : memref<50000x128xf32, #tpu.memory_space<hbm>>) dst(%dma_wait3A_96 : memref<120x128xf32, #tpu.memory_space<vmem>>)
      %dma_wait3A_102 = arith.constant 120 : i32
      %dma_wait3A_103 = arith.constant 0 : i32
      %dma_wait3A_104 = tpu.memref_slice %arg6[%dma_wait3A_102, %dma_wait3A_103] : memref<240x128xf32, #tpu.memory_space<vmem>> -> memref<120x128xf32, #tpu.memory_space<vmem>>
      %dma_wait3A_105 = arith.constant 120 : i32
      %dma_wait3A_106 = tpu.memref_slice %arg5[%dma_wait3A_105] : memref<13920xi32, #tpu.memory_space<vmem>> -> memref<120xi32, #tpu.memory_space<vmem>>
      %dma_wait3A_107 = arith.constant 0 : i32
      %dma_wait3A_108 = arith.constant 0 : i32
      %dma_wait3A_109 = tpu.memref_slice %arg2[%dma_wait3A_107, %dma_wait3A_108] : memref<50000x128xf32, #tpu.memory_space<hbm>> -> memref<50000x128xf32, #tpu.memory_space<hbm>>
      tpu.wait_indirect_dma semaphore(%arg10 : memref<!tpu.dma_semaphore, #tpu.memory_space<semaphore_mem>>) src(%dma_wait3A_109 : memref<50000x128xf32, #tpu.memory_space<hbm>>) dst(%dma_wait3A_104 : memref<120x128xf32, #tpu.memory_space<vmem>>)
      %dma_start3A_110 = arith.constant 0 : i32
      %dma_start3A_111 = tpu.memref_slice %arg4[%mul3A_77, %dma_start3A_110] : memref<450000x128xf32, #tpu.memory_space<hbm>> -> memref<240x128xf32, #tpu.memory_space<hbm>>
      %dma_start3A_112 = arith.constant 0 : i32
      %dma_start3A_113 = tpu.memref_slice %arg4[%mul3A_77, %dma_start3A_112] : memref<450000x128xf32, #tpu.memory_space<hbm>> -> memref<240x128xf32, #tpu.memory_space<hbm>>
      tpu.enqueue_dma source(%arg6 : memref<240x128xf32, #tpu.memory_space<vmem>>) target(%dma_start3A_113 : memref<240x128xf32, #tpu.memory_space<hbm>>) target_semaphore(%arg13 : memref<!tpu.dma_semaphore, #tpu.memory_space<semaphore_mem>>)
      %dma_wait3A_114 = arith.constant 0 : i32
      %dma_wait3A_115 = tpu.memref_slice %arg4[%mul3A_77, %dma_wait3A_114] : memref<450000x128xf32, #tpu.memory_space<hbm>> -> memref<240x128xf32, #tpu.memory_space<hbm>>
      %dma_wait3A_116 = arith.constant 0 : i32
      %dma_wait3A_117 = tpu.memref_slice %arg4[%mul3A_77, %dma_wait3A_116] : memref<450000x128xf32, #tpu.memory_space<hbm>> -> memref<240x128xf32, #tpu.memory_space<hbm>>
      tpu.wait_dma2 semaphore(%arg13 : memref<!tpu.dma_semaphore, #tpu.memory_space<semaphore_mem>>) src(%arg6 : memref<240x128xf32, #tpu.memory_space<vmem>>) dst(%dma_wait3A_117 : memref<240x128xf32, #tpu.memory_space<hbm>>)
    } else {
    }
    return
  }
}

#map = affine_map<(d0, d1) -> (0)>
module attributes {stable_mosaic.version = 14 : i64} {
  func.func @_sc_coords(%arg0: i32, %arg1: i32, %arg2: memref<50000xf32, #tpu.memory_space<hbm>>, %arg3: memref<50000xf32, #tpu.memory_space<hbm>>, %arg4: memref<450000xi32, #tpu.memory_space<hbm>>, %arg5: memref<450000xf32, #tpu.memory_space<hbm>>, %arg6: memref<450000xf32, #tpu.memory_space<hbm>>, %arg7: memref<50000xf32, #tpu.memory_space<vmem>>, %arg8: memref<50000xf32, #tpu.memory_space<vmem>>, %arg9: memref<13680xi32, #tpu.memory_space<vmem>>, %arg10: memref<720xf32, #tpu.memory_space<vmem>>, %arg11: memref<720xf32, #tpu.memory_space<vmem>>, %arg12: memref<720xf32, #tpu.memory_space<vmem>>, %arg13: memref<720xf32, #tpu.memory_space<vmem>>, %arg14: memref<!tpu.dma_semaphore, #tpu.memory_space<semaphore_mem>>, %arg15: memref<!tpu.dma_semaphore, #tpu.memory_space<semaphore_mem>>, %arg16: memref<!tpu.dma_semaphore, #tpu.memory_space<semaphore_mem>>) attributes {dimension_semantics = [#tpu.dimension_semantics<core_parallel>, #tpu.dimension_semantics<subcore_parallel>], iteration_bounds = array<i64: 2, 16>, scalar_prefetch = 0 : i64, scratch_operands = 10 : i64, tpu.core_type = #tpu.core_type<sc_vector_subcore>, window_params = [{transform_indices = #map}, {transform_indices = #map}, {transform_indices = #map}, {transform_indices = #map}, {transform_indices = #map}]} {
    %mul3A = arith.constant 2 : i32
    %mul3A_0 = arith.muli %arg1, %mul3A : i32
    %add3A = arith.addi %mul3A_0, %arg0 : i32
    %mul3A_1 = arith.constant 19 : i32
    %mul3A_2 = arith.muli %add3A, %mul3A_1 : i32
    %min3A = arith.constant 17 : i32
    %min3A_3 = arith.minsi %add3A, %min3A : i32
    %add3A_4 = arith.addi %mul3A_2, %min3A_3 : i32
    tpu.enqueue_dma source(%arg2 : memref<50000xf32, #tpu.memory_space<hbm>>) target(%arg7 : memref<50000xf32, #tpu.memory_space<vmem>>) target_semaphore(%arg14 : memref<!tpu.dma_semaphore, #tpu.memory_space<semaphore_mem>>)
    tpu.enqueue_dma source(%arg3 : memref<50000xf32, #tpu.memory_space<hbm>>) target(%arg8 : memref<50000xf32, #tpu.memory_space<vmem>>) target_semaphore(%arg14 : memref<!tpu.dma_semaphore, #tpu.memory_space<semaphore_mem>>)
    %mul3A_5 = arith.constant 720 : i32
    %mul3A_6 = arith.muli %add3A_4, %mul3A_5 : i32
    %dma_start3A = tpu.memref_slice %arg4[%mul3A_6] : memref<450000xi32, #tpu.memory_space<hbm>> -> memref<13680xi32, #tpu.memory_space<hbm>>
    %dma_start3A_7 = tpu.memref_slice %arg4[%mul3A_6] : memref<450000xi32, #tpu.memory_space<hbm>> -> memref<13680xi32, #tpu.memory_space<hbm>>
    tpu.enqueue_dma source(%dma_start3A_7 : memref<13680xi32, #tpu.memory_space<hbm>>) target(%arg9 : memref<13680xi32, #tpu.memory_space<vmem>>) target_semaphore(%arg14 : memref<!tpu.dma_semaphore, #tpu.memory_space<semaphore_mem>>)
    tpu.wait_dma2 semaphore(%arg14 : memref<!tpu.dma_semaphore, #tpu.memory_space<semaphore_mem>>) src(%arg2 : memref<50000xf32, #tpu.memory_space<hbm>>) dst(%arg7 : memref<50000xf32, #tpu.memory_space<vmem>>)
    tpu.wait_dma2 semaphore(%arg14 : memref<!tpu.dma_semaphore, #tpu.memory_space<semaphore_mem>>) src(%arg3 : memref<50000xf32, #tpu.memory_space<hbm>>) dst(%arg8 : memref<50000xf32, #tpu.memory_space<vmem>>)
    %mul3A_8 = arith.constant 720 : i32
    %mul3A_9 = arith.muli %add3A_4, %mul3A_8 : i32
    %dma_wait3A = tpu.memref_slice %arg4[%mul3A_9] : memref<450000xi32, #tpu.memory_space<hbm>> -> memref<13680xi32, #tpu.memory_space<hbm>>
    %dma_wait3A_10 = tpu.memref_slice %arg4[%mul3A_9] : memref<450000xi32, #tpu.memory_space<hbm>> -> memref<13680xi32, #tpu.memory_space<hbm>>
    tpu.wait_dma2 semaphore(%arg14 : memref<!tpu.dma_semaphore, #tpu.memory_space<semaphore_mem>>) src(%dma_wait3A_10 : memref<13680xi32, #tpu.memory_space<hbm>>) dst(%arg9 : memref<13680xi32, #tpu.memory_space<vmem>>)
    %get3A = arith.constant 0 : index
    %get3A_11 = tpu.vector_load %arg9[%get3A] {strides = array<i32>} : memref<13680xi32, #tpu.memory_space<vmem>>, vector<16xi32>,
    %gather3A = tpu.vector_load_idx %arg7[%get3A_11] : memref<50000xf32, #tpu.memory_space<vmem>>[vector<16xi32>], vector<16xf32>,
    %swap3A = arith.constant 0 : index
    %swap3A_12 = tpu.vector_load %arg10[%swap3A] {strides = array<i32>} : memref<720xf32, #tpu.memory_space<vmem>>, vector<16xf32>,
    tpu.vector_store %arg10[%swap3A], %gather3A {strides = array<i32>} : memref<720xf32, #tpu.memory_space<vmem>>, vector<16xf32>,
    %gather3A_13 = tpu.vector_load_idx %arg8[%get3A_11] : memref<50000xf32, #tpu.memory_space<vmem>>[vector<16xi32>], vector<16xf32>,
    %swap3A_14 = arith.constant 0 : index
    %swap3A_15 = tpu.vector_load %arg12[%swap3A_14] {strides = array<i32>} : memref<720xf32, #tpu.memory_space<vmem>>, vector<16xf32>,
    tpu.vector_store %arg12[%swap3A_14], %gather3A_13 {strides = array<i32>} : memref<720xf32, #tpu.memory_space<vmem>>, vector<16xf32>,
    %get3A_16 = arith.constant 16 : index
    %get3A_17 = tpu.vector_load %arg9[%get3A_16] {strides = array<i32>} : memref<13680xi32, #tpu.memory_space<vmem>>, vector<16xi32>,
    %gather3A_18 = tpu.vector_load_idx %arg7[%get3A_17] : memref<50000xf32, #tpu.memory_space<vmem>>[vector<16xi32>], vector<16xf32>,
    %swap3A_19 = arith.constant 16 : index
    %swap3A_20 = tpu.vector_load %arg10[%swap3A_19] {strides = array<i32>} : memref<720xf32, #tpu.memory_space<vmem>>, vector<16xf32>,
    tpu.vector_store %arg10[%swap3A_19], %gather3A_18 {strides = array<i32>} : memref<720xf32, #tpu.memory_space<vmem>>, vector<16xf32>,
    %gather3A_21 = tpu.vector_load_idx %arg8[%get3A_17] : memref<50000xf32, #tpu.memory_space<vmem>>[vector<16xi32>], vector<16xf32>,
    %swap3A_22 = arith.constant 16 : index
    %swap3A_23 = tpu.vector_load %arg12[%swap3A_22] {strides = array<i32>} : memref<720xf32, #tpu.memory_space<vmem>>, vector<16xf32>,
    tpu.vector_store %arg12[%swap3A_22], %gather3A_21 {strides = array<i32>} : memref<720xf32, #tpu.memory_space<vmem>>, vector<16xf32>,
    %get3A_24 = arith.constant 32 : index
    %get3A_25 = tpu.vector_load %arg9[%get3A_24] {strides = array<i32>} : memref<13680xi32, #tpu.memory_space<vmem>>, vector<16xi32>,
    %gather3A_26 = tpu.vector_load_idx %arg7[%get3A_25] : memref<50000xf32, #tpu.memory_space<vmem>>[vector<16xi32>], vector<16xf32>,
    %swap3A_27 = arith.constant 32 : index
    %swap3A_28 = tpu.vector_load %arg10[%swap3A_27] {strides = array<i32>} : memref<720xf32, #tpu.memory_space<vmem>>, vector<16xf32>,
    tpu.vector_store %arg10[%swap3A_27], %gather3A_26 {strides = array<i32>} : memref<720xf32, #tpu.memory_space<vmem>>, vector<16xf32>,
    %gather3A_29 = tpu.vector_load_idx %arg8[%get3A_25] : memref<50000xf32, #tpu.memory_space<vmem>>[vector<16xi32>], vector<16xf32>,
    %swap3A_30 = arith.constant 32 : index
    %swap3A_31 = tpu.vector_load %arg12[%swap3A_30] {strides = array<i32>} : memref<720xf32, #tpu.memory_space<vmem>>, vector<16xf32>,
    tpu.vector_store %arg12[%swap3A_30], %gather3A_29 {strides = array<i32>} : memref<720xf32, #tpu.memory_space<vmem>>, vector<16xf32>,
    %get3A_32 = arith.constant 48 : index
    %get3A_33 = tpu.vector_load %arg9[%get3A_32] {strides = array<i32>} : memref<13680xi32, #tpu.memory_space<vmem>>, vector<16xi32>,
    %gather3A_34 = tpu.vector_load_idx %arg7[%get3A_33] : memref<50000xf32, #tpu.memory_space<vmem>>[vector<16xi32>], vector<16xf32>,
    %swap3A_35 = arith.constant 48 : index
    %swap3A_36 = tpu.vector_load %arg10[%swap3A_35] {strides = array<i32>} : memref<720xf32, #tpu.memory_space<vmem>>, vector<16xf32>,
    tpu.vector_store %arg10[%swap3A_35], %gather3A_34 {strides = array<i32>} : memref<720xf32, #tpu.memory_space<vmem>>, vector<16xf32>,
    %gather3A_37 = tpu.vector_load_idx %arg8[%get3A_33] : memref<50000xf32, #tpu.memory_space<vmem>>[vector<16xi32>], vector<16xf32>,
    %swap3A_38 = arith.constant 48 : index
    %swap3A_39 = tpu.vector_load %arg12[%swap3A_38] {strides = array<i32>} : memref<720xf32, #tpu.memory_space<vmem>>, vector<16xf32>,
    tpu.vector_store %arg12[%swap3A_38], %gather3A_37 {strides = array<i32>} : memref<720xf32, #tpu.memory_space<vmem>>, vector<16xf32>,
    %get3A_40 = arith.constant 64 : index
    %get3A_41 = tpu.vector_load %arg9[%get3A_40] {strides = array<i32>} : memref<13680xi32, #tpu.memory_space<vmem>>, vector<16xi32>,
    %gather3A_42 = tpu.vector_load_idx %arg7[%get3A_41] : memref<50000xf32, #tpu.memory_space<vmem>>[vector<16xi32>], vector<16xf32>,
    %swap3A_43 = arith.constant 64 : index
    %swap3A_44 = tpu.vector_load %arg10[%swap3A_43] {strides = array<i32>} : memref<720xf32, #tpu.memory_space<vmem>>, vector<16xf32>,
    tpu.vector_store %arg10[%swap3A_43], %gather3A_42 {strides = array<i32>} : memref<720xf32, #tpu.memory_space<vmem>>, vector<16xf32>,
    %gather3A_45 = tpu.vector_load_idx %arg8[%get3A_41] : memref<50000xf32, #tpu.memory_space<vmem>>[vector<16xi32>], vector<16xf32>,
    %swap3A_46 = arith.constant 64 : index
    %swap3A_47 = tpu.vector_load %arg12[%swap3A_46] {strides = array<i32>} : memref<720xf32, #tpu.memory_space<vmem>>, vector<16xf32>,
    tpu.vector_store %arg12[%swap3A_46], %gather3A_45 {strides = array<i32>} : memref<720xf32, #tpu.memory_space<vmem>>, vector<16xf32>,
    %get3A_48 = arith.constant 80 : index
    %get3A_49 = tpu.vector_load %arg9[%get3A_48] {strides = array<i32>} : memref<13680xi32, #tpu.memory_space<vmem>>, vector<16xi32>,
    %gather3A_50 = tpu.vector_load_idx %arg7[%get3A_49] : memref<50000xf32, #tpu.memory_space<vmem>>[vector<16xi32>], vector<16xf32>,
    %swap3A_51 = arith.constant 80 : index
    %swap3A_52 = tpu.vector_load %arg10[%swap3A_51] {strides = array<i32>} : memref<720xf32, #tpu.memory_space<vmem>>, vector<16xf32>,
    tpu.vector_store %arg10[%swap3A_51], %gather3A_50 {strides = array<i32>} : memref<720xf32, #tpu.memory_space<vmem>>, vector<16xf32>,
    %gather3A_53 = tpu.vector_load_idx %arg8[%get3A_49] : memref<50000xf32, #tpu.memory_space<vmem>>[vector<16xi32>], vector<16xf32>,
    %swap3A_54 = arith.constant 80 : index
    %swap3A_55 = tpu.vector_load %arg12[%swap3A_54] {strides = array<i32>} : memref<720xf32, #tpu.memory_space<vmem>>, vector<16xf32>,
    tpu.vector_store %arg12[%swap3A_54], %gather3A_53 {strides = array<i32>} : memref<720xf32, #tpu.memory_space<vmem>>, vector<16xf32>,
    %get3A_56 = arith.constant 96 : index
    %get3A_57 = tpu.vector_load %arg9[%get3A_56] {strides = array<i32>} : memref<13680xi32, #tpu.memory_space<vmem>>, vector<16xi32>,
    %gather3A_58 = tpu.vector_load_idx %arg7[%get3A_57] : memref<50000xf32, #tpu.memory_space<vmem>>[vector<16xi32>], vector<16xf32>,
    %swap3A_59 = arith.constant 96 : index
    %swap3A_60 = tpu.vector_load %arg10[%swap3A_59] {strides = array<i32>} : memref<720xf32, #tpu.memory_space<vmem>>, vector<16xf32>,
    tpu.vector_store %arg10[%swap3A_59], %gather3A_58 {strides = array<i32>} : memref<720xf32, #tpu.memory_space<vmem>>, vector<16xf32>,
    %gather3A_61 = tpu.vector_load_idx %arg8[%get3A_57] : memref<50000xf32, #tpu.memory_space<vmem>>[vector<16xi32>], vector<16xf32>,
    %swap3A_62 = arith.constant 96 : index
    %swap3A_63 = tpu.vector_load %arg12[%swap3A_62] {strides = array<i32>} : memref<720xf32, #tpu.memory_space<vmem>>, vector<16xf32>,
    tpu.vector_store %arg12[%swap3A_62], %gather3A_61 {strides = array<i32>} : memref<720xf32, #tpu.memory_space<vmem>>, vector<16xf32>,
    %get3A_64 = arith.constant 112 : index
    %get3A_65 = tpu.vector_load %arg9[%get3A_64] {strides = array<i32>} : memref<13680xi32, #tpu.memory_space<vmem>>, vector<16xi32>,
    %gather3A_66 = tpu.vector_load_idx %arg7[%get3A_65] : memref<50000xf32, #tpu.memory_space<vmem>>[vector<16xi32>], vector<16xf32>,
    %swap3A_67 = arith.constant 112 : index
    %swap3A_68 = tpu.vector_load %arg10[%swap3A_67] {strides = array<i32>} : memref<720xf32, #tpu.memory_space<vmem>>, vector<16xf32>,
    tpu.vector_store %arg10[%swap3A_67], %gather3A_66 {strides = array<i32>} : memref<720xf32, #tpu.memory_space<vmem>>, vector<16xf32>,
    %gather3A_69 = tpu.vector_load_idx %arg8[%get3A_65] : memref<50000xf32, #tpu.memory_space<vmem>>[vector<16xi32>], vector<16xf32>,
    %swap3A_70 = arith.constant 112 : index
    %swap3A_71 = tpu.vector_load %arg12[%swap3A_70] {strides = array<i32>} : memref<720xf32, #tpu.memory_space<vmem>>, vector<16xf32>,
    tpu.vector_store %arg12[%swap3A_70], %gather3A_69 {strides = array<i32>} : memref<720xf32, #tpu.memory_space<vmem>>, vector<16xf32>,
    %get3A_72 = arith.constant 128 : index
    %get3A_73 = tpu.vector_load %arg9[%get3A_72] {strides = array<i32>} : memref<13680xi32, #tpu.memory_space<vmem>>, vector<16xi32>,
    %gather3A_74 = tpu.vector_load_idx %arg7[%get3A_73] : memref<50000xf32, #tpu.memory_space<vmem>>[vector<16xi32>], vector<16xf32>,
    %swap3A_75 = arith.constant 128 : index
    %swap3A_76 = tpu.vector_load %arg10[%swap3A_75] {strides = array<i32>} : memref<720xf32, #tpu.memory_space<vmem>>, vector<16xf32>,
    tpu.vector_store %arg10[%swap3A_75], %gather3A_74 {strides = array<i32>} : memref<720xf32, #tpu.memory_space<vmem>>, vector<16xf32>,
    %gather3A_77 = tpu.vector_load_idx %arg8[%get3A_73] : memref<50000xf32, #tpu.memory_space<vmem>>[vector<16xi32>], vector<16xf32>,
    %swap3A_78 = arith.constant 128 : index
    %swap3A_79 = tpu.vector_load %arg12[%swap3A_78] {strides = array<i32>} : memref<720xf32, #tpu.memory_space<vmem>>, vector<16xf32>,
    tpu.vector_store %arg12[%swap3A_78], %gather3A_77 {strides = array<i32>} : memref<720xf32, #tpu.memory_space<vmem>>, vector<16xf32>,
    %get3A_80 = arith.constant 144 : index
    %get3A_81 = tpu.vector_load %arg9[%get3A_80] {strides = array<i32>} : memref<13680xi32, #tpu.memory_space<vmem>>, vector<16xi32>,
    %gather3A_82 = tpu.vector_load_idx %arg7[%get3A_81] : memref<50000xf32, #tpu.memory_space<vmem>>[vector<16xi32>], vector<16xf32>,
    %swap3A_83 = arith.constant 144 : index
    %swap3A_84 = tpu.vector_load %arg10[%swap3A_83] {strides = array<i32>} : memref<720xf32, #tpu.memory_space<vmem>>, vector<16xf32>,
    tpu.vector_store %arg10[%swap3A_83], %gather3A_82 {strides = array<i32>} : memref<720xf32, #tpu.memory_space<vmem>>, vector<16xf32>,
    %gather3A_85 = tpu.vector_load_idx %arg8[%get3A_81] : memref<50000xf32, #tpu.memory_space<vmem>>[vector<16xi32>], vector<16xf32>,
    %swap3A_86 = arith.constant 144 : index
    %swap3A_87 = tpu.vector_load %arg12[%swap3A_86] {strides = array<i32>} : memref<720xf32, #tpu.memory_space<vmem>>, vector<16xf32>,
    tpu.vector_store %arg12[%swap3A_86], %gather3A_85 {strides = array<i32>} : memref<720xf32, #tpu.memory_space<vmem>>, vector<16xf32>,
    %get3A_88 = arith.constant 160 : index
    %get3A_89 = tpu.vector_load %arg9[%get3A_88] {strides = array<i32>} : memref<13680xi32, #tpu.memory_space<vmem>>, vector<16xi32>,
    %gather3A_90 = tpu.vector_load_idx %arg7[%get3A_89] : memref<50000xf32, #tpu.memory_space<vmem>>[vector<16xi32>], vector<16xf32>,
    %swap3A_91 = arith.constant 160 : index
    %swap3A_92 = tpu.vector_load %arg10[%swap3A_91] {strides = array<i32>} : memref<720xf32, #tpu.memory_space<vmem>>, vector<16xf32>,
    tpu.vector_store %arg10[%swap3A_91], %gather3A_90 {strides = array<i32>} : memref<720xf32, #tpu.memory_space<vmem>>, vector<16xf32>,
    %gather3A_93 = tpu.vector_load_idx %arg8[%get3A_89] : memref<50000xf32, #tpu.memory_space<vmem>>[vector<16xi32>], vector<16xf32>,
    %swap3A_94 = arith.constant 160 : index
    %swap3A_95 = tpu.vector_load %arg12[%swap3A_94] {strides = array<i32>} : memref<720xf32, #tpu.memory_space<vmem>>, vector<16xf32>,
    tpu.vector_store %arg12[%swap3A_94], %gather3A_93 {strides = array<i32>} : memref<720xf32, #tpu.memory_space<vmem>>, vector<16xf32>,
    %get3A_96 = arith.constant 176 : index
    %get3A_97 = tpu.vector_load %arg9[%get3A_96] {strides = array<i32>} : memref<13680xi32, #tpu.memory_space<vmem>>, vector<16xi32>,
    %gather3A_98 = tpu.vector_load_idx %arg7[%get3A_97] : memref<50000xf32, #tpu.memory_space<vmem>>[vector<16xi32>], vector<16xf32>,
    %swap3A_99 = arith.constant 176 : index
    %swap3A_100 = tpu.vector_load %arg10[%swap3A_99] {strides = array<i32>} : memref<720xf32, #tpu.memory_space<vmem>>, vector<16xf32>,
    tpu.vector_store %arg10[%swap3A_99], %gather3A_98 {strides = array<i32>} : memref<720xf32, #tpu.memory_space<vmem>>, vector<16xf32>,
    %gather3A_101 = tpu.vector_load_idx %arg8[%get3A_97] : memref<50000xf32, #tpu.memory_space<vmem>>[vector<16xi32>], vector<16xf32>,
    %swap3A_102 = arith.constant 176 : index
    %swap3A_103 = tpu.vector_load %arg12[%swap3A_102] {strides = array<i32>} : memref<720xf32, #tpu.memory_space<vmem>>, vector<16xf32>,
    tpu.vector_store %arg12[%swap3A_102], %gather3A_101 {strides = array<i32>} : memref<720xf32, #tpu.memory_space<vmem>>, vector<16xf32>,
    %get3A_104 = arith.constant 192 : index
    %get3A_105 = tpu.vector_load %arg9[%get3A_104] {strides = array<i32>} : memref<13680xi32, #tpu.memory_space<vmem>>, vector<16xi32>,
    %gather3A_106 = tpu.vector_load_idx %arg7[%get3A_105] : memref<50000xf32, #tpu.memory_space<vmem>>[vector<16xi32>], vector<16xf32>,
    %swap3A_107 = arith.constant 192 : index
    %swap3A_108 = tpu.vector_load %arg10[%swap3A_107] {strides = array<i32>} : memref<720xf32, #tpu.memory_space<vmem>>, vector<16xf32>,
    tpu.vector_store %arg10[%swap3A_107], %gather3A_106 {strides = array<i32>} : memref<720xf32, #tpu.memory_space<vmem>>, vector<16xf32>,
    %gather3A_109 = tpu.vector_load_idx %arg8[%get3A_105] : memref<50000xf32, #tpu.memory_space<vmem>>[vector<16xi32>], vector<16xf32>,
    %swap3A_110 = arith.constant 192 : index
    %swap3A_111 = tpu.vector_load %arg12[%swap3A_110] {strides = array<i32>} : memref<720xf32, #tpu.memory_space<vmem>>, vector<16xf32>,
    tpu.vector_store %arg12[%swap3A_110], %gather3A_109 {strides = array<i32>} : memref<720xf32, #tpu.memory_space<vmem>>, vector<16xf32>,
    %get3A_112 = arith.constant 208 : index
    %get3A_113 = tpu.vector_load %arg9[%get3A_112] {strides = array<i32>} : memref<13680xi32, #tpu.memory_space<vmem>>, vector<16xi32>,
    %gather3A_114 = tpu.vector_load_idx %arg7[%get3A_113] : memref<50000xf32, #tpu.memory_space<vmem>>[vector<16xi32>], vector<16xf32>,
    %swap3A_115 = arith.constant 208 : index
    %swap3A_116 = tpu.vector_load %arg10[%swap3A_115] {strides = array<i32>} : memref<720xf32, #tpu.memory_space<vmem>>, vector<16xf32>,
    tpu.vector_store %arg10[%swap3A_115], %gather3A_114 {strides = array<i32>} : memref<720xf32, #tpu.memory_space<vmem>>, vector<16xf32>,
    %gather3A_117 = tpu.vector_load_idx %arg8[%get3A_113] : memref<50000xf32, #tpu.memory_space<vmem>>[vector<16xi32>], vector<16xf32>,
    %swap3A_118 = arith.constant 208 : index
    %swap3A_119 = tpu.vector_load %arg12[%swap3A_118] {strides = array<i32>} : memref<720xf32, #tpu.memory_space<vmem>>, vector<16xf32>,
    tpu.vector_store %arg12[%swap3A_118], %gather3A_117 {strides = array<i32>} : memref<720xf32, #tpu.memory_space<vmem>>, vector<16xf32>,
    %get3A_120 = arith.constant 224 : index
    %get3A_121 = tpu.vector_load %arg9[%get3A_120] {strides = array<i32>} : memref<13680xi32, #tpu.memory_space<vmem>>, vector<16xi32>,
    %gather3A_122 = tpu.vector_load_idx %arg7[%get3A_121] : memref<50000xf32, #tpu.memory_space<vmem>>[vector<16xi32>], vector<16xf32>,
    %swap3A_123 = arith.constant 224 : index
    %swap3A_124 = tpu.vector_load %arg10[%swap3A_123] {strides = array<i32>} : memref<720xf32, #tpu.memory_space<vmem>>, vector<16xf32>,
    tpu.vector_store %arg10[%swap3A_123], %gather3A_122 {strides = array<i32>} : memref<720xf32, #tpu.memory_space<vmem>>, vector<16xf32>,
    %gather3A_125 = tpu.vector_load_idx %arg8[%get3A_121] : memref<50000xf32, #tpu.memory_space<vmem>>[vector<16xi32>], vector<16xf32>,
    %swap3A_126 = arith.constant 224 : index
    %swap3A_127 = tpu.vector_load %arg12[%swap3A_126] {strides = array<i32>} : memref<720xf32, #tpu.memory_space<vmem>>, vector<16xf32>,
    tpu.vector_store %arg12[%swap3A_126], %gather3A_125 {strides = array<i32>} : memref<720xf32, #tpu.memory_space<vmem>>, vector<16xf32>,
    %get3A_128 = arith.constant 240 : index
    %get3A_129 = tpu.vector_load %arg9[%get3A_128] {strides = array<i32>} : memref<13680xi32, #tpu.memory_space<vmem>>, vector<16xi32>,
    %gather3A_130 = tpu.vector_load_idx %arg7[%get3A_129] : memref<50000xf32, #tpu.memory_space<vmem>>[vector<16xi32>], vector<16xf32>,
    %swap3A_131 = arith.constant 240 : index
    %swap3A_132 = tpu.vector_load %arg10[%swap3A_131] {strides = array<i32>} : memref<720xf32, #tpu.memory_space<vmem>>, vector<16xf32>,
    tpu.vector_store %arg10[%swap3A_131], %gather3A_130 {strides = array<i32>} : memref<720xf32, #tpu.memory_space<vmem>>, vector<16xf32>,
    %gather3A_133 = tpu.vector_load_idx %arg8[%get3A_129] : memref<50000xf32, #tpu.memory_space<vmem>>[vector<16xi32>], vector<16xf32>,
    %swap3A_134 = arith.constant 240 : index
    %swap3A_135 = tpu.vector_load %arg12[%swap3A_134] {strides = array<i32>} : memref<720xf32, #tpu.memory_space<vmem>>, vector<16xf32>,
    tpu.vector_store %arg12[%swap3A_134], %gather3A_133 {strides = array<i32>} : memref<720xf32, #tpu.memory_space<vmem>>, vector<16xf32>,
    %get3A_136 = arith.constant 256 : index
    %get3A_137 = tpu.vector_load %arg9[%get3A_136] {strides = array<i32>} : memref<13680xi32, #tpu.memory_space<vmem>>, vector<16xi32>,
    %gather3A_138 = tpu.vector_load_idx %arg7[%get3A_137] : memref<50000xf32, #tpu.memory_space<vmem>>[vector<16xi32>], vector<16xf32>,
    %swap3A_139 = arith.constant 256 : index
    %swap3A_140 = tpu.vector_load %arg10[%swap3A_139] {strides = array<i32>} : memref<720xf32, #tpu.memory_space<vmem>>, vector<16xf32>,
    tpu.vector_store %arg10[%swap3A_139], %gather3A_138 {strides = array<i32>} : memref<720xf32, #tpu.memory_space<vmem>>, vector<16xf32>,
    %gather3A_141 = tpu.vector_load_idx %arg8[%get3A_137] : memref<50000xf32, #tpu.memory_space<vmem>>[vector<16xi32>], vector<16xf32>,
    %swap3A_142 = arith.constant 256 : index
    %swap3A_143 = tpu.vector_load %arg12[%swap3A_142] {strides = array<i32>} : memref<720xf32, #tpu.memory_space<vmem>>, vector<16xf32>,
    tpu.vector_store %arg12[%swap3A_142], %gather3A_141 {strides = array<i32>} : memref<720xf32, #tpu.memory_space<vmem>>, vector<16xf32>,
    %get3A_144 = arith.constant 272 : index
    %get3A_145 = tpu.vector_load %arg9[%get3A_144] {strides = array<i32>} : memref<13680xi32, #tpu.memory_space<vmem>>, vector<16xi32>,
    %gather3A_146 = tpu.vector_load_idx %arg7[%get3A_145] : memref<50000xf32, #tpu.memory_space<vmem>>[vector<16xi32>], vector<16xf32>,
    %swap3A_147 = arith.constant 272 : index
    %swap3A_148 = tpu.vector_load %arg10[%swap3A_147] {strides = array<i32>} : memref<720xf32, #tpu.memory_space<vmem>>, vector<16xf32>,
    tpu.vector_store %arg10[%swap3A_147], %gather3A_146 {strides = array<i32>} : memref<720xf32, #tpu.memory_space<vmem>>, vector<16xf32>,
    %gather3A_149 = tpu.vector_load_idx %arg8[%get3A_145] : memref<50000xf32, #tpu.memory_space<vmem>>[vector<16xi32>], vector<16xf32>,
    %swap3A_150 = arith.constant 272 : index
    %swap3A_151 = tpu.vector_load %arg12[%swap3A_150] {strides = array<i32>} : memref<720xf32, #tpu.memory_space<vmem>>, vector<16xf32>,
    tpu.vector_store %arg12[%swap3A_150], %gather3A_149 {strides = array<i32>} : memref<720xf32, #tpu.memory_space<vmem>>, vector<16xf32>,
    %get3A_152 = arith.constant 288 : index
    %get3A_153 = tpu.vector_load %arg9[%get3A_152] {strides = array<i32>} : memref<13680xi32, #tpu.memory_space<vmem>>, vector<16xi32>,
    %gather3A_154 = tpu.vector_load_idx %arg7[%get3A_153] : memref<50000xf32, #tpu.memory_space<vmem>>[vector<16xi32>], vector<16xf32>,
    %swap3A_155 = arith.constant 288 : index
    %swap3A_156 = tpu.vector_load %arg10[%swap3A_155] {strides = array<i32>} : memref<720xf32, #tpu.memory_space<vmem>>, vector<16xf32>,
    tpu.vector_store %arg10[%swap3A_155], %gather3A_154 {strides = array<i32>} : memref<720xf32, #tpu.memory_space<vmem>>, vector<16xf32>,
    %gather3A_157 = tpu.vector_load_idx %arg8[%get3A_153] : memref<50000xf32, #tpu.memory_space<vmem>>[vector<16xi32>], vector<16xf32>,
    %swap3A_158 = arith.constant 288 : index
    %swap3A_159 = tpu.vector_load %arg12[%swap3A_158] {strides = array<i32>} : memref<720xf32, #tpu.memory_space<vmem>>, vector<16xf32>,
    tpu.vector_store %arg12[%swap3A_158], %gather3A_157 {strides = array<i32>} : memref<720xf32, #tpu.memory_space<vmem>>, vector<16xf32>,
    %get3A_160 = arith.constant 304 : index
    %get3A_161 = tpu.vector_load %arg9[%get3A_160] {strides = array<i32>} : memref<13680xi32, #tpu.memory_space<vmem>>, vector<16xi32>,
    %gather3A_162 = tpu.vector_load_idx %arg7[%get3A_161] : memref<50000xf32, #tpu.memory_space<vmem>>[vector<16xi32>], vector<16xf32>,
    %swap3A_163 = arith.constant 304 : index
    %swap3A_164 = tpu.vector_load %arg10[%swap3A_163] {strides = array<i32>} : memref<720xf32, #tpu.memory_space<vmem>>, vector<16xf32>,
    tpu.vector_store %arg10[%swap3A_163], %gather3A_162 {strides = array<i32>} : memref<720xf32, #tpu.memory_space<vmem>>, vector<16xf32>,
    %gather3A_165 = tpu.vector_load_idx %arg8[%get3A_161] : memref<50000xf32, #tpu.memory_space<vmem>>[vector<16xi32>], vector<16xf32>,
    %swap3A_166 = arith.constant 304 : index
    %swap3A_167 = tpu.vector_load %arg12[%swap3A_166] {strides = array<i32>} : memref<720xf32, #tpu.memory_space<vmem>>, vector<16xf32>,
    tpu.vector_store %arg12[%swap3A_166], %gather3A_165 {strides = array<i32>} : memref<720xf32, #tpu.memory_space<vmem>>, vector<16xf32>,
    %get3A_168 = arith.constant 320 : index
    %get3A_169 = tpu.vector_load %arg9[%get3A_168] {strides = array<i32>} : memref<13680xi32, #tpu.memory_space<vmem>>, vector<16xi32>,
    %gather3A_170 = tpu.vector_load_idx %arg7[%get3A_169] : memref<50000xf32, #tpu.memory_space<vmem>>[vector<16xi32>], vector<16xf32>,
    %swap3A_171 = arith.constant 320 : index
    %swap3A_172 = tpu.vector_load %arg10[%swap3A_171] {strides = array<i32>} : memref<720xf32, #tpu.memory_space<vmem>>, vector<16xf32>,
    tpu.vector_store %arg10[%swap3A_171], %gather3A_170 {strides = array<i32>} : memref<720xf32, #tpu.memory_space<vmem>>, vector<16xf32>,
    %gather3A_173 = tpu.vector_load_idx %arg8[%get3A_169] : memref<50000xf32, #tpu.memory_space<vmem>>[vector<16xi32>], vector<16xf32>,
    %swap3A_174 = arith.constant 320 : index
    %swap3A_175 = tpu.vector_load %arg12[%swap3A_174] {strides = array<i32>} : memref<720xf32, #tpu.memory_space<vmem>>, vector<16xf32>,
    tpu.vector_store %arg12[%swap3A_174], %gather3A_173 {strides = array<i32>} : memref<720xf32, #tpu.memory_space<vmem>>, vector<16xf32>,
    %get3A_176 = arith.constant 336 : index
    %get3A_177 = tpu.vector_load %arg9[%get3A_176] {strides = array<i32>} : memref<13680xi32, #tpu.memory_space<vmem>>, vector<16xi32>,
    %gather3A_178 = tpu.vector_load_idx %arg7[%get3A_177] : memref<50000xf32, #tpu.memory_space<vmem>>[vector<16xi32>], vector<16xf32>,
    %swap3A_179 = arith.constant 336 : index
    %swap3A_180 = tpu.vector_load %arg10[%swap3A_179] {strides = array<i32>} : memref<720xf32, #tpu.memory_space<vmem>>, vector<16xf32>,
    tpu.vector_store %arg10[%swap3A_179], %gather3A_178 {strides = array<i32>} : memref<720xf32, #tpu.memory_space<vmem>>, vector<16xf32>,
    %gather3A_181 = tpu.vector_load_idx %arg8[%get3A_177] : memref<50000xf32, #tpu.memory_space<vmem>>[vector<16xi32>], vector<16xf32>,
    %swap3A_182 = arith.constant 336 : index
    %swap3A_183 = tpu.vector_load %arg12[%swap3A_182] {strides = array<i32>} : memref<720xf32, #tpu.memory_space<vmem>>, vector<16xf32>,
    tpu.vector_store %arg12[%swap3A_182], %gather3A_181 {strides = array<i32>} : memref<720xf32, #tpu.memory_space<vmem>>, vector<16xf32>,
    %get3A_184 = arith.constant 352 : index
    %get3A_185 = tpu.vector_load %arg9[%get3A_184] {strides = array<i32>} : memref<13680xi32, #tpu.memory_space<vmem>>, vector<16xi32>,
    %gather3A_186 = tpu.vector_load_idx %arg7[%get3A_185] : memref<50000xf32, #tpu.memory_space<vmem>>[vector<16xi32>], vector<16xf32>,
    %swap3A_187 = arith.constant 352 : index
    %swap3A_188 = tpu.vector_load %arg10[%swap3A_187] {strides = array<i32>} : memref<720xf32, #tpu.memory_space<vmem>>, vector<16xf32>,
    tpu.vector_store %arg10[%swap3A_187], %gather3A_186 {strides = array<i32>} : memref<720xf32, #tpu.memory_space<vmem>>, vector<16xf32>,
    %gather3A_189 = tpu.vector_load_idx %arg8[%get3A_185] : memref<50000xf32, #tpu.memory_space<vmem>>[vector<16xi32>], vector<16xf32>,
    %swap3A_190 = arith.constant 352 : index
    %swap3A_191 = tpu.vector_load %arg12[%swap3A_190] {strides = array<i32>} : memref<720xf32, #tpu.memory_space<vmem>>, vector<16xf32>,
    tpu.vector_store %arg12[%swap3A_190], %gather3A_189 {strides = array<i32>} : memref<720xf32, #tpu.memory_space<vmem>>, vector<16xf32>,
    %get3A_192 = arith.constant 368 : index
    %get3A_193 = tpu.vector_load %arg9[%get3A_192] {strides = array<i32>} : memref<13680xi32, #tpu.memory_space<vmem>>, vector<16xi32>,
    %gather3A_194 = tpu.vector_load_idx %arg7[%get3A_193] : memref<50000xf32, #tpu.memory_space<vmem>>[vector<16xi32>], vector<16xf32>,
    %swap3A_195 = arith.constant 368 : index
    %swap3A_196 = tpu.vector_load %arg10[%swap3A_195] {strides = array<i32>} : memref<720xf32, #tpu.memory_space<vmem>>, vector<16xf32>,
    tpu.vector_store %arg10[%swap3A_195], %gather3A_194 {strides = array<i32>} : memref<720xf32, #tpu.memory_space<vmem>>, vector<16xf32>,
    %gather3A_197 = tpu.vector_load_idx %arg8[%get3A_193] : memref<50000xf32, #tpu.memory_space<vmem>>[vector<16xi32>], vector<16xf32>,
    %swap3A_198 = arith.constant 368 : index
    %swap3A_199 = tpu.vector_load %arg12[%swap3A_198] {strides = array<i32>} : memref<720xf32, #tpu.memory_space<vmem>>, vector<16xf32>,
    tpu.vector_store %arg12[%swap3A_198], %gather3A_197 {strides = array<i32>} : memref<720xf32, #tpu.memory_space<vmem>>, vector<16xf32>,
    %get3A_200 = arith.constant 384 : index
    %get3A_201 = tpu.vector_load %arg9[%get3A_200] {strides = array<i32>} : memref<13680xi32, #tpu.memory_space<vmem>>, vector<16xi32>,
    %gather3A_202 = tpu.vector_load_idx %arg7[%get3A_201] : memref<50000xf32, #tpu.memory_space<vmem>>[vector<16xi32>], vector<16xf32>,
    %swap3A_203 = arith.constant 384 : index
    %swap3A_204 = tpu.vector_load %arg10[%swap3A_203] {strides = array<i32>} : memref<720xf32, #tpu.memory_space<vmem>>, vector<16xf32>,
    tpu.vector_store %arg10[%swap3A_203], %gather3A_202 {strides = array<i32>} : memref<720xf32, #tpu.memory_space<vmem>>, vector<16xf32>,
    %gather3A_205 = tpu.vector_load_idx %arg8[%get3A_201] : memref<50000xf32, #tpu.memory_space<vmem>>[vector<16xi32>], vector<16xf32>,
    %swap3A_206 = arith.constant 384 : index
    %swap3A_207 = tpu.vector_load %arg12[%swap3A_206] {strides = array<i32>} : memref<720xf32, #tpu.memory_space<vmem>>, vector<16xf32>,
    tpu.vector_store %arg12[%swap3A_206], %gather3A_205 {strides = array<i32>} : memref<720xf32, #tpu.memory_space<vmem>>, vector<16xf32>,
    %get3A_208 = arith.constant 400 : index
    %get3A_209 = tpu.vector_load %arg9[%get3A_208] {strides = array<i32>} : memref<13680xi32, #tpu.memory_space<vmem>>, vector<16xi32>,
    %gather3A_210 = tpu.vector_load_idx %arg7[%get3A_209] : memref<50000xf32, #tpu.memory_space<vmem>>[vector<16xi32>], vector<16xf32>,
    %swap3A_211 = arith.constant 400 : index
    %swap3A_212 = tpu.vector_load %arg10[%swap3A_211] {strides = array<i32>} : memref<720xf32, #tpu.memory_space<vmem>>, vector<16xf32>,
    tpu.vector_store %arg10[%swap3A_211], %gather3A_210 {strides = array<i32>} : memref<720xf32, #tpu.memory_space<vmem>>, vector<16xf32>,
    %gather3A_213 = tpu.vector_load_idx %arg8[%get3A_209] : memref<50000xf32, #tpu.memory_space<vmem>>[vector<16xi32>], vector<16xf32>,
    %swap3A_214 = arith.constant 400 : index
    %swap3A_215 = tpu.vector_load %arg12[%swap3A_214] {strides = array<i32>} : memref<720xf32, #tpu.memory_space<vmem>>, vector<16xf32>,
    tpu.vector_store %arg12[%swap3A_214], %gather3A_213 {strides = array<i32>} : memref<720xf32, #tpu.memory_space<vmem>>, vector<16xf32>,
    %get3A_216 = arith.constant 416 : index
    %get3A_217 = tpu.vector_load %arg9[%get3A_216] {strides = array<i32>} : memref<13680xi32, #tpu.memory_space<vmem>>, vector<16xi32>,
    %gather3A_218 = tpu.vector_load_idx %arg7[%get3A_217] : memref<50000xf32, #tpu.memory_space<vmem>>[vector<16xi32>], vector<16xf32>,
    %swap3A_219 = arith.constant 416 : index
    %swap3A_220 = tpu.vector_load %arg10[%swap3A_219] {strides = array<i32>} : memref<720xf32, #tpu.memory_space<vmem>>, vector<16xf32>,
    tpu.vector_store %arg10[%swap3A_219], %gather3A_218 {strides = array<i32>} : memref<720xf32, #tpu.memory_space<vmem>>, vector<16xf32>,
    %gather3A_221 = tpu.vector_load_idx %arg8[%get3A_217] : memref<50000xf32, #tpu.memory_space<vmem>>[vector<16xi32>], vector<16xf32>,
    %swap3A_222 = arith.constant 416 : index
    %swap3A_223 = tpu.vector_load %arg12[%swap3A_222] {strides = array<i32>} : memref<720xf32, #tpu.memory_space<vmem>>, vector<16xf32>,
    tpu.vector_store %arg12[%swap3A_222], %gather3A_221 {strides = array<i32>} : memref<720xf32, #tpu.memory_space<vmem>>, vector<16xf32>,
    %get3A_224 = arith.constant 432 : index
    %get3A_225 = tpu.vector_load %arg9[%get3A_224] {strides = array<i32>} : memref<13680xi32, #tpu.memory_space<vmem>>, vector<16xi32>,
    %gather3A_226 = tpu.vector_load_idx %arg7[%get3A_225] : memref<50000xf32, #tpu.memory_space<vmem>>[vector<16xi32>], vector<16xf32>,
    %swap3A_227 = arith.constant 432 : index
    %swap3A_228 = tpu.vector_load %arg10[%swap3A_227] {strides = array<i32>} : memref<720xf32, #tpu.memory_space<vmem>>, vector<16xf32>,
    tpu.vector_store %arg10[%swap3A_227], %gather3A_226 {strides = array<i32>} : memref<720xf32, #tpu.memory_space<vmem>>, vector<16xf32>,
    %gather3A_229 = tpu.vector_load_idx %arg8[%get3A_225] : memref<50000xf32, #tpu.memory_space<vmem>>[vector<16xi32>], vector<16xf32>,
    %swap3A_230 = arith.constant 432 : index
    %swap3A_231 = tpu.vector_load %arg12[%swap3A_230] {strides = array<i32>} : memref<720xf32, #tpu.memory_space<vmem>>, vector<16xf32>,
    tpu.vector_store %arg12[%swap3A_230], %gather3A_229 {strides = array<i32>} : memref<720xf32, #tpu.memory_space<vmem>>, vector<16xf32>,
    %get3A_232 = arith.constant 448 : index
    %get3A_233 = tpu.vector_load %arg9[%get3A_232] {strides = array<i32>} : memref<13680xi32, #tpu.memory_space<vmem>>, vector<16xi32>,
    %gather3A_234 = tpu.vector_load_idx %arg7[%get3A_233] : memref<50000xf32, #tpu.memory_space<vmem>>[vector<16xi32>], vector<16xf32>,
    %swap3A_235 = arith.constant 448 : index
    %swap3A_236 = tpu.vector_load %arg10[%swap3A_235] {strides = array<i32>} : memref<720xf32, #tpu.memory_space<vmem>>, vector<16xf32>,
    tpu.vector_store %arg10[%swap3A_235], %gather3A_234 {strides = array<i32>} : memref<720xf32, #tpu.memory_space<vmem>>, vector<16xf32>,
    %gather3A_237 = tpu.vector_load_idx %arg8[%get3A_233] : memref<50000xf32, #tpu.memory_space<vmem>>[vector<16xi32>], vector<16xf32>,
    %swap3A_238 = arith.constant 448 : index
    %swap3A_239 = tpu.vector_load %arg12[%swap3A_238] {strides = array<i32>} : memref<720xf32, #tpu.memory_space<vmem>>, vector<16xf32>,
    tpu.vector_store %arg12[%swap3A_238], %gather3A_237 {strides = array<i32>} : memref<720xf32, #tpu.memory_space<vmem>>, vector<16xf32>,
    %get3A_240 = arith.constant 464 : index
    %get3A_241 = tpu.vector_load %arg9[%get3A_240] {strides = array<i32>} : memref<13680xi32, #tpu.memory_space<vmem>>, vector<16xi32>,
    %gather3A_242 = tpu.vector_load_idx %arg7[%get3A_241] : memref<50000xf32, #tpu.memory_space<vmem>>[vector<16xi32>], vector<16xf32>,
    %swap3A_243 = arith.constant 464 : index
    %swap3A_244 = tpu.vector_load %arg10[%swap3A_243] {strides = array<i32>} : memref<720xf32, #tpu.memory_space<vmem>>, vector<16xf32>,
    tpu.vector_store %arg10[%swap3A_243], %gather3A_242 {strides = array<i32>} : memref<720xf32, #tpu.memory_space<vmem>>, vector<16xf32>,
    %gather3A_245 = tpu.vector_load_idx %arg8[%get3A_241] : memref<50000xf32, #tpu.memory_space<vmem>>[vector<16xi32>], vector<16xf32>,
    %swap3A_246 = arith.constant 464 : index
    %swap3A_247 = tpu.vector_load %arg12[%swap3A_246] {strides = array<i32>} : memref<720xf32, #tpu.memory_space<vmem>>, vector<16xf32>,
    tpu.vector_store %arg12[%swap3A_246], %gather3A_245 {strides = array<i32>} : memref<720xf32, #tpu.memory_space<vmem>>, vector<16xf32>,
    %get3A_248 = arith.constant 480 : index
    %get3A_249 = tpu.vector_load %arg9[%get3A_248] {strides = array<i32>} : memref<13680xi32, #tpu.memory_space<vmem>>, vector<16xi32>,
    %gather3A_250 = tpu.vector_load_idx %arg7[%get3A_249] : memref<50000xf32, #tpu.memory_space<vmem>>[vector<16xi32>], vector<16xf32>,
    %swap3A_251 = arith.constant 480 : index
    %swap3A_252 = tpu.vector_load %arg10[%swap3A_251] {strides = array<i32>} : memref<720xf32, #tpu.memory_space<vmem>>, vector<16xf32>,
    tpu.vector_store %arg10[%swap3A_251], %gather3A_250 {strides = array<i32>} : memref<720xf32, #tpu.memory_space<vmem>>, vector<16xf32>,
    %gather3A_253 = tpu.vector_load_idx %arg8[%get3A_249] : memref<50000xf32, #tpu.memory_space<vmem>>[vector<16xi32>], vector<16xf32>,
    %swap3A_254 = arith.constant 480 : index
    %swap3A_255 = tpu.vector_load %arg12[%swap3A_254] {strides = array<i32>} : memref<720xf32, #tpu.memory_space<vmem>>, vector<16xf32>,
    tpu.vector_store %arg12[%swap3A_254], %gather3A_253 {strides = array<i32>} : memref<720xf32, #tpu.memory_space<vmem>>, vector<16xf32>,
    %get3A_256 = arith.constant 496 : index
    %get3A_257 = tpu.vector_load %arg9[%get3A_256] {strides = array<i32>} : memref<13680xi32, #tpu.memory_space<vmem>>, vector<16xi32>,
    %gather3A_258 = tpu.vector_load_idx %arg7[%get3A_257] : memref<50000xf32, #tpu.memory_space<vmem>>[vector<16xi32>], vector<16xf32>,
    %swap3A_259 = arith.constant 496 : index
    %swap3A_260 = tpu.vector_load %arg10[%swap3A_259] {strides = array<i32>} : memref<720xf32, #tpu.memory_space<vmem>>, vector<16xf32>,
    tpu.vector_store %arg10[%swap3A_259], %gather3A_258 {strides = array<i32>} : memref<720xf32, #tpu.memory_space<vmem>>, vector<16xf32>,
    %gather3A_261 = tpu.vector_load_idx %arg8[%get3A_257] : memref<50000xf32, #tpu.memory_space<vmem>>[vector<16xi32>], vector<16xf32>,
    %swap3A_262 = arith.constant 496 : index
    %swap3A_263 = tpu.vector_load %arg12[%swap3A_262] {strides = array<i32>} : memref<720xf32, #tpu.memory_space<vmem>>, vector<16xf32>,
    tpu.vector_store %arg12[%swap3A_262], %gather3A_261 {strides = array<i32>} : memref<720xf32, #tpu.memory_space<vmem>>, vector<16xf32>,
    %get3A_264 = arith.constant 512 : index
    %get3A_265 = tpu.vector_load %arg9[%get3A_264] {strides = array<i32>} : memref<13680xi32, #tpu.memory_space<vmem>>, vector<16xi32>,
    %gather3A_266 = tpu.vector_load_idx %arg7[%get3A_265] : memref<50000xf32, #tpu.memory_space<vmem>>[vector<16xi32>], vector<16xf32>,
    %swap3A_267 = arith.constant 512 : index
    %swap3A_268 = tpu.vector_load %arg10[%swap3A_267] {strides = array<i32>} : memref<720xf32, #tpu.memory_space<vmem>>, vector<16xf32>,
    tpu.vector_store %arg10[%swap3A_267], %gather3A_266 {strides = array<i32>} : memref<720xf32, #tpu.memory_space<vmem>>, vector<16xf32>,
    %gather3A_269 = tpu.vector_load_idx %arg8[%get3A_265] : memref<50000xf32, #tpu.memory_space<vmem>>[vector<16xi32>], vector<16xf32>,
    %swap3A_270 = arith.constant 512 : index
    %swap3A_271 = tpu.vector_load %arg12[%swap3A_270] {strides = array<i32>} : memref<720xf32, #tpu.memory_space<vmem>>, vector<16xf32>,
    tpu.vector_store %arg12[%swap3A_270], %gather3A_269 {strides = array<i32>} : memref<720xf32, #tpu.memory_space<vmem>>, vector<16xf32>,
    %get3A_272 = arith.constant 528 : index
    %get3A_273 = tpu.vector_load %arg9[%get3A_272] {strides = array<i32>} : memref<13680xi32, #tpu.memory_space<vmem>>, vector<16xi32>,
    %gather3A_274 = tpu.vector_load_idx %arg7[%get3A_273] : memref<50000xf32, #tpu.memory_space<vmem>>[vector<16xi32>], vector<16xf32>,
    %swap3A_275 = arith.constant 528 : index
    %swap3A_276 = tpu.vector_load %arg10[%swap3A_275] {strides = array<i32>} : memref<720xf32, #tpu.memory_space<vmem>>, vector<16xf32>,
    tpu.vector_store %arg10[%swap3A_275], %gather3A_274 {strides = array<i32>} : memref<720xf32, #tpu.memory_space<vmem>>, vector<16xf32>,
    %gather3A_277 = tpu.vector_load_idx %arg8[%get3A_273] : memref<50000xf32, #tpu.memory_space<vmem>>[vector<16xi32>], vector<16xf32>,
    %swap3A_278 = arith.constant 528 : index
    %swap3A_279 = tpu.vector_load %arg12[%swap3A_278] {strides = array<i32>} : memref<720xf32, #tpu.memory_space<vmem>>, vector<16xf32>,
    tpu.vector_store %arg12[%swap3A_278], %gather3A_277 {strides = array<i32>} : memref<720xf32, #tpu.memory_space<vmem>>, vector<16xf32>,
    %get3A_280 = arith.constant 544 : index
    %get3A_281 = tpu.vector_load %arg9[%get3A_280] {strides = array<i32>} : memref<13680xi32, #tpu.memory_space<vmem>>, vector<16xi32>,
    %gather3A_282 = tpu.vector_load_idx %arg7[%get3A_281] : memref<50000xf32, #tpu.memory_space<vmem>>[vector<16xi32>], vector<16xf32>,
    %swap3A_283 = arith.constant 544 : index
    %swap3A_284 = tpu.vector_load %arg10[%swap3A_283] {strides = array<i32>} : memref<720xf32, #tpu.memory_space<vmem>>, vector<16xf32>,
    tpu.vector_store %arg10[%swap3A_283], %gather3A_282 {strides = array<i32>} : memref<720xf32, #tpu.memory_space<vmem>>, vector<16xf32>,
    %gather3A_285 = tpu.vector_load_idx %arg8[%get3A_281] : memref<50000xf32, #tpu.memory_space<vmem>>[vector<16xi32>], vector<16xf32>,
    %swap3A_286 = arith.constant 544 : index
    %swap3A_287 = tpu.vector_load %arg12[%swap3A_286] {strides = array<i32>} : memref<720xf32, #tpu.memory_space<vmem>>, vector<16xf32>,
    tpu.vector_store %arg12[%swap3A_286], %gather3A_285 {strides = array<i32>} : memref<720xf32, #tpu.memory_space<vmem>>, vector<16xf32>,
    %get3A_288 = arith.constant 560 : index
    %get3A_289 = tpu.vector_load %arg9[%get3A_288] {strides = array<i32>} : memref<13680xi32, #tpu.memory_space<vmem>>, vector<16xi32>,
    %gather3A_290 = tpu.vector_load_idx %arg7[%get3A_289] : memref<50000xf32, #tpu.memory_space<vmem>>[vector<16xi32>], vector<16xf32>,
    %swap3A_291 = arith.constant 560 : index
    %swap3A_292 = tpu.vector_load %arg10[%swap3A_291] {strides = array<i32>} : memref<720xf32, #tpu.memory_space<vmem>>, vector<16xf32>,
    tpu.vector_store %arg10[%swap3A_291], %gather3A_290 {strides = array<i32>} : memref<720xf32, #tpu.memory_space<vmem>>, vector<16xf32>,
    %gather3A_293 = tpu.vector_load_idx %arg8[%get3A_289] : memref<50000xf32, #tpu.memory_space<vmem>>[vector<16xi32>], vector<16xf32>,
    %swap3A_294 = arith.constant 560 : index
    %swap3A_295 = tpu.vector_load %arg12[%swap3A_294] {strides = array<i32>} : memref<720xf32, #tpu.memory_space<vmem>>, vector<16xf32>,
    tpu.vector_store %arg12[%swap3A_294], %gather3A_293 {strides = array<i32>} : memref<720xf32, #tpu.memory_space<vmem>>, vector<16xf32>,
    %get3A_296 = arith.constant 576 : index
    %get3A_297 = tpu.vector_load %arg9[%get3A_296] {strides = array<i32>} : memref<13680xi32, #tpu.memory_space<vmem>>, vector<16xi32>,
    %gather3A_298 = tpu.vector_load_idx %arg7[%get3A_297] : memref<50000xf32, #tpu.memory_space<vmem>>[vector<16xi32>], vector<16xf32>,
    %swap3A_299 = arith.constant 576 : index
    %swap3A_300 = tpu.vector_load %arg10[%swap3A_299] {strides = array<i32>} : memref<720xf32, #tpu.memory_space<vmem>>, vector<16xf32>,
    tpu.vector_store %arg10[%swap3A_299], %gather3A_298 {strides = array<i32>} : memref<720xf32, #tpu.memory_space<vmem>>, vector<16xf32>,
    %gather3A_301 = tpu.vector_load_idx %arg8[%get3A_297] : memref<50000xf32, #tpu.memory_space<vmem>>[vector<16xi32>], vector<16xf32>,
    %swap3A_302 = arith.constant 576 : index
    %swap3A_303 = tpu.vector_load %arg12[%swap3A_302] {strides = array<i32>} : memref<720xf32, #tpu.memory_space<vmem>>, vector<16xf32>,
    tpu.vector_store %arg12[%swap3A_302], %gather3A_301 {strides = array<i32>} : memref<720xf32, #tpu.memory_space<vmem>>, vector<16xf32>,
    %get3A_304 = arith.constant 592 : index
    %get3A_305 = tpu.vector_load %arg9[%get3A_304] {strides = array<i32>} : memref<13680xi32, #tpu.memory_space<vmem>>, vector<16xi32>,
    %gather3A_306 = tpu.vector_load_idx %arg7[%get3A_305] : memref<50000xf32, #tpu.memory_space<vmem>>[vector<16xi32>], vector<16xf32>,
    %swap3A_307 = arith.constant 592 : index
    %swap3A_308 = tpu.vector_load %arg10[%swap3A_307] {strides = array<i32>} : memref<720xf32, #tpu.memory_space<vmem>>, vector<16xf32>,
    tpu.vector_store %arg10[%swap3A_307], %gather3A_306 {strides = array<i32>} : memref<720xf32, #tpu.memory_space<vmem>>, vector<16xf32>,
    %gather3A_309 = tpu.vector_load_idx %arg8[%get3A_305] : memref<50000xf32, #tpu.memory_space<vmem>>[vector<16xi32>], vector<16xf32>,
    %swap3A_310 = arith.constant 592 : index
    %swap3A_311 = tpu.vector_load %arg12[%swap3A_310] {strides = array<i32>} : memref<720xf32, #tpu.memory_space<vmem>>, vector<16xf32>,
    tpu.vector_store %arg12[%swap3A_310], %gather3A_309 {strides = array<i32>} : memref<720xf32, #tpu.memory_space<vmem>>, vector<16xf32>,
    %get3A_312 = arith.constant 608 : index
    %get3A_313 = tpu.vector_load %arg9[%get3A_312] {strides = array<i32>} : memref<13680xi32, #tpu.memory_space<vmem>>, vector<16xi32>,
    %gather3A_314 = tpu.vector_load_idx %arg7[%get3A_313] : memref<50000xf32, #tpu.memory_space<vmem>>[vector<16xi32>], vector<16xf32>,
    %swap3A_315 = arith.constant 608 : index
    %swap3A_316 = tpu.vector_load %arg10[%swap3A_315] {strides = array<i32>} : memref<720xf32, #tpu.memory_space<vmem>>, vector<16xf32>,
    tpu.vector_store %arg10[%swap3A_315], %gather3A_314 {strides = array<i32>} : memref<720xf32, #tpu.memory_space<vmem>>, vector<16xf32>,
    %gather3A_317 = tpu.vector_load_idx %arg8[%get3A_313] : memref<50000xf32, #tpu.memory_space<vmem>>[vector<16xi32>], vector<16xf32>,
    %swap3A_318 = arith.constant 608 : index
    %swap3A_319 = tpu.vector_load %arg12[%swap3A_318] {strides = array<i32>} : memref<720xf32, #tpu.memory_space<vmem>>, vector<16xf32>,
    tpu.vector_store %arg12[%swap3A_318], %gather3A_317 {strides = array<i32>} : memref<720xf32, #tpu.memory_space<vmem>>, vector<16xf32>,
    %get3A_320 = arith.constant 624 : index
    %get3A_321 = tpu.vector_load %arg9[%get3A_320] {strides = array<i32>} : memref<13680xi32, #tpu.memory_space<vmem>>, vector<16xi32>,
    %gather3A_322 = tpu.vector_load_idx %arg7[%get3A_321] : memref<50000xf32, #tpu.memory_space<vmem>>[vector<16xi32>], vector<16xf32>,
    %swap3A_323 = arith.constant 624 : index
    %swap3A_324 = tpu.vector_load %arg10[%swap3A_323] {strides = array<i32>} : memref<720xf32, #tpu.memory_space<vmem>>, vector<16xf32>,
    tpu.vector_store %arg10[%swap3A_323], %gather3A_322 {strides = array<i32>} : memref<720xf32, #tpu.memory_space<vmem>>, vector<16xf32>,
    %gather3A_325 = tpu.vector_load_idx %arg8[%get3A_321] : memref<50000xf32, #tpu.memory_space<vmem>>[vector<16xi32>], vector<16xf32>,
    %swap3A_326 = arith.constant 624 : index
    %swap3A_327 = tpu.vector_load %arg12[%swap3A_326] {strides = array<i32>} : memref<720xf32, #tpu.memory_space<vmem>>, vector<16xf32>,
    tpu.vector_store %arg12[%swap3A_326], %gather3A_325 {strides = array<i32>} : memref<720xf32, #tpu.memory_space<vmem>>, vector<16xf32>,
    %get3A_328 = arith.constant 640 : index
    %get3A_329 = tpu.vector_load %arg9[%get3A_328] {strides = array<i32>} : memref<13680xi32, #tpu.memory_space<vmem>>, vector<16xi32>,
    %gather3A_330 = tpu.vector_load_idx %arg7[%get3A_329] : memref<50000xf32, #tpu.memory_space<vmem>>[vector<16xi32>], vector<16xf32>,
    %swap3A_331 = arith.constant 640 : index
    %swap3A_332 = tpu.vector_load %arg10[%swap3A_331] {strides = array<i32>} : memref<720xf32, #tpu.memory_space<vmem>>, vector<16xf32>,
    tpu.vector_store %arg10[%swap3A_331], %gather3A_330 {strides = array<i32>} : memref<720xf32, #tpu.memory_space<vmem>>, vector<16xf32>,
    %gather3A_333 = tpu.vector_load_idx %arg8[%get3A_329] : memref<50000xf32, #tpu.memory_space<vmem>>[vector<16xi32>], vector<16xf32>,
    %swap3A_334 = arith.constant 640 : index
    %swap3A_335 = tpu.vector_load %arg12[%swap3A_334] {strides = array<i32>} : memref<720xf32, #tpu.memory_space<vmem>>, vector<16xf32>,
    tpu.vector_store %arg12[%swap3A_334], %gather3A_333 {strides = array<i32>} : memref<720xf32, #tpu.memory_space<vmem>>, vector<16xf32>,
    %get3A_336 = arith.constant 656 : index
    %get3A_337 = tpu.vector_load %arg9[%get3A_336] {strides = array<i32>} : memref<13680xi32, #tpu.memory_space<vmem>>, vector<16xi32>,
    %gather3A_338 = tpu.vector_load_idx %arg7[%get3A_337] : memref<50000xf32, #tpu.memory_space<vmem>>[vector<16xi32>], vector<16xf32>,
    %swap3A_339 = arith.constant 656 : index
    %swap3A_340 = tpu.vector_load %arg10[%swap3A_339] {strides = array<i32>} : memref<720xf32, #tpu.memory_space<vmem>>, vector<16xf32>,
    tpu.vector_store %arg10[%swap3A_339], %gather3A_338 {strides = array<i32>} : memref<720xf32, #tpu.memory_space<vmem>>, vector<16xf32>,
    %gather3A_341 = tpu.vector_load_idx %arg8[%get3A_337] : memref<50000xf32, #tpu.memory_space<vmem>>[vector<16xi32>], vector<16xf32>,
    %swap3A_342 = arith.constant 656 : index
    %swap3A_343 = tpu.vector_load %arg12[%swap3A_342] {strides = array<i32>} : memref<720xf32, #tpu.memory_space<vmem>>, vector<16xf32>,
    tpu.vector_store %arg12[%swap3A_342], %gather3A_341 {strides = array<i32>} : memref<720xf32, #tpu.memory_space<vmem>>, vector<16xf32>,
    %get3A_344 = arith.constant 672 : index
    %get3A_345 = tpu.vector_load %arg9[%get3A_344] {strides = array<i32>} : memref<13680xi32, #tpu.memory_space<vmem>>, vector<16xi32>,
    %gather3A_346 = tpu.vector_load_idx %arg7[%get3A_345] : memref<50000xf32, #tpu.memory_space<vmem>>[vector<16xi32>], vector<16xf32>,
    %swap3A_347 = arith.constant 672 : index
    %swap3A_348 = tpu.vector_load %arg10[%swap3A_347] {strides = array<i32>} : memref<720xf32, #tpu.memory_space<vmem>>, vector<16xf32>,
    tpu.vector_store %arg10[%swap3A_347], %gather3A_346 {strides = array<i32>} : memref<720xf32, #tpu.memory_space<vmem>>, vector<16xf32>,
    %gather3A_349 = tpu.vector_load_idx %arg8[%get3A_345] : memref<50000xf32, #tpu.memory_space<vmem>>[vector<16xi32>], vector<16xf32>,
    %swap3A_350 = arith.constant 672 : index
    %swap3A_351 = tpu.vector_load %arg12[%swap3A_350] {strides = array<i32>} : memref<720xf32, #tpu.memory_space<vmem>>, vector<16xf32>,
    tpu.vector_store %arg12[%swap3A_350], %gather3A_349 {strides = array<i32>} : memref<720xf32, #tpu.memory_space<vmem>>, vector<16xf32>,
    %get3A_352 = arith.constant 688 : index
    %get3A_353 = tpu.vector_load %arg9[%get3A_352] {strides = array<i32>} : memref<13680xi32, #tpu.memory_space<vmem>>, vector<16xi32>,
    %gather3A_354 = tpu.vector_load_idx %arg7[%get3A_353] : memref<50000xf32, #tpu.memory_space<vmem>>[vector<16xi32>], vector<16xf32>,
    %swap3A_355 = arith.constant 688 : index
    %swap3A_356 = tpu.vector_load %arg10[%swap3A_355] {strides = array<i32>} : memref<720xf32, #tpu.memory_space<vmem>>, vector<16xf32>,
    tpu.vector_store %arg10[%swap3A_355], %gather3A_354 {strides = array<i32>} : memref<720xf32, #tpu.memory_space<vmem>>, vector<16xf32>,
    %gather3A_357 = tpu.vector_load_idx %arg8[%get3A_353] : memref<50000xf32, #tpu.memory_space<vmem>>[vector<16xi32>], vector<16xf32>,
    %swap3A_358 = arith.constant 688 : index
    %swap3A_359 = tpu.vector_load %arg12[%swap3A_358] {strides = array<i32>} : memref<720xf32, #tpu.memory_space<vmem>>, vector<16xf32>,
    tpu.vector_store %arg12[%swap3A_358], %gather3A_357 {strides = array<i32>} : memref<720xf32, #tpu.memory_space<vmem>>, vector<16xf32>,
    %get3A_360 = arith.constant 704 : index
    %get3A_361 = tpu.vector_load %arg9[%get3A_360] {strides = array<i32>} : memref<13680xi32, #tpu.memory_space<vmem>>, vector<16xi32>,
    %gather3A_362 = tpu.vector_load_idx %arg7[%get3A_361] : memref<50000xf32, #tpu.memory_space<vmem>>[vector<16xi32>], vector<16xf32>,
    %swap3A_363 = arith.constant 704 : index
    %swap3A_364 = tpu.vector_load %arg10[%swap3A_363] {strides = array<i32>} : memref<720xf32, #tpu.memory_space<vmem>>, vector<16xf32>,
    tpu.vector_store %arg10[%swap3A_363], %gather3A_362 {strides = array<i32>} : memref<720xf32, #tpu.memory_space<vmem>>, vector<16xf32>,
    %gather3A_365 = tpu.vector_load_idx %arg8[%get3A_361] : memref<50000xf32, #tpu.memory_space<vmem>>[vector<16xi32>], vector<16xf32>,
    %swap3A_366 = arith.constant 704 : index
    %swap3A_367 = tpu.vector_load %arg12[%swap3A_366] {strides = array<i32>} : memref<720xf32, #tpu.memory_space<vmem>>, vector<16xf32>,
    tpu.vector_store %arg12[%swap3A_366], %gather3A_365 {strides = array<i32>} : memref<720xf32, #tpu.memory_space<vmem>>, vector<16xf32>,
    %add3A_368 = arith.constant 0 : i32
    %add3A_369 = arith.addi %add3A_4, %add3A_368 : i32
    %mul3A_370 = arith.constant 720 : i32
    %mul3A_371 = arith.muli %add3A_369, %mul3A_370 : i32
    %dma_start3A_372 = tpu.memref_slice %arg5[%mul3A_371] : memref<450000xf32, #tpu.memory_space<hbm>> -> memref<720xf32, #tpu.memory_space<hbm>>
    %dma_start3A_373 = tpu.memref_slice %arg5[%mul3A_371] : memref<450000xf32, #tpu.memory_space<hbm>> -> memref<720xf32, #tpu.memory_space<hbm>>
    tpu.enqueue_dma source(%arg10 : memref<720xf32, #tpu.memory_space<vmem>>) target(%dma_start3A_373 : memref<720xf32, #tpu.memory_space<hbm>>) target_semaphore(%arg15 : memref<!tpu.dma_semaphore, #tpu.memory_space<semaphore_mem>>)
    %dma_start3A_374 = tpu.memref_slice %arg6[%mul3A_371] : memref<450000xf32, #tpu.memory_space<hbm>> -> memref<720xf32, #tpu.memory_space<hbm>>
    %dma_start3A_375 = tpu.memref_slice %arg6[%mul3A_371] : memref<450000xf32, #tpu.memory_space<hbm>> -> memref<720xf32, #tpu.memory_space<hbm>>
    tpu.enqueue_dma source(%arg12 : memref<720xf32, #tpu.memory_space<vmem>>) target(%dma_start3A_375 : memref<720xf32, #tpu.memory_space<hbm>>) target_semaphore(%arg15 : memref<!tpu.dma_semaphore, #tpu.memory_space<semaphore_mem>>)
    %scan3A = arith.constant 0 : i32
    %scan3A_376 = arith.constant 0 : i32
    %scan3A_377 = arith.constant 9 : i32
    %scan3A_378 = arith.addi %scan3A_376, %scan3A_377 : i32
    %scan3A_379 = arith.constant 1 : i32
    scf.for %scan3A_402 = %scan3A_376 to %scan3A_378 step %scan3A_379  : i32 {
      %mul3A_403 = arith.constant 2 : i32
      %mul3A_404 = arith.muli %mul3A_403, %scan3A_402 : i32
      %add3A_405 = arith.constant 1 : i32
      %add3A_406 = arith.addi %mul3A_404, %add3A_405 : i32
      %ge3A = arith.constant 2 : i32
      %ge3A_407 = arith.cmpi sge, %add3A_406, %ge3A : i32
      %convert_element_type3A_408 = arith.extui %ge3A_407 : i1 to i32
      %cond3A_409 = arith.constant 0 : i32
      %cond3A_410 = arith.cmpi ne, %convert_element_type3A_408, %cond3A_409 : i32
      scf.if %cond3A_410 {
        %sub3A_1514 = arith.constant 2 : i32
        %sub3A_1515 = arith.subi %add3A_406, %sub3A_1514 : i32
        %max3A = arith.constant 0 : i32
        %max3A_1516 = arith.maxsi %sub3A_1515, %max3A : i32
        %add3A_1517 = arith.addi %add3A_4, %max3A_1516 : i32
        %mul3A_1518 = arith.constant 720 : i32
        %mul3A_1519 = arith.muli %add3A_1517, %mul3A_1518 : i32
        %dma_wait3A_1520 = tpu.memref_slice %arg5[%mul3A_1519] : memref<450000xf32, #tpu.memory_space<hbm>> -> memref<720xf32, #tpu.memory_space<hbm>>
        %dma_wait3A_1521 = tpu.memref_slice %arg5[%mul3A_1519] : memref<450000xf32, #tpu.memory_space<hbm>> -> memref<720xf32, #tpu.memory_space<hbm>>
        tpu.wait_dma2 semaphore(%arg16 : memref<!tpu.dma_semaphore, #tpu.memory_space<semaphore_mem>>) src(%arg11 : memref<720xf32, #tpu.memory_space<vmem>>) dst(%dma_wait3A_1521 : memref<720xf32, #tpu.memory_space<hbm>>)
        %dma_wait3A_1522 = tpu.memref_slice %arg6[%mul3A_1519] : memref<450000xf32, #tpu.memory_space<hbm>> -> memref<720xf32, #tpu.memory_space<hbm>>
        %dma_wait3A_1523 = tpu.memref_slice %arg6[%mul3A_1519] : memref<450000xf32, #tpu.memory_space<hbm>> -> memref<720xf32, #tpu.memory_space<hbm>>
        tpu.wait_dma2 semaphore(%arg16 : memref<!tpu.dma_semaphore, #tpu.memory_space<semaphore_mem>>) src(%arg13 : memref<720xf32, #tpu.memory_space<vmem>>) dst(%dma_wait3A_1523 : memref<720xf32, #tpu.memory_space<hbm>>)
      } else {
      }
      %mul3A_411 = arith.constant 720 : i32
      %mul3A_412 = arith.muli %add3A_406, %mul3A_411 : i32
      %add3A_413 = arith.constant 0 : i32
      %add3A_414 = arith.addi %mul3A_412, %add3A_413 : i32
      %get3A_415 = arith.index_cast %add3A_414 : i32 to index
      %get3A_416 = tpu.vector_load %arg9[%get3A_415] {strides = array<i32>} : memref<13680xi32, #tpu.memory_space<vmem>>, vector<16xi32>,
      %gather3A_417 = tpu.vector_load_idx %arg7[%get3A_416] : memref<50000xf32, #tpu.memory_space<vmem>>[vector<16xi32>], vector<16xf32>,
      %swap3A_418 = arith.constant 0 : index
      %swap3A_419 = tpu.vector_load %arg11[%swap3A_418] {strides = array<i32>} : memref<720xf32, #tpu.memory_space<vmem>>, vector<16xf32>,
      tpu.vector_store %arg11[%swap3A_418], %gather3A_417 {strides = array<i32>} : memref<720xf32, #tpu.memory_space<vmem>>, vector<16xf32>,
      %gather3A_420 = tpu.vector_load_idx %arg8[%get3A_416] : memref<50000xf32, #tpu.memory_space<vmem>>[vector<16xi32>], vector<16xf32>,
      %swap3A_421 = arith.constant 0 : index
      %swap3A_422 = tpu.vector_load %arg13[%swap3A_421] {strides = array<i32>} : memref<720xf32, #tpu.memory_space<vmem>>, vector<16xf32>,
      tpu.vector_store %arg13[%swap3A_421], %gather3A_420 {strides = array<i32>} : memref<720xf32, #tpu.memory_space<vmem>>, vector<16xf32>,
      %mul3A_423 = arith.constant 720 : i32
      %mul3A_424 = arith.muli %add3A_406, %mul3A_423 : i32
      %add3A_425 = arith.constant 16 : i32
      %add3A_426 = arith.addi %mul3A_424, %add3A_425 : i32
      %get3A_427 = arith.index_cast %add3A_426 : i32 to index
      %get3A_428 = tpu.vector_load %arg9[%get3A_427] {strides = array<i32>} : memref<13680xi32, #tpu.memory_space<vmem>>, vector<16xi32>,
      %gather3A_429 = tpu.vector_load_idx %arg7[%get3A_428] : memref<50000xf32, #tpu.memory_space<vmem>>[vector<16xi32>], vector<16xf32>,
      %swap3A_430 = arith.constant 16 : index
      %swap3A_431 = tpu.vector_load %arg11[%swap3A_430] {strides = array<i32>} : memref<720xf32, #tpu.memory_space<vmem>>, vector<16xf32>,
      tpu.vector_store %arg11[%swap3A_430], %gather3A_429 {strides = array<i32>} : memref<720xf32, #tpu.memory_space<vmem>>, vector<16xf32>,
      %gather3A_432 = tpu.vector_load_idx %arg8[%get3A_428] : memref<50000xf32, #tpu.memory_space<vmem>>[vector<16xi32>], vector<16xf32>,
      %swap3A_433 = arith.constant 16 : index
      %swap3A_434 = tpu.vector_load %arg13[%swap3A_433] {strides = array<i32>} : memref<720xf32, #tpu.memory_space<vmem>>, vector<16xf32>,
      tpu.vector_store %arg13[%swap3A_433], %gather3A_432 {strides = array<i32>} : memref<720xf32, #tpu.memory_space<vmem>>, vector<16xf32>,
      %mul3A_435 = arith.constant 720 : i32
      %mul3A_436 = arith.muli %add3A_406, %mul3A_435 : i32
      %add3A_437 = arith.constant 32 : i32
      %add3A_438 = arith.addi %mul3A_436, %add3A_437 : i32
      %get3A_439 = arith.index_cast %add3A_438 : i32 to index
      %get3A_440 = tpu.vector_load %arg9[%get3A_439] {strides = array<i32>} : memref<13680xi32, #tpu.memory_space<vmem>>, vector<16xi32>,
      %gather3A_441 = tpu.vector_load_idx %arg7[%get3A_440] : memref<50000xf32, #tpu.memory_space<vmem>>[vector<16xi32>], vector<16xf32>,
      %swap3A_442 = arith.constant 32 : index
      %swap3A_443 = tpu.vector_load %arg11[%swap3A_442] {strides = array<i32>} : memref<720xf32, #tpu.memory_space<vmem>>, vector<16xf32>,
      tpu.vector_store %arg11[%swap3A_442], %gather3A_441 {strides = array<i32>} : memref<720xf32, #tpu.memory_space<vmem>>, vector<16xf32>,
      %gather3A_444 = tpu.vector_load_idx %arg8[%get3A_440] : memref<50000xf32, #tpu.memory_space<vmem>>[vector<16xi32>], vector<16xf32>,
      %swap3A_445 = arith.constant 32 : index
      %swap3A_446 = tpu.vector_load %arg13[%swap3A_445] {strides = array<i32>} : memref<720xf32, #tpu.memory_space<vmem>>, vector<16xf32>,
      tpu.vector_store %arg13[%swap3A_445], %gather3A_444 {strides = array<i32>} : memref<720xf32, #tpu.memory_space<vmem>>, vector<16xf32>,
      %mul3A_447 = arith.constant 720 : i32
      %mul3A_448 = arith.muli %add3A_406, %mul3A_447 : i32
      %add3A_449 = arith.constant 48 : i32
      %add3A_450 = arith.addi %mul3A_448, %add3A_449 : i32
      %get3A_451 = arith.index_cast %add3A_450 : i32 to index
      %get3A_452 = tpu.vector_load %arg9[%get3A_451] {strides = array<i32>} : memref<13680xi32, #tpu.memory_space<vmem>>, vector<16xi32>,
      %gather3A_453 = tpu.vector_load_idx %arg7[%get3A_452] : memref<50000xf32, #tpu.memory_space<vmem>>[vector<16xi32>], vector<16xf32>,
      %swap3A_454 = arith.constant 48 : index
      %swap3A_455 = tpu.vector_load %arg11[%swap3A_454] {strides = array<i32>} : memref<720xf32, #tpu.memory_space<vmem>>, vector<16xf32>,
      tpu.vector_store %arg11[%swap3A_454], %gather3A_453 {strides = array<i32>} : memref<720xf32, #tpu.memory_space<vmem>>, vector<16xf32>,
      %gather3A_456 = tpu.vector_load_idx %arg8[%get3A_452] : memref<50000xf32, #tpu.memory_space<vmem>>[vector<16xi32>], vector<16xf32>,
      %swap3A_457 = arith.constant 48 : index
      %swap3A_458 = tpu.vector_load %arg13[%swap3A_457] {strides = array<i32>} : memref<720xf32, #tpu.memory_space<vmem>>, vector<16xf32>,
      tpu.vector_store %arg13[%swap3A_457], %gather3A_456 {strides = array<i32>} : memref<720xf32, #tpu.memory_space<vmem>>, vector<16xf32>,
      %mul3A_459 = arith.constant 720 : i32
      %mul3A_460 = arith.muli %add3A_406, %mul3A_459 : i32
      %add3A_461 = arith.constant 64 : i32
      %add3A_462 = arith.addi %mul3A_460, %add3A_461 : i32
      %get3A_463 = arith.index_cast %add3A_462 : i32 to index
      %get3A_464 = tpu.vector_load %arg9[%get3A_463] {strides = array<i32>} : memref<13680xi32, #tpu.memory_space<vmem>>, vector<16xi32>,
      %gather3A_465 = tpu.vector_load_idx %arg7[%get3A_464] : memref<50000xf32, #tpu.memory_space<vmem>>[vector<16xi32>], vector<16xf32>,
      %swap3A_466 = arith.constant 64 : index
      %swap3A_467 = tpu.vector_load %arg11[%swap3A_466] {strides = array<i32>} : memref<720xf32, #tpu.memory_space<vmem>>, vector<16xf32>,
      tpu.vector_store %arg11[%swap3A_466], %gather3A_465 {strides = array<i32>} : memref<720xf32, #tpu.memory_space<vmem>>, vector<16xf32>,
      %gather3A_468 = tpu.vector_load_idx %arg8[%get3A_464] : memref<50000xf32, #tpu.memory_space<vmem>>[vector<16xi32>], vector<16xf32>,
      %swap3A_469 = arith.constant 64 : index
      %swap3A_470 = tpu.vector_load %arg13[%swap3A_469] {strides = array<i32>} : memref<720xf32, #tpu.memory_space<vmem>>, vector<16xf32>,
      tpu.vector_store %arg13[%swap3A_469], %gather3A_468 {strides = array<i32>} : memref<720xf32, #tpu.memory_space<vmem>>, vector<16xf32>,
      %mul3A_471 = arith.constant 720 : i32
      %mul3A_472 = arith.muli %add3A_406, %mul3A_471 : i32
      %add3A_473 = arith.constant 80 : i32
      %add3A_474 = arith.addi %mul3A_472, %add3A_473 : i32
      %get3A_475 = arith.index_cast %add3A_474 : i32 to index
      %get3A_476 = tpu.vector_load %arg9[%get3A_475] {strides = array<i32>} : memref<13680xi32, #tpu.memory_space<vmem>>, vector<16xi32>,
      %gather3A_477 = tpu.vector_load_idx %arg7[%get3A_476] : memref<50000xf32, #tpu.memory_space<vmem>>[vector<16xi32>], vector<16xf32>,
      %swap3A_478 = arith.constant 80 : index
      %swap3A_479 = tpu.vector_load %arg11[%swap3A_478] {strides = array<i32>} : memref<720xf32, #tpu.memory_space<vmem>>, vector<16xf32>,
      tpu.vector_store %arg11[%swap3A_478], %gather3A_477 {strides = array<i32>} : memref<720xf32, #tpu.memory_space<vmem>>, vector<16xf32>,
      %gather3A_480 = tpu.vector_load_idx %arg8[%get3A_476] : memref<50000xf32, #tpu.memory_space<vmem>>[vector<16xi32>], vector<16xf32>,
      %swap3A_481 = arith.constant 80 : index
      %swap3A_482 = tpu.vector_load %arg13[%swap3A_481] {strides = array<i32>} : memref<720xf32, #tpu.memory_space<vmem>>, vector<16xf32>,
      tpu.vector_store %arg13[%swap3A_481], %gather3A_480 {strides = array<i32>} : memref<720xf32, #tpu.memory_space<vmem>>, vector<16xf32>,
      %mul3A_483 = arith.constant 720 : i32
      %mul3A_484 = arith.muli %add3A_406, %mul3A_483 : i32
      %add3A_485 = arith.constant 96 : i32
      %add3A_486 = arith.addi %mul3A_484, %add3A_485 : i32
      %get3A_487 = arith.index_cast %add3A_486 : i32 to index
      %get3A_488 = tpu.vector_load %arg9[%get3A_487] {strides = array<i32>} : memref<13680xi32, #tpu.memory_space<vmem>>, vector<16xi32>,
      %gather3A_489 = tpu.vector_load_idx %arg7[%get3A_488] : memref<50000xf32, #tpu.memory_space<vmem>>[vector<16xi32>], vector<16xf32>,
      %swap3A_490 = arith.constant 96 : index
      %swap3A_491 = tpu.vector_load %arg11[%swap3A_490] {strides = array<i32>} : memref<720xf32, #tpu.memory_space<vmem>>, vector<16xf32>,
      tpu.vector_store %arg11[%swap3A_490], %gather3A_489 {strides = array<i32>} : memref<720xf32, #tpu.memory_space<vmem>>, vector<16xf32>,
      %gather3A_492 = tpu.vector_load_idx %arg8[%get3A_488] : memref<50000xf32, #tpu.memory_space<vmem>>[vector<16xi32>], vector<16xf32>,
      %swap3A_493 = arith.constant 96 : index
      %swap3A_494 = tpu.vector_load %arg13[%swap3A_493] {strides = array<i32>} : memref<720xf32, #tpu.memory_space<vmem>>, vector<16xf32>,
      tpu.vector_store %arg13[%swap3A_493], %gather3A_492 {strides = array<i32>} : memref<720xf32, #tpu.memory_space<vmem>>, vector<16xf32>,
      %mul3A_495 = arith.constant 720 : i32
      %mul3A_496 = arith.muli %add3A_406, %mul3A_495 : i32
      %add3A_497 = arith.constant 112 : i32
      %add3A_498 = arith.addi %mul3A_496, %add3A_497 : i32
      %get3A_499 = arith.index_cast %add3A_498 : i32 to index
      %get3A_500 = tpu.vector_load %arg9[%get3A_499] {strides = array<i32>} : memref<13680xi32, #tpu.memory_space<vmem>>, vector<16xi32>,
      %gather3A_501 = tpu.vector_load_idx %arg7[%get3A_500] : memref<50000xf32, #tpu.memory_space<vmem>>[vector<16xi32>], vector<16xf32>,
      %swap3A_502 = arith.constant 112 : index
      %swap3A_503 = tpu.vector_load %arg11[%swap3A_502] {strides = array<i32>} : memref<720xf32, #tpu.memory_space<vmem>>, vector<16xf32>,
      tpu.vector_store %arg11[%swap3A_502], %gather3A_501 {strides = array<i32>} : memref<720xf32, #tpu.memory_space<vmem>>, vector<16xf32>,
      %gather3A_504 = tpu.vector_load_idx %arg8[%get3A_500] : memref<50000xf32, #tpu.memory_space<vmem>>[vector<16xi32>], vector<16xf32>,
      %swap3A_505 = arith.constant 112 : index
      %swap3A_506 = tpu.vector_load %arg13[%swap3A_505] {strides = array<i32>} : memref<720xf32, #tpu.memory_space<vmem>>, vector<16xf32>,
      tpu.vector_store %arg13[%swap3A_505], %gather3A_504 {strides = array<i32>} : memref<720xf32, #tpu.memory_space<vmem>>, vector<16xf32>,
      %mul3A_507 = arith.constant 720 : i32
      %mul3A_508 = arith.muli %add3A_406, %mul3A_507 : i32
      %add3A_509 = arith.constant 128 : i32
      %add3A_510 = arith.addi %mul3A_508, %add3A_509 : i32
      %get3A_511 = arith.index_cast %add3A_510 : i32 to index
      %get3A_512 = tpu.vector_load %arg9[%get3A_511] {strides = array<i32>} : memref<13680xi32, #tpu.memory_space<vmem>>, vector<16xi32>,
      %gather3A_513 = tpu.vector_load_idx %arg7[%get3A_512] : memref<50000xf32, #tpu.memory_space<vmem>>[vector<16xi32>], vector<16xf32>,
      %swap3A_514 = arith.constant 128 : index
      %swap3A_515 = tpu.vector_load %arg11[%swap3A_514] {strides = array<i32>} : memref<720xf32, #tpu.memory_space<vmem>>, vector<16xf32>,
      tpu.vector_store %arg11[%swap3A_514], %gather3A_513 {strides = array<i32>} : memref<720xf32, #tpu.memory_space<vmem>>, vector<16xf32>,
      %gather3A_516 = tpu.vector_load_idx %arg8[%get3A_512] : memref<50000xf32, #tpu.memory_space<vmem>>[vector<16xi32>], vector<16xf32>,
      %swap3A_517 = arith.constant 128 : index
      %swap3A_518 = tpu.vector_load %arg13[%swap3A_517] {strides = array<i32>} : memref<720xf32, #tpu.memory_space<vmem>>, vector<16xf32>,
      tpu.vector_store %arg13[%swap3A_517], %gather3A_516 {strides = array<i32>} : memref<720xf32, #tpu.memory_space<vmem>>, vector<16xf32>,
      %mul3A_519 = arith.constant 720 : i32
      %mul3A_520 = arith.muli %add3A_406, %mul3A_519 : i32
      %add3A_521 = arith.constant 144 : i32
      %add3A_522 = arith.addi %mul3A_520, %add3A_521 : i32
      %get3A_523 = arith.index_cast %add3A_522 : i32 to index
      %get3A_524 = tpu.vector_load %arg9[%get3A_523] {strides = array<i32>} : memref<13680xi32, #tpu.memory_space<vmem>>, vector<16xi32>,
      %gather3A_525 = tpu.vector_load_idx %arg7[%get3A_524] : memref<50000xf32, #tpu.memory_space<vmem>>[vector<16xi32>], vector<16xf32>,
      %swap3A_526 = arith.constant 144 : index
      %swap3A_527 = tpu.vector_load %arg11[%swap3A_526] {strides = array<i32>} : memref<720xf32, #tpu.memory_space<vmem>>, vector<16xf32>,
      tpu.vector_store %arg11[%swap3A_526], %gather3A_525 {strides = array<i32>} : memref<720xf32, #tpu.memory_space<vmem>>, vector<16xf32>,
      %gather3A_528 = tpu.vector_load_idx %arg8[%get3A_524] : memref<50000xf32, #tpu.memory_space<vmem>>[vector<16xi32>], vector<16xf32>,
      %swap3A_529 = arith.constant 144 : index
      %swap3A_530 = tpu.vector_load %arg13[%swap3A_529] {strides = array<i32>} : memref<720xf32, #tpu.memory_space<vmem>>, vector<16xf32>,
      tpu.vector_store %arg13[%swap3A_529], %gather3A_528 {strides = array<i32>} : memref<720xf32, #tpu.memory_space<vmem>>, vector<16xf32>,
      %mul3A_531 = arith.constant 720 : i32
      %mul3A_532 = arith.muli %add3A_406, %mul3A_531 : i32
      %add3A_533 = arith.constant 160 : i32
      %add3A_534 = arith.addi %mul3A_532, %add3A_533 : i32
      %get3A_535 = arith.index_cast %add3A_534 : i32 to index
      %get3A_536 = tpu.vector_load %arg9[%get3A_535] {strides = array<i32>} : memref<13680xi32, #tpu.memory_space<vmem>>, vector<16xi32>,
      %gather3A_537 = tpu.vector_load_idx %arg7[%get3A_536] : memref<50000xf32, #tpu.memory_space<vmem>>[vector<16xi32>], vector<16xf32>,
      %swap3A_538 = arith.constant 160 : index
      %swap3A_539 = tpu.vector_load %arg11[%swap3A_538] {strides = array<i32>} : memref<720xf32, #tpu.memory_space<vmem>>, vector<16xf32>,
      tpu.vector_store %arg11[%swap3A_538], %gather3A_537 {strides = array<i32>} : memref<720xf32, #tpu.memory_space<vmem>>, vector<16xf32>,
      %gather3A_540 = tpu.vector_load_idx %arg8[%get3A_536] : memref<50000xf32, #tpu.memory_space<vmem>>[vector<16xi32>], vector<16xf32>,
      %swap3A_541 = arith.constant 160 : index
      %swap3A_542 = tpu.vector_load %arg13[%swap3A_541] {strides = array<i32>} : memref<720xf32, #tpu.memory_space<vmem>>, vector<16xf32>,
      tpu.vector_store %arg13[%swap3A_541], %gather3A_540 {strides = array<i32>} : memref<720xf32, #tpu.memory_space<vmem>>, vector<16xf32>,
      %mul3A_543 = arith.constant 720 : i32
      %mul3A_544 = arith.muli %add3A_406, %mul3A_543 : i32
      %add3A_545 = arith.constant 176 : i32
      %add3A_546 = arith.addi %mul3A_544, %add3A_545 : i32
      %get3A_547 = arith.index_cast %add3A_546 : i32 to index
      %get3A_548 = tpu.vector_load %arg9[%get3A_547] {strides = array<i32>} : memref<13680xi32, #tpu.memory_space<vmem>>, vector<16xi32>,
      %gather3A_549 = tpu.vector_load_idx %arg7[%get3A_548] : memref<50000xf32, #tpu.memory_space<vmem>>[vector<16xi32>], vector<16xf32>,
      %swap3A_550 = arith.constant 176 : index
      %swap3A_551 = tpu.vector_load %arg11[%swap3A_550] {strides = array<i32>} : memref<720xf32, #tpu.memory_space<vmem>>, vector<16xf32>,
      tpu.vector_store %arg11[%swap3A_550], %gather3A_549 {strides = array<i32>} : memref<720xf32, #tpu.memory_space<vmem>>, vector<16xf32>,
      %gather3A_552 = tpu.vector_load_idx %arg8[%get3A_548] : memref<50000xf32, #tpu.memory_space<vmem>>[vector<16xi32>], vector<16xf32>,
      %swap3A_553 = arith.constant 176 : index
      %swap3A_554 = tpu.vector_load %arg13[%swap3A_553] {strides = array<i32>} : memref<720xf32, #tpu.memory_space<vmem>>, vector<16xf32>,
      tpu.vector_store %arg13[%swap3A_553], %gather3A_552 {strides = array<i32>} : memref<720xf32, #tpu.memory_space<vmem>>, vector<16xf32>,
      %mul3A_555 = arith.constant 720 : i32
      %mul3A_556 = arith.muli %add3A_406, %mul3A_555 : i32
      %add3A_557 = arith.constant 192 : i32
      %add3A_558 = arith.addi %mul3A_556, %add3A_557 : i32
      %get3A_559 = arith.index_cast %add3A_558 : i32 to index
      %get3A_560 = tpu.vector_load %arg9[%get3A_559] {strides = array<i32>} : memref<13680xi32, #tpu.memory_space<vmem>>, vector<16xi32>,
      %gather3A_561 = tpu.vector_load_idx %arg7[%get3A_560] : memref<50000xf32, #tpu.memory_space<vmem>>[vector<16xi32>], vector<16xf32>,
      %swap3A_562 = arith.constant 192 : index
      %swap3A_563 = tpu.vector_load %arg11[%swap3A_562] {strides = array<i32>} : memref<720xf32, #tpu.memory_space<vmem>>, vector<16xf32>,
      tpu.vector_store %arg11[%swap3A_562], %gather3A_561 {strides = array<i32>} : memref<720xf32, #tpu.memory_space<vmem>>, vector<16xf32>,
      %gather3A_564 = tpu.vector_load_idx %arg8[%get3A_560] : memref<50000xf32, #tpu.memory_space<vmem>>[vector<16xi32>], vector<16xf32>,
      %swap3A_565 = arith.constant 192 : index
      %swap3A_566 = tpu.vector_load %arg13[%swap3A_565] {strides = array<i32>} : memref<720xf32, #tpu.memory_space<vmem>>, vector<16xf32>,
      tpu.vector_store %arg13[%swap3A_565], %gather3A_564 {strides = array<i32>} : memref<720xf32, #tpu.memory_space<vmem>>, vector<16xf32>,
      %mul3A_567 = arith.constant 720 : i32
      %mul3A_568 = arith.muli %add3A_406, %mul3A_567 : i32
      %add3A_569 = arith.constant 208 : i32
      %add3A_570 = arith.addi %mul3A_568, %add3A_569 : i32
      %get3A_571 = arith.index_cast %add3A_570 : i32 to index
      %get3A_572 = tpu.vector_load %arg9[%get3A_571] {strides = array<i32>} : memref<13680xi32, #tpu.memory_space<vmem>>, vector<16xi32>,
      %gather3A_573 = tpu.vector_load_idx %arg7[%get3A_572] : memref<50000xf32, #tpu.memory_space<vmem>>[vector<16xi32>], vector<16xf32>,
      %swap3A_574 = arith.constant 208 : index
      %swap3A_575 = tpu.vector_load %arg11[%swap3A_574] {strides = array<i32>} : memref<720xf32, #tpu.memory_space<vmem>>, vector<16xf32>,
      tpu.vector_store %arg11[%swap3A_574], %gather3A_573 {strides = array<i32>} : memref<720xf32, #tpu.memory_space<vmem>>, vector<16xf32>,
      %gather3A_576 = tpu.vector_load_idx %arg8[%get3A_572] : memref<50000xf32, #tpu.memory_space<vmem>>[vector<16xi32>], vector<16xf32>,
      %swap3A_577 = arith.constant 208 : index
      %swap3A_578 = tpu.vector_load %arg13[%swap3A_577] {strides = array<i32>} : memref<720xf32, #tpu.memory_space<vmem>>, vector<16xf32>,
      tpu.vector_store %arg13[%swap3A_577], %gather3A_576 {strides = array<i32>} : memref<720xf32, #tpu.memory_space<vmem>>, vector<16xf32>,
      %mul3A_579 = arith.constant 720 : i32
      %mul3A_580 = arith.muli %add3A_406, %mul3A_579 : i32
      %add3A_581 = arith.constant 224 : i32
      %add3A_582 = arith.addi %mul3A_580, %add3A_581 : i32
      %get3A_583 = arith.index_cast %add3A_582 : i32 to index
      %get3A_584 = tpu.vector_load %arg9[%get3A_583] {strides = array<i32>} : memref<13680xi32, #tpu.memory_space<vmem>>, vector<16xi32>,
      %gather3A_585 = tpu.vector_load_idx %arg7[%get3A_584] : memref<50000xf32, #tpu.memory_space<vmem>>[vector<16xi32>], vector<16xf32>,
      %swap3A_586 = arith.constant 224 : index
      %swap3A_587 = tpu.vector_load %arg11[%swap3A_586] {strides = array<i32>} : memref<720xf32, #tpu.memory_space<vmem>>, vector<16xf32>,
      tpu.vector_store %arg11[%swap3A_586], %gather3A_585 {strides = array<i32>} : memref<720xf32, #tpu.memory_space<vmem>>, vector<16xf32>,
      %gather3A_588 = tpu.vector_load_idx %arg8[%get3A_584] : memref<50000xf32, #tpu.memory_space<vmem>>[vector<16xi32>], vector<16xf32>,
      %swap3A_589 = arith.constant 224 : index
      %swap3A_590 = tpu.vector_load %arg13[%swap3A_589] {strides = array<i32>} : memref<720xf32, #tpu.memory_space<vmem>>, vector<16xf32>,
      tpu.vector_store %arg13[%swap3A_589], %gather3A_588 {strides = array<i32>} : memref<720xf32, #tpu.memory_space<vmem>>, vector<16xf32>,
      %mul3A_591 = arith.constant 720 : i32
      %mul3A_592 = arith.muli %add3A_406, %mul3A_591 : i32
      %add3A_593 = arith.constant 240 : i32
      %add3A_594 = arith.addi %mul3A_592, %add3A_593 : i32
      %get3A_595 = arith.index_cast %add3A_594 : i32 to index
      %get3A_596 = tpu.vector_load %arg9[%get3A_595] {strides = array<i32>} : memref<13680xi32, #tpu.memory_space<vmem>>, vector<16xi32>,
      %gather3A_597 = tpu.vector_load_idx %arg7[%get3A_596] : memref<50000xf32, #tpu.memory_space<vmem>>[vector<16xi32>], vector<16xf32>,
      %swap3A_598 = arith.constant 240 : index
      %swap3A_599 = tpu.vector_load %arg11[%swap3A_598] {strides = array<i32>} : memref<720xf32, #tpu.memory_space<vmem>>, vector<16xf32>,
      tpu.vector_store %arg11[%swap3A_598], %gather3A_597 {strides = array<i32>} : memref<720xf32, #tpu.memory_space<vmem>>, vector<16xf32>,
      %gather3A_600 = tpu.vector_load_idx %arg8[%get3A_596] : memref<50000xf32, #tpu.memory_space<vmem>>[vector<16xi32>], vector<16xf32>,
      %swap3A_601 = arith.constant 240 : index
      %swap3A_602 = tpu.vector_load %arg13[%swap3A_601] {strides = array<i32>} : memref<720xf32, #tpu.memory_space<vmem>>, vector<16xf32>,
      tpu.vector_store %arg13[%swap3A_601], %gather3A_600 {strides = array<i32>} : memref<720xf32, #tpu.memory_space<vmem>>, vector<16xf32>,
      %mul3A_603 = arith.constant 720 : i32
      %mul3A_604 = arith.muli %add3A_406, %mul3A_603 : i32
      %add3A_605 = arith.constant 256 : i32
      %add3A_606 = arith.addi %mul3A_604, %add3A_605 : i32
      %get3A_607 = arith.index_cast %add3A_606 : i32 to index
      %get3A_608 = tpu.vector_load %arg9[%get3A_607] {strides = array<i32>} : memref<13680xi32, #tpu.memory_space<vmem>>, vector<16xi32>,
      %gather3A_609 = tpu.vector_load_idx %arg7[%get3A_608] : memref<50000xf32, #tpu.memory_space<vmem>>[vector<16xi32>], vector<16xf32>,
      %swap3A_610 = arith.constant 256 : index
      %swap3A_611 = tpu.vector_load %arg11[%swap3A_610] {strides = array<i32>} : memref<720xf32, #tpu.memory_space<vmem>>, vector<16xf32>,
      tpu.vector_store %arg11[%swap3A_610], %gather3A_609 {strides = array<i32>} : memref<720xf32, #tpu.memory_space<vmem>>, vector<16xf32>,
      %gather3A_612 = tpu.vector_load_idx %arg8[%get3A_608] : memref<50000xf32, #tpu.memory_space<vmem>>[vector<16xi32>], vector<16xf32>,
      %swap3A_613 = arith.constant 256 : index
      %swap3A_614 = tpu.vector_load %arg13[%swap3A_613] {strides = array<i32>} : memref<720xf32, #tpu.memory_space<vmem>>, vector<16xf32>,
      tpu.vector_store %arg13[%swap3A_613], %gather3A_612 {strides = array<i32>} : memref<720xf32, #tpu.memory_space<vmem>>, vector<16xf32>,
      %mul3A_615 = arith.constant 720 : i32
      %mul3A_616 = arith.muli %add3A_406, %mul3A_615 : i32
      %add3A_617 = arith.constant 272 : i32
      %add3A_618 = arith.addi %mul3A_616, %add3A_617 : i32
      %get3A_619 = arith.index_cast %add3A_618 : i32 to index
      %get3A_620 = tpu.vector_load %arg9[%get3A_619] {strides = array<i32>} : memref<13680xi32, #tpu.memory_space<vmem>>, vector<16xi32>,
      %gather3A_621 = tpu.vector_load_idx %arg7[%get3A_620] : memref<50000xf32, #tpu.memory_space<vmem>>[vector<16xi32>], vector<16xf32>,
      %swap3A_622 = arith.constant 272 : index
      %swap3A_623 = tpu.vector_load %arg11[%swap3A_622] {strides = array<i32>} : memref<720xf32, #tpu.memory_space<vmem>>, vector<16xf32>,
      tpu.vector_store %arg11[%swap3A_622], %gather3A_621 {strides = array<i32>} : memref<720xf32, #tpu.memory_space<vmem>>, vector<16xf32>,
      %gather3A_624 = tpu.vector_load_idx %arg8[%get3A_620] : memref<50000xf32, #tpu.memory_space<vmem>>[vector<16xi32>], vector<16xf32>,
      %swap3A_625 = arith.constant 272 : index
      %swap3A_626 = tpu.vector_load %arg13[%swap3A_625] {strides = array<i32>} : memref<720xf32, #tpu.memory_space<vmem>>, vector<16xf32>,
      tpu.vector_store %arg13[%swap3A_625], %gather3A_624 {strides = array<i32>} : memref<720xf32, #tpu.memory_space<vmem>>, vector<16xf32>,
      %mul3A_627 = arith.constant 720 : i32
      %mul3A_628 = arith.muli %add3A_406, %mul3A_627 : i32
      %add3A_629 = arith.constant 288 : i32
      %add3A_630 = arith.addi %mul3A_628, %add3A_629 : i32
      %get3A_631 = arith.index_cast %add3A_630 : i32 to index
      %get3A_632 = tpu.vector_load %arg9[%get3A_631] {strides = array<i32>} : memref<13680xi32, #tpu.memory_space<vmem>>, vector<16xi32>,
      %gather3A_633 = tpu.vector_load_idx %arg7[%get3A_632] : memref<50000xf32, #tpu.memory_space<vmem>>[vector<16xi32>], vector<16xf32>,
      %swap3A_634 = arith.constant 288 : index
      %swap3A_635 = tpu.vector_load %arg11[%swap3A_634] {strides = array<i32>} : memref<720xf32, #tpu.memory_space<vmem>>, vector<16xf32>,
      tpu.vector_store %arg11[%swap3A_634], %gather3A_633 {strides = array<i32>} : memref<720xf32, #tpu.memory_space<vmem>>, vector<16xf32>,
      %gather3A_636 = tpu.vector_load_idx %arg8[%get3A_632] : memref<50000xf32, #tpu.memory_space<vmem>>[vector<16xi32>], vector<16xf32>,
      %swap3A_637 = arith.constant 288 : index
      %swap3A_638 = tpu.vector_load %arg13[%swap3A_637] {strides = array<i32>} : memref<720xf32, #tpu.memory_space<vmem>>, vector<16xf32>,
      tpu.vector_store %arg13[%swap3A_637], %gather3A_636 {strides = array<i32>} : memref<720xf32, #tpu.memory_space<vmem>>, vector<16xf32>,
      %mul3A_639 = arith.constant 720 : i32
      %mul3A_640 = arith.muli %add3A_406, %mul3A_639 : i32
      %add3A_641 = arith.constant 304 : i32
      %add3A_642 = arith.addi %mul3A_640, %add3A_641 : i32
      %get3A_643 = arith.index_cast %add3A_642 : i32 to index
      %get3A_644 = tpu.vector_load %arg9[%get3A_643] {strides = array<i32>} : memref<13680xi32, #tpu.memory_space<vmem>>, vector<16xi32>,
      %gather3A_645 = tpu.vector_load_idx %arg7[%get3A_644] : memref<50000xf32, #tpu.memory_space<vmem>>[vector<16xi32>], vector<16xf32>,
      %swap3A_646 = arith.constant 304 : index
      %swap3A_647 = tpu.vector_load %arg11[%swap3A_646] {strides = array<i32>} : memref<720xf32, #tpu.memory_space<vmem>>, vector<16xf32>,
      tpu.vector_store %arg11[%swap3A_646], %gather3A_645 {strides = array<i32>} : memref<720xf32, #tpu.memory_space<vmem>>, vector<16xf32>,
      %gather3A_648 = tpu.vector_load_idx %arg8[%get3A_644] : memref<50000xf32, #tpu.memory_space<vmem>>[vector<16xi32>], vector<16xf32>,
      %swap3A_649 = arith.constant 304 : index
      %swap3A_650 = tpu.vector_load %arg13[%swap3A_649] {strides = array<i32>} : memref<720xf32, #tpu.memory_space<vmem>>, vector<16xf32>,
      tpu.vector_store %arg13[%swap3A_649], %gather3A_648 {strides = array<i32>} : memref<720xf32, #tpu.memory_space<vmem>>, vector<16xf32>,
      %mul3A_651 = arith.constant 720 : i32
      %mul3A_652 = arith.muli %add3A_406, %mul3A_651 : i32
      %add3A_653 = arith.constant 320 : i32
      %add3A_654 = arith.addi %mul3A_652, %add3A_653 : i32
      %get3A_655 = arith.index_cast %add3A_654 : i32 to index
      %get3A_656 = tpu.vector_load %arg9[%get3A_655] {strides = array<i32>} : memref<13680xi32, #tpu.memory_space<vmem>>, vector<16xi32>,
      %gather3A_657 = tpu.vector_load_idx %arg7[%get3A_656] : memref<50000xf32, #tpu.memory_space<vmem>>[vector<16xi32>], vector<16xf32>,
      %swap3A_658 = arith.constant 320 : index
      %swap3A_659 = tpu.vector_load %arg11[%swap3A_658] {strides = array<i32>} : memref<720xf32, #tpu.memory_space<vmem>>, vector<16xf32>,
      tpu.vector_store %arg11[%swap3A_658], %gather3A_657 {strides = array<i32>} : memref<720xf32, #tpu.memory_space<vmem>>, vector<16xf32>,
      %gather3A_660 = tpu.vector_load_idx %arg8[%get3A_656] : memref<50000xf32, #tpu.memory_space<vmem>>[vector<16xi32>], vector<16xf32>,
      %swap3A_661 = arith.constant 320 : index
      %swap3A_662 = tpu.vector_load %arg13[%swap3A_661] {strides = array<i32>} : memref<720xf32, #tpu.memory_space<vmem>>, vector<16xf32>,
      tpu.vector_store %arg13[%swap3A_661], %gather3A_660 {strides = array<i32>} : memref<720xf32, #tpu.memory_space<vmem>>, vector<16xf32>,
      %mul3A_663 = arith.constant 720 : i32
      %mul3A_664 = arith.muli %add3A_406, %mul3A_663 : i32
      %add3A_665 = arith.constant 336 : i32
      %add3A_666 = arith.addi %mul3A_664, %add3A_665 : i32
      %get3A_667 = arith.index_cast %add3A_666 : i32 to index
      %get3A_668 = tpu.vector_load %arg9[%get3A_667] {strides = array<i32>} : memref<13680xi32, #tpu.memory_space<vmem>>, vector<16xi32>,
      %gather3A_669 = tpu.vector_load_idx %arg7[%get3A_668] : memref<50000xf32, #tpu.memory_space<vmem>>[vector<16xi32>], vector<16xf32>,
      %swap3A_670 = arith.constant 336 : index
      %swap3A_671 = tpu.vector_load %arg11[%swap3A_670] {strides = array<i32>} : memref<720xf32, #tpu.memory_space<vmem>>, vector<16xf32>,
      tpu.vector_store %arg11[%swap3A_670], %gather3A_669 {strides = array<i32>} : memref<720xf32, #tpu.memory_space<vmem>>, vector<16xf32>,
      %gather3A_672 = tpu.vector_load_idx %arg8[%get3A_668] : memref<50000xf32, #tpu.memory_space<vmem>>[vector<16xi32>], vector<16xf32>,
      %swap3A_673 = arith.constant 336 : index
      %swap3A_674 = tpu.vector_load %arg13[%swap3A_673] {strides = array<i32>} : memref<720xf32, #tpu.memory_space<vmem>>, vector<16xf32>,
      tpu.vector_store %arg13[%swap3A_673], %gather3A_672 {strides = array<i32>} : memref<720xf32, #tpu.memory_space<vmem>>, vector<16xf32>,
      %mul3A_675 = arith.constant 720 : i32
      %mul3A_676 = arith.muli %add3A_406, %mul3A_675 : i32
      %add3A_677 = arith.constant 352 : i32
      %add3A_678 = arith.addi %mul3A_676, %add3A_677 : i32
      %get3A_679 = arith.index_cast %add3A_678 : i32 to index
      %get3A_680 = tpu.vector_load %arg9[%get3A_679] {strides = array<i32>} : memref<13680xi32, #tpu.memory_space<vmem>>, vector<16xi32>,
      %gather3A_681 = tpu.vector_load_idx %arg7[%get3A_680] : memref<50000xf32, #tpu.memory_space<vmem>>[vector<16xi32>], vector<16xf32>,
      %swap3A_682 = arith.constant 352 : index
      %swap3A_683 = tpu.vector_load %arg11[%swap3A_682] {strides = array<i32>} : memref<720xf32, #tpu.memory_space<vmem>>, vector<16xf32>,
      tpu.vector_store %arg11[%swap3A_682], %gather3A_681 {strides = array<i32>} : memref<720xf32, #tpu.memory_space<vmem>>, vector<16xf32>,
      %gather3A_684 = tpu.vector_load_idx %arg8[%get3A_680] : memref<50000xf32, #tpu.memory_space<vmem>>[vector<16xi32>], vector<16xf32>,
      %swap3A_685 = arith.constant 352 : index
      %swap3A_686 = tpu.vector_load %arg13[%swap3A_685] {strides = array<i32>} : memref<720xf32, #tpu.memory_space<vmem>>, vector<16xf32>,
      tpu.vector_store %arg13[%swap3A_685], %gather3A_684 {strides = array<i32>} : memref<720xf32, #tpu.memory_space<vmem>>, vector<16xf32>,
      %mul3A_687 = arith.constant 720 : i32
      %mul3A_688 = arith.muli %add3A_406, %mul3A_687 : i32
      %add3A_689 = arith.constant 368 : i32
      %add3A_690 = arith.addi %mul3A_688, %add3A_689 : i32
      %get3A_691 = arith.index_cast %add3A_690 : i32 to index
      %get3A_692 = tpu.vector_load %arg9[%get3A_691] {strides = array<i32>} : memref<13680xi32, #tpu.memory_space<vmem>>, vector<16xi32>,
      %gather3A_693 = tpu.vector_load_idx %arg7[%get3A_692] : memref<50000xf32, #tpu.memory_space<vmem>>[vector<16xi32>], vector<16xf32>,
      %swap3A_694 = arith.constant 368 : index
      %swap3A_695 = tpu.vector_load %arg11[%swap3A_694] {strides = array<i32>} : memref<720xf32, #tpu.memory_space<vmem>>, vector<16xf32>,
      tpu.vector_store %arg11[%swap3A_694], %gather3A_693 {strides = array<i32>} : memref<720xf32, #tpu.memory_space<vmem>>, vector<16xf32>,
      %gather3A_696 = tpu.vector_load_idx %arg8[%get3A_692] : memref<50000xf32, #tpu.memory_space<vmem>>[vector<16xi32>], vector<16xf32>,
      %swap3A_697 = arith.constant 368 : index
      %swap3A_698 = tpu.vector_load %arg13[%swap3A_697] {strides = array<i32>} : memref<720xf32, #tpu.memory_space<vmem>>, vector<16xf32>,
      tpu.vector_store %arg13[%swap3A_697], %gather3A_696 {strides = array<i32>} : memref<720xf32, #tpu.memory_space<vmem>>, vector<16xf32>,
      %mul3A_699 = arith.constant 720 : i32
      %mul3A_700 = arith.muli %add3A_406, %mul3A_699 : i32
      %add3A_701 = arith.constant 384 : i32
      %add3A_702 = arith.addi %mul3A_700, %add3A_701 : i32
      %get3A_703 = arith.index_cast %add3A_702 : i32 to index
      %get3A_704 = tpu.vector_load %arg9[%get3A_703] {strides = array<i32>} : memref<13680xi32, #tpu.memory_space<vmem>>, vector<16xi32>,
      %gather3A_705 = tpu.vector_load_idx %arg7[%get3A_704] : memref<50000xf32, #tpu.memory_space<vmem>>[vector<16xi32>], vector<16xf32>,
      %swap3A_706 = arith.constant 384 : index
      %swap3A_707 = tpu.vector_load %arg11[%swap3A_706] {strides = array<i32>} : memref<720xf32, #tpu.memory_space<vmem>>, vector<16xf32>,
      tpu.vector_store %arg11[%swap3A_706], %gather3A_705 {strides = array<i32>} : memref<720xf32, #tpu.memory_space<vmem>>, vector<16xf32>,
      %gather3A_708 = tpu.vector_load_idx %arg8[%get3A_704] : memref<50000xf32, #tpu.memory_space<vmem>>[vector<16xi32>], vector<16xf32>,
      %swap3A_709 = arith.constant 384 : index
      %swap3A_710 = tpu.vector_load %arg13[%swap3A_709] {strides = array<i32>} : memref<720xf32, #tpu.memory_space<vmem>>, vector<16xf32>,
      tpu.vector_store %arg13[%swap3A_709], %gather3A_708 {strides = array<i32>} : memref<720xf32, #tpu.memory_space<vmem>>, vector<16xf32>,
      %mul3A_711 = arith.constant 720 : i32
      %mul3A_712 = arith.muli %add3A_406, %mul3A_711 : i32
      %add3A_713 = arith.constant 400 : i32
      %add3A_714 = arith.addi %mul3A_712, %add3A_713 : i32
      %get3A_715 = arith.index_cast %add3A_714 : i32 to index
      %get3A_716 = tpu.vector_load %arg9[%get3A_715] {strides = array<i32>} : memref<13680xi32, #tpu.memory_space<vmem>>, vector<16xi32>,
      %gather3A_717 = tpu.vector_load_idx %arg7[%get3A_716] : memref<50000xf32, #tpu.memory_space<vmem>>[vector<16xi32>], vector<16xf32>,
      %swap3A_718 = arith.constant 400 : index
      %swap3A_719 = tpu.vector_load %arg11[%swap3A_718] {strides = array<i32>} : memref<720xf32, #tpu.memory_space<vmem>>, vector<16xf32>,
      tpu.vector_store %arg11[%swap3A_718], %gather3A_717 {strides = array<i32>} : memref<720xf32, #tpu.memory_space<vmem>>, vector<16xf32>,
      %gather3A_720 = tpu.vector_load_idx %arg8[%get3A_716] : memref<50000xf32, #tpu.memory_space<vmem>>[vector<16xi32>], vector<16xf32>,
      %swap3A_721 = arith.constant 400 : index
      %swap3A_722 = tpu.vector_load %arg13[%swap3A_721] {strides = array<i32>} : memref<720xf32, #tpu.memory_space<vmem>>, vector<16xf32>,
      tpu.vector_store %arg13[%swap3A_721], %gather3A_720 {strides = array<i32>} : memref<720xf32, #tpu.memory_space<vmem>>, vector<16xf32>,
      %mul3A_723 = arith.constant 720 : i32
      %mul3A_724 = arith.muli %add3A_406, %mul3A_723 : i32
      %add3A_725 = arith.constant 416 : i32
      %add3A_726 = arith.addi %mul3A_724, %add3A_725 : i32
      %get3A_727 = arith.index_cast %add3A_726 : i32 to index
      %get3A_728 = tpu.vector_load %arg9[%get3A_727] {strides = array<i32>} : memref<13680xi32, #tpu.memory_space<vmem>>, vector<16xi32>,
      %gather3A_729 = tpu.vector_load_idx %arg7[%get3A_728] : memref<50000xf32, #tpu.memory_space<vmem>>[vector<16xi32>], vector<16xf32>,
      %swap3A_730 = arith.constant 416 : index
      %swap3A_731 = tpu.vector_load %arg11[%swap3A_730] {strides = array<i32>} : memref<720xf32, #tpu.memory_space<vmem>>, vector<16xf32>,
      tpu.vector_store %arg11[%swap3A_730], %gather3A_729 {strides = array<i32>} : memref<720xf32, #tpu.memory_space<vmem>>, vector<16xf32>,
      %gather3A_732 = tpu.vector_load_idx %arg8[%get3A_728] : memref<50000xf32, #tpu.memory_space<vmem>>[vector<16xi32>], vector<16xf32>,
      %swap3A_733 = arith.constant 416 : index
      %swap3A_734 = tpu.vector_load %arg13[%swap3A_733] {strides = array<i32>} : memref<720xf32, #tpu.memory_space<vmem>>, vector<16xf32>,
      tpu.vector_store %arg13[%swap3A_733], %gather3A_732 {strides = array<i32>} : memref<720xf32, #tpu.memory_space<vmem>>, vector<16xf32>,
      %mul3A_735 = arith.constant 720 : i32
      %mul3A_736 = arith.muli %add3A_406, %mul3A_735 : i32
      %add3A_737 = arith.constant 432 : i32
      %add3A_738 = arith.addi %mul3A_736, %add3A_737 : i32
      %get3A_739 = arith.index_cast %add3A_738 : i32 to index
      %get3A_740 = tpu.vector_load %arg9[%get3A_739] {strides = array<i32>} : memref<13680xi32, #tpu.memory_space<vmem>>, vector<16xi32>,
      %gather3A_741 = tpu.vector_load_idx %arg7[%get3A_740] : memref<50000xf32, #tpu.memory_space<vmem>>[vector<16xi32>], vector<16xf32>,
      %swap3A_742 = arith.constant 432 : index
      %swap3A_743 = tpu.vector_load %arg11[%swap3A_742] {strides = array<i32>} : memref<720xf32, #tpu.memory_space<vmem>>, vector<16xf32>,
      tpu.vector_store %arg11[%swap3A_742], %gather3A_741 {strides = array<i32>} : memref<720xf32, #tpu.memory_space<vmem>>, vector<16xf32>,
      %gather3A_744 = tpu.vector_load_idx %arg8[%get3A_740] : memref<50000xf32, #tpu.memory_space<vmem>>[vector<16xi32>], vector<16xf32>,
      %swap3A_745 = arith.constant 432 : index
      %swap3A_746 = tpu.vector_load %arg13[%swap3A_745] {strides = array<i32>} : memref<720xf32, #tpu.memory_space<vmem>>, vector<16xf32>,
      tpu.vector_store %arg13[%swap3A_745], %gather3A_744 {strides = array<i32>} : memref<720xf32, #tpu.memory_space<vmem>>, vector<16xf32>,
      %mul3A_747 = arith.constant 720 : i32
      %mul3A_748 = arith.muli %add3A_406, %mul3A_747 : i32
      %add3A_749 = arith.constant 448 : i32
      %add3A_750 = arith.addi %mul3A_748, %add3A_749 : i32
      %get3A_751 = arith.index_cast %add3A_750 : i32 to index
      %get3A_752 = tpu.vector_load %arg9[%get3A_751] {strides = array<i32>} : memref<13680xi32, #tpu.memory_space<vmem>>, vector<16xi32>,
      %gather3A_753 = tpu.vector_load_idx %arg7[%get3A_752] : memref<50000xf32, #tpu.memory_space<vmem>>[vector<16xi32>], vector<16xf32>,
      %swap3A_754 = arith.constant 448 : index
      %swap3A_755 = tpu.vector_load %arg11[%swap3A_754] {strides = array<i32>} : memref<720xf32, #tpu.memory_space<vmem>>, vector<16xf32>,
      tpu.vector_store %arg11[%swap3A_754], %gather3A_753 {strides = array<i32>} : memref<720xf32, #tpu.memory_space<vmem>>, vector<16xf32>,
      %gather3A_756 = tpu.vector_load_idx %arg8[%get3A_752] : memref<50000xf32, #tpu.memory_space<vmem>>[vector<16xi32>], vector<16xf32>,
      %swap3A_757 = arith.constant 448 : index
      %swap3A_758 = tpu.vector_load %arg13[%swap3A_757] {strides = array<i32>} : memref<720xf32, #tpu.memory_space<vmem>>, vector<16xf32>,
      tpu.vector_store %arg13[%swap3A_757], %gather3A_756 {strides = array<i32>} : memref<720xf32, #tpu.memory_space<vmem>>, vector<16xf32>,
      %mul3A_759 = arith.constant 720 : i32
      %mul3A_760 = arith.muli %add3A_406, %mul3A_759 : i32
      %add3A_761 = arith.constant 464 : i32
      %add3A_762 = arith.addi %mul3A_760, %add3A_761 : i32
      %get3A_763 = arith.index_cast %add3A_762 : i32 to index
      %get3A_764 = tpu.vector_load %arg9[%get3A_763] {strides = array<i32>} : memref<13680xi32, #tpu.memory_space<vmem>>, vector<16xi32>,
      %gather3A_765 = tpu.vector_load_idx %arg7[%get3A_764] : memref<50000xf32, #tpu.memory_space<vmem>>[vector<16xi32>], vector<16xf32>,
      %swap3A_766 = arith.constant 464 : index
      %swap3A_767 = tpu.vector_load %arg11[%swap3A_766] {strides = array<i32>} : memref<720xf32, #tpu.memory_space<vmem>>, vector<16xf32>,
      tpu.vector_store %arg11[%swap3A_766], %gather3A_765 {strides = array<i32>} : memref<720xf32, #tpu.memory_space<vmem>>, vector<16xf32>,
      %gather3A_768 = tpu.vector_load_idx %arg8[%get3A_764] : memref<50000xf32, #tpu.memory_space<vmem>>[vector<16xi32>], vector<16xf32>,
      %swap3A_769 = arith.constant 464 : index
      %swap3A_770 = tpu.vector_load %arg13[%swap3A_769] {strides = array<i32>} : memref<720xf32, #tpu.memory_space<vmem>>, vector<16xf32>,
      tpu.vector_store %arg13[%swap3A_769], %gather3A_768 {strides = array<i32>} : memref<720xf32, #tpu.memory_space<vmem>>, vector<16xf32>,
      %mul3A_771 = arith.constant 720 : i32
      %mul3A_772 = arith.muli %add3A_406, %mul3A_771 : i32
      %add3A_773 = arith.constant 480 : i32
      %add3A_774 = arith.addi %mul3A_772, %add3A_773 : i32
      %get3A_775 = arith.index_cast %add3A_774 : i32 to index
      %get3A_776 = tpu.vector_load %arg9[%get3A_775] {strides = array<i32>} : memref<13680xi32, #tpu.memory_space<vmem>>, vector<16xi32>,
      %gather3A_777 = tpu.vector_load_idx %arg7[%get3A_776] : memref<50000xf32, #tpu.memory_space<vmem>>[vector<16xi32>], vector<16xf32>,
      %swap3A_778 = arith.constant 480 : index
      %swap3A_779 = tpu.vector_load %arg11[%swap3A_778] {strides = array<i32>} : memref<720xf32, #tpu.memory_space<vmem>>, vector<16xf32>,
      tpu.vector_store %arg11[%swap3A_778], %gather3A_777 {strides = array<i32>} : memref<720xf32, #tpu.memory_space<vmem>>, vector<16xf32>,
      %gather3A_780 = tpu.vector_load_idx %arg8[%get3A_776] : memref<50000xf32, #tpu.memory_space<vmem>>[vector<16xi32>], vector<16xf32>,
      %swap3A_781 = arith.constant 480 : index
      %swap3A_782 = tpu.vector_load %arg13[%swap3A_781] {strides = array<i32>} : memref<720xf32, #tpu.memory_space<vmem>>, vector<16xf32>,
      tpu.vector_store %arg13[%swap3A_781], %gather3A_780 {strides = array<i32>} : memref<720xf32, #tpu.memory_space<vmem>>, vector<16xf32>,
      %mul3A_783 = arith.constant 720 : i32
      %mul3A_784 = arith.muli %add3A_406, %mul3A_783 : i32
      %add3A_785 = arith.constant 496 : i32
      %add3A_786 = arith.addi %mul3A_784, %add3A_785 : i32
      %get3A_787 = arith.index_cast %add3A_786 : i32 to index
      %get3A_788 = tpu.vector_load %arg9[%get3A_787] {strides = array<i32>} : memref<13680xi32, #tpu.memory_space<vmem>>, vector<16xi32>,
      %gather3A_789 = tpu.vector_load_idx %arg7[%get3A_788] : memref<50000xf32, #tpu.memory_space<vmem>>[vector<16xi32>], vector<16xf32>,
      %swap3A_790 = arith.constant 496 : index
      %swap3A_791 = tpu.vector_load %arg11[%swap3A_790] {strides = array<i32>} : memref<720xf32, #tpu.memory_space<vmem>>, vector<16xf32>,
      tpu.vector_store %arg11[%swap3A_790], %gather3A_789 {strides = array<i32>} : memref<720xf32, #tpu.memory_space<vmem>>, vector<16xf32>,
      %gather3A_792 = tpu.vector_load_idx %arg8[%get3A_788] : memref<50000xf32, #tpu.memory_space<vmem>>[vector<16xi32>], vector<16xf32>,
      %swap3A_793 = arith.constant 496 : index
      %swap3A_794 = tpu.vector_load %arg13[%swap3A_793] {strides = array<i32>} : memref<720xf32, #tpu.memory_space<vmem>>, vector<16xf32>,
      tpu.vector_store %arg13[%swap3A_793], %gather3A_792 {strides = array<i32>} : memref<720xf32, #tpu.memory_space<vmem>>, vector<16xf32>,
      %mul3A_795 = arith.constant 720 : i32
      %mul3A_796 = arith.muli %add3A_406, %mul3A_795 : i32
      %add3A_797 = arith.constant 512 : i32
      %add3A_798 = arith.addi %mul3A_796, %add3A_797 : i32
      %get3A_799 = arith.index_cast %add3A_798 : i32 to index
      %get3A_800 = tpu.vector_load %arg9[%get3A_799] {strides = array<i32>} : memref<13680xi32, #tpu.memory_space<vmem>>, vector<16xi32>,
      %gather3A_801 = tpu.vector_load_idx %arg7[%get3A_800] : memref<50000xf32, #tpu.memory_space<vmem>>[vector<16xi32>], vector<16xf32>,
      %swap3A_802 = arith.constant 512 : index
      %swap3A_803 = tpu.vector_load %arg11[%swap3A_802] {strides = array<i32>} : memref<720xf32, #tpu.memory_space<vmem>>, vector<16xf32>,
      tpu.vector_store %arg11[%swap3A_802], %gather3A_801 {strides = array<i32>} : memref<720xf32, #tpu.memory_space<vmem>>, vector<16xf32>,
      %gather3A_804 = tpu.vector_load_idx %arg8[%get3A_800] : memref<50000xf32, #tpu.memory_space<vmem>>[vector<16xi32>], vector<16xf32>,
      %swap3A_805 = arith.constant 512 : index
      %swap3A_806 = tpu.vector_load %arg13[%swap3A_805] {strides = array<i32>} : memref<720xf32, #tpu.memory_space<vmem>>, vector<16xf32>,
      tpu.vector_store %arg13[%swap3A_805], %gather3A_804 {strides = array<i32>} : memref<720xf32, #tpu.memory_space<vmem>>, vector<16xf32>,
      %mul3A_807 = arith.constant 720 : i32
      %mul3A_808 = arith.muli %add3A_406, %mul3A_807 : i32
      %add3A_809 = arith.constant 528 : i32
      %add3A_810 = arith.addi %mul3A_808, %add3A_809 : i32
      %get3A_811 = arith.index_cast %add3A_810 : i32 to index
      %get3A_812 = tpu.vector_load %arg9[%get3A_811] {strides = array<i32>} : memref<13680xi32, #tpu.memory_space<vmem>>, vector<16xi32>,
      %gather3A_813 = tpu.vector_load_idx %arg7[%get3A_812] : memref<50000xf32, #tpu.memory_space<vmem>>[vector<16xi32>], vector<16xf32>,
      %swap3A_814 = arith.constant 528 : index
      %swap3A_815 = tpu.vector_load %arg11[%swap3A_814] {strides = array<i32>} : memref<720xf32, #tpu.memory_space<vmem>>, vector<16xf32>,
      tpu.vector_store %arg11[%swap3A_814], %gather3A_813 {strides = array<i32>} : memref<720xf32, #tpu.memory_space<vmem>>, vector<16xf32>,
      %gather3A_816 = tpu.vector_load_idx %arg8[%get3A_812] : memref<50000xf32, #tpu.memory_space<vmem>>[vector<16xi32>], vector<16xf32>,
      %swap3A_817 = arith.constant 528 : index
      %swap3A_818 = tpu.vector_load %arg13[%swap3A_817] {strides = array<i32>} : memref<720xf32, #tpu.memory_space<vmem>>, vector<16xf32>,
      tpu.vector_store %arg13[%swap3A_817], %gather3A_816 {strides = array<i32>} : memref<720xf32, #tpu.memory_space<vmem>>, vector<16xf32>,
      %mul3A_819 = arith.constant 720 : i32
      %mul3A_820 = arith.muli %add3A_406, %mul3A_819 : i32
      %add3A_821 = arith.constant 544 : i32
      %add3A_822 = arith.addi %mul3A_820, %add3A_821 : i32
      %get3A_823 = arith.index_cast %add3A_822 : i32 to index
      %get3A_824 = tpu.vector_load %arg9[%get3A_823] {strides = array<i32>} : memref<13680xi32, #tpu.memory_space<vmem>>, vector<16xi32>,
      %gather3A_825 = tpu.vector_load_idx %arg7[%get3A_824] : memref<50000xf32, #tpu.memory_space<vmem>>[vector<16xi32>], vector<16xf32>,
      %swap3A_826 = arith.constant 544 : index
      %swap3A_827 = tpu.vector_load %arg11[%swap3A_826] {strides = array<i32>} : memref<720xf32, #tpu.memory_space<vmem>>, vector<16xf32>,
      tpu.vector_store %arg11[%swap3A_826], %gather3A_825 {strides = array<i32>} : memref<720xf32, #tpu.memory_space<vmem>>, vector<16xf32>,
      %gather3A_828 = tpu.vector_load_idx %arg8[%get3A_824] : memref<50000xf32, #tpu.memory_space<vmem>>[vector<16xi32>], vector<16xf32>,
      %swap3A_829 = arith.constant 544 : index
      %swap3A_830 = tpu.vector_load %arg13[%swap3A_829] {strides = array<i32>} : memref<720xf32, #tpu.memory_space<vmem>>, vector<16xf32>,
      tpu.vector_store %arg13[%swap3A_829], %gather3A_828 {strides = array<i32>} : memref<720xf32, #tpu.memory_space<vmem>>, vector<16xf32>,
      %mul3A_831 = arith.constant 720 : i32
      %mul3A_832 = arith.muli %add3A_406, %mul3A_831 : i32
      %add3A_833 = arith.constant 560 : i32
      %add3A_834 = arith.addi %mul3A_832, %add3A_833 : i32
      %get3A_835 = arith.index_cast %add3A_834 : i32 to index
      %get3A_836 = tpu.vector_load %arg9[%get3A_835] {strides = array<i32>} : memref<13680xi32, #tpu.memory_space<vmem>>, vector<16xi32>,
      %gather3A_837 = tpu.vector_load_idx %arg7[%get3A_836] : memref<50000xf32, #tpu.memory_space<vmem>>[vector<16xi32>], vector<16xf32>,
      %swap3A_838 = arith.constant 560 : index
      %swap3A_839 = tpu.vector_load %arg11[%swap3A_838] {strides = array<i32>} : memref<720xf32, #tpu.memory_space<vmem>>, vector<16xf32>,
      tpu.vector_store %arg11[%swap3A_838], %gather3A_837 {strides = array<i32>} : memref<720xf32, #tpu.memory_space<vmem>>, vector<16xf32>,
      %gather3A_840 = tpu.vector_load_idx %arg8[%get3A_836] : memref<50000xf32, #tpu.memory_space<vmem>>[vector<16xi32>], vector<16xf32>,
      %swap3A_841 = arith.constant 560 : index
      %swap3A_842 = tpu.vector_load %arg13[%swap3A_841] {strides = array<i32>} : memref<720xf32, #tpu.memory_space<vmem>>, vector<16xf32>,
      tpu.vector_store %arg13[%swap3A_841], %gather3A_840 {strides = array<i32>} : memref<720xf32, #tpu.memory_space<vmem>>, vector<16xf32>,
      %mul3A_843 = arith.constant 720 : i32
      %mul3A_844 = arith.muli %add3A_406, %mul3A_843 : i32
      %add3A_845 = arith.constant 576 : i32
      %add3A_846 = arith.addi %mul3A_844, %add3A_845 : i32
      %get3A_847 = arith.index_cast %add3A_846 : i32 to index
      %get3A_848 = tpu.vector_load %arg9[%get3A_847] {strides = array<i32>} : memref<13680xi32, #tpu.memory_space<vmem>>, vector<16xi32>,
      %gather3A_849 = tpu.vector_load_idx %arg7[%get3A_848] : memref<50000xf32, #tpu.memory_space<vmem>>[vector<16xi32>], vector<16xf32>,
      %swap3A_850 = arith.constant 576 : index
      %swap3A_851 = tpu.vector_load %arg11[%swap3A_850] {strides = array<i32>} : memref<720xf32, #tpu.memory_space<vmem>>, vector<16xf32>,
      tpu.vector_store %arg11[%swap3A_850], %gather3A_849 {strides = array<i32>} : memref<720xf32, #tpu.memory_space<vmem>>, vector<16xf32>,
      %gather3A_852 = tpu.vector_load_idx %arg8[%get3A_848] : memref<50000xf32, #tpu.memory_space<vmem>>[vector<16xi32>], vector<16xf32>,
      %swap3A_853 = arith.constant 576 : index
      %swap3A_854 = tpu.vector_load %arg13[%swap3A_853] {strides = array<i32>} : memref<720xf32, #tpu.memory_space<vmem>>, vector<16xf32>,
      tpu.vector_store %arg13[%swap3A_853], %gather3A_852 {strides = array<i32>} : memref<720xf32, #tpu.memory_space<vmem>>, vector<16xf32>,
      %mul3A_855 = arith.constant 720 : i32
      %mul3A_856 = arith.muli %add3A_406, %mul3A_855 : i32
      %add3A_857 = arith.constant 592 : i32
      %add3A_858 = arith.addi %mul3A_856, %add3A_857 : i32
      %get3A_859 = arith.index_cast %add3A_858 : i32 to index
      %get3A_860 = tpu.vector_load %arg9[%get3A_859] {strides = array<i32>} : memref<13680xi32, #tpu.memory_space<vmem>>, vector<16xi32>,
      %gather3A_861 = tpu.vector_load_idx %arg7[%get3A_860] : memref<50000xf32, #tpu.memory_space<vmem>>[vector<16xi32>], vector<16xf32>,
      %swap3A_862 = arith.constant 592 : index
      %swap3A_863 = tpu.vector_load %arg11[%swap3A_862] {strides = array<i32>} : memref<720xf32, #tpu.memory_space<vmem>>, vector<16xf32>,
      tpu.vector_store %arg11[%swap3A_862], %gather3A_861 {strides = array<i32>} : memref<720xf32, #tpu.memory_space<vmem>>, vector<16xf32>,
      %gather3A_864 = tpu.vector_load_idx %arg8[%get3A_860] : memref<50000xf32, #tpu.memory_space<vmem>>[vector<16xi32>], vector<16xf32>,
      %swap3A_865 = arith.constant 592 : index
      %swap3A_866 = tpu.vector_load %arg13[%swap3A_865] {strides = array<i32>} : memref<720xf32, #tpu.memory_space<vmem>>, vector<16xf32>,
      tpu.vector_store %arg13[%swap3A_865], %gather3A_864 {strides = array<i32>} : memref<720xf32, #tpu.memory_space<vmem>>, vector<16xf32>,
      %mul3A_867 = arith.constant 720 : i32
      %mul3A_868 = arith.muli %add3A_406, %mul3A_867 : i32
      %add3A_869 = arith.constant 608 : i32
      %add3A_870 = arith.addi %mul3A_868, %add3A_869 : i32
      %get3A_871 = arith.index_cast %add3A_870 : i32 to index
      %get3A_872 = tpu.vector_load %arg9[%get3A_871] {strides = array<i32>} : memref<13680xi32, #tpu.memory_space<vmem>>, vector<16xi32>,
      %gather3A_873 = tpu.vector_load_idx %arg7[%get3A_872] : memref<50000xf32, #tpu.memory_space<vmem>>[vector<16xi32>], vector<16xf32>,
      %swap3A_874 = arith.constant 608 : index
      %swap3A_875 = tpu.vector_load %arg11[%swap3A_874] {strides = array<i32>} : memref<720xf32, #tpu.memory_space<vmem>>, vector<16xf32>,
      tpu.vector_store %arg11[%swap3A_874], %gather3A_873 {strides = array<i32>} : memref<720xf32, #tpu.memory_space<vmem>>, vector<16xf32>,
      %gather3A_876 = tpu.vector_load_idx %arg8[%get3A_872] : memref<50000xf32, #tpu.memory_space<vmem>>[vector<16xi32>], vector<16xf32>,
      %swap3A_877 = arith.constant 608 : index
      %swap3A_878 = tpu.vector_load %arg13[%swap3A_877] {strides = array<i32>} : memref<720xf32, #tpu.memory_space<vmem>>, vector<16xf32>,
      tpu.vector_store %arg13[%swap3A_877], %gather3A_876 {strides = array<i32>} : memref<720xf32, #tpu.memory_space<vmem>>, vector<16xf32>,
      %mul3A_879 = arith.constant 720 : i32
      %mul3A_880 = arith.muli %add3A_406, %mul3A_879 : i32
      %add3A_881 = arith.constant 624 : i32
      %add3A_882 = arith.addi %mul3A_880, %add3A_881 : i32
      %get3A_883 = arith.index_cast %add3A_882 : i32 to index
      %get3A_884 = tpu.vector_load %arg9[%get3A_883] {strides = array<i32>} : memref<13680xi32, #tpu.memory_space<vmem>>, vector<16xi32>,
      %gather3A_885 = tpu.vector_load_idx %arg7[%get3A_884] : memref<50000xf32, #tpu.memory_space<vmem>>[vector<16xi32>], vector<16xf32>,
      %swap3A_886 = arith.constant 624 : index
      %swap3A_887 = tpu.vector_load %arg11[%swap3A_886] {strides = array<i32>} : memref<720xf32, #tpu.memory_space<vmem>>, vector<16xf32>,
      tpu.vector_store %arg11[%swap3A_886], %gather3A_885 {strides = array<i32>} : memref<720xf32, #tpu.memory_space<vmem>>, vector<16xf32>,
      %gather3A_888 = tpu.vector_load_idx %arg8[%get3A_884] : memref<50000xf32, #tpu.memory_space<vmem>>[vector<16xi32>], vector<16xf32>,
      %swap3A_889 = arith.constant 624 : index
      %swap3A_890 = tpu.vector_load %arg13[%swap3A_889] {strides = array<i32>} : memref<720xf32, #tpu.memory_space<vmem>>, vector<16xf32>,
      tpu.vector_store %arg13[%swap3A_889], %gather3A_888 {strides = array<i32>} : memref<720xf32, #tpu.memory_space<vmem>>, vector<16xf32>,
      %mul3A_891 = arith.constant 720 : i32
      %mul3A_892 = arith.muli %add3A_406, %mul3A_891 : i32
      %add3A_893 = arith.constant 640 : i32
      %add3A_894 = arith.addi %mul3A_892, %add3A_893 : i32
      %get3A_895 = arith.index_cast %add3A_894 : i32 to index
      %get3A_896 = tpu.vector_load %arg9[%get3A_895] {strides = array<i32>} : memref<13680xi32, #tpu.memory_space<vmem>>, vector<16xi32>,
      %gather3A_897 = tpu.vector_load_idx %arg7[%get3A_896] : memref<50000xf32, #tpu.memory_space<vmem>>[vector<16xi32>], vector<16xf32>,
      %swap3A_898 = arith.constant 640 : index
      %swap3A_899 = tpu.vector_load %arg11[%swap3A_898] {strides = array<i32>} : memref<720xf32, #tpu.memory_space<vmem>>, vector<16xf32>,
      tpu.vector_store %arg11[%swap3A_898], %gather3A_897 {strides = array<i32>} : memref<720xf32, #tpu.memory_space<vmem>>, vector<16xf32>,
      %gather3A_900 = tpu.vector_load_idx %arg8[%get3A_896] : memref<50000xf32, #tpu.memory_space<vmem>>[vector<16xi32>], vector<16xf32>,
      %swap3A_901 = arith.constant 640 : index
      %swap3A_902 = tpu.vector_load %arg13[%swap3A_901] {strides = array<i32>} : memref<720xf32, #tpu.memory_space<vmem>>, vector<16xf32>,
      tpu.vector_store %arg13[%swap3A_901], %gather3A_900 {strides = array<i32>} : memref<720xf32, #tpu.memory_space<vmem>>, vector<16xf32>,
      %mul3A_903 = arith.constant 720 : i32
      %mul3A_904 = arith.muli %add3A_406, %mul3A_903 : i32
      %add3A_905 = arith.constant 656 : i32
      %add3A_906 = arith.addi %mul3A_904, %add3A_905 : i32
      %get3A_907 = arith.index_cast %add3A_906 : i32 to index
      %get3A_908 = tpu.vector_load %arg9[%get3A_907] {strides = array<i32>} : memref<13680xi32, #tpu.memory_space<vmem>>, vector<16xi32>,
      %gather3A_909 = tpu.vector_load_idx %arg7[%get3A_908] : memref<50000xf32, #tpu.memory_space<vmem>>[vector<16xi32>], vector<16xf32>,
      %swap3A_910 = arith.constant 656 : index
      %swap3A_911 = tpu.vector_load %arg11[%swap3A_910] {strides = array<i32>} : memref<720xf32, #tpu.memory_space<vmem>>, vector<16xf32>,
      tpu.vector_store %arg11[%swap3A_910], %gather3A_909 {strides = array<i32>} : memref<720xf32, #tpu.memory_space<vmem>>, vector<16xf32>,
      %gather3A_912 = tpu.vector_load_idx %arg8[%get3A_908] : memref<50000xf32, #tpu.memory_space<vmem>>[vector<16xi32>], vector<16xf32>,
      %swap3A_913 = arith.constant 656 : index
      %swap3A_914 = tpu.vector_load %arg13[%swap3A_913] {strides = array<i32>} : memref<720xf32, #tpu.memory_space<vmem>>, vector<16xf32>,
      tpu.vector_store %arg13[%swap3A_913], %gather3A_912 {strides = array<i32>} : memref<720xf32, #tpu.memory_space<vmem>>, vector<16xf32>,
      %mul3A_915 = arith.constant 720 : i32
      %mul3A_916 = arith.muli %add3A_406, %mul3A_915 : i32
      %add3A_917 = arith.constant 672 : i32
      %add3A_918 = arith.addi %mul3A_916, %add3A_917 : i32
      %get3A_919 = arith.index_cast %add3A_918 : i32 to index
      %get3A_920 = tpu.vector_load %arg9[%get3A_919] {strides = array<i32>} : memref<13680xi32, #tpu.memory_space<vmem>>, vector<16xi32>,
      %gather3A_921 = tpu.vector_load_idx %arg7[%get3A_920] : memref<50000xf32, #tpu.memory_space<vmem>>[vector<16xi32>], vector<16xf32>,
      %swap3A_922 = arith.constant 672 : index
      %swap3A_923 = tpu.vector_load %arg11[%swap3A_922] {strides = array<i32>} : memref<720xf32, #tpu.memory_space<vmem>>, vector<16xf32>,
      tpu.vector_store %arg11[%swap3A_922], %gather3A_921 {strides = array<i32>} : memref<720xf32, #tpu.memory_space<vmem>>, vector<16xf32>,
      %gather3A_924 = tpu.vector_load_idx %arg8[%get3A_920] : memref<50000xf32, #tpu.memory_space<vmem>>[vector<16xi32>], vector<16xf32>,
      %swap3A_925 = arith.constant 672 : index
      %swap3A_926 = tpu.vector_load %arg13[%swap3A_925] {strides = array<i32>} : memref<720xf32, #tpu.memory_space<vmem>>, vector<16xf32>,
      tpu.vector_store %arg13[%swap3A_925], %gather3A_924 {strides = array<i32>} : memref<720xf32, #tpu.memory_space<vmem>>, vector<16xf32>,
      %mul3A_927 = arith.constant 720 : i32
      %mul3A_928 = arith.muli %add3A_406, %mul3A_927 : i32
      %add3A_929 = arith.constant 688 : i32
      %add3A_930 = arith.addi %mul3A_928, %add3A_929 : i32
      %get3A_931 = arith.index_cast %add3A_930 : i32 to index
      %get3A_932 = tpu.vector_load %arg9[%get3A_931] {strides = array<i32>} : memref<13680xi32, #tpu.memory_space<vmem>>, vector<16xi32>,
      %gather3A_933 = tpu.vector_load_idx %arg7[%get3A_932] : memref<50000xf32, #tpu.memory_space<vmem>>[vector<16xi32>], vector<16xf32>,
      %swap3A_934 = arith.constant 688 : index
      %swap3A_935 = tpu.vector_load %arg11[%swap3A_934] {strides = array<i32>} : memref<720xf32, #tpu.memory_space<vmem>>, vector<16xf32>,
      tpu.vector_store %arg11[%swap3A_934], %gather3A_933 {strides = array<i32>} : memref<720xf32, #tpu.memory_space<vmem>>, vector<16xf32>,
      %gather3A_936 = tpu.vector_load_idx %arg8[%get3A_932] : memref<50000xf32, #tpu.memory_space<vmem>>[vector<16xi32>], vector<16xf32>,
      %swap3A_937 = arith.constant 688 : index
      %swap3A_938 = tpu.vector_load %arg13[%swap3A_937] {strides = array<i32>} : memref<720xf32, #tpu.memory_space<vmem>>, vector<16xf32>,
      tpu.vector_store %arg13[%swap3A_937], %gather3A_936 {strides = array<i32>} : memref<720xf32, #tpu.memory_space<vmem>>, vector<16xf32>,
      %mul3A_939 = arith.constant 720 : i32
      %mul3A_940 = arith.muli %add3A_406, %mul3A_939 : i32
      %add3A_941 = arith.constant 704 : i32
      %add3A_942 = arith.addi %mul3A_940, %add3A_941 : i32
      %get3A_943 = arith.index_cast %add3A_942 : i32 to index
      %get3A_944 = tpu.vector_load %arg9[%get3A_943] {strides = array<i32>} : memref<13680xi32, #tpu.memory_space<vmem>>, vector<16xi32>,
      %gather3A_945 = tpu.vector_load_idx %arg7[%get3A_944] : memref<50000xf32, #tpu.memory_space<vmem>>[vector<16xi32>], vector<16xf32>,
      %swap3A_946 = arith.constant 704 : index
      %swap3A_947 = tpu.vector_load %arg11[%swap3A_946] {strides = array<i32>} : memref<720xf32, #tpu.memory_space<vmem>>, vector<16xf32>,
      tpu.vector_store %arg11[%swap3A_946], %gather3A_945 {strides = array<i32>} : memref<720xf32, #tpu.memory_space<vmem>>, vector<16xf32>,
      %gather3A_948 = tpu.vector_load_idx %arg8[%get3A_944] : memref<50000xf32, #tpu.memory_space<vmem>>[vector<16xi32>], vector<16xf32>,
      %swap3A_949 = arith.constant 704 : index
      %swap3A_950 = tpu.vector_load %arg13[%swap3A_949] {strides = array<i32>} : memref<720xf32, #tpu.memory_space<vmem>>, vector<16xf32>,
      tpu.vector_store %arg13[%swap3A_949], %gather3A_948 {strides = array<i32>} : memref<720xf32, #tpu.memory_space<vmem>>, vector<16xf32>,
      %add3A_951 = arith.addi %add3A_4, %add3A_406 : i32
      %mul3A_952 = arith.constant 720 : i32
      %mul3A_953 = arith.muli %add3A_951, %mul3A_952 : i32
      %dma_start3A_954 = tpu.memref_slice %arg5[%mul3A_953] : memref<450000xf32, #tpu.memory_space<hbm>> -> memref<720xf32, #tpu.memory_space<hbm>>
      %dma_start3A_955 = tpu.memref_slice %arg5[%mul3A_953] : memref<450000xf32, #tpu.memory_space<hbm>> -> memref<720xf32, #tpu.memory_space<hbm>>
      tpu.enqueue_dma source(%arg11 : memref<720xf32, #tpu.memory_space<vmem>>) target(%dma_start3A_955 : memref<720xf32, #tpu.memory_space<hbm>>) target_semaphore(%arg16 : memref<!tpu.dma_semaphore, #tpu.memory_space<semaphore_mem>>)
      %dma_start3A_956 = tpu.memref_slice %arg6[%mul3A_953] : memref<450000xf32, #tpu.memory_space<hbm>> -> memref<720xf32, #tpu.memory_space<hbm>>
      %dma_start3A_957 = tpu.memref_slice %arg6[%mul3A_953] : memref<450000xf32, #tpu.memory_space<hbm>> -> memref<720xf32, #tpu.memory_space<hbm>>
      tpu.enqueue_dma source(%arg13 : memref<720xf32, #tpu.memory_space<vmem>>) target(%dma_start3A_957 : memref<720xf32, #tpu.memory_space<hbm>>) target_semaphore(%arg16 : memref<!tpu.dma_semaphore, #tpu.memory_space<semaphore_mem>>)
      %mul3A_958 = arith.constant 2 : i32
      %mul3A_959 = arith.muli %mul3A_958, %scan3A_402 : i32
      %add3A_960 = arith.constant 2 : i32
      %add3A_961 = arith.addi %mul3A_959, %add3A_960 : i32
      %ge3A_962 = arith.constant 2 : i32
      %ge3A_963 = arith.cmpi sge, %add3A_961, %ge3A_962 : i32
      %convert_element_type3A_964 = arith.extui %ge3A_963 : i1 to i32
      %cond3A_965 = arith.constant 0 : i32
      %cond3A_966 = arith.cmpi ne, %convert_element_type3A_964, %cond3A_965 : i32
      scf.if %cond3A_966 {
        %sub3A_1514 = arith.constant 2 : i32
        %sub3A_1515 = arith.subi %add3A_961, %sub3A_1514 : i32
        %max3A = arith.constant 0 : i32
        %max3A_1516 = arith.maxsi %sub3A_1515, %max3A : i32
        %add3A_1517 = arith.addi %add3A_4, %max3A_1516 : i32
        %mul3A_1518 = arith.constant 720 : i32
        %mul3A_1519 = arith.muli %add3A_1517, %mul3A_1518 : i32
        %dma_wait3A_1520 = tpu.memref_slice %arg5[%mul3A_1519] : memref<450000xf32, #tpu.memory_space<hbm>> -> memref<720xf32, #tpu.memory_space<hbm>>
        %dma_wait3A_1521 = tpu.memref_slice %arg5[%mul3A_1519] : memref<450000xf32, #tpu.memory_space<hbm>> -> memref<720xf32, #tpu.memory_space<hbm>>
        tpu.wait_dma2 semaphore(%arg15 : memref<!tpu.dma_semaphore, #tpu.memory_space<semaphore_mem>>) src(%arg10 : memref<720xf32, #tpu.memory_space<vmem>>) dst(%dma_wait3A_1521 : memref<720xf32, #tpu.memory_space<hbm>>)
        %dma_wait3A_1522 = tpu.memref_slice %arg6[%mul3A_1519] : memref<450000xf32, #tpu.memory_space<hbm>> -> memref<720xf32, #tpu.memory_space<hbm>>
        %dma_wait3A_1523 = tpu.memref_slice %arg6[%mul3A_1519] : memref<450000xf32, #tpu.memory_space<hbm>> -> memref<720xf32, #tpu.memory_space<hbm>>
        tpu.wait_dma2 semaphore(%arg15 : memref<!tpu.dma_semaphore, #tpu.memory_space<semaphore_mem>>) src(%arg12 : memref<720xf32, #tpu.memory_space<vmem>>) dst(%dma_wait3A_1523 : memref<720xf32, #tpu.memory_space<hbm>>)
      } else {
      }
      %mul3A_967 = arith.constant 720 : i32
      %mul3A_968 = arith.muli %add3A_961, %mul3A_967 : i32
      %add3A_969 = arith.constant 0 : i32
      %add3A_970 = arith.addi %mul3A_968, %add3A_969 : i32
      %get3A_971 = arith.index_cast %add3A_970 : i32 to index
      %get3A_972 = tpu.vector_load %arg9[%get3A_971] {strides = array<i32>} : memref<13680xi32, #tpu.memory_space<vmem>>, vector<16xi32>,
      %gather3A_973 = tpu.vector_load_idx %arg7[%get3A_972] : memref<50000xf32, #tpu.memory_space<vmem>>[vector<16xi32>], vector<16xf32>,
      %swap3A_974 = arith.constant 0 : index
      %swap3A_975 = tpu.vector_load %arg10[%swap3A_974] {strides = array<i32>} : memref<720xf32, #tpu.memory_space<vmem>>, vector<16xf32>,
      tpu.vector_store %arg10[%swap3A_974], %gather3A_973 {strides = array<i32>} : memref<720xf32, #tpu.memory_space<vmem>>, vector<16xf32>,
      %gather3A_976 = tpu.vector_load_idx %arg8[%get3A_972] : memref<50000xf32, #tpu.memory_space<vmem>>[vector<16xi32>], vector<16xf32>,
      %swap3A_977 = arith.constant 0 : index
      %swap3A_978 = tpu.vector_load %arg12[%swap3A_977] {strides = array<i32>} : memref<720xf32, #tpu.memory_space<vmem>>, vector<16xf32>,
      tpu.vector_store %arg12[%swap3A_977], %gather3A_976 {strides = array<i32>} : memref<720xf32, #tpu.memory_space<vmem>>, vector<16xf32>,
      %mul3A_979 = arith.constant 720 : i32
      %mul3A_980 = arith.muli %add3A_961, %mul3A_979 : i32
      %add3A_981 = arith.constant 16 : i32
      %add3A_982 = arith.addi %mul3A_980, %add3A_981 : i32
      %get3A_983 = arith.index_cast %add3A_982 : i32 to index
      %get3A_984 = tpu.vector_load %arg9[%get3A_983] {strides = array<i32>} : memref<13680xi32, #tpu.memory_space<vmem>>, vector<16xi32>,
      %gather3A_985 = tpu.vector_load_idx %arg7[%get3A_984] : memref<50000xf32, #tpu.memory_space<vmem>>[vector<16xi32>], vector<16xf32>,
      %swap3A_986 = arith.constant 16 : index
      %swap3A_987 = tpu.vector_load %arg10[%swap3A_986] {strides = array<i32>} : memref<720xf32, #tpu.memory_space<vmem>>, vector<16xf32>,
      tpu.vector_store %arg10[%swap3A_986], %gather3A_985 {strides = array<i32>} : memref<720xf32, #tpu.memory_space<vmem>>, vector<16xf32>,
      %gather3A_988 = tpu.vector_load_idx %arg8[%get3A_984] : memref<50000xf32, #tpu.memory_space<vmem>>[vector<16xi32>], vector<16xf32>,
      %swap3A_989 = arith.constant 16 : index
      %swap3A_990 = tpu.vector_load %arg12[%swap3A_989] {strides = array<i32>} : memref<720xf32, #tpu.memory_space<vmem>>, vector<16xf32>,
      tpu.vector_store %arg12[%swap3A_989], %gather3A_988 {strides = array<i32>} : memref<720xf32, #tpu.memory_space<vmem>>, vector<16xf32>,
      %mul3A_991 = arith.constant 720 : i32
      %mul3A_992 = arith.muli %add3A_961, %mul3A_991 : i32
      %add3A_993 = arith.constant 32 : i32
      %add3A_994 = arith.addi %mul3A_992, %add3A_993 : i32
      %get3A_995 = arith.index_cast %add3A_994 : i32 to index
      %get3A_996 = tpu.vector_load %arg9[%get3A_995] {strides = array<i32>} : memref<13680xi32, #tpu.memory_space<vmem>>, vector<16xi32>,
      %gather3A_997 = tpu.vector_load_idx %arg7[%get3A_996] : memref<50000xf32, #tpu.memory_space<vmem>>[vector<16xi32>], vector<16xf32>,
      %swap3A_998 = arith.constant 32 : index
      %swap3A_999 = tpu.vector_load %arg10[%swap3A_998] {strides = array<i32>} : memref<720xf32, #tpu.memory_space<vmem>>, vector<16xf32>,
      tpu.vector_store %arg10[%swap3A_998], %gather3A_997 {strides = array<i32>} : memref<720xf32, #tpu.memory_space<vmem>>, vector<16xf32>,
      %gather3A_1000 = tpu.vector_load_idx %arg8[%get3A_996] : memref<50000xf32, #tpu.memory_space<vmem>>[vector<16xi32>], vector<16xf32>,
      %swap3A_1001 = arith.constant 32 : index
      %swap3A_1002 = tpu.vector_load %arg12[%swap3A_1001] {strides = array<i32>} : memref<720xf32, #tpu.memory_space<vmem>>, vector<16xf32>,
      tpu.vector_store %arg12[%swap3A_1001], %gather3A_1000 {strides = array<i32>} : memref<720xf32, #tpu.memory_space<vmem>>, vector<16xf32>,
      %mul3A_1003 = arith.constant 720 : i32
      %mul3A_1004 = arith.muli %add3A_961, %mul3A_1003 : i32
      %add3A_1005 = arith.constant 48 : i32
      %add3A_1006 = arith.addi %mul3A_1004, %add3A_1005 : i32
      %get3A_1007 = arith.index_cast %add3A_1006 : i32 to index
      %get3A_1008 = tpu.vector_load %arg9[%get3A_1007] {strides = array<i32>} : memref<13680xi32, #tpu.memory_space<vmem>>, vector<16xi32>,
      %gather3A_1009 = tpu.vector_load_idx %arg7[%get3A_1008] : memref<50000xf32, #tpu.memory_space<vmem>>[vector<16xi32>], vector<16xf32>,
      %swap3A_1010 = arith.constant 48 : index
      %swap3A_1011 = tpu.vector_load %arg10[%swap3A_1010] {strides = array<i32>} : memref<720xf32, #tpu.memory_space<vmem>>, vector<16xf32>,
      tpu.vector_store %arg10[%swap3A_1010], %gather3A_1009 {strides = array<i32>} : memref<720xf32, #tpu.memory_space<vmem>>, vector<16xf32>,
      %gather3A_1012 = tpu.vector_load_idx %arg8[%get3A_1008] : memref<50000xf32, #tpu.memory_space<vmem>>[vector<16xi32>], vector<16xf32>,
      %swap3A_1013 = arith.constant 48 : index
      %swap3A_1014 = tpu.vector_load %arg12[%swap3A_1013] {strides = array<i32>} : memref<720xf32, #tpu.memory_space<vmem>>, vector<16xf32>,
      tpu.vector_store %arg12[%swap3A_1013], %gather3A_1012 {strides = array<i32>} : memref<720xf32, #tpu.memory_space<vmem>>, vector<16xf32>,
      %mul3A_1015 = arith.constant 720 : i32
      %mul3A_1016 = arith.muli %add3A_961, %mul3A_1015 : i32
      %add3A_1017 = arith.constant 64 : i32
      %add3A_1018 = arith.addi %mul3A_1016, %add3A_1017 : i32
      %get3A_1019 = arith.index_cast %add3A_1018 : i32 to index
      %get3A_1020 = tpu.vector_load %arg9[%get3A_1019] {strides = array<i32>} : memref<13680xi32, #tpu.memory_space<vmem>>, vector<16xi32>,
      %gather3A_1021 = tpu.vector_load_idx %arg7[%get3A_1020] : memref<50000xf32, #tpu.memory_space<vmem>>[vector<16xi32>], vector<16xf32>,
      %swap3A_1022 = arith.constant 64 : index
      %swap3A_1023 = tpu.vector_load %arg10[%swap3A_1022] {strides = array<i32>} : memref<720xf32, #tpu.memory_space<vmem>>, vector<16xf32>,
      tpu.vector_store %arg10[%swap3A_1022], %gather3A_1021 {strides = array<i32>} : memref<720xf32, #tpu.memory_space<vmem>>, vector<16xf32>,
      %gather3A_1024 = tpu.vector_load_idx %arg8[%get3A_1020] : memref<50000xf32, #tpu.memory_space<vmem>>[vector<16xi32>], vector<16xf32>,
      %swap3A_1025 = arith.constant 64 : index
      %swap3A_1026 = tpu.vector_load %arg12[%swap3A_1025] {strides = array<i32>} : memref<720xf32, #tpu.memory_space<vmem>>, vector<16xf32>,
      tpu.vector_store %arg12[%swap3A_1025], %gather3A_1024 {strides = array<i32>} : memref<720xf32, #tpu.memory_space<vmem>>, vector<16xf32>,
      %mul3A_1027 = arith.constant 720 : i32
      %mul3A_1028 = arith.muli %add3A_961, %mul3A_1027 : i32
      %add3A_1029 = arith.constant 80 : i32
      %add3A_1030 = arith.addi %mul3A_1028, %add3A_1029 : i32
      %get3A_1031 = arith.index_cast %add3A_1030 : i32 to index
      %get3A_1032 = tpu.vector_load %arg9[%get3A_1031] {strides = array<i32>} : memref<13680xi32, #tpu.memory_space<vmem>>, vector<16xi32>,
      %gather3A_1033 = tpu.vector_load_idx %arg7[%get3A_1032] : memref<50000xf32, #tpu.memory_space<vmem>>[vector<16xi32>], vector<16xf32>,
      %swap3A_1034 = arith.constant 80 : index
      %swap3A_1035 = tpu.vector_load %arg10[%swap3A_1034] {strides = array<i32>} : memref<720xf32, #tpu.memory_space<vmem>>, vector<16xf32>,
      tpu.vector_store %arg10[%swap3A_1034], %gather3A_1033 {strides = array<i32>} : memref<720xf32, #tpu.memory_space<vmem>>, vector<16xf32>,
      %gather3A_1036 = tpu.vector_load_idx %arg8[%get3A_1032] : memref<50000xf32, #tpu.memory_space<vmem>>[vector<16xi32>], vector<16xf32>,
      %swap3A_1037 = arith.constant 80 : index
      %swap3A_1038 = tpu.vector_load %arg12[%swap3A_1037] {strides = array<i32>} : memref<720xf32, #tpu.memory_space<vmem>>, vector<16xf32>,
      tpu.vector_store %arg12[%swap3A_1037], %gather3A_1036 {strides = array<i32>} : memref<720xf32, #tpu.memory_space<vmem>>, vector<16xf32>,
      %mul3A_1039 = arith.constant 720 : i32
      %mul3A_1040 = arith.muli %add3A_961, %mul3A_1039 : i32
      %add3A_1041 = arith.constant 96 : i32
      %add3A_1042 = arith.addi %mul3A_1040, %add3A_1041 : i32
      %get3A_1043 = arith.index_cast %add3A_1042 : i32 to index
      %get3A_1044 = tpu.vector_load %arg9[%get3A_1043] {strides = array<i32>} : memref<13680xi32, #tpu.memory_space<vmem>>, vector<16xi32>,
      %gather3A_1045 = tpu.vector_load_idx %arg7[%get3A_1044] : memref<50000xf32, #tpu.memory_space<vmem>>[vector<16xi32>], vector<16xf32>,
      %swap3A_1046 = arith.constant 96 : index
      %swap3A_1047 = tpu.vector_load %arg10[%swap3A_1046] {strides = array<i32>} : memref<720xf32, #tpu.memory_space<vmem>>, vector<16xf32>,
      tpu.vector_store %arg10[%swap3A_1046], %gather3A_1045 {strides = array<i32>} : memref<720xf32, #tpu.memory_space<vmem>>, vector<16xf32>,
      %gather3A_1048 = tpu.vector_load_idx %arg8[%get3A_1044] : memref<50000xf32, #tpu.memory_space<vmem>>[vector<16xi32>], vector<16xf32>,
      %swap3A_1049 = arith.constant 96 : index
      %swap3A_1050 = tpu.vector_load %arg12[%swap3A_1049] {strides = array<i32>} : memref<720xf32, #tpu.memory_space<vmem>>, vector<16xf32>,
      tpu.vector_store %arg12[%swap3A_1049], %gather3A_1048 {strides = array<i32>} : memref<720xf32, #tpu.memory_space<vmem>>, vector<16xf32>,
      %mul3A_1051 = arith.constant 720 : i32
      %mul3A_1052 = arith.muli %add3A_961, %mul3A_1051 : i32
      %add3A_1053 = arith.constant 112 : i32
      %add3A_1054 = arith.addi %mul3A_1052, %add3A_1053 : i32
      %get3A_1055 = arith.index_cast %add3A_1054 : i32 to index
      %get3A_1056 = tpu.vector_load %arg9[%get3A_1055] {strides = array<i32>} : memref<13680xi32, #tpu.memory_space<vmem>>, vector<16xi32>,
      %gather3A_1057 = tpu.vector_load_idx %arg7[%get3A_1056] : memref<50000xf32, #tpu.memory_space<vmem>>[vector<16xi32>], vector<16xf32>,
      %swap3A_1058 = arith.constant 112 : index
      %swap3A_1059 = tpu.vector_load %arg10[%swap3A_1058] {strides = array<i32>} : memref<720xf32, #tpu.memory_space<vmem>>, vector<16xf32>,
      tpu.vector_store %arg10[%swap3A_1058], %gather3A_1057 {strides = array<i32>} : memref<720xf32, #tpu.memory_space<vmem>>, vector<16xf32>,
      %gather3A_1060 = tpu.vector_load_idx %arg8[%get3A_1056] : memref<50000xf32, #tpu.memory_space<vmem>>[vector<16xi32>], vector<16xf32>,
      %swap3A_1061 = arith.constant 112 : index
      %swap3A_1062 = tpu.vector_load %arg12[%swap3A_1061] {strides = array<i32>} : memref<720xf32, #tpu.memory_space<vmem>>, vector<16xf32>,
      tpu.vector_store %arg12[%swap3A_1061], %gather3A_1060 {strides = array<i32>} : memref<720xf32, #tpu.memory_space<vmem>>, vector<16xf32>,
      %mul3A_1063 = arith.constant 720 : i32
      %mul3A_1064 = arith.muli %add3A_961, %mul3A_1063 : i32
      %add3A_1065 = arith.constant 128 : i32
      %add3A_1066 = arith.addi %mul3A_1064, %add3A_1065 : i32
      %get3A_1067 = arith.index_cast %add3A_1066 : i32 to index
      %get3A_1068 = tpu.vector_load %arg9[%get3A_1067] {strides = array<i32>} : memref<13680xi32, #tpu.memory_space<vmem>>, vector<16xi32>,
      %gather3A_1069 = tpu.vector_load_idx %arg7[%get3A_1068] : memref<50000xf32, #tpu.memory_space<vmem>>[vector<16xi32>], vector<16xf32>,
      %swap3A_1070 = arith.constant 128 : index
      %swap3A_1071 = tpu.vector_load %arg10[%swap3A_1070] {strides = array<i32>} : memref<720xf32, #tpu.memory_space<vmem>>, vector<16xf32>,
      tpu.vector_store %arg10[%swap3A_1070], %gather3A_1069 {strides = array<i32>} : memref<720xf32, #tpu.memory_space<vmem>>, vector<16xf32>,
      %gather3A_1072 = tpu.vector_load_idx %arg8[%get3A_1068] : memref<50000xf32, #tpu.memory_space<vmem>>[vector<16xi32>], vector<16xf32>,
      %swap3A_1073 = arith.constant 128 : index
      %swap3A_1074 = tpu.vector_load %arg12[%swap3A_1073] {strides = array<i32>} : memref<720xf32, #tpu.memory_space<vmem>>, vector<16xf32>,
      tpu.vector_store %arg12[%swap3A_1073], %gather3A_1072 {strides = array<i32>} : memref<720xf32, #tpu.memory_space<vmem>>, vector<16xf32>,
      %mul3A_1075 = arith.constant 720 : i32
      %mul3A_1076 = arith.muli %add3A_961, %mul3A_1075 : i32
      %add3A_1077 = arith.constant 144 : i32
      %add3A_1078 = arith.addi %mul3A_1076, %add3A_1077 : i32
      %get3A_1079 = arith.index_cast %add3A_1078 : i32 to index
      %get3A_1080 = tpu.vector_load %arg9[%get3A_1079] {strides = array<i32>} : memref<13680xi32, #tpu.memory_space<vmem>>, vector<16xi32>,
      %gather3A_1081 = tpu.vector_load_idx %arg7[%get3A_1080] : memref<50000xf32, #tpu.memory_space<vmem>>[vector<16xi32>], vector<16xf32>,
      %swap3A_1082 = arith.constant 144 : index
      %swap3A_1083 = tpu.vector_load %arg10[%swap3A_1082] {strides = array<i32>} : memref<720xf32, #tpu.memory_space<vmem>>, vector<16xf32>,
      tpu.vector_store %arg10[%swap3A_1082], %gather3A_1081 {strides = array<i32>} : memref<720xf32, #tpu.memory_space<vmem>>, vector<16xf32>,
      %gather3A_1084 = tpu.vector_load_idx %arg8[%get3A_1080] : memref<50000xf32, #tpu.memory_space<vmem>>[vector<16xi32>], vector<16xf32>,
      %swap3A_1085 = arith.constant 144 : index
      %swap3A_1086 = tpu.vector_load %arg12[%swap3A_1085] {strides = array<i32>} : memref<720xf32, #tpu.memory_space<vmem>>, vector<16xf32>,
      tpu.vector_store %arg12[%swap3A_1085], %gather3A_1084 {strides = array<i32>} : memref<720xf32, #tpu.memory_space<vmem>>, vector<16xf32>,
      %mul3A_1087 = arith.constant 720 : i32
      %mul3A_1088 = arith.muli %add3A_961, %mul3A_1087 : i32
      %add3A_1089 = arith.constant 160 : i32
      %add3A_1090 = arith.addi %mul3A_1088, %add3A_1089 : i32
      %get3A_1091 = arith.index_cast %add3A_1090 : i32 to index
      %get3A_1092 = tpu.vector_load %arg9[%get3A_1091] {strides = array<i32>} : memref<13680xi32, #tpu.memory_space<vmem>>, vector<16xi32>,
      %gather3A_1093 = tpu.vector_load_idx %arg7[%get3A_1092] : memref<50000xf32, #tpu.memory_space<vmem>>[vector<16xi32>], vector<16xf32>,
      %swap3A_1094 = arith.constant 160 : index
      %swap3A_1095 = tpu.vector_load %arg10[%swap3A_1094] {strides = array<i32>} : memref<720xf32, #tpu.memory_space<vmem>>, vector<16xf32>,
      tpu.vector_store %arg10[%swap3A_1094], %gather3A_1093 {strides = array<i32>} : memref<720xf32, #tpu.memory_space<vmem>>, vector<16xf32>,
      %gather3A_1096 = tpu.vector_load_idx %arg8[%get3A_1092] : memref<50000xf32, #tpu.memory_space<vmem>>[vector<16xi32>], vector<16xf32>,
      %swap3A_1097 = arith.constant 160 : index
      %swap3A_1098 = tpu.vector_load %arg12[%swap3A_1097] {strides = array<i32>} : memref<720xf32, #tpu.memory_space<vmem>>, vector<16xf32>,
      tpu.vector_store %arg12[%swap3A_1097], %gather3A_1096 {strides = array<i32>} : memref<720xf32, #tpu.memory_space<vmem>>, vector<16xf32>,
      %mul3A_1099 = arith.constant 720 : i32
      %mul3A_1100 = arith.muli %add3A_961, %mul3A_1099 : i32
      %add3A_1101 = arith.constant 176 : i32
      %add3A_1102 = arith.addi %mul3A_1100, %add3A_1101 : i32
      %get3A_1103 = arith.index_cast %add3A_1102 : i32 to index
      %get3A_1104 = tpu.vector_load %arg9[%get3A_1103] {strides = array<i32>} : memref<13680xi32, #tpu.memory_space<vmem>>, vector<16xi32>,
      %gather3A_1105 = tpu.vector_load_idx %arg7[%get3A_1104] : memref<50000xf32, #tpu.memory_space<vmem>>[vector<16xi32>], vector<16xf32>,
      %swap3A_1106 = arith.constant 176 : index
      %swap3A_1107 = tpu.vector_load %arg10[%swap3A_1106] {strides = array<i32>} : memref<720xf32, #tpu.memory_space<vmem>>, vector<16xf32>,
      tpu.vector_store %arg10[%swap3A_1106], %gather3A_1105 {strides = array<i32>} : memref<720xf32, #tpu.memory_space<vmem>>, vector<16xf32>,
      %gather3A_1108 = tpu.vector_load_idx %arg8[%get3A_1104] : memref<50000xf32, #tpu.memory_space<vmem>>[vector<16xi32>], vector<16xf32>,
      %swap3A_1109 = arith.constant 176 : index
      %swap3A_1110 = tpu.vector_load %arg12[%swap3A_1109] {strides = array<i32>} : memref<720xf32, #tpu.memory_space<vmem>>, vector<16xf32>,
      tpu.vector_store %arg12[%swap3A_1109], %gather3A_1108 {strides = array<i32>} : memref<720xf32, #tpu.memory_space<vmem>>, vector<16xf32>,
      %mul3A_1111 = arith.constant 720 : i32
      %mul3A_1112 = arith.muli %add3A_961, %mul3A_1111 : i32
      %add3A_1113 = arith.constant 192 : i32
      %add3A_1114 = arith.addi %mul3A_1112, %add3A_1113 : i32
      %get3A_1115 = arith.index_cast %add3A_1114 : i32 to index
      %get3A_1116 = tpu.vector_load %arg9[%get3A_1115] {strides = array<i32>} : memref<13680xi32, #tpu.memory_space<vmem>>, vector<16xi32>,
      %gather3A_1117 = tpu.vector_load_idx %arg7[%get3A_1116] : memref<50000xf32, #tpu.memory_space<vmem>>[vector<16xi32>], vector<16xf32>,
      %swap3A_1118 = arith.constant 192 : index
      %swap3A_1119 = tpu.vector_load %arg10[%swap3A_1118] {strides = array<i32>} : memref<720xf32, #tpu.memory_space<vmem>>, vector<16xf32>,
      tpu.vector_store %arg10[%swap3A_1118], %gather3A_1117 {strides = array<i32>} : memref<720xf32, #tpu.memory_space<vmem>>, vector<16xf32>,
      %gather3A_1120 = tpu.vector_load_idx %arg8[%get3A_1116] : memref<50000xf32, #tpu.memory_space<vmem>>[vector<16xi32>], vector<16xf32>,
      %swap3A_1121 = arith.constant 192 : index
      %swap3A_1122 = tpu.vector_load %arg12[%swap3A_1121] {strides = array<i32>} : memref<720xf32, #tpu.memory_space<vmem>>, vector<16xf32>,
      tpu.vector_store %arg12[%swap3A_1121], %gather3A_1120 {strides = array<i32>} : memref<720xf32, #tpu.memory_space<vmem>>, vector<16xf32>,
      %mul3A_1123 = arith.constant 720 : i32
      %mul3A_1124 = arith.muli %add3A_961, %mul3A_1123 : i32
      %add3A_1125 = arith.constant 208 : i32
      %add3A_1126 = arith.addi %mul3A_1124, %add3A_1125 : i32
      %get3A_1127 = arith.index_cast %add3A_1126 : i32 to index
      %get3A_1128 = tpu.vector_load %arg9[%get3A_1127] {strides = array<i32>} : memref<13680xi32, #tpu.memory_space<vmem>>, vector<16xi32>,
      %gather3A_1129 = tpu.vector_load_idx %arg7[%get3A_1128] : memref<50000xf32, #tpu.memory_space<vmem>>[vector<16xi32>], vector<16xf32>,
      %swap3A_1130 = arith.constant 208 : index
      %swap3A_1131 = tpu.vector_load %arg10[%swap3A_1130] {strides = array<i32>} : memref<720xf32, #tpu.memory_space<vmem>>, vector<16xf32>,
      tpu.vector_store %arg10[%swap3A_1130], %gather3A_1129 {strides = array<i32>} : memref<720xf32, #tpu.memory_space<vmem>>, vector<16xf32>,
      %gather3A_1132 = tpu.vector_load_idx %arg8[%get3A_1128] : memref<50000xf32, #tpu.memory_space<vmem>>[vector<16xi32>], vector<16xf32>,
      %swap3A_1133 = arith.constant 208 : index
      %swap3A_1134 = tpu.vector_load %arg12[%swap3A_1133] {strides = array<i32>} : memref<720xf32, #tpu.memory_space<vmem>>, vector<16xf32>,
      tpu.vector_store %arg12[%swap3A_1133], %gather3A_1132 {strides = array<i32>} : memref<720xf32, #tpu.memory_space<vmem>>, vector<16xf32>,
      %mul3A_1135 = arith.constant 720 : i32
      %mul3A_1136 = arith.muli %add3A_961, %mul3A_1135 : i32
      %add3A_1137 = arith.constant 224 : i32
      %add3A_1138 = arith.addi %mul3A_1136, %add3A_1137 : i32
      %get3A_1139 = arith.index_cast %add3A_1138 : i32 to index
      %get3A_1140 = tpu.vector_load %arg9[%get3A_1139] {strides = array<i32>} : memref<13680xi32, #tpu.memory_space<vmem>>, vector<16xi32>,
      %gather3A_1141 = tpu.vector_load_idx %arg7[%get3A_1140] : memref<50000xf32, #tpu.memory_space<vmem>>[vector<16xi32>], vector<16xf32>,
      %swap3A_1142 = arith.constant 224 : index
      %swap3A_1143 = tpu.vector_load %arg10[%swap3A_1142] {strides = array<i32>} : memref<720xf32, #tpu.memory_space<vmem>>, vector<16xf32>,
      tpu.vector_store %arg10[%swap3A_1142], %gather3A_1141 {strides = array<i32>} : memref<720xf32, #tpu.memory_space<vmem>>, vector<16xf32>,
      %gather3A_1144 = tpu.vector_load_idx %arg8[%get3A_1140] : memref<50000xf32, #tpu.memory_space<vmem>>[vector<16xi32>], vector<16xf32>,
      %swap3A_1145 = arith.constant 224 : index
      %swap3A_1146 = tpu.vector_load %arg12[%swap3A_1145] {strides = array<i32>} : memref<720xf32, #tpu.memory_space<vmem>>, vector<16xf32>,
      tpu.vector_store %arg12[%swap3A_1145], %gather3A_1144 {strides = array<i32>} : memref<720xf32, #tpu.memory_space<vmem>>, vector<16xf32>,
      %mul3A_1147 = arith.constant 720 : i32
      %mul3A_1148 = arith.muli %add3A_961, %mul3A_1147 : i32
      %add3A_1149 = arith.constant 240 : i32
      %add3A_1150 = arith.addi %mul3A_1148, %add3A_1149 : i32
      %get3A_1151 = arith.index_cast %add3A_1150 : i32 to index
      %get3A_1152 = tpu.vector_load %arg9[%get3A_1151] {strides = array<i32>} : memref<13680xi32, #tpu.memory_space<vmem>>, vector<16xi32>,
      %gather3A_1153 = tpu.vector_load_idx %arg7[%get3A_1152] : memref<50000xf32, #tpu.memory_space<vmem>>[vector<16xi32>], vector<16xf32>,
      %swap3A_1154 = arith.constant 240 : index
      %swap3A_1155 = tpu.vector_load %arg10[%swap3A_1154] {strides = array<i32>} : memref<720xf32, #tpu.memory_space<vmem>>, vector<16xf32>,
      tpu.vector_store %arg10[%swap3A_1154], %gather3A_1153 {strides = array<i32>} : memref<720xf32, #tpu.memory_space<vmem>>, vector<16xf32>,
      %gather3A_1156 = tpu.vector_load_idx %arg8[%get3A_1152] : memref<50000xf32, #tpu.memory_space<vmem>>[vector<16xi32>], vector<16xf32>,
      %swap3A_1157 = arith.constant 240 : index
      %swap3A_1158 = tpu.vector_load %arg12[%swap3A_1157] {strides = array<i32>} : memref<720xf32, #tpu.memory_space<vmem>>, vector<16xf32>,
      tpu.vector_store %arg12[%swap3A_1157], %gather3A_1156 {strides = array<i32>} : memref<720xf32, #tpu.memory_space<vmem>>, vector<16xf32>,
      %mul3A_1159 = arith.constant 720 : i32
      %mul3A_1160 = arith.muli %add3A_961, %mul3A_1159 : i32
      %add3A_1161 = arith.constant 256 : i32
      %add3A_1162 = arith.addi %mul3A_1160, %add3A_1161 : i32
      %get3A_1163 = arith.index_cast %add3A_1162 : i32 to index
      %get3A_1164 = tpu.vector_load %arg9[%get3A_1163] {strides = array<i32>} : memref<13680xi32, #tpu.memory_space<vmem>>, vector<16xi32>,
      %gather3A_1165 = tpu.vector_load_idx %arg7[%get3A_1164] : memref<50000xf32, #tpu.memory_space<vmem>>[vector<16xi32>], vector<16xf32>,
      %swap3A_1166 = arith.constant 256 : index
      %swap3A_1167 = tpu.vector_load %arg10[%swap3A_1166] {strides = array<i32>} : memref<720xf32, #tpu.memory_space<vmem>>, vector<16xf32>,
      tpu.vector_store %arg10[%swap3A_1166], %gather3A_1165 {strides = array<i32>} : memref<720xf32, #tpu.memory_space<vmem>>, vector<16xf32>,
      %gather3A_1168 = tpu.vector_load_idx %arg8[%get3A_1164] : memref<50000xf32, #tpu.memory_space<vmem>>[vector<16xi32>], vector<16xf32>,
      %swap3A_1169 = arith.constant 256 : index
      %swap3A_1170 = tpu.vector_load %arg12[%swap3A_1169] {strides = array<i32>} : memref<720xf32, #tpu.memory_space<vmem>>, vector<16xf32>,
      tpu.vector_store %arg12[%swap3A_1169], %gather3A_1168 {strides = array<i32>} : memref<720xf32, #tpu.memory_space<vmem>>, vector<16xf32>,
      %mul3A_1171 = arith.constant 720 : i32
      %mul3A_1172 = arith.muli %add3A_961, %mul3A_1171 : i32
      %add3A_1173 = arith.constant 272 : i32
      %add3A_1174 = arith.addi %mul3A_1172, %add3A_1173 : i32
      %get3A_1175 = arith.index_cast %add3A_1174 : i32 to index
      %get3A_1176 = tpu.vector_load %arg9[%get3A_1175] {strides = array<i32>} : memref<13680xi32, #tpu.memory_space<vmem>>, vector<16xi32>,
      %gather3A_1177 = tpu.vector_load_idx %arg7[%get3A_1176] : memref<50000xf32, #tpu.memory_space<vmem>>[vector<16xi32>], vector<16xf32>,
      %swap3A_1178 = arith.constant 272 : index
      %swap3A_1179 = tpu.vector_load %arg10[%swap3A_1178] {strides = array<i32>} : memref<720xf32, #tpu.memory_space<vmem>>, vector<16xf32>,
      tpu.vector_store %arg10[%swap3A_1178], %gather3A_1177 {strides = array<i32>} : memref<720xf32, #tpu.memory_space<vmem>>, vector<16xf32>,
      %gather3A_1180 = tpu.vector_load_idx %arg8[%get3A_1176] : memref<50000xf32, #tpu.memory_space<vmem>>[vector<16xi32>], vector<16xf32>,
      %swap3A_1181 = arith.constant 272 : index
      %swap3A_1182 = tpu.vector_load %arg12[%swap3A_1181] {strides = array<i32>} : memref<720xf32, #tpu.memory_space<vmem>>, vector<16xf32>,
      tpu.vector_store %arg12[%swap3A_1181], %gather3A_1180 {strides = array<i32>} : memref<720xf32, #tpu.memory_space<vmem>>, vector<16xf32>,
      %mul3A_1183 = arith.constant 720 : i32
      %mul3A_1184 = arith.muli %add3A_961, %mul3A_1183 : i32
      %add3A_1185 = arith.constant 288 : i32
      %add3A_1186 = arith.addi %mul3A_1184, %add3A_1185 : i32
      %get3A_1187 = arith.index_cast %add3A_1186 : i32 to index
      %get3A_1188 = tpu.vector_load %arg9[%get3A_1187] {strides = array<i32>} : memref<13680xi32, #tpu.memory_space<vmem>>, vector<16xi32>,
      %gather3A_1189 = tpu.vector_load_idx %arg7[%get3A_1188] : memref<50000xf32, #tpu.memory_space<vmem>>[vector<16xi32>], vector<16xf32>,
      %swap3A_1190 = arith.constant 288 : index
      %swap3A_1191 = tpu.vector_load %arg10[%swap3A_1190] {strides = array<i32>} : memref<720xf32, #tpu.memory_space<vmem>>, vector<16xf32>,
      tpu.vector_store %arg10[%swap3A_1190], %gather3A_1189 {strides = array<i32>} : memref<720xf32, #tpu.memory_space<vmem>>, vector<16xf32>,
      %gather3A_1192 = tpu.vector_load_idx %arg8[%get3A_1188] : memref<50000xf32, #tpu.memory_space<vmem>>[vector<16xi32>], vector<16xf32>,
      %swap3A_1193 = arith.constant 288 : index
      %swap3A_1194 = tpu.vector_load %arg12[%swap3A_1193] {strides = array<i32>} : memref<720xf32, #tpu.memory_space<vmem>>, vector<16xf32>,
      tpu.vector_store %arg12[%swap3A_1193], %gather3A_1192 {strides = array<i32>} : memref<720xf32, #tpu.memory_space<vmem>>, vector<16xf32>,
      %mul3A_1195 = arith.constant 720 : i32
      %mul3A_1196 = arith.muli %add3A_961, %mul3A_1195 : i32
      %add3A_1197 = arith.constant 304 : i32
      %add3A_1198 = arith.addi %mul3A_1196, %add3A_1197 : i32
      %get3A_1199 = arith.index_cast %add3A_1198 : i32 to index
      %get3A_1200 = tpu.vector_load %arg9[%get3A_1199] {strides = array<i32>} : memref<13680xi32, #tpu.memory_space<vmem>>, vector<16xi32>,
      %gather3A_1201 = tpu.vector_load_idx %arg7[%get3A_1200] : memref<50000xf32, #tpu.memory_space<vmem>>[vector<16xi32>], vector<16xf32>,
      %swap3A_1202 = arith.constant 304 : index
      %swap3A_1203 = tpu.vector_load %arg10[%swap3A_1202] {strides = array<i32>} : memref<720xf32, #tpu.memory_space<vmem>>, vector<16xf32>,
      tpu.vector_store %arg10[%swap3A_1202], %gather3A_1201 {strides = array<i32>} : memref<720xf32, #tpu.memory_space<vmem>>, vector<16xf32>,
      %gather3A_1204 = tpu.vector_load_idx %arg8[%get3A_1200] : memref<50000xf32, #tpu.memory_space<vmem>>[vector<16xi32>], vector<16xf32>,
      %swap3A_1205 = arith.constant 304 : index
      %swap3A_1206 = tpu.vector_load %arg12[%swap3A_1205] {strides = array<i32>} : memref<720xf32, #tpu.memory_space<vmem>>, vector<16xf32>,
      tpu.vector_store %arg12[%swap3A_1205], %gather3A_1204 {strides = array<i32>} : memref<720xf32, #tpu.memory_space<vmem>>, vector<16xf32>,
      %mul3A_1207 = arith.constant 720 : i32
      %mul3A_1208 = arith.muli %add3A_961, %mul3A_1207 : i32
      %add3A_1209 = arith.constant 320 : i32
      %add3A_1210 = arith.addi %mul3A_1208, %add3A_1209 : i32
      %get3A_1211 = arith.index_cast %add3A_1210 : i32 to index
      %get3A_1212 = tpu.vector_load %arg9[%get3A_1211] {strides = array<i32>} : memref<13680xi32, #tpu.memory_space<vmem>>, vector<16xi32>,
      %gather3A_1213 = tpu.vector_load_idx %arg7[%get3A_1212] : memref<50000xf32, #tpu.memory_space<vmem>>[vector<16xi32>], vector<16xf32>,
      %swap3A_1214 = arith.constant 320 : index
      %swap3A_1215 = tpu.vector_load %arg10[%swap3A_1214] {strides = array<i32>} : memref<720xf32, #tpu.memory_space<vmem>>, vector<16xf32>,
      tpu.vector_store %arg10[%swap3A_1214], %gather3A_1213 {strides = array<i32>} : memref<720xf32, #tpu.memory_space<vmem>>, vector<16xf32>,
      %gather3A_1216 = tpu.vector_load_idx %arg8[%get3A_1212] : memref<50000xf32, #tpu.memory_space<vmem>>[vector<16xi32>], vector<16xf32>,
      %swap3A_1217 = arith.constant 320 : index
      %swap3A_1218 = tpu.vector_load %arg12[%swap3A_1217] {strides = array<i32>} : memref<720xf32, #tpu.memory_space<vmem>>, vector<16xf32>,
      tpu.vector_store %arg12[%swap3A_1217], %gather3A_1216 {strides = array<i32>} : memref<720xf32, #tpu.memory_space<vmem>>, vector<16xf32>,
      %mul3A_1219 = arith.constant 720 : i32
      %mul3A_1220 = arith.muli %add3A_961, %mul3A_1219 : i32
      %add3A_1221 = arith.constant 336 : i32
      %add3A_1222 = arith.addi %mul3A_1220, %add3A_1221 : i32
      %get3A_1223 = arith.index_cast %add3A_1222 : i32 to index
      %get3A_1224 = tpu.vector_load %arg9[%get3A_1223] {strides = array<i32>} : memref<13680xi32, #tpu.memory_space<vmem>>, vector<16xi32>,
      %gather3A_1225 = tpu.vector_load_idx %arg7[%get3A_1224] : memref<50000xf32, #tpu.memory_space<vmem>>[vector<16xi32>], vector<16xf32>,
      %swap3A_1226 = arith.constant 336 : index
      %swap3A_1227 = tpu.vector_load %arg10[%swap3A_1226] {strides = array<i32>} : memref<720xf32, #tpu.memory_space<vmem>>, vector<16xf32>,
      tpu.vector_store %arg10[%swap3A_1226], %gather3A_1225 {strides = array<i32>} : memref<720xf32, #tpu.memory_space<vmem>>, vector<16xf32>,
      %gather3A_1228 = tpu.vector_load_idx %arg8[%get3A_1224] : memref<50000xf32, #tpu.memory_space<vmem>>[vector<16xi32>], vector<16xf32>,
      %swap3A_1229 = arith.constant 336 : index
      %swap3A_1230 = tpu.vector_load %arg12[%swap3A_1229] {strides = array<i32>} : memref<720xf32, #tpu.memory_space<vmem>>, vector<16xf32>,
      tpu.vector_store %arg12[%swap3A_1229], %gather3A_1228 {strides = array<i32>} : memref<720xf32, #tpu.memory_space<vmem>>, vector<16xf32>,
      %mul3A_1231 = arith.constant 720 : i32
      %mul3A_1232 = arith.muli %add3A_961, %mul3A_1231 : i32
      %add3A_1233 = arith.constant 352 : i32
      %add3A_1234 = arith.addi %mul3A_1232, %add3A_1233 : i32
      %get3A_1235 = arith.index_cast %add3A_1234 : i32 to index
      %get3A_1236 = tpu.vector_load %arg9[%get3A_1235] {strides = array<i32>} : memref<13680xi32, #tpu.memory_space<vmem>>, vector<16xi32>,
      %gather3A_1237 = tpu.vector_load_idx %arg7[%get3A_1236] : memref<50000xf32, #tpu.memory_space<vmem>>[vector<16xi32>], vector<16xf32>,
      %swap3A_1238 = arith.constant 352 : index
      %swap3A_1239 = tpu.vector_load %arg10[%swap3A_1238] {strides = array<i32>} : memref<720xf32, #tpu.memory_space<vmem>>, vector<16xf32>,
      tpu.vector_store %arg10[%swap3A_1238], %gather3A_1237 {strides = array<i32>} : memref<720xf32, #tpu.memory_space<vmem>>, vector<16xf32>,
      %gather3A_1240 = tpu.vector_load_idx %arg8[%get3A_1236] : memref<50000xf32, #tpu.memory_space<vmem>>[vector<16xi32>], vector<16xf32>,
      %swap3A_1241 = arith.constant 352 : index
      %swap3A_1242 = tpu.vector_load %arg12[%swap3A_1241] {strides = array<i32>} : memref<720xf32, #tpu.memory_space<vmem>>, vector<16xf32>,
      tpu.vector_store %arg12[%swap3A_1241], %gather3A_1240 {strides = array<i32>} : memref<720xf32, #tpu.memory_space<vmem>>, vector<16xf32>,
      %mul3A_1243 = arith.constant 720 : i32
      %mul3A_1244 = arith.muli %add3A_961, %mul3A_1243 : i32
      %add3A_1245 = arith.constant 368 : i32
      %add3A_1246 = arith.addi %mul3A_1244, %add3A_1245 : i32
      %get3A_1247 = arith.index_cast %add3A_1246 : i32 to index
      %get3A_1248 = tpu.vector_load %arg9[%get3A_1247] {strides = array<i32>} : memref<13680xi32, #tpu.memory_space<vmem>>, vector<16xi32>,
      %gather3A_1249 = tpu.vector_load_idx %arg7[%get3A_1248] : memref<50000xf32, #tpu.memory_space<vmem>>[vector<16xi32>], vector<16xf32>,
      %swap3A_1250 = arith.constant 368 : index
      %swap3A_1251 = tpu.vector_load %arg10[%swap3A_1250] {strides = array<i32>} : memref<720xf32, #tpu.memory_space<vmem>>, vector<16xf32>,
      tpu.vector_store %arg10[%swap3A_1250], %gather3A_1249 {strides = array<i32>} : memref<720xf32, #tpu.memory_space<vmem>>, vector<16xf32>,
      %gather3A_1252 = tpu.vector_load_idx %arg8[%get3A_1248] : memref<50000xf32, #tpu.memory_space<vmem>>[vector<16xi32>], vector<16xf32>,
      %swap3A_1253 = arith.constant 368 : index
      %swap3A_1254 = tpu.vector_load %arg12[%swap3A_1253] {strides = array<i32>} : memref<720xf32, #tpu.memory_space<vmem>>, vector<16xf32>,
      tpu.vector_store %arg12[%swap3A_1253], %gather3A_1252 {strides = array<i32>} : memref<720xf32, #tpu.memory_space<vmem>>, vector<16xf32>,
      %mul3A_1255 = arith.constant 720 : i32
      %mul3A_1256 = arith.muli %add3A_961, %mul3A_1255 : i32
      %add3A_1257 = arith.constant 384 : i32
      %add3A_1258 = arith.addi %mul3A_1256, %add3A_1257 : i32
      %get3A_1259 = arith.index_cast %add3A_1258 : i32 to index
      %get3A_1260 = tpu.vector_load %arg9[%get3A_1259] {strides = array<i32>} : memref<13680xi32, #tpu.memory_space<vmem>>, vector<16xi32>,
      %gather3A_1261 = tpu.vector_load_idx %arg7[%get3A_1260] : memref<50000xf32, #tpu.memory_space<vmem>>[vector<16xi32>], vector<16xf32>,
      %swap3A_1262 = arith.constant 384 : index
      %swap3A_1263 = tpu.vector_load %arg10[%swap3A_1262] {strides = array<i32>} : memref<720xf32, #tpu.memory_space<vmem>>, vector<16xf32>,
      tpu.vector_store %arg10[%swap3A_1262], %gather3A_1261 {strides = array<i32>} : memref<720xf32, #tpu.memory_space<vmem>>, vector<16xf32>,
      %gather3A_1264 = tpu.vector_load_idx %arg8[%get3A_1260] : memref<50000xf32, #tpu.memory_space<vmem>>[vector<16xi32>], vector<16xf32>,
      %swap3A_1265 = arith.constant 384 : index
      %swap3A_1266 = tpu.vector_load %arg12[%swap3A_1265] {strides = array<i32>} : memref<720xf32, #tpu.memory_space<vmem>>, vector<16xf32>,
      tpu.vector_store %arg12[%swap3A_1265], %gather3A_1264 {strides = array<i32>} : memref<720xf32, #tpu.memory_space<vmem>>, vector<16xf32>,
      %mul3A_1267 = arith.constant 720 : i32
      %mul3A_1268 = arith.muli %add3A_961, %mul3A_1267 : i32
      %add3A_1269 = arith.constant 400 : i32
      %add3A_1270 = arith.addi %mul3A_1268, %add3A_1269 : i32
      %get3A_1271 = arith.index_cast %add3A_1270 : i32 to index
      %get3A_1272 = tpu.vector_load %arg9[%get3A_1271] {strides = array<i32>} : memref<13680xi32, #tpu.memory_space<vmem>>, vector<16xi32>,
      %gather3A_1273 = tpu.vector_load_idx %arg7[%get3A_1272] : memref<50000xf32, #tpu.memory_space<vmem>>[vector<16xi32>], vector<16xf32>,
      %swap3A_1274 = arith.constant 400 : index
      %swap3A_1275 = tpu.vector_load %arg10[%swap3A_1274] {strides = array<i32>} : memref<720xf32, #tpu.memory_space<vmem>>, vector<16xf32>,
      tpu.vector_store %arg10[%swap3A_1274], %gather3A_1273 {strides = array<i32>} : memref<720xf32, #tpu.memory_space<vmem>>, vector<16xf32>,
      %gather3A_1276 = tpu.vector_load_idx %arg8[%get3A_1272] : memref<50000xf32, #tpu.memory_space<vmem>>[vector<16xi32>], vector<16xf32>,
      %swap3A_1277 = arith.constant 400 : index
      %swap3A_1278 = tpu.vector_load %arg12[%swap3A_1277] {strides = array<i32>} : memref<720xf32, #tpu.memory_space<vmem>>, vector<16xf32>,
      tpu.vector_store %arg12[%swap3A_1277], %gather3A_1276 {strides = array<i32>} : memref<720xf32, #tpu.memory_space<vmem>>, vector<16xf32>,
      %mul3A_1279 = arith.constant 720 : i32
      %mul3A_1280 = arith.muli %add3A_961, %mul3A_1279 : i32
      %add3A_1281 = arith.constant 416 : i32
      %add3A_1282 = arith.addi %mul3A_1280, %add3A_1281 : i32
      %get3A_1283 = arith.index_cast %add3A_1282 : i32 to index
      %get3A_1284 = tpu.vector_load %arg9[%get3A_1283] {strides = array<i32>} : memref<13680xi32, #tpu.memory_space<vmem>>, vector<16xi32>,
      %gather3A_1285 = tpu.vector_load_idx %arg7[%get3A_1284] : memref<50000xf32, #tpu.memory_space<vmem>>[vector<16xi32>], vector<16xf32>,
      %swap3A_1286 = arith.constant 416 : index
      %swap3A_1287 = tpu.vector_load %arg10[%swap3A_1286] {strides = array<i32>} : memref<720xf32, #tpu.memory_space<vmem>>, vector<16xf32>,
      tpu.vector_store %arg10[%swap3A_1286], %gather3A_1285 {strides = array<i32>} : memref<720xf32, #tpu.memory_space<vmem>>, vector<16xf32>,
      %gather3A_1288 = tpu.vector_load_idx %arg8[%get3A_1284] : memref<50000xf32, #tpu.memory_space<vmem>>[vector<16xi32>], vector<16xf32>,
      %swap3A_1289 = arith.constant 416 : index
      %swap3A_1290 = tpu.vector_load %arg12[%swap3A_1289] {strides = array<i32>} : memref<720xf32, #tpu.memory_space<vmem>>, vector<16xf32>,
      tpu.vector_store %arg12[%swap3A_1289], %gather3A_1288 {strides = array<i32>} : memref<720xf32, #tpu.memory_space<vmem>>, vector<16xf32>,
      %mul3A_1291 = arith.constant 720 : i32
      %mul3A_1292 = arith.muli %add3A_961, %mul3A_1291 : i32
      %add3A_1293 = arith.constant 432 : i32
      %add3A_1294 = arith.addi %mul3A_1292, %add3A_1293 : i32
      %get3A_1295 = arith.index_cast %add3A_1294 : i32 to index
      %get3A_1296 = tpu.vector_load %arg9[%get3A_1295] {strides = array<i32>} : memref<13680xi32, #tpu.memory_space<vmem>>, vector<16xi32>,
      %gather3A_1297 = tpu.vector_load_idx %arg7[%get3A_1296] : memref<50000xf32, #tpu.memory_space<vmem>>[vector<16xi32>], vector<16xf32>,
      %swap3A_1298 = arith.constant 432 : index
      %swap3A_1299 = tpu.vector_load %arg10[%swap3A_1298] {strides = array<i32>} : memref<720xf32, #tpu.memory_space<vmem>>, vector<16xf32>,
      tpu.vector_store %arg10[%swap3A_1298], %gather3A_1297 {strides = array<i32>} : memref<720xf32, #tpu.memory_space<vmem>>, vector<16xf32>,
      %gather3A_1300 = tpu.vector_load_idx %arg8[%get3A_1296] : memref<50000xf32, #tpu.memory_space<vmem>>[vector<16xi32>], vector<16xf32>,
      %swap3A_1301 = arith.constant 432 : index
      %swap3A_1302 = tpu.vector_load %arg12[%swap3A_1301] {strides = array<i32>} : memref<720xf32, #tpu.memory_space<vmem>>, vector<16xf32>,
      tpu.vector_store %arg12[%swap3A_1301], %gather3A_1300 {strides = array<i32>} : memref<720xf32, #tpu.memory_space<vmem>>, vector<16xf32>,
      %mul3A_1303 = arith.constant 720 : i32
      %mul3A_1304 = arith.muli %add3A_961, %mul3A_1303 : i32
      %add3A_1305 = arith.constant 448 : i32
      %add3A_1306 = arith.addi %mul3A_1304, %add3A_1305 : i32
      %get3A_1307 = arith.index_cast %add3A_1306 : i32 to index
      %get3A_1308 = tpu.vector_load %arg9[%get3A_1307] {strides = array<i32>} : memref<13680xi32, #tpu.memory_space<vmem>>, vector<16xi32>,
      %gather3A_1309 = tpu.vector_load_idx %arg7[%get3A_1308] : memref<50000xf32, #tpu.memory_space<vmem>>[vector<16xi32>], vector<16xf32>,
      %swap3A_1310 = arith.constant 448 : index
      %swap3A_1311 = tpu.vector_load %arg10[%swap3A_1310] {strides = array<i32>} : memref<720xf32, #tpu.memory_space<vmem>>, vector<16xf32>,
      tpu.vector_store %arg10[%swap3A_1310], %gather3A_1309 {strides = array<i32>} : memref<720xf32, #tpu.memory_space<vmem>>, vector<16xf32>,
      %gather3A_1312 = tpu.vector_load_idx %arg8[%get3A_1308] : memref<50000xf32, #tpu.memory_space<vmem>>[vector<16xi32>], vector<16xf32>,
      %swap3A_1313 = arith.constant 448 : index
      %swap3A_1314 = tpu.vector_load %arg12[%swap3A_1313] {strides = array<i32>} : memref<720xf32, #tpu.memory_space<vmem>>, vector<16xf32>,
      tpu.vector_store %arg12[%swap3A_1313], %gather3A_1312 {strides = array<i32>} : memref<720xf32, #tpu.memory_space<vmem>>, vector<16xf32>,
      %mul3A_1315 = arith.constant 720 : i32
      %mul3A_1316 = arith.muli %add3A_961, %mul3A_1315 : i32
      %add3A_1317 = arith.constant 464 : i32
      %add3A_1318 = arith.addi %mul3A_1316, %add3A_1317 : i32
      %get3A_1319 = arith.index_cast %add3A_1318 : i32 to index
      %get3A_1320 = tpu.vector_load %arg9[%get3A_1319] {strides = array<i32>} : memref<13680xi32, #tpu.memory_space<vmem>>, vector<16xi32>,
      %gather3A_1321 = tpu.vector_load_idx %arg7[%get3A_1320] : memref<50000xf32, #tpu.memory_space<vmem>>[vector<16xi32>], vector<16xf32>,
      %swap3A_1322 = arith.constant 464 : index
      %swap3A_1323 = tpu.vector_load %arg10[%swap3A_1322] {strides = array<i32>} : memref<720xf32, #tpu.memory_space<vmem>>, vector<16xf32>,
      tpu.vector_store %arg10[%swap3A_1322], %gather3A_1321 {strides = array<i32>} : memref<720xf32, #tpu.memory_space<vmem>>, vector<16xf32>,
      %gather3A_1324 = tpu.vector_load_idx %arg8[%get3A_1320] : memref<50000xf32, #tpu.memory_space<vmem>>[vector<16xi32>], vector<16xf32>,
      %swap3A_1325 = arith.constant 464 : index
      %swap3A_1326 = tpu.vector_load %arg12[%swap3A_1325] {strides = array<i32>} : memref<720xf32, #tpu.memory_space<vmem>>, vector<16xf32>,
      tpu.vector_store %arg12[%swap3A_1325], %gather3A_1324 {strides = array<i32>} : memref<720xf32, #tpu.memory_space<vmem>>, vector<16xf32>,
      %mul3A_1327 = arith.constant 720 : i32
      %mul3A_1328 = arith.muli %add3A_961, %mul3A_1327 : i32
      %add3A_1329 = arith.constant 480 : i32
      %add3A_1330 = arith.addi %mul3A_1328, %add3A_1329 : i32
      %get3A_1331 = arith.index_cast %add3A_1330 : i32 to index
      %get3A_1332 = tpu.vector_load %arg9[%get3A_1331] {strides = array<i32>} : memref<13680xi32, #tpu.memory_space<vmem>>, vector<16xi32>,
      %gather3A_1333 = tpu.vector_load_idx %arg7[%get3A_1332] : memref<50000xf32, #tpu.memory_space<vmem>>[vector<16xi32>], vector<16xf32>,
      %swap3A_1334 = arith.constant 480 : index
      %swap3A_1335 = tpu.vector_load %arg10[%swap3A_1334] {strides = array<i32>} : memref<720xf32, #tpu.memory_space<vmem>>, vector<16xf32>,
      tpu.vector_store %arg10[%swap3A_1334], %gather3A_1333 {strides = array<i32>} : memref<720xf32, #tpu.memory_space<vmem>>, vector<16xf32>,
      %gather3A_1336 = tpu.vector_load_idx %arg8[%get3A_1332] : memref<50000xf32, #tpu.memory_space<vmem>>[vector<16xi32>], vector<16xf32>,
      %swap3A_1337 = arith.constant 480 : index
      %swap3A_1338 = tpu.vector_load %arg12[%swap3A_1337] {strides = array<i32>} : memref<720xf32, #tpu.memory_space<vmem>>, vector<16xf32>,
      tpu.vector_store %arg12[%swap3A_1337], %gather3A_1336 {strides = array<i32>} : memref<720xf32, #tpu.memory_space<vmem>>, vector<16xf32>,
      %mul3A_1339 = arith.constant 720 : i32
      %mul3A_1340 = arith.muli %add3A_961, %mul3A_1339 : i32
      %add3A_1341 = arith.constant 496 : i32
      %add3A_1342 = arith.addi %mul3A_1340, %add3A_1341 : i32
      %get3A_1343 = arith.index_cast %add3A_1342 : i32 to index
      %get3A_1344 = tpu.vector_load %arg9[%get3A_1343] {strides = array<i32>} : memref<13680xi32, #tpu.memory_space<vmem>>, vector<16xi32>,
      %gather3A_1345 = tpu.vector_load_idx %arg7[%get3A_1344] : memref<50000xf32, #tpu.memory_space<vmem>>[vector<16xi32>], vector<16xf32>,
      %swap3A_1346 = arith.constant 496 : index
      %swap3A_1347 = tpu.vector_load %arg10[%swap3A_1346] {strides = array<i32>} : memref<720xf32, #tpu.memory_space<vmem>>, vector<16xf32>,
      tpu.vector_store %arg10[%swap3A_1346], %gather3A_1345 {strides = array<i32>} : memref<720xf32, #tpu.memory_space<vmem>>, vector<16xf32>,
      %gather3A_1348 = tpu.vector_load_idx %arg8[%get3A_1344] : memref<50000xf32, #tpu.memory_space<vmem>>[vector<16xi32>], vector<16xf32>,
      %swap3A_1349 = arith.constant 496 : index
      %swap3A_1350 = tpu.vector_load %arg12[%swap3A_1349] {strides = array<i32>} : memref<720xf32, #tpu.memory_space<vmem>>, vector<16xf32>,
      tpu.vector_store %arg12[%swap3A_1349], %gather3A_1348 {strides = array<i32>} : memref<720xf32, #tpu.memory_space<vmem>>, vector<16xf32>,
      %mul3A_1351 = arith.constant 720 : i32
      %mul3A_1352 = arith.muli %add3A_961, %mul3A_1351 : i32
      %add3A_1353 = arith.constant 512 : i32
      %add3A_1354 = arith.addi %mul3A_1352, %add3A_1353 : i32
      %get3A_1355 = arith.index_cast %add3A_1354 : i32 to index
      %get3A_1356 = tpu.vector_load %arg9[%get3A_1355] {strides = array<i32>} : memref<13680xi32, #tpu.memory_space<vmem>>, vector<16xi32>,
      %gather3A_1357 = tpu.vector_load_idx %arg7[%get3A_1356] : memref<50000xf32, #tpu.memory_space<vmem>>[vector<16xi32>], vector<16xf32>,
      %swap3A_1358 = arith.constant 512 : index
      %swap3A_1359 = tpu.vector_load %arg10[%swap3A_1358] {strides = array<i32>} : memref<720xf32, #tpu.memory_space<vmem>>, vector<16xf32>,
      tpu.vector_store %arg10[%swap3A_1358], %gather3A_1357 {strides = array<i32>} : memref<720xf32, #tpu.memory_space<vmem>>, vector<16xf32>,
      %gather3A_1360 = tpu.vector_load_idx %arg8[%get3A_1356] : memref<50000xf32, #tpu.memory_space<vmem>>[vector<16xi32>], vector<16xf32>,
      %swap3A_1361 = arith.constant 512 : index
      %swap3A_1362 = tpu.vector_load %arg12[%swap3A_1361] {strides = array<i32>} : memref<720xf32, #tpu.memory_space<vmem>>, vector<16xf32>,
      tpu.vector_store %arg12[%swap3A_1361], %gather3A_1360 {strides = array<i32>} : memref<720xf32, #tpu.memory_space<vmem>>, vector<16xf32>,
      %mul3A_1363 = arith.constant 720 : i32
      %mul3A_1364 = arith.muli %add3A_961, %mul3A_1363 : i32
      %add3A_1365 = arith.constant 528 : i32
      %add3A_1366 = arith.addi %mul3A_1364, %add3A_1365 : i32
      %get3A_1367 = arith.index_cast %add3A_1366 : i32 to index
      %get3A_1368 = tpu.vector_load %arg9[%get3A_1367] {strides = array<i32>} : memref<13680xi32, #tpu.memory_space<vmem>>, vector<16xi32>,
      %gather3A_1369 = tpu.vector_load_idx %arg7[%get3A_1368] : memref<50000xf32, #tpu.memory_space<vmem>>[vector<16xi32>], vector<16xf32>,
      %swap3A_1370 = arith.constant 528 : index
      %swap3A_1371 = tpu.vector_load %arg10[%swap3A_1370] {strides = array<i32>} : memref<720xf32, #tpu.memory_space<vmem>>, vector<16xf32>,
      tpu.vector_store %arg10[%swap3A_1370], %gather3A_1369 {strides = array<i32>} : memref<720xf32, #tpu.memory_space<vmem>>, vector<16xf32>,
      %gather3A_1372 = tpu.vector_load_idx %arg8[%get3A_1368] : memref<50000xf32, #tpu.memory_space<vmem>>[vector<16xi32>], vector<16xf32>,
      %swap3A_1373 = arith.constant 528 : index
      %swap3A_1374 = tpu.vector_load %arg12[%swap3A_1373] {strides = array<i32>} : memref<720xf32, #tpu.memory_space<vmem>>, vector<16xf32>,
      tpu.vector_store %arg12[%swap3A_1373], %gather3A_1372 {strides = array<i32>} : memref<720xf32, #tpu.memory_space<vmem>>, vector<16xf32>,
      %mul3A_1375 = arith.constant 720 : i32
      %mul3A_1376 = arith.muli %add3A_961, %mul3A_1375 : i32
      %add3A_1377 = arith.constant 544 : i32
      %add3A_1378 = arith.addi %mul3A_1376, %add3A_1377 : i32
      %get3A_1379 = arith.index_cast %add3A_1378 : i32 to index
      %get3A_1380 = tpu.vector_load %arg9[%get3A_1379] {strides = array<i32>} : memref<13680xi32, #tpu.memory_space<vmem>>, vector<16xi32>,
      %gather3A_1381 = tpu.vector_load_idx %arg7[%get3A_1380] : memref<50000xf32, #tpu.memory_space<vmem>>[vector<16xi32>], vector<16xf32>,
      %swap3A_1382 = arith.constant 544 : index
      %swap3A_1383 = tpu.vector_load %arg10[%swap3A_1382] {strides = array<i32>} : memref<720xf32, #tpu.memory_space<vmem>>, vector<16xf32>,
      tpu.vector_store %arg10[%swap3A_1382], %gather3A_1381 {strides = array<i32>} : memref<720xf32, #tpu.memory_space<vmem>>, vector<16xf32>,
      %gather3A_1384 = tpu.vector_load_idx %arg8[%get3A_1380] : memref<50000xf32, #tpu.memory_space<vmem>>[vector<16xi32>], vector<16xf32>,
      %swap3A_1385 = arith.constant 544 : index
      %swap3A_1386 = tpu.vector_load %arg12[%swap3A_1385] {strides = array<i32>} : memref<720xf32, #tpu.memory_space<vmem>>, vector<16xf32>,
      tpu.vector_store %arg12[%swap3A_1385], %gather3A_1384 {strides = array<i32>} : memref<720xf32, #tpu.memory_space<vmem>>, vector<16xf32>,
      %mul3A_1387 = arith.constant 720 : i32
      %mul3A_1388 = arith.muli %add3A_961, %mul3A_1387 : i32
      %add3A_1389 = arith.constant 560 : i32
      %add3A_1390 = arith.addi %mul3A_1388, %add3A_1389 : i32
      %get3A_1391 = arith.index_cast %add3A_1390 : i32 to index
      %get3A_1392 = tpu.vector_load %arg9[%get3A_1391] {strides = array<i32>} : memref<13680xi32, #tpu.memory_space<vmem>>, vector<16xi32>,
      %gather3A_1393 = tpu.vector_load_idx %arg7[%get3A_1392] : memref<50000xf32, #tpu.memory_space<vmem>>[vector<16xi32>], vector<16xf32>,
      %swap3A_1394 = arith.constant 560 : index
      %swap3A_1395 = tpu.vector_load %arg10[%swap3A_1394] {strides = array<i32>} : memref<720xf32, #tpu.memory_space<vmem>>, vector<16xf32>,
      tpu.vector_store %arg10[%swap3A_1394], %gather3A_1393 {strides = array<i32>} : memref<720xf32, #tpu.memory_space<vmem>>, vector<16xf32>,
      %gather3A_1396 = tpu.vector_load_idx %arg8[%get3A_1392] : memref<50000xf32, #tpu.memory_space<vmem>>[vector<16xi32>], vector<16xf32>,
      %swap3A_1397 = arith.constant 560 : index
      %swap3A_1398 = tpu.vector_load %arg12[%swap3A_1397] {strides = array<i32>} : memref<720xf32, #tpu.memory_space<vmem>>, vector<16xf32>,
      tpu.vector_store %arg12[%swap3A_1397], %gather3A_1396 {strides = array<i32>} : memref<720xf32, #tpu.memory_space<vmem>>, vector<16xf32>,
      %mul3A_1399 = arith.constant 720 : i32
      %mul3A_1400 = arith.muli %add3A_961, %mul3A_1399 : i32
      %add3A_1401 = arith.constant 576 : i32
      %add3A_1402 = arith.addi %mul3A_1400, %add3A_1401 : i32
      %get3A_1403 = arith.index_cast %add3A_1402 : i32 to index
      %get3A_1404 = tpu.vector_load %arg9[%get3A_1403] {strides = array<i32>} : memref<13680xi32, #tpu.memory_space<vmem>>, vector<16xi32>,
      %gather3A_1405 = tpu.vector_load_idx %arg7[%get3A_1404] : memref<50000xf32, #tpu.memory_space<vmem>>[vector<16xi32>], vector<16xf32>,
      %swap3A_1406 = arith.constant 576 : index
      %swap3A_1407 = tpu.vector_load %arg10[%swap3A_1406] {strides = array<i32>} : memref<720xf32, #tpu.memory_space<vmem>>, vector<16xf32>,
      tpu.vector_store %arg10[%swap3A_1406], %gather3A_1405 {strides = array<i32>} : memref<720xf32, #tpu.memory_space<vmem>>, vector<16xf32>,
      %gather3A_1408 = tpu.vector_load_idx %arg8[%get3A_1404] : memref<50000xf32, #tpu.memory_space<vmem>>[vector<16xi32>], vector<16xf32>,
      %swap3A_1409 = arith.constant 576 : index
      %swap3A_1410 = tpu.vector_load %arg12[%swap3A_1409] {strides = array<i32>} : memref<720xf32, #tpu.memory_space<vmem>>, vector<16xf32>,
      tpu.vector_store %arg12[%swap3A_1409], %gather3A_1408 {strides = array<i32>} : memref<720xf32, #tpu.memory_space<vmem>>, vector<16xf32>,
      %mul3A_1411 = arith.constant 720 : i32
      %mul3A_1412 = arith.muli %add3A_961, %mul3A_1411 : i32
      %add3A_1413 = arith.constant 592 : i32
      %add3A_1414 = arith.addi %mul3A_1412, %add3A_1413 : i32
      %get3A_1415 = arith.index_cast %add3A_1414 : i32 to index
      %get3A_1416 = tpu.vector_load %arg9[%get3A_1415] {strides = array<i32>} : memref<13680xi32, #tpu.memory_space<vmem>>, vector<16xi32>,
      %gather3A_1417 = tpu.vector_load_idx %arg7[%get3A_1416] : memref<50000xf32, #tpu.memory_space<vmem>>[vector<16xi32>], vector<16xf32>,
      %swap3A_1418 = arith.constant 592 : index
      %swap3A_1419 = tpu.vector_load %arg10[%swap3A_1418] {strides = array<i32>} : memref<720xf32, #tpu.memory_space<vmem>>, vector<16xf32>,
      tpu.vector_store %arg10[%swap3A_1418], %gather3A_1417 {strides = array<i32>} : memref<720xf32, #tpu.memory_space<vmem>>, vector<16xf32>,
      %gather3A_1420 = tpu.vector_load_idx %arg8[%get3A_1416] : memref<50000xf32, #tpu.memory_space<vmem>>[vector<16xi32>], vector<16xf32>,
      %swap3A_1421 = arith.constant 592 : index
      %swap3A_1422 = tpu.vector_load %arg12[%swap3A_1421] {strides = array<i32>} : memref<720xf32, #tpu.memory_space<vmem>>, vector<16xf32>,
      tpu.vector_store %arg12[%swap3A_1421], %gather3A_1420 {strides = array<i32>} : memref<720xf32, #tpu.memory_space<vmem>>, vector<16xf32>,
      %mul3A_1423 = arith.constant 720 : i32
      %mul3A_1424 = arith.muli %add3A_961, %mul3A_1423 : i32
      %add3A_1425 = arith.constant 608 : i32
      %add3A_1426 = arith.addi %mul3A_1424, %add3A_1425 : i32
      %get3A_1427 = arith.index_cast %add3A_1426 : i32 to index
      %get3A_1428 = tpu.vector_load %arg9[%get3A_1427] {strides = array<i32>} : memref<13680xi32, #tpu.memory_space<vmem>>, vector<16xi32>,
      %gather3A_1429 = tpu.vector_load_idx %arg7[%get3A_1428] : memref<50000xf32, #tpu.memory_space<vmem>>[vector<16xi32>], vector<16xf32>,
      %swap3A_1430 = arith.constant 608 : index
      %swap3A_1431 = tpu.vector_load %arg10[%swap3A_1430] {strides = array<i32>} : memref<720xf32, #tpu.memory_space<vmem>>, vector<16xf32>,
      tpu.vector_store %arg10[%swap3A_1430], %gather3A_1429 {strides = array<i32>} : memref<720xf32, #tpu.memory_space<vmem>>, vector<16xf32>,
      %gather3A_1432 = tpu.vector_load_idx %arg8[%get3A_1428] : memref<50000xf32, #tpu.memory_space<vmem>>[vector<16xi32>], vector<16xf32>,
      %swap3A_1433 = arith.constant 608 : index
      %swap3A_1434 = tpu.vector_load %arg12[%swap3A_1433] {strides = array<i32>} : memref<720xf32, #tpu.memory_space<vmem>>, vector<16xf32>,
      tpu.vector_store %arg12[%swap3A_1433], %gather3A_1432 {strides = array<i32>} : memref<720xf32, #tpu.memory_space<vmem>>, vector<16xf32>,
      %mul3A_1435 = arith.constant 720 : i32
      %mul3A_1436 = arith.muli %add3A_961, %mul3A_1435 : i32
      %add3A_1437 = arith.constant 624 : i32
      %add3A_1438 = arith.addi %mul3A_1436, %add3A_1437 : i32
      %get3A_1439 = arith.index_cast %add3A_1438 : i32 to index
      %get3A_1440 = tpu.vector_load %arg9[%get3A_1439] {strides = array<i32>} : memref<13680xi32, #tpu.memory_space<vmem>>, vector<16xi32>,
      %gather3A_1441 = tpu.vector_load_idx %arg7[%get3A_1440] : memref<50000xf32, #tpu.memory_space<vmem>>[vector<16xi32>], vector<16xf32>,
      %swap3A_1442 = arith.constant 624 : index
      %swap3A_1443 = tpu.vector_load %arg10[%swap3A_1442] {strides = array<i32>} : memref<720xf32, #tpu.memory_space<vmem>>, vector<16xf32>,
      tpu.vector_store %arg10[%swap3A_1442], %gather3A_1441 {strides = array<i32>} : memref<720xf32, #tpu.memory_space<vmem>>, vector<16xf32>,
      %gather3A_1444 = tpu.vector_load_idx %arg8[%get3A_1440] : memref<50000xf32, #tpu.memory_space<vmem>>[vector<16xi32>], vector<16xf32>,
      %swap3A_1445 = arith.constant 624 : index
      %swap3A_1446 = tpu.vector_load %arg12[%swap3A_1445] {strides = array<i32>} : memref<720xf32, #tpu.memory_space<vmem>>, vector<16xf32>,
      tpu.vector_store %arg12[%swap3A_1445], %gather3A_1444 {strides = array<i32>} : memref<720xf32, #tpu.memory_space<vmem>>, vector<16xf32>,
      %mul3A_1447 = arith.constant 720 : i32
      %mul3A_1448 = arith.muli %add3A_961, %mul3A_1447 : i32
      %add3A_1449 = arith.constant 640 : i32
      %add3A_1450 = arith.addi %mul3A_1448, %add3A_1449 : i32
      %get3A_1451 = arith.index_cast %add3A_1450 : i32 to index
      %get3A_1452 = tpu.vector_load %arg9[%get3A_1451] {strides = array<i32>} : memref<13680xi32, #tpu.memory_space<vmem>>, vector<16xi32>,
      %gather3A_1453 = tpu.vector_load_idx %arg7[%get3A_1452] : memref<50000xf32, #tpu.memory_space<vmem>>[vector<16xi32>], vector<16xf32>,
      %swap3A_1454 = arith.constant 640 : index
      %swap3A_1455 = tpu.vector_load %arg10[%swap3A_1454] {strides = array<i32>} : memref<720xf32, #tpu.memory_space<vmem>>, vector<16xf32>,
      tpu.vector_store %arg10[%swap3A_1454], %gather3A_1453 {strides = array<i32>} : memref<720xf32, #tpu.memory_space<vmem>>, vector<16xf32>,
      %gather3A_1456 = tpu.vector_load_idx %arg8[%get3A_1452] : memref<50000xf32, #tpu.memory_space<vmem>>[vector<16xi32>], vector<16xf32>,
      %swap3A_1457 = arith.constant 640 : index
      %swap3A_1458 = tpu.vector_load %arg12[%swap3A_1457] {strides = array<i32>} : memref<720xf32, #tpu.memory_space<vmem>>, vector<16xf32>,
      tpu.vector_store %arg12[%swap3A_1457], %gather3A_1456 {strides = array<i32>} : memref<720xf32, #tpu.memory_space<vmem>>, vector<16xf32>,
      %mul3A_1459 = arith.constant 720 : i32
      %mul3A_1460 = arith.muli %add3A_961, %mul3A_1459 : i32
      %add3A_1461 = arith.constant 656 : i32
      %add3A_1462 = arith.addi %mul3A_1460, %add3A_1461 : i32
      %get3A_1463 = arith.index_cast %add3A_1462 : i32 to index
      %get3A_1464 = tpu.vector_load %arg9[%get3A_1463] {strides = array<i32>} : memref<13680xi32, #tpu.memory_space<vmem>>, vector<16xi32>,
      %gather3A_1465 = tpu.vector_load_idx %arg7[%get3A_1464] : memref<50000xf32, #tpu.memory_space<vmem>>[vector<16xi32>], vector<16xf32>,
      %swap3A_1466 = arith.constant 656 : index
      %swap3A_1467 = tpu.vector_load %arg10[%swap3A_1466] {strides = array<i32>} : memref<720xf32, #tpu.memory_space<vmem>>, vector<16xf32>,
      tpu.vector_store %arg10[%swap3A_1466], %gather3A_1465 {strides = array<i32>} : memref<720xf32, #tpu.memory_space<vmem>>, vector<16xf32>,
      %gather3A_1468 = tpu.vector_load_idx %arg8[%get3A_1464] : memref<50000xf32, #tpu.memory_space<vmem>>[vector<16xi32>], vector<16xf32>,
      %swap3A_1469 = arith.constant 656 : index
      %swap3A_1470 = tpu.vector_load %arg12[%swap3A_1469] {strides = array<i32>} : memref<720xf32, #tpu.memory_space<vmem>>, vector<16xf32>,
      tpu.vector_store %arg12[%swap3A_1469], %gather3A_1468 {strides = array<i32>} : memref<720xf32, #tpu.memory_space<vmem>>, vector<16xf32>,
      %mul3A_1471 = arith.constant 720 : i32
      %mul3A_1472 = arith.muli %add3A_961, %mul3A_1471 : i32
      %add3A_1473 = arith.constant 672 : i32
      %add3A_1474 = arith.addi %mul3A_1472, %add3A_1473 : i32
      %get3A_1475 = arith.index_cast %add3A_1474 : i32 to index
      %get3A_1476 = tpu.vector_load %arg9[%get3A_1475] {strides = array<i32>} : memref<13680xi32, #tpu.memory_space<vmem>>, vector<16xi32>,
      %gather3A_1477 = tpu.vector_load_idx %arg7[%get3A_1476] : memref<50000xf32, #tpu.memory_space<vmem>>[vector<16xi32>], vector<16xf32>,
      %swap3A_1478 = arith.constant 672 : index
      %swap3A_1479 = tpu.vector_load %arg10[%swap3A_1478] {strides = array<i32>} : memref<720xf32, #tpu.memory_space<vmem>>, vector<16xf32>,
      tpu.vector_store %arg10[%swap3A_1478], %gather3A_1477 {strides = array<i32>} : memref<720xf32, #tpu.memory_space<vmem>>, vector<16xf32>,
      %gather3A_1480 = tpu.vector_load_idx %arg8[%get3A_1476] : memref<50000xf32, #tpu.memory_space<vmem>>[vector<16xi32>], vector<16xf32>,
      %swap3A_1481 = arith.constant 672 : index
      %swap3A_1482 = tpu.vector_load %arg12[%swap3A_1481] {strides = array<i32>} : memref<720xf32, #tpu.memory_space<vmem>>, vector<16xf32>,
      tpu.vector_store %arg12[%swap3A_1481], %gather3A_1480 {strides = array<i32>} : memref<720xf32, #tpu.memory_space<vmem>>, vector<16xf32>,
      %mul3A_1483 = arith.constant 720 : i32
      %mul3A_1484 = arith.muli %add3A_961, %mul3A_1483 : i32
      %add3A_1485 = arith.constant 688 : i32
      %add3A_1486 = arith.addi %mul3A_1484, %add3A_1485 : i32
      %get3A_1487 = arith.index_cast %add3A_1486 : i32 to index
      %get3A_1488 = tpu.vector_load %arg9[%get3A_1487] {strides = array<i32>} : memref<13680xi32, #tpu.memory_space<vmem>>, vector<16xi32>,
      %gather3A_1489 = tpu.vector_load_idx %arg7[%get3A_1488] : memref<50000xf32, #tpu.memory_space<vmem>>[vector<16xi32>], vector<16xf32>,
      %swap3A_1490 = arith.constant 688 : index
      %swap3A_1491 = tpu.vector_load %arg10[%swap3A_1490] {strides = array<i32>} : memref<720xf32, #tpu.memory_space<vmem>>, vector<16xf32>,
      tpu.vector_store %arg10[%swap3A_1490], %gather3A_1489 {strides = array<i32>} : memref<720xf32, #tpu.memory_space<vmem>>, vector<16xf32>,
      %gather3A_1492 = tpu.vector_load_idx %arg8[%get3A_1488] : memref<50000xf32, #tpu.memory_space<vmem>>[vector<16xi32>], vector<16xf32>,
      %swap3A_1493 = arith.constant 688 : index
      %swap3A_1494 = tpu.vector_load %arg12[%swap3A_1493] {strides = array<i32>} : memref<720xf32, #tpu.memory_space<vmem>>, vector<16xf32>,
      tpu.vector_store %arg12[%swap3A_1493], %gather3A_1492 {strides = array<i32>} : memref<720xf32, #tpu.memory_space<vmem>>, vector<16xf32>,
      %mul3A_1495 = arith.constant 720 : i32
      %mul3A_1496 = arith.muli %add3A_961, %mul3A_1495 : i32
      %add3A_1497 = arith.constant 704 : i32
      %add3A_1498 = arith.addi %mul3A_1496, %add3A_1497 : i32
      %get3A_1499 = arith.index_cast %add3A_1498 : i32 to index
      %get3A_1500 = tpu.vector_load %arg9[%get3A_1499] {strides = array<i32>} : memref<13680xi32, #tpu.memory_space<vmem>>, vector<16xi32>,
      %gather3A_1501 = tpu.vector_load_idx %arg7[%get3A_1500] : memref<50000xf32, #tpu.memory_space<vmem>>[vector<16xi32>], vector<16xf32>,
      %swap3A_1502 = arith.constant 704 : index
      %swap3A_1503 = tpu.vector_load %arg10[%swap3A_1502] {strides = array<i32>} : memref<720xf32, #tpu.memory_space<vmem>>, vector<16xf32>,
      tpu.vector_store %arg10[%swap3A_1502], %gather3A_1501 {strides = array<i32>} : memref<720xf32, #tpu.memory_space<vmem>>, vector<16xf32>,
      %gather3A_1504 = tpu.vector_load_idx %arg8[%get3A_1500] : memref<50000xf32, #tpu.memory_space<vmem>>[vector<16xi32>], vector<16xf32>,
      %swap3A_1505 = arith.constant 704 : index
      %swap3A_1506 = tpu.vector_load %arg12[%swap3A_1505] {strides = array<i32>} : memref<720xf32, #tpu.memory_space<vmem>>, vector<16xf32>,
      tpu.vector_store %arg12[%swap3A_1505], %gather3A_1504 {strides = array<i32>} : memref<720xf32, #tpu.memory_space<vmem>>, vector<16xf32>,
      %add3A_1507 = arith.addi %add3A_4, %add3A_961 : i32
      %mul3A_1508 = arith.constant 720 : i32
      %mul3A_1509 = arith.muli %add3A_1507, %mul3A_1508 : i32
      %dma_start3A_1510 = tpu.memref_slice %arg5[%mul3A_1509] : memref<450000xf32, #tpu.memory_space<hbm>> -> memref<720xf32, #tpu.memory_space<hbm>>
      %dma_start3A_1511 = tpu.memref_slice %arg5[%mul3A_1509] : memref<450000xf32, #tpu.memory_space<hbm>> -> memref<720xf32, #tpu.memory_space<hbm>>
      tpu.enqueue_dma source(%arg10 : memref<720xf32, #tpu.memory_space<vmem>>) target(%dma_start3A_1511 : memref<720xf32, #tpu.memory_space<hbm>>) target_semaphore(%arg15 : memref<!tpu.dma_semaphore, #tpu.memory_space<semaphore_mem>>)
      %dma_start3A_1512 = tpu.memref_slice %arg6[%mul3A_1509] : memref<450000xf32, #tpu.memory_space<hbm>> -> memref<720xf32, #tpu.memory_space<hbm>>
      %dma_start3A_1513 = tpu.memref_slice %arg6[%mul3A_1509] : memref<450000xf32, #tpu.memory_space<hbm>> -> memref<720xf32, #tpu.memory_space<hbm>>
      tpu.enqueue_dma source(%arg12 : memref<720xf32, #tpu.memory_space<vmem>>) target(%dma_start3A_1513 : memref<720xf32, #tpu.memory_space<hbm>>) target_semaphore(%arg15 : memref<!tpu.dma_semaphore, #tpu.memory_space<semaphore_mem>>)
    }
    %scan3A_380 = arith.constant 9 : i32
    %add3A_381 = arith.constant 19 : i32
    %add3A_382 = arith.addi %add3A_4, %add3A_381 : i32
    %sub3A = arith.constant 2 : i32
    %sub3A_383 = arith.subi %add3A_382, %sub3A : i32
    %mul3A_384 = arith.constant 720 : i32
    %mul3A_385 = arith.muli %sub3A_383, %mul3A_384 : i32
    %dma_wait3A_386 = tpu.memref_slice %arg5[%mul3A_385] : memref<450000xf32, #tpu.memory_space<hbm>> -> memref<720xf32, #tpu.memory_space<hbm>>
    %dma_wait3A_387 = tpu.memref_slice %arg5[%mul3A_385] : memref<450000xf32, #tpu.memory_space<hbm>> -> memref<720xf32, #tpu.memory_space<hbm>>
    tpu.wait_dma2 semaphore(%arg16 : memref<!tpu.dma_semaphore, #tpu.memory_space<semaphore_mem>>) src(%arg11 : memref<720xf32, #tpu.memory_space<vmem>>) dst(%dma_wait3A_387 : memref<720xf32, #tpu.memory_space<hbm>>)
    %dma_wait3A_388 = tpu.memref_slice %arg6[%mul3A_385] : memref<450000xf32, #tpu.memory_space<hbm>> -> memref<720xf32, #tpu.memory_space<hbm>>
    %dma_wait3A_389 = tpu.memref_slice %arg6[%mul3A_385] : memref<450000xf32, #tpu.memory_space<hbm>> -> memref<720xf32, #tpu.memory_space<hbm>>
    tpu.wait_dma2 semaphore(%arg16 : memref<!tpu.dma_semaphore, #tpu.memory_space<semaphore_mem>>) src(%arg13 : memref<720xf32, #tpu.memory_space<vmem>>) dst(%dma_wait3A_389 : memref<720xf32, #tpu.memory_space<hbm>>)
    %add3A_390 = arith.constant 19 : i32
    %add3A_391 = arith.addi %add3A_4, %add3A_390 : i32
    %sub3A_392 = arith.constant 1 : i32
    %sub3A_393 = arith.subi %add3A_391, %sub3A_392 : i32
    %mul3A_394 = arith.constant 720 : i32
    %mul3A_395 = arith.muli %sub3A_393, %mul3A_394 : i32
    %dma_wait3A_396 = tpu.memref_slice %arg5[%mul3A_395] : memref<450000xf32, #tpu.memory_space<hbm>> -> memref<720xf32, #tpu.memory_space<hbm>>
    %dma_wait3A_397 = tpu.memref_slice %arg5[%mul3A_395] : memref<450000xf32, #tpu.memory_space<hbm>> -> memref<720xf32, #tpu.memory_space<hbm>>
    tpu.wait_dma2 semaphore(%arg15 : memref<!tpu.dma_semaphore, #tpu.memory_space<semaphore_mem>>) src(%arg10 : memref<720xf32, #tpu.memory_space<vmem>>) dst(%dma_wait3A_397 : memref<720xf32, #tpu.memory_space<hbm>>)
    %dma_wait3A_398 = tpu.memref_slice %arg6[%mul3A_395] : memref<450000xf32, #tpu.memory_space<hbm>> -> memref<720xf32, #tpu.memory_space<hbm>>
    %dma_wait3A_399 = tpu.memref_slice %arg6[%mul3A_395] : memref<450000xf32, #tpu.memory_space<hbm>> -> memref<720xf32, #tpu.memory_space<hbm>>
    tpu.wait_dma2 semaphore(%arg15 : memref<!tpu.dma_semaphore, #tpu.memory_space<semaphore_mem>>) src(%arg12 : memref<720xf32, #tpu.memory_space<vmem>>) dst(%dma_wait3A_399 : memref<720xf32, #tpu.memory_space<hbm>>)
    %lt3A = arith.constant 17 : i32
    %lt3A_400 = arith.cmpi slt, %add3A, %lt3A : i32
    %convert_element_type3A = arith.extui %lt3A_400 : i1 to i32
    %cond3A = arith.constant 0 : i32
    %cond3A_401 = arith.cmpi ne, %convert_element_type3A, %cond3A : i32
    scf.if %cond3A_401 {
      %add3A_402 = arith.constant 19 : i32
      %add3A_403 = arith.addi %add3A_4, %add3A_402 : i32
      %mul3A_404 = arith.constant 720 : i32
      %mul3A_405 = arith.muli %add3A_403, %mul3A_404 : i32
      "tpu.region"() ({
        %run_scoped3A = tpu.sem_alloc : memref<!tpu.dma_semaphore, #tpu.memory_space<semaphore_mem>>
        %dma_start3A_774 = arith.constant 0 : i32
        %dma_start3A_775 = tpu.memref_slice %arg9[%dma_start3A_774] : memref<13680xi32, #tpu.memory_space<vmem>> -> memref<720xi32, #tpu.memory_space<vmem>>
        %dma_start3A_776 = tpu.memref_slice %arg4[%mul3A_405] : memref<450000xi32, #tpu.memory_space<hbm>> -> memref<720xi32, #tpu.memory_space<hbm>>
        %dma_start3A_777 = arith.constant 0 : i32
        %dma_start3A_778 = tpu.memref_slice %arg9[%dma_start3A_777] : memref<13680xi32, #tpu.memory_space<vmem>> -> memref<720xi32, #tpu.memory_space<vmem>>
        %dma_start3A_779 = tpu.memref_slice %arg4[%mul3A_405] : memref<450000xi32, #tpu.memory_space<hbm>> -> memref<720xi32, #tpu.memory_space<hbm>>
        tpu.enqueue_dma source(%dma_start3A_779 : memref<720xi32, #tpu.memory_space<hbm>>) target(%dma_start3A_778 : memref<720xi32, #tpu.memory_space<vmem>>) target_semaphore(%run_scoped3A : memref<!tpu.dma_semaphore, #tpu.memory_space<semaphore_mem>>)
        %dma_wait3A_780 = arith.constant 0 : i32
        %dma_wait3A_781 = tpu.memref_slice %arg9[%dma_wait3A_780] : memref<13680xi32, #tpu.memory_space<vmem>> -> memref<720xi32, #tpu.memory_space<vmem>>
        %dma_wait3A_782 = tpu.memref_slice %arg4[%mul3A_405] : memref<450000xi32, #tpu.memory_space<hbm>> -> memref<720xi32, #tpu.memory_space<hbm>>
        %dma_wait3A_783 = arith.constant 0 : i32
        %dma_wait3A_784 = tpu.memref_slice %arg9[%dma_wait3A_783] : memref<13680xi32, #tpu.memory_space<vmem>> -> memref<720xi32, #tpu.memory_space<vmem>>
        %dma_wait3A_785 = tpu.memref_slice %arg4[%mul3A_405] : memref<450000xi32, #tpu.memory_space<hbm>> -> memref<720xi32, #tpu.memory_space<hbm>>
        tpu.wait_dma2 semaphore(%run_scoped3A : memref<!tpu.dma_semaphore, #tpu.memory_space<semaphore_mem>>) src(%dma_wait3A_785 : memref<720xi32, #tpu.memory_space<hbm>>) dst(%dma_wait3A_784 : memref<720xi32, #tpu.memory_space<vmem>>)
        tpu.yield
      }) : () -> ()
      %get3A_406 = arith.constant 0 : index
      %get3A_407 = tpu.vector_load %arg9[%get3A_406] {strides = array<i32>} : memref<13680xi32, #tpu.memory_space<vmem>>, vector<16xi32>,
      %gather3A_408 = tpu.vector_load_idx %arg7[%get3A_407] : memref<50000xf32, #tpu.memory_space<vmem>>[vector<16xi32>], vector<16xf32>,
      %swap3A_409 = arith.constant 0 : index
      %swap3A_410 = tpu.vector_load %arg10[%swap3A_409] {strides = array<i32>} : memref<720xf32, #tpu.memory_space<vmem>>, vector<16xf32>,
      tpu.vector_store %arg10[%swap3A_409], %gather3A_408 {strides = array<i32>} : memref<720xf32, #tpu.memory_space<vmem>>, vector<16xf32>,
      %gather3A_411 = tpu.vector_load_idx %arg8[%get3A_407] : memref<50000xf32, #tpu.memory_space<vmem>>[vector<16xi32>], vector<16xf32>,
      %swap3A_412 = arith.constant 0 : index
      %swap3A_413 = tpu.vector_load %arg12[%swap3A_412] {strides = array<i32>} : memref<720xf32, #tpu.memory_space<vmem>>, vector<16xf32>,
      tpu.vector_store %arg12[%swap3A_412], %gather3A_411 {strides = array<i32>} : memref<720xf32, #tpu.memory_space<vmem>>, vector<16xf32>,
      %get3A_414 = arith.constant 16 : index
      %get3A_415 = tpu.vector_load %arg9[%get3A_414] {strides = array<i32>} : memref<13680xi32, #tpu.memory_space<vmem>>, vector<16xi32>,
      %gather3A_416 = tpu.vector_load_idx %arg7[%get3A_415] : memref<50000xf32, #tpu.memory_space<vmem>>[vector<16xi32>], vector<16xf32>,
      %swap3A_417 = arith.constant 16 : index
      %swap3A_418 = tpu.vector_load %arg10[%swap3A_417] {strides = array<i32>} : memref<720xf32, #tpu.memory_space<vmem>>, vector<16xf32>,
      tpu.vector_store %arg10[%swap3A_417], %gather3A_416 {strides = array<i32>} : memref<720xf32, #tpu.memory_space<vmem>>, vector<16xf32>,
      %gather3A_419 = tpu.vector_load_idx %arg8[%get3A_415] : memref<50000xf32, #tpu.memory_space<vmem>>[vector<16xi32>], vector<16xf32>,
      %swap3A_420 = arith.constant 16 : index
      %swap3A_421 = tpu.vector_load %arg12[%swap3A_420] {strides = array<i32>} : memref<720xf32, #tpu.memory_space<vmem>>, vector<16xf32>,
      tpu.vector_store %arg12[%swap3A_420], %gather3A_419 {strides = array<i32>} : memref<720xf32, #tpu.memory_space<vmem>>, vector<16xf32>,
      %get3A_422 = arith.constant 32 : index
      %get3A_423 = tpu.vector_load %arg9[%get3A_422] {strides = array<i32>} : memref<13680xi32, #tpu.memory_space<vmem>>, vector<16xi32>,
      %gather3A_424 = tpu.vector_load_idx %arg7[%get3A_423] : memref<50000xf32, #tpu.memory_space<vmem>>[vector<16xi32>], vector<16xf32>,
      %swap3A_425 = arith.constant 32 : index
      %swap3A_426 = tpu.vector_load %arg10[%swap3A_425] {strides = array<i32>} : memref<720xf32, #tpu.memory_space<vmem>>, vector<16xf32>,
      tpu.vector_store %arg10[%swap3A_425], %gather3A_424 {strides = array<i32>} : memref<720xf32, #tpu.memory_space<vmem>>, vector<16xf32>,
      %gather3A_427 = tpu.vector_load_idx %arg8[%get3A_423] : memref<50000xf32, #tpu.memory_space<vmem>>[vector<16xi32>], vector<16xf32>,
      %swap3A_428 = arith.constant 32 : index
      %swap3A_429 = tpu.vector_load %arg12[%swap3A_428] {strides = array<i32>} : memref<720xf32, #tpu.memory_space<vmem>>, vector<16xf32>,
      tpu.vector_store %arg12[%swap3A_428], %gather3A_427 {strides = array<i32>} : memref<720xf32, #tpu.memory_space<vmem>>, vector<16xf32>,
      %get3A_430 = arith.constant 48 : index
      %get3A_431 = tpu.vector_load %arg9[%get3A_430] {strides = array<i32>} : memref<13680xi32, #tpu.memory_space<vmem>>, vector<16xi32>,
      %gather3A_432 = tpu.vector_load_idx %arg7[%get3A_431] : memref<50000xf32, #tpu.memory_space<vmem>>[vector<16xi32>], vector<16xf32>,
      %swap3A_433 = arith.constant 48 : index
      %swap3A_434 = tpu.vector_load %arg10[%swap3A_433] {strides = array<i32>} : memref<720xf32, #tpu.memory_space<vmem>>, vector<16xf32>,
      tpu.vector_store %arg10[%swap3A_433], %gather3A_432 {strides = array<i32>} : memref<720xf32, #tpu.memory_space<vmem>>, vector<16xf32>,
      %gather3A_435 = tpu.vector_load_idx %arg8[%get3A_431] : memref<50000xf32, #tpu.memory_space<vmem>>[vector<16xi32>], vector<16xf32>,
      %swap3A_436 = arith.constant 48 : index
      %swap3A_437 = tpu.vector_load %arg12[%swap3A_436] {strides = array<i32>} : memref<720xf32, #tpu.memory_space<vmem>>, vector<16xf32>,
      tpu.vector_store %arg12[%swap3A_436], %gather3A_435 {strides = array<i32>} : memref<720xf32, #tpu.memory_space<vmem>>, vector<16xf32>,
      %get3A_438 = arith.constant 64 : index
      %get3A_439 = tpu.vector_load %arg9[%get3A_438] {strides = array<i32>} : memref<13680xi32, #tpu.memory_space<vmem>>, vector<16xi32>,
      %gather3A_440 = tpu.vector_load_idx %arg7[%get3A_439] : memref<50000xf32, #tpu.memory_space<vmem>>[vector<16xi32>], vector<16xf32>,
      %swap3A_441 = arith.constant 64 : index
      %swap3A_442 = tpu.vector_load %arg10[%swap3A_441] {strides = array<i32>} : memref<720xf32, #tpu.memory_space<vmem>>, vector<16xf32>,
      tpu.vector_store %arg10[%swap3A_441], %gather3A_440 {strides = array<i32>} : memref<720xf32, #tpu.memory_space<vmem>>, vector<16xf32>,
      %gather3A_443 = tpu.vector_load_idx %arg8[%get3A_439] : memref<50000xf32, #tpu.memory_space<vmem>>[vector<16xi32>], vector<16xf32>,
      %swap3A_444 = arith.constant 64 : index
      %swap3A_445 = tpu.vector_load %arg12[%swap3A_444] {strides = array<i32>} : memref<720xf32, #tpu.memory_space<vmem>>, vector<16xf32>,
      tpu.vector_store %arg12[%swap3A_444], %gather3A_443 {strides = array<i32>} : memref<720xf32, #tpu.memory_space<vmem>>, vector<16xf32>,
      %get3A_446 = arith.constant 80 : index
      %get3A_447 = tpu.vector_load %arg9[%get3A_446] {strides = array<i32>} : memref<13680xi32, #tpu.memory_space<vmem>>, vector<16xi32>,
      %gather3A_448 = tpu.vector_load_idx %arg7[%get3A_447] : memref<50000xf32, #tpu.memory_space<vmem>>[vector<16xi32>], vector<16xf32>,
      %swap3A_449 = arith.constant 80 : index
      %swap3A_450 = tpu.vector_load %arg10[%swap3A_449] {strides = array<i32>} : memref<720xf32, #tpu.memory_space<vmem>>, vector<16xf32>,
      tpu.vector_store %arg10[%swap3A_449], %gather3A_448 {strides = array<i32>} : memref<720xf32, #tpu.memory_space<vmem>>, vector<16xf32>,
      %gather3A_451 = tpu.vector_load_idx %arg8[%get3A_447] : memref<50000xf32, #tpu.memory_space<vmem>>[vector<16xi32>], vector<16xf32>,
      %swap3A_452 = arith.constant 80 : index
      %swap3A_453 = tpu.vector_load %arg12[%swap3A_452] {strides = array<i32>} : memref<720xf32, #tpu.memory_space<vmem>>, vector<16xf32>,
      tpu.vector_store %arg12[%swap3A_452], %gather3A_451 {strides = array<i32>} : memref<720xf32, #tpu.memory_space<vmem>>, vector<16xf32>,
      %get3A_454 = arith.constant 96 : index
      %get3A_455 = tpu.vector_load %arg9[%get3A_454] {strides = array<i32>} : memref<13680xi32, #tpu.memory_space<vmem>>, vector<16xi32>,
      %gather3A_456 = tpu.vector_load_idx %arg7[%get3A_455] : memref<50000xf32, #tpu.memory_space<vmem>>[vector<16xi32>], vector<16xf32>,
      %swap3A_457 = arith.constant 96 : index
      %swap3A_458 = tpu.vector_load %arg10[%swap3A_457] {strides = array<i32>} : memref<720xf32, #tpu.memory_space<vmem>>, vector<16xf32>,
      tpu.vector_store %arg10[%swap3A_457], %gather3A_456 {strides = array<i32>} : memref<720xf32, #tpu.memory_space<vmem>>, vector<16xf32>,
      %gather3A_459 = tpu.vector_load_idx %arg8[%get3A_455] : memref<50000xf32, #tpu.memory_space<vmem>>[vector<16xi32>], vector<16xf32>,
      %swap3A_460 = arith.constant 96 : index
      %swap3A_461 = tpu.vector_load %arg12[%swap3A_460] {strides = array<i32>} : memref<720xf32, #tpu.memory_space<vmem>>, vector<16xf32>,
      tpu.vector_store %arg12[%swap3A_460], %gather3A_459 {strides = array<i32>} : memref<720xf32, #tpu.memory_space<vmem>>, vector<16xf32>,
      %get3A_462 = arith.constant 112 : index
      %get3A_463 = tpu.vector_load %arg9[%get3A_462] {strides = array<i32>} : memref<13680xi32, #tpu.memory_space<vmem>>, vector<16xi32>,
      %gather3A_464 = tpu.vector_load_idx %arg7[%get3A_463] : memref<50000xf32, #tpu.memory_space<vmem>>[vector<16xi32>], vector<16xf32>,
      %swap3A_465 = arith.constant 112 : index
      %swap3A_466 = tpu.vector_load %arg10[%swap3A_465] {strides = array<i32>} : memref<720xf32, #tpu.memory_space<vmem>>, vector<16xf32>,
      tpu.vector_store %arg10[%swap3A_465], %gather3A_464 {strides = array<i32>} : memref<720xf32, #tpu.memory_space<vmem>>, vector<16xf32>,
      %gather3A_467 = tpu.vector_load_idx %arg8[%get3A_463] : memref<50000xf32, #tpu.memory_space<vmem>>[vector<16xi32>], vector<16xf32>,
      %swap3A_468 = arith.constant 112 : index
      %swap3A_469 = tpu.vector_load %arg12[%swap3A_468] {strides = array<i32>} : memref<720xf32, #tpu.memory_space<vmem>>, vector<16xf32>,
      tpu.vector_store %arg12[%swap3A_468], %gather3A_467 {strides = array<i32>} : memref<720xf32, #tpu.memory_space<vmem>>, vector<16xf32>,
      %get3A_470 = arith.constant 128 : index
      %get3A_471 = tpu.vector_load %arg9[%get3A_470] {strides = array<i32>} : memref<13680xi32, #tpu.memory_space<vmem>>, vector<16xi32>,
      %gather3A_472 = tpu.vector_load_idx %arg7[%get3A_471] : memref<50000xf32, #tpu.memory_space<vmem>>[vector<16xi32>], vector<16xf32>,
      %swap3A_473 = arith.constant 128 : index
      %swap3A_474 = tpu.vector_load %arg10[%swap3A_473] {strides = array<i32>} : memref<720xf32, #tpu.memory_space<vmem>>, vector<16xf32>,
      tpu.vector_store %arg10[%swap3A_473], %gather3A_472 {strides = array<i32>} : memref<720xf32, #tpu.memory_space<vmem>>, vector<16xf32>,
      %gather3A_475 = tpu.vector_load_idx %arg8[%get3A_471] : memref<50000xf32, #tpu.memory_space<vmem>>[vector<16xi32>], vector<16xf32>,
      %swap3A_476 = arith.constant 128 : index
      %swap3A_477 = tpu.vector_load %arg12[%swap3A_476] {strides = array<i32>} : memref<720xf32, #tpu.memory_space<vmem>>, vector<16xf32>,
      tpu.vector_store %arg12[%swap3A_476], %gather3A_475 {strides = array<i32>} : memref<720xf32, #tpu.memory_space<vmem>>, vector<16xf32>,
      %get3A_478 = arith.constant 144 : index
      %get3A_479 = tpu.vector_load %arg9[%get3A_478] {strides = array<i32>} : memref<13680xi32, #tpu.memory_space<vmem>>, vector<16xi32>,
      %gather3A_480 = tpu.vector_load_idx %arg7[%get3A_479] : memref<50000xf32, #tpu.memory_space<vmem>>[vector<16xi32>], vector<16xf32>,
      %swap3A_481 = arith.constant 144 : index
      %swap3A_482 = tpu.vector_load %arg10[%swap3A_481] {strides = array<i32>} : memref<720xf32, #tpu.memory_space<vmem>>, vector<16xf32>,
      tpu.vector_store %arg10[%swap3A_481], %gather3A_480 {strides = array<i32>} : memref<720xf32, #tpu.memory_space<vmem>>, vector<16xf32>,
      %gather3A_483 = tpu.vector_load_idx %arg8[%get3A_479] : memref<50000xf32, #tpu.memory_space<vmem>>[vector<16xi32>], vector<16xf32>,
      %swap3A_484 = arith.constant 144 : index
      %swap3A_485 = tpu.vector_load %arg12[%swap3A_484] {strides = array<i32>} : memref<720xf32, #tpu.memory_space<vmem>>, vector<16xf32>,
      tpu.vector_store %arg12[%swap3A_484], %gather3A_483 {strides = array<i32>} : memref<720xf32, #tpu.memory_space<vmem>>, vector<16xf32>,
      %get3A_486 = arith.constant 160 : index
      %get3A_487 = tpu.vector_load %arg9[%get3A_486] {strides = array<i32>} : memref<13680xi32, #tpu.memory_space<vmem>>, vector<16xi32>,
      %gather3A_488 = tpu.vector_load_idx %arg7[%get3A_487] : memref<50000xf32, #tpu.memory_space<vmem>>[vector<16xi32>], vector<16xf32>,
      %swap3A_489 = arith.constant 160 : index
      %swap3A_490 = tpu.vector_load %arg10[%swap3A_489] {strides = array<i32>} : memref<720xf32, #tpu.memory_space<vmem>>, vector<16xf32>,
      tpu.vector_store %arg10[%swap3A_489], %gather3A_488 {strides = array<i32>} : memref<720xf32, #tpu.memory_space<vmem>>, vector<16xf32>,
      %gather3A_491 = tpu.vector_load_idx %arg8[%get3A_487] : memref<50000xf32, #tpu.memory_space<vmem>>[vector<16xi32>], vector<16xf32>,
      %swap3A_492 = arith.constant 160 : index
      %swap3A_493 = tpu.vector_load %arg12[%swap3A_492] {strides = array<i32>} : memref<720xf32, #tpu.memory_space<vmem>>, vector<16xf32>,
      tpu.vector_store %arg12[%swap3A_492], %gather3A_491 {strides = array<i32>} : memref<720xf32, #tpu.memory_space<vmem>>, vector<16xf32>,
      %get3A_494 = arith.constant 176 : index
      %get3A_495 = tpu.vector_load %arg9[%get3A_494] {strides = array<i32>} : memref<13680xi32, #tpu.memory_space<vmem>>, vector<16xi32>,
      %gather3A_496 = tpu.vector_load_idx %arg7[%get3A_495] : memref<50000xf32, #tpu.memory_space<vmem>>[vector<16xi32>], vector<16xf32>,
      %swap3A_497 = arith.constant 176 : index
      %swap3A_498 = tpu.vector_load %arg10[%swap3A_497] {strides = array<i32>} : memref<720xf32, #tpu.memory_space<vmem>>, vector<16xf32>,
      tpu.vector_store %arg10[%swap3A_497], %gather3A_496 {strides = array<i32>} : memref<720xf32, #tpu.memory_space<vmem>>, vector<16xf32>,
      %gather3A_499 = tpu.vector_load_idx %arg8[%get3A_495] : memref<50000xf32, #tpu.memory_space<vmem>>[vector<16xi32>], vector<16xf32>,
      %swap3A_500 = arith.constant 176 : index
      %swap3A_501 = tpu.vector_load %arg12[%swap3A_500] {strides = array<i32>} : memref<720xf32, #tpu.memory_space<vmem>>, vector<16xf32>,
      tpu.vector_store %arg12[%swap3A_500], %gather3A_499 {strides = array<i32>} : memref<720xf32, #tpu.memory_space<vmem>>, vector<16xf32>,
      %get3A_502 = arith.constant 192 : index
      %get3A_503 = tpu.vector_load %arg9[%get3A_502] {strides = array<i32>} : memref<13680xi32, #tpu.memory_space<vmem>>, vector<16xi32>,
      %gather3A_504 = tpu.vector_load_idx %arg7[%get3A_503] : memref<50000xf32, #tpu.memory_space<vmem>>[vector<16xi32>], vector<16xf32>,
      %swap3A_505 = arith.constant 192 : index
      %swap3A_506 = tpu.vector_load %arg10[%swap3A_505] {strides = array<i32>} : memref<720xf32, #tpu.memory_space<vmem>>, vector<16xf32>,
      tpu.vector_store %arg10[%swap3A_505], %gather3A_504 {strides = array<i32>} : memref<720xf32, #tpu.memory_space<vmem>>, vector<16xf32>,
      %gather3A_507 = tpu.vector_load_idx %arg8[%get3A_503] : memref<50000xf32, #tpu.memory_space<vmem>>[vector<16xi32>], vector<16xf32>,
      %swap3A_508 = arith.constant 192 : index
      %swap3A_509 = tpu.vector_load %arg12[%swap3A_508] {strides = array<i32>} : memref<720xf32, #tpu.memory_space<vmem>>, vector<16xf32>,
      tpu.vector_store %arg12[%swap3A_508], %gather3A_507 {strides = array<i32>} : memref<720xf32, #tpu.memory_space<vmem>>, vector<16xf32>,
      %get3A_510 = arith.constant 208 : index
      %get3A_511 = tpu.vector_load %arg9[%get3A_510] {strides = array<i32>} : memref<13680xi32, #tpu.memory_space<vmem>>, vector<16xi32>,
      %gather3A_512 = tpu.vector_load_idx %arg7[%get3A_511] : memref<50000xf32, #tpu.memory_space<vmem>>[vector<16xi32>], vector<16xf32>,
      %swap3A_513 = arith.constant 208 : index
      %swap3A_514 = tpu.vector_load %arg10[%swap3A_513] {strides = array<i32>} : memref<720xf32, #tpu.memory_space<vmem>>, vector<16xf32>,
      tpu.vector_store %arg10[%swap3A_513], %gather3A_512 {strides = array<i32>} : memref<720xf32, #tpu.memory_space<vmem>>, vector<16xf32>,
      %gather3A_515 = tpu.vector_load_idx %arg8[%get3A_511] : memref<50000xf32, #tpu.memory_space<vmem>>[vector<16xi32>], vector<16xf32>,
      %swap3A_516 = arith.constant 208 : index
      %swap3A_517 = tpu.vector_load %arg12[%swap3A_516] {strides = array<i32>} : memref<720xf32, #tpu.memory_space<vmem>>, vector<16xf32>,
      tpu.vector_store %arg12[%swap3A_516], %gather3A_515 {strides = array<i32>} : memref<720xf32, #tpu.memory_space<vmem>>, vector<16xf32>,
      %get3A_518 = arith.constant 224 : index
      %get3A_519 = tpu.vector_load %arg9[%get3A_518] {strides = array<i32>} : memref<13680xi32, #tpu.memory_space<vmem>>, vector<16xi32>,
      %gather3A_520 = tpu.vector_load_idx %arg7[%get3A_519] : memref<50000xf32, #tpu.memory_space<vmem>>[vector<16xi32>], vector<16xf32>,
      %swap3A_521 = arith.constant 224 : index
      %swap3A_522 = tpu.vector_load %arg10[%swap3A_521] {strides = array<i32>} : memref<720xf32, #tpu.memory_space<vmem>>, vector<16xf32>,
      tpu.vector_store %arg10[%swap3A_521], %gather3A_520 {strides = array<i32>} : memref<720xf32, #tpu.memory_space<vmem>>, vector<16xf32>,
      %gather3A_523 = tpu.vector_load_idx %arg8[%get3A_519] : memref<50000xf32, #tpu.memory_space<vmem>>[vector<16xi32>], vector<16xf32>,
      %swap3A_524 = arith.constant 224 : index
      %swap3A_525 = tpu.vector_load %arg12[%swap3A_524] {strides = array<i32>} : memref<720xf32, #tpu.memory_space<vmem>>, vector<16xf32>,
      tpu.vector_store %arg12[%swap3A_524], %gather3A_523 {strides = array<i32>} : memref<720xf32, #tpu.memory_space<vmem>>, vector<16xf32>,
      %get3A_526 = arith.constant 240 : index
      %get3A_527 = tpu.vector_load %arg9[%get3A_526] {strides = array<i32>} : memref<13680xi32, #tpu.memory_space<vmem>>, vector<16xi32>,
      %gather3A_528 = tpu.vector_load_idx %arg7[%get3A_527] : memref<50000xf32, #tpu.memory_space<vmem>>[vector<16xi32>], vector<16xf32>,
      %swap3A_529 = arith.constant 240 : index
      %swap3A_530 = tpu.vector_load %arg10[%swap3A_529] {strides = array<i32>} : memref<720xf32, #tpu.memory_space<vmem>>, vector<16xf32>,
      tpu.vector_store %arg10[%swap3A_529], %gather3A_528 {strides = array<i32>} : memref<720xf32, #tpu.memory_space<vmem>>, vector<16xf32>,
      %gather3A_531 = tpu.vector_load_idx %arg8[%get3A_527] : memref<50000xf32, #tpu.memory_space<vmem>>[vector<16xi32>], vector<16xf32>,
      %swap3A_532 = arith.constant 240 : index
      %swap3A_533 = tpu.vector_load %arg12[%swap3A_532] {strides = array<i32>} : memref<720xf32, #tpu.memory_space<vmem>>, vector<16xf32>,
      tpu.vector_store %arg12[%swap3A_532], %gather3A_531 {strides = array<i32>} : memref<720xf32, #tpu.memory_space<vmem>>, vector<16xf32>,
      %get3A_534 = arith.constant 256 : index
      %get3A_535 = tpu.vector_load %arg9[%get3A_534] {strides = array<i32>} : memref<13680xi32, #tpu.memory_space<vmem>>, vector<16xi32>,
      %gather3A_536 = tpu.vector_load_idx %arg7[%get3A_535] : memref<50000xf32, #tpu.memory_space<vmem>>[vector<16xi32>], vector<16xf32>,
      %swap3A_537 = arith.constant 256 : index
      %swap3A_538 = tpu.vector_load %arg10[%swap3A_537] {strides = array<i32>} : memref<720xf32, #tpu.memory_space<vmem>>, vector<16xf32>,
      tpu.vector_store %arg10[%swap3A_537], %gather3A_536 {strides = array<i32>} : memref<720xf32, #tpu.memory_space<vmem>>, vector<16xf32>,
      %gather3A_539 = tpu.vector_load_idx %arg8[%get3A_535] : memref<50000xf32, #tpu.memory_space<vmem>>[vector<16xi32>], vector<16xf32>,
      %swap3A_540 = arith.constant 256 : index
      %swap3A_541 = tpu.vector_load %arg12[%swap3A_540] {strides = array<i32>} : memref<720xf32, #tpu.memory_space<vmem>>, vector<16xf32>,
      tpu.vector_store %arg12[%swap3A_540], %gather3A_539 {strides = array<i32>} : memref<720xf32, #tpu.memory_space<vmem>>, vector<16xf32>,
      %get3A_542 = arith.constant 272 : index
      %get3A_543 = tpu.vector_load %arg9[%get3A_542] {strides = array<i32>} : memref<13680xi32, #tpu.memory_space<vmem>>, vector<16xi32>,
      %gather3A_544 = tpu.vector_load_idx %arg7[%get3A_543] : memref<50000xf32, #tpu.memory_space<vmem>>[vector<16xi32>], vector<16xf32>,
      %swap3A_545 = arith.constant 272 : index
      %swap3A_546 = tpu.vector_load %arg10[%swap3A_545] {strides = array<i32>} : memref<720xf32, #tpu.memory_space<vmem>>, vector<16xf32>,
      tpu.vector_store %arg10[%swap3A_545], %gather3A_544 {strides = array<i32>} : memref<720xf32, #tpu.memory_space<vmem>>, vector<16xf32>,
      %gather3A_547 = tpu.vector_load_idx %arg8[%get3A_543] : memref<50000xf32, #tpu.memory_space<vmem>>[vector<16xi32>], vector<16xf32>,
      %swap3A_548 = arith.constant 272 : index
      %swap3A_549 = tpu.vector_load %arg12[%swap3A_548] {strides = array<i32>} : memref<720xf32, #tpu.memory_space<vmem>>, vector<16xf32>,
      tpu.vector_store %arg12[%swap3A_548], %gather3A_547 {strides = array<i32>} : memref<720xf32, #tpu.memory_space<vmem>>, vector<16xf32>,
      %get3A_550 = arith.constant 288 : index
      %get3A_551 = tpu.vector_load %arg9[%get3A_550] {strides = array<i32>} : memref<13680xi32, #tpu.memory_space<vmem>>, vector<16xi32>,
      %gather3A_552 = tpu.vector_load_idx %arg7[%get3A_551] : memref<50000xf32, #tpu.memory_space<vmem>>[vector<16xi32>], vector<16xf32>,
      %swap3A_553 = arith.constant 288 : index
      %swap3A_554 = tpu.vector_load %arg10[%swap3A_553] {strides = array<i32>} : memref<720xf32, #tpu.memory_space<vmem>>, vector<16xf32>,
      tpu.vector_store %arg10[%swap3A_553], %gather3A_552 {strides = array<i32>} : memref<720xf32, #tpu.memory_space<vmem>>, vector<16xf32>,
      %gather3A_555 = tpu.vector_load_idx %arg8[%get3A_551] : memref<50000xf32, #tpu.memory_space<vmem>>[vector<16xi32>], vector<16xf32>,
      %swap3A_556 = arith.constant 288 : index
      %swap3A_557 = tpu.vector_load %arg12[%swap3A_556] {strides = array<i32>} : memref<720xf32, #tpu.memory_space<vmem>>, vector<16xf32>,
      tpu.vector_store %arg12[%swap3A_556], %gather3A_555 {strides = array<i32>} : memref<720xf32, #tpu.memory_space<vmem>>, vector<16xf32>,
      %get3A_558 = arith.constant 304 : index
      %get3A_559 = tpu.vector_load %arg9[%get3A_558] {strides = array<i32>} : memref<13680xi32, #tpu.memory_space<vmem>>, vector<16xi32>,
      %gather3A_560 = tpu.vector_load_idx %arg7[%get3A_559] : memref<50000xf32, #tpu.memory_space<vmem>>[vector<16xi32>], vector<16xf32>,
      %swap3A_561 = arith.constant 304 : index
      %swap3A_562 = tpu.vector_load %arg10[%swap3A_561] {strides = array<i32>} : memref<720xf32, #tpu.memory_space<vmem>>, vector<16xf32>,
      tpu.vector_store %arg10[%swap3A_561], %gather3A_560 {strides = array<i32>} : memref<720xf32, #tpu.memory_space<vmem>>, vector<16xf32>,
      %gather3A_563 = tpu.vector_load_idx %arg8[%get3A_559] : memref<50000xf32, #tpu.memory_space<vmem>>[vector<16xi32>], vector<16xf32>,
      %swap3A_564 = arith.constant 304 : index
      %swap3A_565 = tpu.vector_load %arg12[%swap3A_564] {strides = array<i32>} : memref<720xf32, #tpu.memory_space<vmem>>, vector<16xf32>,
      tpu.vector_store %arg12[%swap3A_564], %gather3A_563 {strides = array<i32>} : memref<720xf32, #tpu.memory_space<vmem>>, vector<16xf32>,
      %get3A_566 = arith.constant 320 : index
      %get3A_567 = tpu.vector_load %arg9[%get3A_566] {strides = array<i32>} : memref<13680xi32, #tpu.memory_space<vmem>>, vector<16xi32>,
      %gather3A_568 = tpu.vector_load_idx %arg7[%get3A_567] : memref<50000xf32, #tpu.memory_space<vmem>>[vector<16xi32>], vector<16xf32>,
      %swap3A_569 = arith.constant 320 : index
      %swap3A_570 = tpu.vector_load %arg10[%swap3A_569] {strides = array<i32>} : memref<720xf32, #tpu.memory_space<vmem>>, vector<16xf32>,
      tpu.vector_store %arg10[%swap3A_569], %gather3A_568 {strides = array<i32>} : memref<720xf32, #tpu.memory_space<vmem>>, vector<16xf32>,
      %gather3A_571 = tpu.vector_load_idx %arg8[%get3A_567] : memref<50000xf32, #tpu.memory_space<vmem>>[vector<16xi32>], vector<16xf32>,
      %swap3A_572 = arith.constant 320 : index
      %swap3A_573 = tpu.vector_load %arg12[%swap3A_572] {strides = array<i32>} : memref<720xf32, #tpu.memory_space<vmem>>, vector<16xf32>,
      tpu.vector_store %arg12[%swap3A_572], %gather3A_571 {strides = array<i32>} : memref<720xf32, #tpu.memory_space<vmem>>, vector<16xf32>,
      %get3A_574 = arith.constant 336 : index
      %get3A_575 = tpu.vector_load %arg9[%get3A_574] {strides = array<i32>} : memref<13680xi32, #tpu.memory_space<vmem>>, vector<16xi32>,
      %gather3A_576 = tpu.vector_load_idx %arg7[%get3A_575] : memref<50000xf32, #tpu.memory_space<vmem>>[vector<16xi32>], vector<16xf32>,
      %swap3A_577 = arith.constant 336 : index
      %swap3A_578 = tpu.vector_load %arg10[%swap3A_577] {strides = array<i32>} : memref<720xf32, #tpu.memory_space<vmem>>, vector<16xf32>,
      tpu.vector_store %arg10[%swap3A_577], %gather3A_576 {strides = array<i32>} : memref<720xf32, #tpu.memory_space<vmem>>, vector<16xf32>,
      %gather3A_579 = tpu.vector_load_idx %arg8[%get3A_575] : memref<50000xf32, #tpu.memory_space<vmem>>[vector<16xi32>], vector<16xf32>,
      %swap3A_580 = arith.constant 336 : index
      %swap3A_581 = tpu.vector_load %arg12[%swap3A_580] {strides = array<i32>} : memref<720xf32, #tpu.memory_space<vmem>>, vector<16xf32>,
      tpu.vector_store %arg12[%swap3A_580], %gather3A_579 {strides = array<i32>} : memref<720xf32, #tpu.memory_space<vmem>>, vector<16xf32>,
      %get3A_582 = arith.constant 352 : index
      %get3A_583 = tpu.vector_load %arg9[%get3A_582] {strides = array<i32>} : memref<13680xi32, #tpu.memory_space<vmem>>, vector<16xi32>,
      %gather3A_584 = tpu.vector_load_idx %arg7[%get3A_583] : memref<50000xf32, #tpu.memory_space<vmem>>[vector<16xi32>], vector<16xf32>,
      %swap3A_585 = arith.constant 352 : index
      %swap3A_586 = tpu.vector_load %arg10[%swap3A_585] {strides = array<i32>} : memref<720xf32, #tpu.memory_space<vmem>>, vector<16xf32>,
      tpu.vector_store %arg10[%swap3A_585], %gather3A_584 {strides = array<i32>} : memref<720xf32, #tpu.memory_space<vmem>>, vector<16xf32>,
      %gather3A_587 = tpu.vector_load_idx %arg8[%get3A_583] : memref<50000xf32, #tpu.memory_space<vmem>>[vector<16xi32>], vector<16xf32>,
      %swap3A_588 = arith.constant 352 : index
      %swap3A_589 = tpu.vector_load %arg12[%swap3A_588] {strides = array<i32>} : memref<720xf32, #tpu.memory_space<vmem>>, vector<16xf32>,
      tpu.vector_store %arg12[%swap3A_588], %gather3A_587 {strides = array<i32>} : memref<720xf32, #tpu.memory_space<vmem>>, vector<16xf32>,
      %get3A_590 = arith.constant 368 : index
      %get3A_591 = tpu.vector_load %arg9[%get3A_590] {strides = array<i32>} : memref<13680xi32, #tpu.memory_space<vmem>>, vector<16xi32>,
      %gather3A_592 = tpu.vector_load_idx %arg7[%get3A_591] : memref<50000xf32, #tpu.memory_space<vmem>>[vector<16xi32>], vector<16xf32>,
      %swap3A_593 = arith.constant 368 : index
      %swap3A_594 = tpu.vector_load %arg10[%swap3A_593] {strides = array<i32>} : memref<720xf32, #tpu.memory_space<vmem>>, vector<16xf32>,
      tpu.vector_store %arg10[%swap3A_593], %gather3A_592 {strides = array<i32>} : memref<720xf32, #tpu.memory_space<vmem>>, vector<16xf32>,
      %gather3A_595 = tpu.vector_load_idx %arg8[%get3A_591] : memref<50000xf32, #tpu.memory_space<vmem>>[vector<16xi32>], vector<16xf32>,
      %swap3A_596 = arith.constant 368 : index
      %swap3A_597 = tpu.vector_load %arg12[%swap3A_596] {strides = array<i32>} : memref<720xf32, #tpu.memory_space<vmem>>, vector<16xf32>,
      tpu.vector_store %arg12[%swap3A_596], %gather3A_595 {strides = array<i32>} : memref<720xf32, #tpu.memory_space<vmem>>, vector<16xf32>,
      %get3A_598 = arith.constant 384 : index
      %get3A_599 = tpu.vector_load %arg9[%get3A_598] {strides = array<i32>} : memref<13680xi32, #tpu.memory_space<vmem>>, vector<16xi32>,
      %gather3A_600 = tpu.vector_load_idx %arg7[%get3A_599] : memref<50000xf32, #tpu.memory_space<vmem>>[vector<16xi32>], vector<16xf32>,
      %swap3A_601 = arith.constant 384 : index
      %swap3A_602 = tpu.vector_load %arg10[%swap3A_601] {strides = array<i32>} : memref<720xf32, #tpu.memory_space<vmem>>, vector<16xf32>,
      tpu.vector_store %arg10[%swap3A_601], %gather3A_600 {strides = array<i32>} : memref<720xf32, #tpu.memory_space<vmem>>, vector<16xf32>,
      %gather3A_603 = tpu.vector_load_idx %arg8[%get3A_599] : memref<50000xf32, #tpu.memory_space<vmem>>[vector<16xi32>], vector<16xf32>,
      %swap3A_604 = arith.constant 384 : index
      %swap3A_605 = tpu.vector_load %arg12[%swap3A_604] {strides = array<i32>} : memref<720xf32, #tpu.memory_space<vmem>>, vector<16xf32>,
      tpu.vector_store %arg12[%swap3A_604], %gather3A_603 {strides = array<i32>} : memref<720xf32, #tpu.memory_space<vmem>>, vector<16xf32>,
      %get3A_606 = arith.constant 400 : index
      %get3A_607 = tpu.vector_load %arg9[%get3A_606] {strides = array<i32>} : memref<13680xi32, #tpu.memory_space<vmem>>, vector<16xi32>,
      %gather3A_608 = tpu.vector_load_idx %arg7[%get3A_607] : memref<50000xf32, #tpu.memory_space<vmem>>[vector<16xi32>], vector<16xf32>,
      %swap3A_609 = arith.constant 400 : index
      %swap3A_610 = tpu.vector_load %arg10[%swap3A_609] {strides = array<i32>} : memref<720xf32, #tpu.memory_space<vmem>>, vector<16xf32>,
      tpu.vector_store %arg10[%swap3A_609], %gather3A_608 {strides = array<i32>} : memref<720xf32, #tpu.memory_space<vmem>>, vector<16xf32>,
      %gather3A_611 = tpu.vector_load_idx %arg8[%get3A_607] : memref<50000xf32, #tpu.memory_space<vmem>>[vector<16xi32>], vector<16xf32>,
      %swap3A_612 = arith.constant 400 : index
      %swap3A_613 = tpu.vector_load %arg12[%swap3A_612] {strides = array<i32>} : memref<720xf32, #tpu.memory_space<vmem>>, vector<16xf32>,
      tpu.vector_store %arg12[%swap3A_612], %gather3A_611 {strides = array<i32>} : memref<720xf32, #tpu.memory_space<vmem>>, vector<16xf32>,
      %get3A_614 = arith.constant 416 : index
      %get3A_615 = tpu.vector_load %arg9[%get3A_614] {strides = array<i32>} : memref<13680xi32, #tpu.memory_space<vmem>>, vector<16xi32>,
      %gather3A_616 = tpu.vector_load_idx %arg7[%get3A_615] : memref<50000xf32, #tpu.memory_space<vmem>>[vector<16xi32>], vector<16xf32>,
      %swap3A_617 = arith.constant 416 : index
      %swap3A_618 = tpu.vector_load %arg10[%swap3A_617] {strides = array<i32>} : memref<720xf32, #tpu.memory_space<vmem>>, vector<16xf32>,
      tpu.vector_store %arg10[%swap3A_617], %gather3A_616 {strides = array<i32>} : memref<720xf32, #tpu.memory_space<vmem>>, vector<16xf32>,
      %gather3A_619 = tpu.vector_load_idx %arg8[%get3A_615] : memref<50000xf32, #tpu.memory_space<vmem>>[vector<16xi32>], vector<16xf32>,
      %swap3A_620 = arith.constant 416 : index
      %swap3A_621 = tpu.vector_load %arg12[%swap3A_620] {strides = array<i32>} : memref<720xf32, #tpu.memory_space<vmem>>, vector<16xf32>,
      tpu.vector_store %arg12[%swap3A_620], %gather3A_619 {strides = array<i32>} : memref<720xf32, #tpu.memory_space<vmem>>, vector<16xf32>,
      %get3A_622 = arith.constant 432 : index
      %get3A_623 = tpu.vector_load %arg9[%get3A_622] {strides = array<i32>} : memref<13680xi32, #tpu.memory_space<vmem>>, vector<16xi32>,
      %gather3A_624 = tpu.vector_load_idx %arg7[%get3A_623] : memref<50000xf32, #tpu.memory_space<vmem>>[vector<16xi32>], vector<16xf32>,
      %swap3A_625 = arith.constant 432 : index
      %swap3A_626 = tpu.vector_load %arg10[%swap3A_625] {strides = array<i32>} : memref<720xf32, #tpu.memory_space<vmem>>, vector<16xf32>,
      tpu.vector_store %arg10[%swap3A_625], %gather3A_624 {strides = array<i32>} : memref<720xf32, #tpu.memory_space<vmem>>, vector<16xf32>,
      %gather3A_627 = tpu.vector_load_idx %arg8[%get3A_623] : memref<50000xf32, #tpu.memory_space<vmem>>[vector<16xi32>], vector<16xf32>,
      %swap3A_628 = arith.constant 432 : index
      %swap3A_629 = tpu.vector_load %arg12[%swap3A_628] {strides = array<i32>} : memref<720xf32, #tpu.memory_space<vmem>>, vector<16xf32>,
      tpu.vector_store %arg12[%swap3A_628], %gather3A_627 {strides = array<i32>} : memref<720xf32, #tpu.memory_space<vmem>>, vector<16xf32>,
      %get3A_630 = arith.constant 448 : index
      %get3A_631 = tpu.vector_load %arg9[%get3A_630] {strides = array<i32>} : memref<13680xi32, #tpu.memory_space<vmem>>, vector<16xi32>,
      %gather3A_632 = tpu.vector_load_idx %arg7[%get3A_631] : memref<50000xf32, #tpu.memory_space<vmem>>[vector<16xi32>], vector<16xf32>,
      %swap3A_633 = arith.constant 448 : index
      %swap3A_634 = tpu.vector_load %arg10[%swap3A_633] {strides = array<i32>} : memref<720xf32, #tpu.memory_space<vmem>>, vector<16xf32>,
      tpu.vector_store %arg10[%swap3A_633], %gather3A_632 {strides = array<i32>} : memref<720xf32, #tpu.memory_space<vmem>>, vector<16xf32>,
      %gather3A_635 = tpu.vector_load_idx %arg8[%get3A_631] : memref<50000xf32, #tpu.memory_space<vmem>>[vector<16xi32>], vector<16xf32>,
      %swap3A_636 = arith.constant 448 : index
      %swap3A_637 = tpu.vector_load %arg12[%swap3A_636] {strides = array<i32>} : memref<720xf32, #tpu.memory_space<vmem>>, vector<16xf32>,
      tpu.vector_store %arg12[%swap3A_636], %gather3A_635 {strides = array<i32>} : memref<720xf32, #tpu.memory_space<vmem>>, vector<16xf32>,
      %get3A_638 = arith.constant 464 : index
      %get3A_639 = tpu.vector_load %arg9[%get3A_638] {strides = array<i32>} : memref<13680xi32, #tpu.memory_space<vmem>>, vector<16xi32>,
      %gather3A_640 = tpu.vector_load_idx %arg7[%get3A_639] : memref<50000xf32, #tpu.memory_space<vmem>>[vector<16xi32>], vector<16xf32>,
      %swap3A_641 = arith.constant 464 : index
      %swap3A_642 = tpu.vector_load %arg10[%swap3A_641] {strides = array<i32>} : memref<720xf32, #tpu.memory_space<vmem>>, vector<16xf32>,
      tpu.vector_store %arg10[%swap3A_641], %gather3A_640 {strides = array<i32>} : memref<720xf32, #tpu.memory_space<vmem>>, vector<16xf32>,
      %gather3A_643 = tpu.vector_load_idx %arg8[%get3A_639] : memref<50000xf32, #tpu.memory_space<vmem>>[vector<16xi32>], vector<16xf32>,
      %swap3A_644 = arith.constant 464 : index
      %swap3A_645 = tpu.vector_load %arg12[%swap3A_644] {strides = array<i32>} : memref<720xf32, #tpu.memory_space<vmem>>, vector<16xf32>,
      tpu.vector_store %arg12[%swap3A_644], %gather3A_643 {strides = array<i32>} : memref<720xf32, #tpu.memory_space<vmem>>, vector<16xf32>,
      %get3A_646 = arith.constant 480 : index
      %get3A_647 = tpu.vector_load %arg9[%get3A_646] {strides = array<i32>} : memref<13680xi32, #tpu.memory_space<vmem>>, vector<16xi32>,
      %gather3A_648 = tpu.vector_load_idx %arg7[%get3A_647] : memref<50000xf32, #tpu.memory_space<vmem>>[vector<16xi32>], vector<16xf32>,
      %swap3A_649 = arith.constant 480 : index
      %swap3A_650 = tpu.vector_load %arg10[%swap3A_649] {strides = array<i32>} : memref<720xf32, #tpu.memory_space<vmem>>, vector<16xf32>,
      tpu.vector_store %arg10[%swap3A_649], %gather3A_648 {strides = array<i32>} : memref<720xf32, #tpu.memory_space<vmem>>, vector<16xf32>,
      %gather3A_651 = tpu.vector_load_idx %arg8[%get3A_647] : memref<50000xf32, #tpu.memory_space<vmem>>[vector<16xi32>], vector<16xf32>,
      %swap3A_652 = arith.constant 480 : index
      %swap3A_653 = tpu.vector_load %arg12[%swap3A_652] {strides = array<i32>} : memref<720xf32, #tpu.memory_space<vmem>>, vector<16xf32>,
      tpu.vector_store %arg12[%swap3A_652], %gather3A_651 {strides = array<i32>} : memref<720xf32, #tpu.memory_space<vmem>>, vector<16xf32>,
      %get3A_654 = arith.constant 496 : index
      %get3A_655 = tpu.vector_load %arg9[%get3A_654] {strides = array<i32>} : memref<13680xi32, #tpu.memory_space<vmem>>, vector<16xi32>,
      %gather3A_656 = tpu.vector_load_idx %arg7[%get3A_655] : memref<50000xf32, #tpu.memory_space<vmem>>[vector<16xi32>], vector<16xf32>,
      %swap3A_657 = arith.constant 496 : index
      %swap3A_658 = tpu.vector_load %arg10[%swap3A_657] {strides = array<i32>} : memref<720xf32, #tpu.memory_space<vmem>>, vector<16xf32>,
      tpu.vector_store %arg10[%swap3A_657], %gather3A_656 {strides = array<i32>} : memref<720xf32, #tpu.memory_space<vmem>>, vector<16xf32>,
      %gather3A_659 = tpu.vector_load_idx %arg8[%get3A_655] : memref<50000xf32, #tpu.memory_space<vmem>>[vector<16xi32>], vector<16xf32>,
      %swap3A_660 = arith.constant 496 : index
      %swap3A_661 = tpu.vector_load %arg12[%swap3A_660] {strides = array<i32>} : memref<720xf32, #tpu.memory_space<vmem>>, vector<16xf32>,
      tpu.vector_store %arg12[%swap3A_660], %gather3A_659 {strides = array<i32>} : memref<720xf32, #tpu.memory_space<vmem>>, vector<16xf32>,
      %get3A_662 = arith.constant 512 : index
      %get3A_663 = tpu.vector_load %arg9[%get3A_662] {strides = array<i32>} : memref<13680xi32, #tpu.memory_space<vmem>>, vector<16xi32>,
      %gather3A_664 = tpu.vector_load_idx %arg7[%get3A_663] : memref<50000xf32, #tpu.memory_space<vmem>>[vector<16xi32>], vector<16xf32>,
      %swap3A_665 = arith.constant 512 : index
      %swap3A_666 = tpu.vector_load %arg10[%swap3A_665] {strides = array<i32>} : memref<720xf32, #tpu.memory_space<vmem>>, vector<16xf32>,
      tpu.vector_store %arg10[%swap3A_665], %gather3A_664 {strides = array<i32>} : memref<720xf32, #tpu.memory_space<vmem>>, vector<16xf32>,
      %gather3A_667 = tpu.vector_load_idx %arg8[%get3A_663] : memref<50000xf32, #tpu.memory_space<vmem>>[vector<16xi32>], vector<16xf32>,
      %swap3A_668 = arith.constant 512 : index
      %swap3A_669 = tpu.vector_load %arg12[%swap3A_668] {strides = array<i32>} : memref<720xf32, #tpu.memory_space<vmem>>, vector<16xf32>,
      tpu.vector_store %arg12[%swap3A_668], %gather3A_667 {strides = array<i32>} : memref<720xf32, #tpu.memory_space<vmem>>, vector<16xf32>,
      %get3A_670 = arith.constant 528 : index
      %get3A_671 = tpu.vector_load %arg9[%get3A_670] {strides = array<i32>} : memref<13680xi32, #tpu.memory_space<vmem>>, vector<16xi32>,
      %gather3A_672 = tpu.vector_load_idx %arg7[%get3A_671] : memref<50000xf32, #tpu.memory_space<vmem>>[vector<16xi32>], vector<16xf32>,
      %swap3A_673 = arith.constant 528 : index
      %swap3A_674 = tpu.vector_load %arg10[%swap3A_673] {strides = array<i32>} : memref<720xf32, #tpu.memory_space<vmem>>, vector<16xf32>,
      tpu.vector_store %arg10[%swap3A_673], %gather3A_672 {strides = array<i32>} : memref<720xf32, #tpu.memory_space<vmem>>, vector<16xf32>,
      %gather3A_675 = tpu.vector_load_idx %arg8[%get3A_671] : memref<50000xf32, #tpu.memory_space<vmem>>[vector<16xi32>], vector<16xf32>,
      %swap3A_676 = arith.constant 528 : index
      %swap3A_677 = tpu.vector_load %arg12[%swap3A_676] {strides = array<i32>} : memref<720xf32, #tpu.memory_space<vmem>>, vector<16xf32>,
      tpu.vector_store %arg12[%swap3A_676], %gather3A_675 {strides = array<i32>} : memref<720xf32, #tpu.memory_space<vmem>>, vector<16xf32>,
      %get3A_678 = arith.constant 544 : index
      %get3A_679 = tpu.vector_load %arg9[%get3A_678] {strides = array<i32>} : memref<13680xi32, #tpu.memory_space<vmem>>, vector<16xi32>,
      %gather3A_680 = tpu.vector_load_idx %arg7[%get3A_679] : memref<50000xf32, #tpu.memory_space<vmem>>[vector<16xi32>], vector<16xf32>,
      %swap3A_681 = arith.constant 544 : index
      %swap3A_682 = tpu.vector_load %arg10[%swap3A_681] {strides = array<i32>} : memref<720xf32, #tpu.memory_space<vmem>>, vector<16xf32>,
      tpu.vector_store %arg10[%swap3A_681], %gather3A_680 {strides = array<i32>} : memref<720xf32, #tpu.memory_space<vmem>>, vector<16xf32>,
      %gather3A_683 = tpu.vector_load_idx %arg8[%get3A_679] : memref<50000xf32, #tpu.memory_space<vmem>>[vector<16xi32>], vector<16xf32>,
      %swap3A_684 = arith.constant 544 : index
      %swap3A_685 = tpu.vector_load %arg12[%swap3A_684] {strides = array<i32>} : memref<720xf32, #tpu.memory_space<vmem>>, vector<16xf32>,
      tpu.vector_store %arg12[%swap3A_684], %gather3A_683 {strides = array<i32>} : memref<720xf32, #tpu.memory_space<vmem>>, vector<16xf32>,
      %get3A_686 = arith.constant 560 : index
      %get3A_687 = tpu.vector_load %arg9[%get3A_686] {strides = array<i32>} : memref<13680xi32, #tpu.memory_space<vmem>>, vector<16xi32>,
      %gather3A_688 = tpu.vector_load_idx %arg7[%get3A_687] : memref<50000xf32, #tpu.memory_space<vmem>>[vector<16xi32>], vector<16xf32>,
      %swap3A_689 = arith.constant 560 : index
      %swap3A_690 = tpu.vector_load %arg10[%swap3A_689] {strides = array<i32>} : memref<720xf32, #tpu.memory_space<vmem>>, vector<16xf32>,
      tpu.vector_store %arg10[%swap3A_689], %gather3A_688 {strides = array<i32>} : memref<720xf32, #tpu.memory_space<vmem>>, vector<16xf32>,
      %gather3A_691 = tpu.vector_load_idx %arg8[%get3A_687] : memref<50000xf32, #tpu.memory_space<vmem>>[vector<16xi32>], vector<16xf32>,
      %swap3A_692 = arith.constant 560 : index
      %swap3A_693 = tpu.vector_load %arg12[%swap3A_692] {strides = array<i32>} : memref<720xf32, #tpu.memory_space<vmem>>, vector<16xf32>,
      tpu.vector_store %arg12[%swap3A_692], %gather3A_691 {strides = array<i32>} : memref<720xf32, #tpu.memory_space<vmem>>, vector<16xf32>,
      %get3A_694 = arith.constant 576 : index
      %get3A_695 = tpu.vector_load %arg9[%get3A_694] {strides = array<i32>} : memref<13680xi32, #tpu.memory_space<vmem>>, vector<16xi32>,
      %gather3A_696 = tpu.vector_load_idx %arg7[%get3A_695] : memref<50000xf32, #tpu.memory_space<vmem>>[vector<16xi32>], vector<16xf32>,
      %swap3A_697 = arith.constant 576 : index
      %swap3A_698 = tpu.vector_load %arg10[%swap3A_697] {strides = array<i32>} : memref<720xf32, #tpu.memory_space<vmem>>, vector<16xf32>,
      tpu.vector_store %arg10[%swap3A_697], %gather3A_696 {strides = array<i32>} : memref<720xf32, #tpu.memory_space<vmem>>, vector<16xf32>,
      %gather3A_699 = tpu.vector_load_idx %arg8[%get3A_695] : memref<50000xf32, #tpu.memory_space<vmem>>[vector<16xi32>], vector<16xf32>,
      %swap3A_700 = arith.constant 576 : index
      %swap3A_701 = tpu.vector_load %arg12[%swap3A_700] {strides = array<i32>} : memref<720xf32, #tpu.memory_space<vmem>>, vector<16xf32>,
      tpu.vector_store %arg12[%swap3A_700], %gather3A_699 {strides = array<i32>} : memref<720xf32, #tpu.memory_space<vmem>>, vector<16xf32>,
      %get3A_702 = arith.constant 592 : index
      %get3A_703 = tpu.vector_load %arg9[%get3A_702] {strides = array<i32>} : memref<13680xi32, #tpu.memory_space<vmem>>, vector<16xi32>,
      %gather3A_704 = tpu.vector_load_idx %arg7[%get3A_703] : memref<50000xf32, #tpu.memory_space<vmem>>[vector<16xi32>], vector<16xf32>,
      %swap3A_705 = arith.constant 592 : index
      %swap3A_706 = tpu.vector_load %arg10[%swap3A_705] {strides = array<i32>} : memref<720xf32, #tpu.memory_space<vmem>>, vector<16xf32>,
      tpu.vector_store %arg10[%swap3A_705], %gather3A_704 {strides = array<i32>} : memref<720xf32, #tpu.memory_space<vmem>>, vector<16xf32>,
      %gather3A_707 = tpu.vector_load_idx %arg8[%get3A_703] : memref<50000xf32, #tpu.memory_space<vmem>>[vector<16xi32>], vector<16xf32>,
      %swap3A_708 = arith.constant 592 : index
      %swap3A_709 = tpu.vector_load %arg12[%swap3A_708] {strides = array<i32>} : memref<720xf32, #tpu.memory_space<vmem>>, vector<16xf32>,
      tpu.vector_store %arg12[%swap3A_708], %gather3A_707 {strides = array<i32>} : memref<720xf32, #tpu.memory_space<vmem>>, vector<16xf32>,
      %get3A_710 = arith.constant 608 : index
      %get3A_711 = tpu.vector_load %arg9[%get3A_710] {strides = array<i32>} : memref<13680xi32, #tpu.memory_space<vmem>>, vector<16xi32>,
      %gather3A_712 = tpu.vector_load_idx %arg7[%get3A_711] : memref<50000xf32, #tpu.memory_space<vmem>>[vector<16xi32>], vector<16xf32>,
      %swap3A_713 = arith.constant 608 : index
      %swap3A_714 = tpu.vector_load %arg10[%swap3A_713] {strides = array<i32>} : memref<720xf32, #tpu.memory_space<vmem>>, vector<16xf32>,
      tpu.vector_store %arg10[%swap3A_713], %gather3A_712 {strides = array<i32>} : memref<720xf32, #tpu.memory_space<vmem>>, vector<16xf32>,
      %gather3A_715 = tpu.vector_load_idx %arg8[%get3A_711] : memref<50000xf32, #tpu.memory_space<vmem>>[vector<16xi32>], vector<16xf32>,
      %swap3A_716 = arith.constant 608 : index
      %swap3A_717 = tpu.vector_load %arg12[%swap3A_716] {strides = array<i32>} : memref<720xf32, #tpu.memory_space<vmem>>, vector<16xf32>,
      tpu.vector_store %arg12[%swap3A_716], %gather3A_715 {strides = array<i32>} : memref<720xf32, #tpu.memory_space<vmem>>, vector<16xf32>,
      %get3A_718 = arith.constant 624 : index
      %get3A_719 = tpu.vector_load %arg9[%get3A_718] {strides = array<i32>} : memref<13680xi32, #tpu.memory_space<vmem>>, vector<16xi32>,
      %gather3A_720 = tpu.vector_load_idx %arg7[%get3A_719] : memref<50000xf32, #tpu.memory_space<vmem>>[vector<16xi32>], vector<16xf32>,
      %swap3A_721 = arith.constant 624 : index
      %swap3A_722 = tpu.vector_load %arg10[%swap3A_721] {strides = array<i32>} : memref<720xf32, #tpu.memory_space<vmem>>, vector<16xf32>,
      tpu.vector_store %arg10[%swap3A_721], %gather3A_720 {strides = array<i32>} : memref<720xf32, #tpu.memory_space<vmem>>, vector<16xf32>,
      %gather3A_723 = tpu.vector_load_idx %arg8[%get3A_719] : memref<50000xf32, #tpu.memory_space<vmem>>[vector<16xi32>], vector<16xf32>,
      %swap3A_724 = arith.constant 624 : index
      %swap3A_725 = tpu.vector_load %arg12[%swap3A_724] {strides = array<i32>} : memref<720xf32, #tpu.memory_space<vmem>>, vector<16xf32>,
      tpu.vector_store %arg12[%swap3A_724], %gather3A_723 {strides = array<i32>} : memref<720xf32, #tpu.memory_space<vmem>>, vector<16xf32>,
      %get3A_726 = arith.constant 640 : index
      %get3A_727 = tpu.vector_load %arg9[%get3A_726] {strides = array<i32>} : memref<13680xi32, #tpu.memory_space<vmem>>, vector<16xi32>,
      %gather3A_728 = tpu.vector_load_idx %arg7[%get3A_727] : memref<50000xf32, #tpu.memory_space<vmem>>[vector<16xi32>], vector<16xf32>,
      %swap3A_729 = arith.constant 640 : index
      %swap3A_730 = tpu.vector_load %arg10[%swap3A_729] {strides = array<i32>} : memref<720xf32, #tpu.memory_space<vmem>>, vector<16xf32>,
      tpu.vector_store %arg10[%swap3A_729], %gather3A_728 {strides = array<i32>} : memref<720xf32, #tpu.memory_space<vmem>>, vector<16xf32>,
      %gather3A_731 = tpu.vector_load_idx %arg8[%get3A_727] : memref<50000xf32, #tpu.memory_space<vmem>>[vector<16xi32>], vector<16xf32>,
      %swap3A_732 = arith.constant 640 : index
      %swap3A_733 = tpu.vector_load %arg12[%swap3A_732] {strides = array<i32>} : memref<720xf32, #tpu.memory_space<vmem>>, vector<16xf32>,
      tpu.vector_store %arg12[%swap3A_732], %gather3A_731 {strides = array<i32>} : memref<720xf32, #tpu.memory_space<vmem>>, vector<16xf32>,
      %get3A_734 = arith.constant 656 : index
      %get3A_735 = tpu.vector_load %arg9[%get3A_734] {strides = array<i32>} : memref<13680xi32, #tpu.memory_space<vmem>>, vector<16xi32>,
      %gather3A_736 = tpu.vector_load_idx %arg7[%get3A_735] : memref<50000xf32, #tpu.memory_space<vmem>>[vector<16xi32>], vector<16xf32>,
      %swap3A_737 = arith.constant 656 : index
      %swap3A_738 = tpu.vector_load %arg10[%swap3A_737] {strides = array<i32>} : memref<720xf32, #tpu.memory_space<vmem>>, vector<16xf32>,
      tpu.vector_store %arg10[%swap3A_737], %gather3A_736 {strides = array<i32>} : memref<720xf32, #tpu.memory_space<vmem>>, vector<16xf32>,
      %gather3A_739 = tpu.vector_load_idx %arg8[%get3A_735] : memref<50000xf32, #tpu.memory_space<vmem>>[vector<16xi32>], vector<16xf32>,
      %swap3A_740 = arith.constant 656 : index
      %swap3A_741 = tpu.vector_load %arg12[%swap3A_740] {strides = array<i32>} : memref<720xf32, #tpu.memory_space<vmem>>, vector<16xf32>,
      tpu.vector_store %arg12[%swap3A_740], %gather3A_739 {strides = array<i32>} : memref<720xf32, #tpu.memory_space<vmem>>, vector<16xf32>,
      %get3A_742 = arith.constant 672 : index
      %get3A_743 = tpu.vector_load %arg9[%get3A_742] {strides = array<i32>} : memref<13680xi32, #tpu.memory_space<vmem>>, vector<16xi32>,
      %gather3A_744 = tpu.vector_load_idx %arg7[%get3A_743] : memref<50000xf32, #tpu.memory_space<vmem>>[vector<16xi32>], vector<16xf32>,
      %swap3A_745 = arith.constant 672 : index
      %swap3A_746 = tpu.vector_load %arg10[%swap3A_745] {strides = array<i32>} : memref<720xf32, #tpu.memory_space<vmem>>, vector<16xf32>,
      tpu.vector_store %arg10[%swap3A_745], %gather3A_744 {strides = array<i32>} : memref<720xf32, #tpu.memory_space<vmem>>, vector<16xf32>,
      %gather3A_747 = tpu.vector_load_idx %arg8[%get3A_743] : memref<50000xf32, #tpu.memory_space<vmem>>[vector<16xi32>], vector<16xf32>,
      %swap3A_748 = arith.constant 672 : index
      %swap3A_749 = tpu.vector_load %arg12[%swap3A_748] {strides = array<i32>} : memref<720xf32, #tpu.memory_space<vmem>>, vector<16xf32>,
      tpu.vector_store %arg12[%swap3A_748], %gather3A_747 {strides = array<i32>} : memref<720xf32, #tpu.memory_space<vmem>>, vector<16xf32>,
      %get3A_750 = arith.constant 688 : index
      %get3A_751 = tpu.vector_load %arg9[%get3A_750] {strides = array<i32>} : memref<13680xi32, #tpu.memory_space<vmem>>, vector<16xi32>,
      %gather3A_752 = tpu.vector_load_idx %arg7[%get3A_751] : memref<50000xf32, #tpu.memory_space<vmem>>[vector<16xi32>], vector<16xf32>,
      %swap3A_753 = arith.constant 688 : index
      %swap3A_754 = tpu.vector_load %arg10[%swap3A_753] {strides = array<i32>} : memref<720xf32, #tpu.memory_space<vmem>>, vector<16xf32>,
      tpu.vector_store %arg10[%swap3A_753], %gather3A_752 {strides = array<i32>} : memref<720xf32, #tpu.memory_space<vmem>>, vector<16xf32>,
      %gather3A_755 = tpu.vector_load_idx %arg8[%get3A_751] : memref<50000xf32, #tpu.memory_space<vmem>>[vector<16xi32>], vector<16xf32>,
      %swap3A_756 = arith.constant 688 : index
      %swap3A_757 = tpu.vector_load %arg12[%swap3A_756] {strides = array<i32>} : memref<720xf32, #tpu.memory_space<vmem>>, vector<16xf32>,
      tpu.vector_store %arg12[%swap3A_756], %gather3A_755 {strides = array<i32>} : memref<720xf32, #tpu.memory_space<vmem>>, vector<16xf32>,
      %get3A_758 = arith.constant 704 : index
      %get3A_759 = tpu.vector_load %arg9[%get3A_758] {strides = array<i32>} : memref<13680xi32, #tpu.memory_space<vmem>>, vector<16xi32>,
      %gather3A_760 = tpu.vector_load_idx %arg7[%get3A_759] : memref<50000xf32, #tpu.memory_space<vmem>>[vector<16xi32>], vector<16xf32>,
      %swap3A_761 = arith.constant 704 : index
      %swap3A_762 = tpu.vector_load %arg10[%swap3A_761] {strides = array<i32>} : memref<720xf32, #tpu.memory_space<vmem>>, vector<16xf32>,
      tpu.vector_store %arg10[%swap3A_761], %gather3A_760 {strides = array<i32>} : memref<720xf32, #tpu.memory_space<vmem>>, vector<16xf32>,
      %gather3A_763 = tpu.vector_load_idx %arg8[%get3A_759] : memref<50000xf32, #tpu.memory_space<vmem>>[vector<16xi32>], vector<16xf32>,
      %swap3A_764 = arith.constant 704 : index
      %swap3A_765 = tpu.vector_load %arg12[%swap3A_764] {strides = array<i32>} : memref<720xf32, #tpu.memory_space<vmem>>, vector<16xf32>,
      tpu.vector_store %arg12[%swap3A_764], %gather3A_763 {strides = array<i32>} : memref<720xf32, #tpu.memory_space<vmem>>, vector<16xf32>,
      %dma_start3A_766 = tpu.memref_slice %arg5[%mul3A_405] : memref<450000xf32, #tpu.memory_space<hbm>> -> memref<720xf32, #tpu.memory_space<hbm>>
      %dma_start3A_767 = tpu.memref_slice %arg5[%mul3A_405] : memref<450000xf32, #tpu.memory_space<hbm>> -> memref<720xf32, #tpu.memory_space<hbm>>
      tpu.enqueue_dma source(%arg10 : memref<720xf32, #tpu.memory_space<vmem>>) target(%dma_start3A_767 : memref<720xf32, #tpu.memory_space<hbm>>) target_semaphore(%arg15 : memref<!tpu.dma_semaphore, #tpu.memory_space<semaphore_mem>>)
      %dma_start3A_768 = tpu.memref_slice %arg6[%mul3A_405] : memref<450000xf32, #tpu.memory_space<hbm>> -> memref<720xf32, #tpu.memory_space<hbm>>
      %dma_start3A_769 = tpu.memref_slice %arg6[%mul3A_405] : memref<450000xf32, #tpu.memory_space<hbm>> -> memref<720xf32, #tpu.memory_space<hbm>>
      tpu.enqueue_dma source(%arg12 : memref<720xf32, #tpu.memory_space<vmem>>) target(%dma_start3A_769 : memref<720xf32, #tpu.memory_space<hbm>>) target_semaphore(%arg15 : memref<!tpu.dma_semaphore, #tpu.memory_space<semaphore_mem>>)
      %dma_wait3A_770 = tpu.memref_slice %arg5[%mul3A_405] : memref<450000xf32, #tpu.memory_space<hbm>> -> memref<720xf32, #tpu.memory_space<hbm>>
      %dma_wait3A_771 = tpu.memref_slice %arg5[%mul3A_405] : memref<450000xf32, #tpu.memory_space<hbm>> -> memref<720xf32, #tpu.memory_space<hbm>>
      tpu.wait_dma2 semaphore(%arg15 : memref<!tpu.dma_semaphore, #tpu.memory_space<semaphore_mem>>) src(%arg10 : memref<720xf32, #tpu.memory_space<vmem>>) dst(%dma_wait3A_771 : memref<720xf32, #tpu.memory_space<hbm>>)
      %dma_wait3A_772 = tpu.memref_slice %arg6[%mul3A_405] : memref<450000xf32, #tpu.memory_space<hbm>> -> memref<720xf32, #tpu.memory_space<hbm>>
      %dma_wait3A_773 = tpu.memref_slice %arg6[%mul3A_405] : memref<450000xf32, #tpu.memory_space<hbm>> -> memref<720xf32, #tpu.memory_space<hbm>>
      tpu.wait_dma2 semaphore(%arg15 : memref<!tpu.dma_semaphore, #tpu.memory_space<semaphore_mem>>) src(%arg12 : memref<720xf32, #tpu.memory_space<vmem>>) dst(%dma_wait3A_773 : memref<720xf32, #tpu.memory_space<hbm>>)
    } else {
    }
    return
  }
}

module attributes {stable_mosaic.version = 14 : i64} {
  func.func @_tc_body(%arg0: i32, %arg1: memref<9x4096xf32, #tpu.memory_space<vmem>>, %arg2: memref<9x4096xf32, #tpu.memory_space<vmem>>, %arg3: memref<9x4096xf32, #tpu.memory_space<vmem>>, %arg4: memref<9x4096xf32, #tpu.memory_space<vmem>>) attributes {dimension_semantics = [#tpu.dimension_semantics<arbitrary>], iteration_bounds = array<i64: 13>, scalar_prefetch = 0 : i64, scratch_operands = 0 : i64, tpu.core_type = #tpu.core_type<tc>, window_params = [{transform_indices = @transform_0, window_bounds = array<i64: 9, 4096>}, {transform_indices = @transform_1, window_bounds = array<i64: 9, 4096>}, {transform_indices = @transform_2, window_bounds = array<i64: 9, 4096>}, {transform_indices = @transform_3, window_bounds = array<i64: 9, 4096>}]} {
    %get3A = arith.constant 0 : index
    %get3A_0 = arith.constant 0 : index
    %get3A_1 = vector.load %arg1[%get3A, %get3A_0] : memref<9x4096xf32, #tpu.memory_space<vmem>>, vector<9x4096xf32>
    %get3A_2 = arith.constant 0 : index
    %get3A_3 = arith.constant 0 : index
    %get3A_4 = vector.load %arg2[%get3A_2, %get3A_3] : memref<9x4096xf32, #tpu.memory_space<vmem>>, vector<9x4096xf32>
    %slice3A = vector.extract_strided_slice %get3A_1 {offsets = [0, 0], sizes = [1, 4096], strides = [1, 1]} : vector<9x4096xf32> to vector<1x4096xf32>
    %slice3A_5 = vector.extract_strided_slice %get3A_4 {offsets = [0, 0], sizes = [1, 4096], strides = [1, 1]} : vector<9x4096xf32> to vector<1x4096xf32>
    %sub3A = vector.broadcast %slice3A : vector<1x4096xf32> to vector<9x4096xf32>
    %sub3A_6 = arith.subf %get3A_1, %sub3A : vector<9x4096xf32>
    %sub3A_7 = vector.broadcast %slice3A_5 : vector<1x4096xf32> to vector<9x4096xf32>
    %sub3A_8 = arith.subf %get3A_4, %sub3A_7 : vector<9x4096xf32>
    %mul3A = arith.constant 5.000000e-01 : f32
    %mul3A_9 = vector.broadcast %mul3A : f32 to vector<9x4096xf32>
    %mul3A_10 = arith.mulf %sub3A_6, %mul3A_9 : vector<9x4096xf32>
    %sin3A = math.sin %mul3A_10 : vector<9x4096xf32>
    %mul3A_11 = arith.constant 5.000000e-01 : f32
    %mul3A_12 = vector.broadcast %mul3A_11 : f32 to vector<9x4096xf32>
    %mul3A_13 = arith.mulf %sub3A_6, %mul3A_12 : vector<9x4096xf32>
    %cos3A = math.cos %mul3A_13 : vector<9x4096xf32>
    %mul3A_14 = arith.constant 2.000000e+00 : f32
    %mul3A_15 = vector.broadcast %mul3A_14 : f32 to vector<9x4096xf32>
    %mul3A_16 = arith.mulf %mul3A_15, %sin3A : vector<9x4096xf32>
    %mul3A_17 = arith.mulf %mul3A_16, %cos3A : vector<9x4096xf32>
    %mul3A_18 = arith.constant 2.000000e+00 : f32
    %mul3A_19 = vector.broadcast %mul3A_18 : f32 to vector<9x4096xf32>
    %mul3A_20 = arith.mulf %mul3A_19, %sin3A : vector<9x4096xf32>
    %mul3A_21 = arith.mulf %mul3A_20, %sin3A : vector<9x4096xf32>
    %sub3A_22 = arith.constant 1.000000e+00 : f32
    %sub3A_23 = vector.broadcast %sub3A_22 : f32 to vector<9x4096xf32>
    %sub3A_24 = arith.subf %sub3A_23, %mul3A_21 : vector<9x4096xf32>
    %mul3A_25 = arith.constant 5.000000e-01 : f32
    %mul3A_26 = vector.broadcast %mul3A_25 : f32 to vector<9x4096xf32>
    %mul3A_27 = arith.mulf %sub3A_8, %mul3A_26 : vector<9x4096xf32>
    %sin3A_28 = math.sin %mul3A_27 : vector<9x4096xf32>
    %cos3A_29 = math.cos %slice3A_5 : vector<1x4096xf32>
    %sin3A_30 = math.sin %slice3A_5 : vector<1x4096xf32>
    %cos3A_31 = math.cos %get3A_4 : vector<9x4096xf32>
    %sin3A_32 = math.sin %get3A_4 : vector<9x4096xf32>
    %mul3A_33 = arith.mulf %sin3A_28, %sin3A_28 : vector<9x4096xf32>
    %mul3A_34 = vector.broadcast %cos3A_29 : vector<1x4096xf32> to vector<9x4096xf32>
    %mul3A_35 = arith.mulf %mul3A_34, %cos3A_31 : vector<9x4096xf32>
    %mul3A_36 = arith.mulf %sin3A, %sin3A : vector<9x4096xf32>
    %mul3A_37 = arith.mulf %mul3A_35, %mul3A_36 : vector<9x4096xf32>
    %add3A = arith.addf %mul3A_33, %mul3A_37 : vector<9x4096xf32>
    %jit3A = arith.constant 0.000000e+00 : f32
    %jit3A_38 = arith.constant 1.000000e+00 : f32
    %max3A = vector.broadcast %jit3A : f32 to vector<9x4096xf32>
    %max3A_39 = arith.maximumf %max3A, %add3A : vector<9x4096xf32>
    %min3A = vector.broadcast %jit3A_38 : f32 to vector<9x4096xf32>
    %min3A_40 = arith.minimumf %min3A, %max3A_39 : vector<9x4096xf32>
    %sqrt3A = math.sqrt %min3A_40 : vector<9x4096xf32>
    %sub3A_41 = arith.constant 1.000000e+00 : f32
    %sub3A_42 = vector.broadcast %sub3A_41 : f32 to vector<9x4096xf32>
    %sub3A_43 = arith.subf %sub3A_42, %min3A_40 : vector<9x4096xf32>
    %sqrt3A_44 = math.sqrt %sub3A_43 : vector<9x4096xf32>
    %atan23A = math.atan2 %sqrt3A, %sqrt3A_44 : vector<9x4096xf32>
    %mul3A_45 = arith.constant 2.000000e+00 : f32
    %mul3A_46 = vector.broadcast %mul3A_45 : f32 to vector<9x4096xf32>
    %mul3A_47 = arith.mulf %mul3A_46, %atan23A : vector<9x4096xf32>
    %swap3A = arith.constant 0 : index
    %swap3A_48 = arith.constant 0 : index
    %swap3A_49 = vector.load %arg3[%swap3A, %swap3A_48] : memref<9x4096xf32, #tpu.memory_space<vmem>>, vector<9x4096xf32>
    tpu.vector_store %arg3[%swap3A, %swap3A_48], %mul3A_47 {strides = array<i32>} : memref<9x4096xf32, #tpu.memory_space<vmem>>, vector<9x4096xf32>,
    %mul3A_50 = arith.mulf %mul3A_17, %cos3A_31 : vector<9x4096xf32>
    %mul3A_51 = vector.broadcast %cos3A_29 : vector<1x4096xf32> to vector<9x4096xf32>
    %mul3A_52 = arith.mulf %mul3A_51, %sin3A_32 : vector<9x4096xf32>
    %mul3A_53 = vector.broadcast %sin3A_30 : vector<1x4096xf32> to vector<9x4096xf32>
    %mul3A_54 = arith.mulf %mul3A_53, %cos3A_31 : vector<9x4096xf32>
    %mul3A_55 = arith.mulf %mul3A_54, %sub3A_24 : vector<9x4096xf32>
    %sub3A_56 = arith.subf %mul3A_52, %mul3A_55 : vector<9x4096xf32>
    %atan23A_57 = math.atan2 %mul3A_50, %sub3A_56 : vector<9x4096xf32>
    %swap3A_58 = arith.constant 0 : index
    %swap3A_59 = arith.constant 0 : index
    %swap3A_60 = vector.load %arg4[%swap3A_58, %swap3A_59] : memref<9x4096xf32, #tpu.memory_space<vmem>>, vector<9x4096xf32>
    tpu.vector_store %arg4[%swap3A_58, %swap3A_59], %atan23A_57 {strides = array<i32>} : memref<9x4096xf32, #tpu.memory_space<vmem>>, vector<9x4096xf32>,
    return
  }
  func.func @transform_0(%arg0: i32) -> (i32, i32) {
    %c0_i32 = arith.constant 0 : i32
    %c0_i32_0 = arith.constant 0 : i32
    return %c0_i32, %arg0 : i32, i32
  }
  func.func @transform_1(%arg0: i32) -> (i32, i32) {
    %c0_i32 = arith.constant 0 : i32
    %c0_i32_0 = arith.constant 0 : i32
    return %c0_i32, %arg0 : i32, i32
  }
  func.func @transform_2(%arg0: i32) -> (i32, i32) {
    %c0_i32 = arith.constant 0 : i32
    %c0_i32_0 = arith.constant 0 : i32
    return %c0_i32, %arg0 : i32, i32
  }
  func.func @transform_3(%arg0: i32) -> (i32, i32) {
    %c0_i32 = arith.constant 0 : i32
    %c0_i32_0 = arith.constant 0 : i32
    return %c0_i32, %arg0 : i32, i32
  }
}

</mosaic_0001>

<sc_bundles>
// kernel: kernel.5.cloned.1.call-start
scs
__scs_entry_jumppad:
0x0: {  	(pc) =	sbr.rel $0x88, $3  }
0x1: {  	(tag) =	ssettag $0x0;
	lr =	simm.s32 $0x1  }
0x2: {  	[smem:$0x3F9D] =	sst lr;
	_ =	strace $0xD0000000  }
0x3: {  	_ = 	snop  }
0x4: {  	_ = 	snop  }
0x5: {  	_ = 	snop  }
0x6: {  	_ = 	snop  }
0x7: {  	_ = 	snop  }
__scs_overlays_trampoline_lowered:
0x8: {  	[smem:$0x3FAC] =	sst s0  }
0x9: {  	[smem:$0x3FAD] =	sst s1  }
0xa: {  	[smem:$0x3FAE] =	sst s2  }
0xb: {  	[smem:$0x3FAF] =	sst s3  }
0xc: {  	[smem:$0x3FB0] =	sst s4  }
0xd: {  	[smem:$0x3FB1] =	sst s5  }
0xe: {  	[smem:$0x3FB2] =	sst s6  }
0xf: {  	[smem:$0x3FB3] =	sst s7  }
0x10: {  	[smem:$0x3FB4] =	sst s8  }
0x11: {  	[smem:$0x3FB5] =	sst s9;
	s0 =	simm.s32 @!p0 $0x0  }
0x12: {  	s1 =	sld [smem:$0x3F9B];
	s0 =	simm.s32 @p0 $0x1  }
0x13: {  	[smem:$0x3FB6] =	sst s0;
	s0 =	simm.s32 @!p1 $0x0  }
0x14: {  	s2 =	sld [smem:$0x3F9A];
	s0 =	simm.s32 @p1 $0x1  }
0x15: {  	[smem:$0x3FB7] =	sst s0;
	s0 =	simm.s32 @!p2 $0x0  }
0x16: {  	s3 =	sld [smem:$0x3FDB];
	s0 =	simm.s32 @p2 $0x1  }
0x17: {  	s4 =	simm.s32 $0x1BF5;
	[smem:$0x3FB9] =	sst s0  }
0x18: {  	s0 =	sld [smem:$0x3F9C];
	_ =	swait.ge [sflag:s4], $0x0  }
0x19: {  	s7 =	sld [smem:$0x3F9D]  }
0x1a: {  	s8 =	sadd.s32 $0xFFFFE003, lr  }
0x1b: {  	s9 =	sadd.s32 $0xFFFFFEF7, lr;
	s5 =	simm.s32 $0xFFFFFFFF;
	p2 =	slt.u32 s8, $0xFFFFF086  }
0x1c: {  	p1 =	slt.u32 s9, $0xF7A;
	s5 =	simm.s32 @!p2 $0x0  }
0x1d: {  	s5 =	simm.s32 @p1 $0x1;
	p0 =	seq.s32 s7, s2  }
0x1e: {  	s7 =	smul.u32 @!p0 $0xF7A, s2;
	p2 =	seq.s32 @!p0 s5, $0x0  }
0x1f: {  	s9 =	smul.u32 $0xF7A, s1;
	s8 =	simm.s32 @!p0 $0x1BF5;
	p2 =	por !p2, p0  }
0x20: {  	[sflag:s8] =	ssyncset.s32 @!p0 $0xFFFFF086;
	s6 =	sadd.s32 @!p0 s3, s7;
	s7 =	simm.s32 @!p0 $0x108  }
0x21: {  	s3 =	sadd.s32 s3, s9;
	s6 =	sadd.s32 @!p0 $0x88, s6;
	s7 =	simm.s32 @p2 $0x1082  }
0x22: {  	[simem:s7], [sflag:s8] =	dma.local @!p0 [hbm:s6], $0xF7A  }
0x23: {  	s9 =	sor.u32 $0xD0000000, s2;
	s6 =	simm.s32 $0x108;
	_ =	swait.ge @!p0 [sflag:s8], $0x0  }
0x24: {  	s3 =	sadd.s32 $0x88, s3;
	s6 =	simm.s32 @!p1 $0x1082;
	[sflag:s4] =	ssyncset.s32 $0xFFFFF086  }
0x25: {  	[simem:s6], [sflag:s4] =	dma.local [hbm:s3], $0xF7A  }
0x26: {  	[smem:$0x3F9D] =	sst s1;
	(tag) =	ssettag s2;
	_ =	strace s9  }
0x27: {  	s1 =	sld [smem:$0x3FAD]  }
0x28: {  	s2 =	sld [smem:$0x3FAE]  }
0x29: {  	s4 =	sld [smem:$0x3FB0]  }
0x2a: {  	p0 =	seq.s32 s5, $0x0;
	s5 =	sld [smem:$0x3FB1]  }
0x2b: {  	s6 =	sld [smem:$0x3FB2]  }
0x2c: {  	s7 =	sld [smem:$0x3FB3]  }
0x2d: {  	s3 =	simm.s32 $0x108;
	s8 =	sld [smem:$0x3FB4]  }
0x2e: {  	s3 =	simm.s32 @!p0 $0x1082;
	s9 =	sld [smem:$0x3FB5]  }
0x2f: {  	lr =	sadd.s32 s0, s3;
	s0 =	sld [smem:$0x3FAC]  }
0x30: {  	s3 =	sld [smem:$0x3FAF]  }
0x31: {  	[smem:$0x3FB8] =	sst s10  }
0x32: {  	s10 =	sld [smem:$0x3FB6];
	_ =	sdelay $0x3  }
0x33: {  	p0 =	seq.s32 s10, $0x1;
	s10 =	sld [smem:$0x3FB8];
	_ =	sdelay $0x3  }
0x34: {  	[smem:$0x3FB8] =	sst s10  }
0x35: {  	s10 =	sld [smem:$0x3FB7];
	_ =	sdelay $0x3  }
0x36: {  	p1 =	seq.s32 s10, $0x1;
	s10 =	sld [smem:$0x3FB8];
	_ =	sdelay $0x3  }
0x37: {  	[smem:$0x3FB8] =	sst s10  }
0x38: {  	s10 =	sld [smem:$0x3FB9]  }
0x39: {  	_ = 	snop;
	(pc) =	sbr.ind lr, $3  }
0x3a: {  	_ = 	snop  }
0x3b: {  	_ = 	snop  }
0x3c: {  	p2 =	seq.s32 s10, $0x1;
	s10 =	sld [smem:$0x3FB8]  }
0x3d: {  	_ =	shalt  }
0x3e: {  	_ =	shalt  }
0x3f: {  	_ =	shalt  }
0x40: {  	_ =	shalt  }
0x41: {  	_ =	shalt  }
0x42: {  	_ =	shalt  }
0x43: {  	_ =	shalt  }
0x44: {  	_ =	shalt  }
0x45: {  	_ =	shalt  }
0x46: {  	_ =	shalt  }
0x47: {  	_ =	shalt  }
0x48: {  	_ =	shalt  }
0x49: {  	_ =	shalt  }
0x4a: {  	_ =	shalt  }
0x4b: {  	_ =	shalt  }
0x4c: {  	_ =	shalt  }
0x4d: {  	_ =	shalt  }
0x4e: {  	_ =	shalt  }
0x4f: {  	_ =	shalt  }
0x50: {  	_ =	shalt  }
0x51: {  	_ =	shalt  }
0x52: {  	_ =	shalt  }
0x53: {  	_ =	shalt  }
0x54: {  	_ =	shalt  }
0x55: {  	_ =	shalt  }
0x56: {  	_ =	shalt  }
0x57: {  	_ =	shalt  }
0x58: {  	_ =	shalt  }
0x59: {  	_ =	shalt  }
0x5a: {  	_ =	shalt  }
0x5b: {  	_ =	shalt  }
0x5c: {  	_ =	shalt  }
0x5d: {  	_ =	shalt  }
0x5e: {  	_ =	shalt  }
0x5f: {  	_ =	shalt  }
0x60: {  	_ =	shalt  }
0x61: {  	_ =	shalt  }
0x62: {  	_ =	shalt  }
0x63: {  	_ =	shalt  }
0x64: {  	_ =	shalt  }
0x65: {  	_ =	shalt  }
0x66: {  	_ =	shalt  }
0x67: {  	_ =	shalt  }
0x68: {  	_ =	shalt  }
0x69: {  	_ =	shalt  }
0x6a: {  	_ =	shalt  }
0x6b: {  	_ =	shalt  }
0x6c: {  	_ =	shalt  }
0x6d: {  	_ =	shalt  }
0x6e: {  	_ =	shalt  }
0x6f: {  	_ =	shalt  }
0x70: {  	_ =	shalt  }
0x71: {  	_ =	shalt  }
0x72: {  	_ =	shalt  }
0x73: {  	_ =	shalt  }
0x74: {  	_ =	shalt  }
0x75: {  	_ =	shalt  }
0x76: {  	_ =	shalt  }
0x77: {  	_ =	shalt  }
0x78: {  	_ =	shalt  }
0x79: {  	_ =	shalt  }
0x7a: {  	_ =	shalt  }
0x7b: {  	_ =	shalt  }
0x7c: {  	_ =	shalt  }
0x7d: {  	_ =	shalt  }
0x7e: {  	_ =	shalt  }
0x7f: {  	_ =	shalt  }
0x80: {  	_ =	shalt  }
0x81: {  	_ =	shalt  }
0x82: {  	_ =	shalt  }
0x83: {  	_ =	shalt  }
0x84: {  	_ =	shalt  }
0x85: {  	_ =	shalt  }
0x86: {  	_ =	shalt  }
0x87: {  	_ =	shalt  }
.Lfunc_end0:
.L_simem_size_0:
called_computation_lowered:
.L_overlay_start_0:
0x88: {  	s2 =	sld [smem:$0x3FD9]  }
0x89: {  	s3 =	sld [smem:$0x3FFE];
	_ =	sdelay $0x1  }
0x8a: {  	s1 =	srdreg.scid  }
0x8b: {  	s0 =	sand.u32 $0x1, s1  }
0x8c: {  	s14 =	sshll.u32 s0, $0xA;
	s2 =	sadd.s32 s3, s2  }
0x8d: {  	s2 =	sadd.s32 s2, s14  }
0x8e: {  	[smem:$0x3FC4] =	sst s2  }
0x8f: {  	_ = 	snop  }
0x90: {  	s2 =	sld [smem:$0x3FD0];
	_ =	sdelay $0x2  }
0x91: {  	s15 =	simm.s32 $0xB;
	s4 =	simm.s32 $0x10  }
0x92: {  	[smem:s4], [sflag:s15] =	dma.local [hbm:s2], $0x1  }
0x93: {  	_ =	swait.eq [sflag:s15], $0x1  }
0x94: {  	[sflag:s15] =	ssyncset.done $0x0  }
0x95: {  	s16 =	sld [smem:$0x12];
	[sflag:s15] =	ssyncadd.s32 $0xFFFFFFFF  }
0x96: {  	s17 =	sld [smem:$0x13];
	(tm) =	ssettm $0x1  }
0x97: {  	s18 =	sld [smem:$0x3FFB];
	_ =	sdelay $0x3  }
0x98: {  	_ =	strace s18  }
0x99: {  	s4 =	sld [smem:$0x3FFC];
	_ =	sdelay $0x3  }
0x9a: {  	_ =	strace s4  }
0x9b: {  	s4 =	sld [smem:$0x3FFD];
	_ =	sdelay $0x3  }
0x9c: {  	_ =	strace s4  }
0x9d: {  	_ =	strace $0x8FFFFFFF  }
0x9e: {  	s19 =	sld [smem:$0x3FDB];
	_ =	sdelay $0x1  }
0x9f: {  	s5 =	simm.s32 $_scs_section_size  }
0xa0: {  	s6 =	simm.s32 $_size__tile_overlayer_lowered;
	s7 =	simm.s32 $_tile_overlayer_lowered  }
0xa1: {  	s22 =	simm.s32 $0x1BFF;
	s21 =	sshll.u32 s7, $0x1;
	s4 =	sadd.s32 s5, s19  }
0xa2: {  	s8 =	simm.s32 $0x0;
	s20 =	sshll.u32 s6, $0x1;
	s6 =	sadd.s32 s21, s4  }
0xa3: {  	[timem:s8], [sflag:s22] =	dma.local [hbm:s6], s20  }
0xa4: {  	_ =	swait.ge [sflag:s22], s20  }
0xa5: {  	s5 =	ssub.s32 $0x0, s20;
	[sflag:s22] =	ssyncset.done $0x0  }
0xa6: {  	[sflag:s22] =	ssyncadd.s32 s5;
	_ =	sdelay $0x1  }
0xa7: {  	s23 =	simm.s32 $0x1B8B  }
0xa8: {  	_ =	swait.ge [sflag:s23], $0x1  }
0xa9: {  	[sflag:s23] =	ssyncset.done $0x0  }
0xaa: {  	s25 =	simm.s32 $0x1B8E;
	s24 =	sld [smem:$0x3FFE];
	[sflag:s23] =	ssyncadd.s32 $0xFFFFFFFF  }
0xab: {  	s26 =	simm.s32 $execute0_lowered;
	[smem:$0x3FD2] =	sst s25  }
0xac: {  	s6 =	sshll.u32 s26, $0x1;
	_ =	strace $0x80000046;
	[dreg:$0x1] =	wrdreg $0xFFFFFFFF  }
0xad: {  	s28 =	simm.s32 $_size_execute0_lowered;
	s4 =	sadd.s32 s4, s6;
	[dreg:$0x0] =	wrdreg $0x0  }
0xae: {  	s6 =	sshll.u32 s28, $0x1;
	[dreg:$0x2] =	wrdreg s4  }
0xaf: {  	[dreg:$0x3] =	wrdreg s6  }
0xb0: {  	[dreg:$0x4] =	wrdreg $0xC0  }
0xb1: {  	_ =	task [dreg:s8], $0x5FFFF  }
0xb2: {  	[dreg:$0x1] =	wrdreg $0xFFFFFFFF  }
0xb3: {  	[dreg:$0x0] =	wrdreg $0x60  }
0xb4: {  	[dreg:$0x2] =	wrdreg s16  }
0xb5: {  	[dreg:$0x3] =	wrdreg s17  }
0xb6: {  	[dreg:$0x4] =	wrdreg s24  }
0xb7: {  	[dreg:$0x5] =	wrdreg $0x9  }
0xb8: {  	_ =	task.clear_ibuf [dreg:s8], $0x6FFFF;
	_ =	strace $0x90000046  }
0xb9: {  	s29 =	simm.s32 $0x9;
	_ =	strace $0x80000048  }
0xba: {  	_ =	swait.ge [sflag:s29], $0x1  }
0xbb: {  	[sflag:s29] =	ssyncadd.s32 $0xFFFFFFFF  }
0xbc: {  	_ =	strace $0x90000048  }
0xbd: {  	_ =	sfence  }
0xbe: {  	s30 =	sld [smem:$0x0];
	_ =	sdelay $0x2  }
0xbf: {  	s31 =	sshll.u32 s1, $0xD;
	s1 =	sshrl.u32 s1, $0x2  }
0xc0: {  	s3 =	sand.u32 $0x4000, s31;
	s1 =	sadd.s32 s1, s30  }
0xc1: {  	s0 =	sor.u32 s3, s0;
	s1 =	sshll.u32 s1, $0x11  }
0xc2: {  	s0 =	sor.u32 s1, s0  }
0xc3: {  	s0 =	sadd.s32 $0x8F2B, s0  }
0xc4: {  	[sflag:s0] =	ssyncadd.remote.s32 $0x1  }
0xc5: {  	_ =	sfence.sel $0xFFFF  }
0xc6: {  	[dreg:$0x0] =	wrdreg $0xFFFFFFFF;
	(pc) =	sbr.abs _section_cstart, $3  }
0xc7: {  	[dreg:$0x1] =	wrdreg $0xFFFFFFFF  }
0xc8: {  	_ =	task.clear_ibuf [dreg:s8], $0x2FFFF;
	_ =	strace $0x9FFFFFFF  }
0xc9: {  	(tm) =	ssettm $0x7FFFFFFF  }
tec
execute0_lowered:
.L_overlay_start_1:
0x0: {  	(tag) =	ssettag $0x1  }
0x1: {  	s1 =	rddreg [dreg:$0x0]  }
0x2: {  	s2 =	srdreg.scid;
	s3 =	rddreg [dreg:$0x1]  }
0x3: {  	s0 =	stileid.u32;
	s5 =	rddreg [dreg:$0x2];
	s4 =	simm.s32 $0x0  }
0x4: {  	s20 =	simm.s32 $0x1C580;
	s21 =	simm.s32 $0x2;
	s23 =	simm.s32 $0x4  }
0x5: {  	s24 =	simm.s32 $0x0;
	s10 =	sand.u32 $0x1, s2;
	s2 =	rddreg [dreg:$0x3]  }
0x6: {  	s29 =	sshll.u32 s0, $0x1;
	[smem:$0x7FF] =	sst s4;
	s9 =	sadd.s32 $0xC00, s5  }
0x7: {  	s14 =	sadd.s32 $0x1C400, s5;
	s15 =	sadd.s32 $0xE800, s5;
	s16 =	smul.u32 $0xD5C, s0  }
0x8: {  	s22 =	sor.u32 s10, s29;
	_ =	strace $0x80000047;
	s17 =	smul.u32 $0x6AE, s10  }
0x9: {  	s7 =	ssub.s32 $0x2, s10;
	s6 =	smul.u32 $0x13, s22;
	s11 =	smin.u32 s22, $0x11  }
0xa: {  	s12 =	sshrl.u32 s7, $0x1;
	s18 =	sadd.s32 s16, s15;
	s30 =	sadd.s32 s16, s14  }
0xb: {  	s16 =	simm.s32 $0x1;
	s19 =	smul.u32 $0x5A, s11;
	s6 =	sadd.s32 s11, s6  }
0xc: {  	p0 =	sgt.u32 s22, $0x10;
	s22 =	simm.s32 $0x3;
	s8 =	smul.u32 $0x5A, s6  }
0xd: {  	s12 =	ssub.s32 s7, s12;
	s31 =	sadd.s32 s17, s18;
	s13 =	smul.u32 $0x2D0, s6  }
0xe: {  	s18 =	simm.s32 $0x1C280;
	s11 =	smax.u32 s12, $0x1;
	s12 =	sadd.s32 s19, s31  }
.Ltmp0:
0xf: {  	s5 =	sadd.s32 s9, s8;
	s13 =	sshrl.u32 s13, $0x3;
	(pc) =	sbr.rel .LBB2_1-.Ltmp0, $4  }
0x10: {  	s6 =	sadd.s32 s14, s8;
	s7 =	sadd.s32 s15, s8;
	s13 =	sadd.s32 $0x6AE, s13  }
0x11: {  	s8 =	sadd.s32 s9, s13;
	s9 =	sadd.s32 s14, s13;
	s10 =	sadd.s32 s15, s13  }
0x12: {  	s14 =	sadd.s32 s17, s30;
	s15 =	simm.s32 $0x18700;
	s17 =	simm.s32 $0x1BC80  }
0x13: {  	s13 =	sadd.s32 s19, s14;
	s14 =	simm.s32 $0xC380;
	s19 =	simm.s32 $0x1BF80  }
.LBB2_5:
0x14: {  	s24 =	sadd.s32 $0x1, s24  }
0x15: {  	p1 =	sne.s32 s24, s11  }
.Ltmp1:
0x16: {  	_ = 	snop;
	(pc) =	sbr.rel @!p1 .LBB2_6-.Ltmp1, $1  }
0x17: {  	_ =	sdelay $0x3  }
.LBB2_1:
0x18: {  	[tilespmem:s4], [sflag:$0x1] =	stream.linear.gather [hbm4b:s1+s4], $0xC380, $0x38;
	[tilespmem:$0x1C880] =	vst v63  }
0x19: {  	_ = 	snop  }
0x1a: {  	[tilespmem:s14], [sflag:$0x1] =	stream.linear.gather [hbm4b:s3+s4], $0xC380, $0x38;
	[tilespmem:$0x1C880] =	vst v63  }
0x1b: {  	_ = 	snop  }
0x1c: {  	[tilespmem:s15], [sflag:$0x1] =	stream.linear.gather [hbm4b:s5+s4], $0x3570, $0x38;
	[tilespmem:$0x1C880] =	vst v63  }
0x1d: {  	_ =	swait.ge [sflag:s16], $0xC380  }
0x1e: {  	[sflag:s16] =	ssyncset.done $0x0  }
0x1f: {  	[sflag:s16] =	ssyncadd.s32 $0xFFFF3C80  }
0x20: {  	_ =	swait.ge [sflag:s16], $0xC380  }
0x21: {  	[sflag:s16] =	ssyncset.done $0x0  }
0x22: {  	[sflag:s16] =	ssyncadd.s32 $0xFFFF3C80  }
0x23: {  	_ =	swait.ge [sflag:s16], $0x3570  }
0x24: {  	[sflag:s16] =	ssyncset.done $0x0  }
0x25: {  	[sflag:s16] =	ssyncadd.s32 $0xFFFFCA90  }
0x26: {  	v0 =	vld [tilespmem:$0x18700];
	_ =	sdelay $0x7  }
0x27: {  	v1 =	vld.idx.msk [tilespmem:v0+s4+$0x0], $0xffff;
	_ =	sdelay $0x3  }
0x28: {  	v2 =	vld [tilespmem:$0x18710]  }
0x29: {  	[tilespmem:$0x1BC80] =	vst v1  }
0x2a: {  	v0 =	vld.idx.msk [tilespmem:v0+s14+$0x0], $0xffff;
	_ =	sdelay $0x4  }
0x2b: {  	[tilespmem:$0x1C280] =	vst v0  }
0x2c: {  	v0 =	vld.idx.msk [tilespmem:v2+s4+$0x0], $0xffff;
	_ =	sdelay $0x3  }
0x2d: {  	v21 =	vld [tilespmem:$0x18720]  }
0x2e: {  	[tilespmem:$0x1BC90] =	vst v0  }
0x2f: {  	v0 =	vld.idx.msk [tilespmem:v2+s14+$0x0], $0xffff;
	_ =	sdelay $0x4  }
0x30: {  	[tilespmem:$0x1C290] =	vst v0  }
0x31: {  	v0 =	vld.idx.msk [tilespmem:v21+s4+$0x0], $0xffff;
	_ =	sdelay $0x3  }
0x32: {  	v22 =	vld [tilespmem:$0x18730]  }
0x33: {  	[tilespmem:$0x1BCA0] =	vst v0  }
0x34: {  	v0 =	vld.idx.msk [tilespmem:v21+s14+$0x0], $0xffff;
	_ =	sdelay $0x4  }
0x35: {  	[tilespmem:$0x1C2A0] =	vst v0  }
0x36: {  	v0 =	vld.idx.msk [tilespmem:v22+s4+$0x0], $0xffff;
	_ =	sdelay $0x3  }
0x37: {  	v23 =	vld [tilespmem:$0x18740]  }
0x38: {  	[tilespmem:$0x1BCB0] =	vst v0  }
0x39: {  	v0 =	vld.idx.msk [tilespmem:v22+s14+$0x0], $0xffff;
	_ =	sdelay $0x4  }
0x3a: {  	[tilespmem:$0x1C2B0] =	vst v0  }
0x3b: {  	v0 =	vld.idx.msk [tilespmem:v23+s4+$0x0], $0xffff;
	_ =	sdelay $0x3  }
0x3c: {  	v24 =	vld [tilespmem:$0x18750]  }
0x3d: {  	[tilespmem:$0x1BCC0] =	vst v0  }
0x3e: {  	v0 =	vld.idx.msk [tilespmem:v23+s14+$0x0], $0xffff;
	_ =	sdelay $0x4  }
0x3f: {  	[tilespmem:$0x1C2C0] =	vst v0  }
0x40: {  	v0 =	vld.idx.msk [tilespmem:v24+s4+$0x0], $0xffff;
	_ =	sdelay $0x3  }
0x41: {  	v25 =	vld [tilespmem:$0x18760]  }
0x42: {  	[tilespmem:$0x1BCD0] =	vst v0  }
0x43: {  	v0 =	vld.idx.msk [tilespmem:v24+s14+$0x0], $0xffff;
	_ =	sdelay $0x4  }
0x44: {  	[tilespmem:$0x1C2D0] =	vst v0  }
0x45: {  	v0 =	vld.idx.msk [tilespmem:v25+s4+$0x0], $0xffff;
	_ =	sdelay $0x3  }
0x46: {  	v26 =	vld [tilespmem:$0x18770]  }
0x47: {  	[tilespmem:$0x1BCE0] =	vst v0  }
0x48: {  	v0 =	vld.idx.msk [tilespmem:v25+s14+$0x0], $0xffff;
	_ =	sdelay $0x4  }
0x49: {  	[tilespmem:$0x1C2E0] =	vst v0  }
0x4a: {  	v0 =	vld.idx.msk [tilespmem:v26+s4+$0x0], $0xffff;
	_ =	sdelay $0x3  }
0x4b: {  	v27 =	vld [tilespmem:$0x18780]  }
0x4c: {  	[tilespmem:$0x1BCF0] =	vst v0  }
0x4d: {  	v0 =	vld.idx.msk [tilespmem:v26+s14+$0x0], $0xffff;
	_ =	sdelay $0x4  }
0x4e: {  	[tilespmem:$0x1C2F0] =	vst v0  }
0x4f: {  	v0 =	vld.idx.msk [tilespmem:v27+s4+$0x0], $0xffff;
	_ =	sdelay $0x3  }
0x50: {  	v28 =	vld [tilespmem:$0x18790]  }
0x51: {  	[tilespmem:$0x1BD00] =	vst v0  }
0x52: {  	v0 =	vld.idx.msk [tilespmem:v27+s14+$0x0], $0xffff;
	_ =	sdelay $0x4  }
0x53: {  	[tilespmem:$0x1C300] =	vst v0  }
0x54: {  	v0 =	vld.idx.msk [tilespmem:v28+s4+$0x0], $0xffff;
	_ =	sdelay $0x3  }
0x55: {  	v29 =	vld [tilespmem:$0x187A0]  }
0x56: {  	[tilespmem:$0x1BD10] =	vst v0  }
0x57: {  	v0 =	vld.idx.msk [tilespmem:v28+s14+$0x0], $0xffff;
	_ =	sdelay $0x4  }
0x58: {  	[tilespmem:$0x1C310] =	vst v0  }
0x59: {  	v0 =	vld.idx.msk [tilespmem:v29+s4+$0x0], $0xffff;
	_ =	sdelay $0x3  }
0x5a: {  	v30 =	vld [tilespmem:$0x187B0]  }
0x5b: {  	[tilespmem:$0x1BD20] =	vst v0  }
0x5c: {  	v0 =	vld.idx.msk [tilespmem:v29+s14+$0x0], $0xffff;
	_ =	sdelay $0x4  }
0x5d: {  	[tilespmem:$0x1C320] =	vst v0  }
0x5e: {  	v0 =	vld.idx.msk [tilespmem:v30+s4+$0x0], $0xffff;
	_ =	sdelay $0x3  }
0x5f: {  	v31 =	vld [tilespmem:$0x187C0]  }
0x60: {  	[tilespmem:$0x1BD30] =	vst v0  }
0x61: {  	v0 =	vld.idx.msk [tilespmem:v30+s14+$0x0], $0xffff;
	_ =	sdelay $0x4  }
0x62: {  	[tilespmem:$0x1C330] =	vst v0  }
0x63: {  	v0 =	vld.idx.msk [tilespmem:v31+s4+$0x0], $0xffff;
	_ =	sdelay $0x3  }
0x64: {  	v32 =	vld [tilespmem:$0x187D0]  }
0x65: {  	[tilespmem:$0x1BD40] =	vst v0  }
0x66: {  	v0 =	vld.idx.msk [tilespmem:v31+s14+$0x0], $0xffff;
	_ =	sdelay $0x4  }
0x67: {  	[tilespmem:$0x1C340] =	vst v0  }
0x68: {  	v0 =	vld.idx.msk [tilespmem:v32+s4+$0x0], $0xffff;
	_ =	sdelay $0x3  }
0x69: {  	v33 =	vld [tilespmem:$0x187E0]  }
0x6a: {  	[tilespmem:$0x1BD50] =	vst v0  }
0x6b: {  	v0 =	vld.idx.msk [tilespmem:v32+s14+$0x0], $0xffff;
	_ =	sdelay $0x4  }
0x6c: {  	[tilespmem:$0x1C350] =	vst v0  }
0x6d: {  	v0 =	vld.idx.msk [tilespmem:v33+s4+$0x0], $0xffff;
	_ =	sdelay $0x3  }
0x6e: {  	v34 =	vld [tilespmem:$0x187F0]  }
0x6f: {  	[tilespmem:$0x1BD60] =	vst v0  }
0x70: {  	v0 =	vld.idx.msk [tilespmem:v33+s14+$0x0], $0xffff;
	_ =	sdelay $0x4  }
0x71: {  	[tilespmem:$0x1C360] =	vst v0  }
0x72: {  	v0 =	vld.idx.msk [tilespmem:v34+s4+$0x0], $0xffff;
	_ =	sdelay $0x3  }
0x73: {  	v35 =	vld [tilespmem:$0x18800]  }
0x74: {  	[tilespmem:$0x1BD70] =	vst v0  }
0x75: {  	v0 =	vld.idx.msk [tilespmem:v34+s14+$0x0], $0xffff;
	_ =	sdelay $0x4  }
0x76: {  	[tilespmem:$0x1C370] =	vst v0  }
0x77: {  	v0 =	vld.idx.msk [tilespmem:v35+s4+$0x0], $0xffff;
	_ =	sdelay $0x3  }
0x78: {  	v36 =	vld [tilespmem:$0x18810]  }
0x79: {  	[tilespmem:$0x1BD80] =	vst v0  }
0x7a: {  	v0 =	vld.idx.msk [tilespmem:v35+s14+$0x0], $0xffff;
	_ =	sdelay $0x4  }
0x7b: {  	[tilespmem:$0x1C380] =	vst v0  }
0x7c: {  	v0 =	vld.idx.msk [tilespmem:v36+s4+$0x0], $0xffff;
	_ =	sdelay $0x3  }
0x7d: {  	v37 =	vld [tilespmem:$0x18820]  }
0x7e: {  	[tilespmem:$0x1BD90] =	vst v0  }
0x7f: {  	v0 =	vld.idx.msk [tilespmem:v36+s14+$0x0], $0xffff;
	_ =	sdelay $0x4  }
0x80: {  	[tilespmem:$0x1C390] =	vst v0  }
0x81: {  	v0 =	vld.idx.msk [tilespmem:v37+s4+$0x0], $0xffff;
	_ =	sdelay $0x3  }
0x82: {  	v38 =	vld [tilespmem:$0x18830]  }
0x83: {  	[tilespmem:$0x1BDA0] =	vst v0  }
0x84: {  	v0 =	vld.idx.msk [tilespmem:v37+s14+$0x0], $0xffff;
	_ =	sdelay $0x4  }
0x85: {  	[tilespmem:$0x1C3A0] =	vst v0  }
0x86: {  	v0 =	vld.idx.msk [tilespmem:v38+s4+$0x0], $0xffff;
	_ =	sdelay $0x3  }
0x87: {  	v39 =	vld [tilespmem:$0x18840]  }
0x88: {  	[tilespmem:$0x1BDB0] =	vst v0  }
0x89: {  	v0 =	vld.idx.msk [tilespmem:v38+s14+$0x0], $0xffff;
	_ =	sdelay $0x4  }
0x8a: {  	[tilespmem:$0x1C3B0] =	vst v0  }
0x8b: {  	v0 =	vld.idx.msk [tilespmem:v39+s4+$0x0], $0xffff;
	_ =	sdelay $0x3  }
0x8c: {  	v40 =	vld [tilespmem:$0x18850]  }
0x8d: {  	[tilespmem:$0x1BDC0] =	vst v0  }
0x8e: {  	v0 =	vld.idx.msk [tilespmem:v39+s14+$0x0], $0xffff;
	_ =	sdelay $0x4  }
0x8f: {  	[tilespmem:$0x1C3C0] =	vst v0  }
0x90: {  	v0 =	vld.idx.msk [tilespmem:v40+s4+$0x0], $0xffff;
	_ =	sdelay $0x3  }
0x91: {  	v41 =	vld [tilespmem:$0x18860]  }
0x92: {  	[tilespmem:$0x1BDD0] =	vst v0  }
0x93: {  	v0 =	vld.idx.msk [tilespmem:v40+s14+$0x0], $0xffff;
	_ =	sdelay $0x4  }
0x94: {  	[tilespmem:$0x1C3D0] =	vst v0  }
0x95: {  	v0 =	vld.idx.msk [tilespmem:v41+s4+$0x0], $0xffff;
	_ =	sdelay $0x3  }
0x96: {  	v42 =	vld [tilespmem:$0x18870]  }
0x97: {  	[tilespmem:$0x1BDE0] =	vst v0  }
0x98: {  	v0 =	vld.idx.msk [tilespmem:v41+s14+$0x0], $0xffff;
	_ =	sdelay $0x4  }
0x99: {  	[tilespmem:$0x1C3E0] =	vst v0  }
0x9a: {  	v0 =	vld.idx.msk [tilespmem:v42+s4+$0x0], $0xffff;
	_ =	sdelay $0x3  }
0x9b: {  	v43 =	vld [tilespmem:$0x18880]  }
0x9c: {  	[tilespmem:$0x1BDF0] =	vst v0  }
0x9d: {  	v0 =	vld.idx.msk [tilespmem:v42+s14+$0x0], $0xffff;
	_ =	sdelay $0x4  }
0x9e: {  	[tilespmem:$0x1C3F0] =	vst v0  }
0x9f: {  	v0 =	vld.idx.msk [tilespmem:v43+s4+$0x0], $0xffff;
	_ =	sdelay $0x3  }
0xa0: {  	v44 =	vld [tilespmem:$0x18890]  }
0xa1: {  	[tilespmem:$0x1BE00] =	vst v0  }
0xa2: {  	v0 =	vld.idx.msk [tilespmem:v43+s14+$0x0], $0xffff;
	_ =	sdelay $0x4  }
0xa3: {  	[tilespmem:$0x1C400] =	vst v0  }
0xa4: {  	v0 =	vld.idx.msk [tilespmem:v44+s4+$0x0], $0xffff;
	_ =	sdelay $0x3  }
0xa5: {  	v45 =	vld [tilespmem:$0x188A0]  }
0xa6: {  	[tilespmem:$0x1BE10] =	vst v0  }
0xa7: {  	v0 =	vld.idx.msk [tilespmem:v44+s14+$0x0], $0xffff;
	_ =	sdelay $0x4  }
0xa8: {  	[tilespmem:$0x1C410] =	vst v0  }
0xa9: {  	v0 =	vld.idx.msk [tilespmem:v45+s4+$0x0], $0xffff;
	_ =	sdelay $0x3  }
0xaa: {  	v46 =	vld [tilespmem:$0x188B0]  }
0xab: {  	[tilespmem:$0x1BE20] =	vst v0  }
0xac: {  	v0 =	vld.idx.msk [tilespmem:v45+s14+$0x0], $0xffff;
	_ =	sdelay $0x4  }
0xad: {  	[tilespmem:$0x1C420] =	vst v0  }
0xae: {  	v0 =	vld.idx.msk [tilespmem:v46+s4+$0x0], $0xffff;
	_ =	sdelay $0x3  }
0xaf: {  	v47 =	vld [tilespmem:$0x188C0]  }
0xb0: {  	[tilespmem:$0x1BE30] =	vst v0  }
0xb1: {  	v0 =	vld.idx.msk [tilespmem:v46+s14+$0x0], $0xffff;
	_ =	sdelay $0x4  }
0xb2: {  	[tilespmem:$0x1C430] =	vst v0  }
0xb3: {  	v0 =	vld.idx.msk [tilespmem:v47+s4+$0x0], $0xffff;
	_ =	sdelay $0x3  }
0xb4: {  	v48 =	vld [tilespmem:$0x188D0]  }
0xb5: {  	[tilespmem:$0x1BE40] =	vst v0  }
0xb6: {  	v0 =	vld.idx.msk [tilespmem:v47+s14+$0x0], $0xffff;
	_ =	sdelay $0x4  }
0xb7: {  	[tilespmem:$0x1C440] =	vst v0  }
0xb8: {  	v0 =	vld.idx.msk [tilespmem:v48+s4+$0x0], $0xffff;
	_ =	sdelay $0x3  }
0xb9: {  	v49 =	vld [tilespmem:$0x188E0]  }
0xba: {  	[tilespmem:$0x1BE50] =	vst v0  }
0xbb: {  	v0 =	vld.idx.msk [tilespmem:v48+s14+$0x0], $0xffff;
	_ =	sdelay $0x4  }
0xbc: {  	[tilespmem:$0x1C450] =	vst v0  }
0xbd: {  	v0 =	vld.idx.msk [tilespmem:v49+s4+$0x0], $0xffff;
	_ =	sdelay $0x3  }
0xbe: {  	v50 =	vld [tilespmem:$0x188F0]  }
0xbf: {  	[tilespmem:$0x1BE60] =	vst v0  }
0xc0: {  	v0 =	vld.idx.msk [tilespmem:v49+s14+$0x0], $0xffff;
	_ =	sdelay $0x4  }
0xc1: {  	[tilespmem:$0x1C460] =	vst v0  }
0xc2: {  	v0 =	vld.idx.msk [tilespmem:v50+s4+$0x0], $0xffff;
	_ =	sdelay $0x3  }
0xc3: {  	v51 =	vld [tilespmem:$0x18900]  }
0xc4: {  	[tilespmem:$0x1BE70] =	vst v0  }
0xc5: {  	v0 =	vld.idx.msk [tilespmem:v50+s14+$0x0], $0xffff;
	_ =	sdelay $0x4  }
0xc6: {  	[tilespmem:$0x1C470] =	vst v0  }
0xc7: {  	v0 =	vld.idx.msk [tilespmem:v51+s4+$0x0], $0xffff;
	_ =	sdelay $0x3  }
0xc8: {  	v52 =	vld [tilespmem:$0x18910]  }
0xc9: {  	[tilespmem:$0x1BE80] =	vst v0  }
0xca: {  	v0 =	vld.idx.msk [tilespmem:v51+s14+$0x0], $0xffff;
	_ =	sdelay $0x4  }
0xcb: {  	[tilespmem:$0x1C480] =	vst v0  }
0xcc: {  	v0 =	vld.idx.msk [tilespmem:v52+s4+$0x0], $0xffff;
	_ =	sdelay $0x3  }
0xcd: {  	v53 =	vld [tilespmem:$0x18920]  }
0xce: {  	[tilespmem:$0x1BE90] =	vst v0  }
0xcf: {  	v0 =	vld.idx.msk [tilespmem:v52+s14+$0x0], $0xffff;
	_ =	sdelay $0x4  }
0xd0: {  	[tilespmem:$0x1C490] =	vst v0  }
0xd1: {  	v0 =	vld.idx.msk [tilespmem:v53+s4+$0x0], $0xffff;
	_ =	sdelay $0x3  }
0xd2: {  	v54 =	vld [tilespmem:$0x18930]  }
0xd3: {  	[tilespmem:$0x1BEA0] =	vst v0  }
0xd4: {  	v0 =	vld.idx.msk [tilespmem:v53+s14+$0x0], $0xffff;
	_ =	sdelay $0x4  }
0xd5: {  	[tilespmem:$0x1C4A0] =	vst v0  }
0xd6: {  	v0 =	vld.idx.msk [tilespmem:v54+s4+$0x0], $0xffff;
	_ =	sdelay $0x3  }
0xd7: {  	v55 =	vld [tilespmem:$0x18940]  }
0xd8: {  	[tilespmem:$0x1BEB0] =	vst v0  }
0xd9: {  	v0 =	vld.idx.msk [tilespmem:v54+s14+$0x0], $0xffff;
	_ =	sdelay $0x4  }
0xda: {  	[tilespmem:$0x1C4B0] =	vst v0  }
0xdb: {  	v0 =	vld.idx.msk [tilespmem:v55+s4+$0x0], $0xffff;
	_ =	sdelay $0x3  }
0xdc: {  	v56 =	vld [tilespmem:$0x18950]  }
0xdd: {  	[tilespmem:$0x1BEC0] =	vst v0  }
0xde: {  	v0 =	vld.idx.msk [tilespmem:v55+s14+$0x0], $0xffff;
	_ =	sdelay $0x4  }
0xdf: {  	[tilespmem:$0x1C4C0] =	vst v0  }
0xe0: {  	v0 =	vld.idx.msk [tilespmem:v56+s4+$0x0], $0xffff;
	_ =	sdelay $0x3  }
0xe1: {  	v57 =	vld [tilespmem:$0x18960]  }
0xe2: {  	[tilespmem:$0x1BED0] =	vst v0  }
0xe3: {  	v0 =	vld.idx.msk [tilespmem:v56+s14+$0x0], $0xffff;
	_ =	sdelay $0x4  }
0xe4: {  	[tilespmem:$0x1C4D0] =	vst v0  }
0xe5: {  	v0 =	vld.idx.msk [tilespmem:v57+s4+$0x0], $0xffff;
	_ =	sdelay $0x3  }
0xe6: {  	v58 =	vld [tilespmem:$0x18970]  }
0xe7: {  	[tilespmem:$0x1BEE0] =	vst v0  }
0xe8: {  	v0 =	vld.idx.msk [tilespmem:v57+s14+$0x0], $0xffff;
	_ =	sdelay $0x4  }
0xe9: {  	[tilespmem:$0x1C4E0] =	vst v0  }
0xea: {  	v0 =	vld.idx.msk [tilespmem:v58+s4+$0x0], $0xffff;
	_ =	sdelay $0x3  }
0xeb: {  	v59 =	vld [tilespmem:$0x18980]  }
0xec: {  	[tilespmem:$0x1BEF0] =	vst v0  }
0xed: {  	v0 =	vld.idx.msk [tilespmem:v58+s14+$0x0], $0xffff;
	_ =	sdelay $0x4  }
0xee: {  	[tilespmem:$0x1C4F0] =	vst v0  }
0xef: {  	v0 =	vld.idx.msk [tilespmem:v59+s4+$0x0], $0xffff;
	_ =	sdelay $0x3  }
0xf0: {  	v60 =	vld [tilespmem:$0x18990]  }
0xf1: {  	[tilespmem:$0x1BF00] =	vst v0  }
0xf2: {  	v0 =	vld.idx.msk [tilespmem:v59+s14+$0x0], $0xffff;
	_ =	sdelay $0x4  }
0xf3: {  	[tilespmem:$0x1C500] =	vst v0  }
0xf4: {  	v0 =	vld.idx.msk [tilespmem:v60+s4+$0x0], $0xffff;
	_ =	sdelay $0x3  }
0xf5: {  	v61 =	vld [tilespmem:$0x189A0]  }
0xf6: {  	[tilespmem:$0x1BF10] =	vst v0  }
0xf7: {  	v0 =	vld.idx.msk [tilespmem:v60+s14+$0x0], $0xffff;
	_ =	sdelay $0x4  }
0xf8: {  	[tilespmem:$0x1C510] =	vst v0  }
0xf9: {  	v0 =	vld.idx.msk [tilespmem:v61+s4+$0x0], $0xffff;
	_ =	sdelay $0x3  }
0xfa: {  	v62 =	vld [tilespmem:$0x189B0]  }
0xfb: {  	[tilespmem:$0x1BF20] =	vst v0  }
0xfc: {  	v0 =	vld.idx.msk [tilespmem:v61+s14+$0x0], $0xffff;
	_ =	sdelay $0x4  }
0xfd: {  	[tilespmem:$0x1C520] =	vst v0  }
0xfe: {  	v0 =	vld.idx.msk [tilespmem:v62+s4+$0x0], $0xffff;
	_ =	sdelay $0x3  }
0xff: {  	v63 =	vld [tilespmem:$0x189C0]  }
0x100: {  	[tilespmem:$0x1BF30] =	vst v0  }
0x101: {  	v0 =	vld.idx.msk [tilespmem:v62+s14+$0x0], $0xffff;
	_ =	sdelay $0x4  }
0x102: {  	[tilespmem:$0x1C530] =	vst v0  }
0x103: {  	v0 =	vld.idx.msk [tilespmem:v63+s4+$0x0], $0xffff;
	_ =	sdelay $0x4  }
0x104: {  	[tilespmem:$0x1BF40] =	vst v0  }
0x105: {  	v0 =	vld.idx.msk [tilespmem:v63+s14+$0x0], $0xffff;
	_ =	sdelay $0x4  }
0x106: {  	[tilespmem:$0x1C540] =	vst v0  }
0x107: {  	[hbm4b:s6+s4] =	stream.linear.scatter [tilespmem:s17], [sflag:$0x2], $0x2D0, $0x38;
	[tilespmem:$0x1C880] =	vst v63  }
0x108: {  	s25 =	simm.s32 $0x5A0;
	s26 =	simm.s32 $0x18B30;
	s28 =	simm.s32 $0x0  }
0x109: {  	[hbm4b:s7+s4] =	stream.linear.scatter [tilespmem:s18], [sflag:$0x2], $0x2D0, $0x38;
	[tilespmem:$0x1C880] =	vst v63  }
.LBB2_2:
0x10a: {  	p1 =	seq.s32 s28, $0x0  }
0x10b: {  	s29 =	simm.s32 @!p1 $0x3  }
0x10c: {  	_ =	swait.ge @!p1 [sflag:s29], $0x2D0  }
0x10d: {  	[sflag:s29] =	ssyncset.done @!p1 $0x0  }
0x10e: {  	[sflag:s29] =	ssyncadd.s32 @!p1 $0xFFFFFD30  }
0x10f: {  	_ =	swait.ge @!p1 [sflag:s29], $0x2D0  }
0x110: {  	[sflag:s29] =	ssyncset.done @!p1 $0x0  }
0x111: {  	[sflag:s29] =	ssyncadd.s32 @!p1 $0xFFFFFD30  }
0x112: {  	v0 =	vld [tilespmem:s26+$0xFFFFFEA0];
	_ =	sdelay $0x7  }
0x113: {  	v1 =	vld.idx.msk [tilespmem:v0+s4+$0x0], $0xffff;
	_ =	sdelay $0x4  }
0x114: {  	[tilespmem:$0x1BF80] =	vst v1  }
0x115: {  	v0 =	vld.idx.msk [tilespmem:v0+s14+$0x0], $0xffff;
	_ =	sdelay $0x4  }
0x116: {  	[tilespmem:$0x1C580] =	vst v0  }
0x117: {  	v0 =	vld [tilespmem:s26+$0xFFFFFEB0];
	_ =	sdelay $0x7  }
0x118: {  	v1 =	vld.idx.msk [tilespmem:v0+s4+$0x0], $0xffff;
	_ =	sdelay $0x4  }
0x119: {  	[tilespmem:$0x1BF90] =	vst v1  }
0x11a: {  	v0 =	vld.idx.msk [tilespmem:v0+s14+$0x0], $0xffff;
	_ =	sdelay $0x4  }
0x11b: {  	[tilespmem:$0x1C590] =	vst v0  }
0x11c: {  	v0 =	vld [tilespmem:s26+$0xFFFFFEC0];
	_ =	sdelay $0x7  }
0x11d: {  	v1 =	vld.idx.msk [tilespmem:v0+s4+$0x0], $0xffff;
	_ =	sdelay $0x4  }
0x11e: {  	[tilespmem:$0x1BFA0] =	vst v1  }
0x11f: {  	v0 =	vld.idx.msk [tilespmem:v0+s14+$0x0], $0xffff;
	_ =	sdelay $0x4  }
0x120: {  	[tilespmem:$0x1C5A0] =	vst v0  }
0x121: {  	v0 =	vld [tilespmem:s26+$0xFFFFFED0];
	_ =	sdelay $0x7  }
0x122: {  	v1 =	vld.idx.msk [tilespmem:v0+s4+$0x0], $0xffff;
	_ =	sdelay $0x4  }
0x123: {  	[tilespmem:$0x1BFB0] =	vst v1  }
0x124: {  	v0 =	vld.idx.msk [tilespmem:v0+s14+$0x0], $0xffff;
	_ =	sdelay $0x4  }
0x125: {  	[tilespmem:$0x1C5B0] =	vst v0  }
0x126: {  	v0 =	vld [tilespmem:s26+$0xFFFFFEE0];
	_ =	sdelay $0x7  }
0x127: {  	v1 =	vld.idx.msk [tilespmem:v0+s4+$0x0], $0xffff;
	_ =	sdelay $0x4  }
0x128: {  	[tilespmem:$0x1BFC0] =	vst v1  }
0x129: {  	v0 =	vld.idx.msk [tilespmem:v0+s14+$0x0], $0xffff;
	_ =	sdelay $0x4  }
0x12a: {  	[tilespmem:$0x1C5C0] =	vst v0  }
0x12b: {  	v0 =	vld [tilespmem:s26+$0xFFFFFEF0];
	_ =	sdelay $0x7  }
0x12c: {  	v1 =	vld.idx.msk [tilespmem:v0+s4+$0x0], $0xffff;
	_ =	sdelay $0x4  }
0x12d: {  	[tilespmem:$0x1BFD0] =	vst v1  }
0x12e: {  	v0 =	vld.idx.msk [tilespmem:v0+s14+$0x0], $0xffff;
	_ =	sdelay $0x4  }
0x12f: {  	[tilespmem:$0x1C5D0] =	vst v0  }
0x130: {  	v0 =	vld [tilespmem:s26+$0xFFFFFF00];
	_ =	sdelay $0x7  }
0x131: {  	v1 =	vld.idx.msk [tilespmem:v0+s4+$0x0], $0xffff;
	_ =	sdelay $0x4  }
0x132: {  	[tilespmem:$0x1BFE0] =	vst v1  }
0x133: {  	v0 =	vld.idx.msk [tilespmem:v0+s14+$0x0], $0xffff;
	_ =	sdelay $0x4  }
0x134: {  	[tilespmem:$0x1C5E0] =	vst v0  }
0x135: {  	v0 =	vld [tilespmem:s26+$0xFFFFFF10];
	_ =	sdelay $0x7  }
0x136: {  	v1 =	vld.idx.msk [tilespmem:v0+s4+$0x0], $0xffff;
	_ =	sdelay $0x4  }
0x137: {  	[tilespmem:$0x1BFF0] =	vst v1  }
0x138: {  	v0 =	vld.idx.msk [tilespmem:v0+s14+$0x0], $0xffff;
	_ =	sdelay $0x3  }
0x139: {  	s30 =	sadd.s32 $0xFFFFFD30, s25  }
0x13a: {  	s29 =	sand.u32 $0x7FF0, s30;
	[tilespmem:$0x1C5F0] =	vst v0  }
0x13b: {  	v0 =	vld [tilespmem:s29+$0x18780];
	_ =	sdelay $0x7  }
0x13c: {  	v1 =	vld.idx.msk [tilespmem:v0+s4+$0x0], $0xffff;
	_ =	sdelay $0x4  }
0x13d: {  	[tilespmem:$0x1C000] =	vst v1  }
0x13e: {  	v0 =	vld.idx.msk [tilespmem:v0+s14+$0x0], $0xffff;
	_ =	sdelay $0x4  }
0x13f: {  	[tilespmem:$0x1C600] =	vst v0  }
0x140: {  	v0 =	vld [tilespmem:s26+$0xFFFFFF30];
	_ =	sdelay $0x7  }
0x141: {  	v1 =	vld.idx.msk [tilespmem:v0+s4+$0x0], $0xffff;
	_ =	sdelay $0x4  }
0x142: {  	[tilespmem:$0x1C010] =	vst v1  }
0x143: {  	v0 =	vld.idx.msk [tilespmem:v0+s14+$0x0], $0xffff;
	_ =	sdelay $0x4  }
0x144: {  	[tilespmem:$0x1C610] =	vst v0  }
0x145: {  	v0 =	vld [tilespmem:s26+$0xFFFFFF40];
	_ =	sdelay $0x7  }
0x146: {  	v1 =	vld.idx.msk [tilespmem:v0+s4+$0x0], $0xffff;
	_ =	sdelay $0x4  }
0x147: {  	[tilespmem:$0x1C020] =	vst v1  }
0x148: {  	v0 =	vld.idx.msk [tilespmem:v0+s14+$0x0], $0xffff;
	_ =	sdelay $0x4  }
0x149: {  	[tilespmem:$0x1C620] =	vst v0  }
0x14a: {  	v0 =	vld [tilespmem:s26+$0xFFFFFF50];
	_ =	sdelay $0x7  }
0x14b: {  	v1 =	vld.idx.msk [tilespmem:v0+s4+$0x0], $0xffff;
	_ =	sdelay $0x4  }
0x14c: {  	[tilespmem:$0x1C030] =	vst v1  }
0x14d: {  	v0 =	vld.idx.msk [tilespmem:v0+s14+$0x0], $0xffff;
	_ =	sdelay $0x4  }
0x14e: {  	[tilespmem:$0x1C630] =	vst v0  }
0x14f: {  	v0 =	vld [tilespmem:s26+$0xFFFFFF60];
	_ =	sdelay $0x7  }
0x150: {  	v1 =	vld.idx.msk [tilespmem:v0+s4+$0x0], $0xffff;
	_ =	sdelay $0x4  }
0x151: {  	[tilespmem:$0x1C040] =	vst v1  }
0x152: {  	v0 =	vld.idx.msk [tilespmem:v0+s14+$0x0], $0xffff;
	_ =	sdelay $0x4  }
0x153: {  	[tilespmem:$0x1C640] =	vst v0  }
0x154: {  	v0 =	vld [tilespmem:s26+$0xFFFFFF70];
	_ =	sdelay $0x7  }
0x155: {  	v1 =	vld.idx.msk [tilespmem:v0+s4+$0x0], $0xffff;
	_ =	sdelay $0x4  }
0x156: {  	[tilespmem:$0x1C050] =	vst v1  }
0x157: {  	v0 =	vld.idx.msk [tilespmem:v0+s14+$0x0], $0xffff;
	_ =	sdelay $0x4  }
0x158: {  	[tilespmem:$0x1C650] =	vst v0  }
0x159: {  	v0 =	vld [tilespmem:s26+$0xFFFFFF80];
	_ =	sdelay $0x7  }
0x15a: {  	v1 =	vld.idx.msk [tilespmem:v0+s4+$0x0], $0xffff;
	_ =	sdelay $0x4  }
0x15b: {  	[tilespmem:$0x1C060] =	vst v1  }
0x15c: {  	v0 =	vld.idx.msk [tilespmem:v0+s14+$0x0], $0xffff;
	_ =	sdelay $0x4  }
0x15d: {  	[tilespmem:$0x1C660] =	vst v0  }
0x15e: {  	v0 =	vld [tilespmem:s26+$0xFFFFFF90];
	_ =	sdelay $0x7  }
0x15f: {  	v1 =	vld.idx.msk [tilespmem:v0+s4+$0x0], $0xffff;
	_ =	sdelay $0x4  }
0x160: {  	[tilespmem:$0x1C070] =	vst v1  }
0x161: {  	v0 =	vld.idx.msk [tilespmem:v0+s14+$0x0], $0xffff;
	_ =	sdelay $0x4  }
0x162: {  	[tilespmem:$0x1C670] =	vst v0  }
0x163: {  	v0 =	vld [tilespmem:s29+$0x18800];
	_ =	sdelay $0x7  }
0x164: {  	v1 =	vld.idx.msk [tilespmem:v0+s4+$0x0], $0xffff;
	_ =	sdelay $0x4  }
0x165: {  	[tilespmem:$0x1C080] =	vst v1  }
0x166: {  	v0 =	vld.idx.msk [tilespmem:v0+s14+$0x0], $0xffff;
	_ =	sdelay $0x4  }
0x167: {  	[tilespmem:$0x1C680] =	vst v0  }
0x168: {  	v0 =	vld [tilespmem:s26+$0xFFFFFFB0];
	_ =	sdelay $0x7  }
0x169: {  	v1 =	vld.idx.msk [tilespmem:v0+s4+$0x0], $0xffff;
	_ =	sdelay $0x4  }
0x16a: {  	[tilespmem:$0x1C090] =	vst v1  }
0x16b: {  	v0 =	vld.idx.msk [tilespmem:v0+s14+$0x0], $0xffff;
	_ =	sdelay $0x4  }
0x16c: {  	[tilespmem:$0x1C690] =	vst v0  }
0x16d: {  	v0 =	vld [tilespmem:s26+$0xFFFFFFC0];
	_ =	sdelay $0x7  }
0x16e: {  	v1 =	vld.idx.msk [tilespmem:v0+s4+$0x0], $0xffff;
	_ =	sdelay $0x4  }
0x16f: {  	[tilespmem:$0x1C0A0] =	vst v1  }
0x170: {  	v0 =	vld.idx.msk [tilespmem:v0+s14+$0x0], $0xffff;
	_ =	sdelay $0x4  }
0x171: {  	[tilespmem:$0x1C6A0] =	vst v0  }
0x172: {  	v0 =	vld [tilespmem:s26+$0xFFFFFFD0];
	_ =	sdelay $0x7  }
0x173: {  	v1 =	vld.idx.msk [tilespmem:v0+s4+$0x0], $0xffff;
	_ =	sdelay $0x4  }
0x174: {  	[tilespmem:$0x1C0B0] =	vst v1  }
0x175: {  	v0 =	vld.idx.msk [tilespmem:v0+s14+$0x0], $0xffff;
	_ =	sdelay $0x4  }
0x176: {  	[tilespmem:$0x1C6B0] =	vst v0  }
0x177: {  	v0 =	vld [tilespmem:s26+$0xFFFFFFE0];
	_ =	sdelay $0x7  }
0x178: {  	v1 =	vld.idx.msk [tilespmem:v0+s4+$0x0], $0xffff;
	_ =	sdelay $0x4  }
0x179: {  	[tilespmem:$0x1C0C0] =	vst v1  }
0x17a: {  	v0 =	vld.idx.msk [tilespmem:v0+s14+$0x0], $0xffff;
	_ =	sdelay $0x4  }
0x17b: {  	[tilespmem:$0x1C6C0] =	vst v0  }
0x17c: {  	v0 =	vld [tilespmem:s26+$0xFFFFFFF0];
	_ =	sdelay $0x7  }
0x17d: {  	v1 =	vld.idx.msk [tilespmem:v0+s4+$0x0], $0xffff;
	_ =	sdelay $0x4  }
0x17e: {  	[tilespmem:$0x1C0D0] =	vst v1  }
0x17f: {  	v0 =	vld.idx.msk [tilespmem:v0+s14+$0x0], $0xffff;
	_ =	sdelay $0x4  }
0x180: {  	[tilespmem:$0x1C6D0] =	vst v0  }
0x181: {  	v0 =	vld [tilespmem:s26+$0x0];
	_ =	sdelay $0x7  }
0x182: {  	v1 =	vld.idx.msk [tilespmem:v0+s4+$0x0], $0xffff;
	_ =	sdelay $0x4  }
0x183: {  	[tilespmem:$0x1C0E0] =	vst v1  }
0x184: {  	v0 =	vld.idx.msk [tilespmem:v0+s14+$0x0], $0xffff;
	_ =	sdelay $0x4  }
0x185: {  	[tilespmem:$0x1C6E0] =	vst v0  }
0x186: {  	v0 =	vld [tilespmem:s26+$0x10];
	_ =	sdelay $0x7  }
0x187: {  	v1 =	vld.idx.msk [tilespmem:v0+s4+$0x0], $0xffff;
	_ =	sdelay $0x4  }
0x188: {  	[tilespmem:$0x1C0F0] =	vst v1  }
0x189: {  	v0 =	vld.idx.msk [tilespmem:v0+s14+$0x0], $0xffff;
	_ =	sdelay $0x4  }
0x18a: {  	[tilespmem:$0x1C6F0] =	vst v0  }
0x18b: {  	v0 =	vld [tilespmem:s29+$0x18880];
	_ =	sdelay $0x7  }
0x18c: {  	v1 =	vld.idx.msk [tilespmem:v0+s4+$0x0], $0xffff;
	_ =	sdelay $0x4  }
0x18d: {  	[tilespmem:$0x1C100] =	vst v1  }
0x18e: {  	v0 =	vld.idx.msk [tilespmem:v0+s14+$0x0], $0xffff;
	_ =	sdelay $0x4  }
0x18f: {  	[tilespmem:$0x1C700] =	vst v0  }
0x190: {  	v0 =	vld [tilespmem:s26+$0x30];
	_ =	sdelay $0x7  }
0x191: {  	v1 =	vld.idx.msk [tilespmem:v0+s4+$0x0], $0xffff;
	_ =	sdelay $0x4  }
0x192: {  	[tilespmem:$0x1C110] =	vst v1  }
0x193: {  	v0 =	vld.idx.msk [tilespmem:v0+s14+$0x0], $0xffff;
	_ =	sdelay $0x4  }
0x194: {  	[tilespmem:$0x1C710] =	vst v0  }
0x195: {  	v0 =	vld [tilespmem:s26+$0x40];
	_ =	sdelay $0x7  }
0x196: {  	v1 =	vld.idx.msk [tilespmem:v0+s4+$0x0], $0xffff;
	_ =	sdelay $0x4  }
0x197: {  	[tilespmem:$0x1C120] =	vst v1  }
0x198: {  	v0 =	vld.idx.msk [tilespmem:v0+s14+$0x0], $0xffff;
	_ =	sdelay $0x4  }
0x199: {  	[tilespmem:$0x1C720] =	vst v0  }
0x19a: {  	v0 =	vld [tilespmem:s26+$0x50];
	_ =	sdelay $0x7  }
0x19b: {  	v1 =	vld.idx.msk [tilespmem:v0+s4+$0x0], $0xffff;
	_ =	sdelay $0x4  }
0x19c: {  	[tilespmem:$0x1C130] =	vst v1  }
0x19d: {  	v0 =	vld.idx.msk [tilespmem:v0+s14+$0x0], $0xffff;
	_ =	sdelay $0x4  }
0x19e: {  	[tilespmem:$0x1C730] =	vst v0  }
0x19f: {  	v0 =	vld [tilespmem:s26+$0x60];
	_ =	sdelay $0x7  }
0x1a0: {  	v1 =	vld.idx.msk [tilespmem:v0+s4+$0x0], $0xffff;
	_ =	sdelay $0x4  }
0x1a1: {  	[tilespmem:$0x1C140] =	vst v1  }
0x1a2: {  	v0 =	vld.idx.msk [tilespmem:v0+s14+$0x0], $0xffff;
	_ =	sdelay $0x4  }
0x1a3: {  	[tilespmem:$0x1C740] =	vst v0  }
0x1a4: {  	v0 =	vld [tilespmem:s26+$0x70];
	_ =	sdelay $0x7  }
0x1a5: {  	v1 =	vld.idx.msk [tilespmem:v0+s4+$0x0], $0xffff;
	_ =	sdelay $0x4  }
0x1a6: {  	[tilespmem:$0x1C150] =	vst v1  }
0x1a7: {  	v0 =	vld.idx.msk [tilespmem:v0+s14+$0x0], $0xffff;
	_ =	sdelay $0x4  }
0x1a8: {  	[tilespmem:$0x1C750] =	vst v0  }
0x1a9: {  	v0 =	vld [tilespmem:s26+$0x80];
	_ =	sdelay $0x7  }
0x1aa: {  	v1 =	vld.idx.msk [tilespmem:v0+s4+$0x0], $0xffff;
	_ =	sdelay $0x4  }
0x1ab: {  	[tilespmem:$0x1C160] =	vst v1  }
0x1ac: {  	v0 =	vld.idx.msk [tilespmem:v0+s14+$0x0], $0xffff;
	_ =	sdelay $0x4  }
0x1ad: {  	[tilespmem:$0x1C760] =	vst v0  }
0x1ae: {  	v0 =	vld [tilespmem:s26+$0x90];
	_ =	sdelay $0x7  }
0x1af: {  	v1 =	vld.idx.msk [tilespmem:v0+s4+$0x0], $0xffff;
	_ =	sdelay $0x4  }
0x1b0: {  	[tilespmem:$0x1C170] =	vst v1  }
0x1b1: {  	v0 =	vld.idx.msk [tilespmem:v0+s14+$0x0], $0xffff;
	_ =	sdelay $0x4  }
0x1b2: {  	[tilespmem:$0x1C770] =	vst v0  }
0x1b3: {  	v0 =	vld [tilespmem:s29+$0x18900];
	_ =	sdelay $0x7  }
0x1b4: {  	v1 =	vld.idx.msk [tilespmem:v0+s4+$0x0], $0xffff;
	_ =	sdelay $0x4  }
0x1b5: {  	[tilespmem:$0x1C180] =	vst v1  }
0x1b6: {  	v0 =	vld.idx.msk [tilespmem:v0+s14+$0x0], $0xffff;
	_ =	sdelay $0x4  }
0x1b7: {  	[tilespmem:$0x1C780] =	vst v0  }
0x1b8: {  	v0 =	vld [tilespmem:s26+$0xB0];
	_ =	sdelay $0x7  }
0x1b9: {  	v1 =	vld.idx.msk [tilespmem:v0+s4+$0x0], $0xffff;
	_ =	sdelay $0x4  }
0x1ba: {  	[tilespmem:$0x1C190] =	vst v1  }
0x1bb: {  	v0 =	vld.idx.msk [tilespmem:v0+s14+$0x0], $0xffff;
	_ =	sdelay $0x4  }
0x1bc: {  	[tilespmem:$0x1C790] =	vst v0  }
0x1bd: {  	v0 =	vld [tilespmem:s26+$0xC0];
	_ =	sdelay $0x7  }
0x1be: {  	v1 =	vld.idx.msk [tilespmem:v0+s4+$0x0], $0xffff;
	_ =	sdelay $0x4  }
0x1bf: {  	[tilespmem:$0x1C1A0] =	vst v1  }
0x1c0: {  	v0 =	vld.idx.msk [tilespmem:v0+s14+$0x0], $0xffff;
	_ =	sdelay $0x4  }
0x1c1: {  	[tilespmem:$0x1C7A0] =	vst v0  }
0x1c2: {  	v0 =	vld [tilespmem:s26+$0xD0];
	_ =	sdelay $0x7  }
0x1c3: {  	v1 =	vld.idx.msk [tilespmem:v0+s4+$0x0], $0xffff;
	_ =	sdelay $0x4  }
0x1c4: {  	[tilespmem:$0x1C1B0] =	vst v1  }
0x1c5: {  	v0 =	vld.idx.msk [tilespmem:v0+s14+$0x0], $0xffff;
	_ =	sdelay $0x4  }
0x1c6: {  	[tilespmem:$0x1C7B0] =	vst v0  }
0x1c7: {  	v0 =	vld [tilespmem:s26+$0xE0];
	_ =	sdelay $0x7  }
0x1c8: {  	v1 =	vld.idx.msk [tilespmem:v0+s4+$0x0], $0xffff;
	_ =	sdelay $0x4  }
0x1c9: {  	[tilespmem:$0x1C1C0] =	vst v1  }
0x1ca: {  	v0 =	vld.idx.msk [tilespmem:v0+s14+$0x0], $0xffff;
	_ =	sdelay $0x4  }
0x1cb: {  	[tilespmem:$0x1C7C0] =	vst v0  }
0x1cc: {  	v0 =	vld [tilespmem:s26+$0xF0];
	_ =	sdelay $0x7  }
0x1cd: {  	v1 =	vld.idx.msk [tilespmem:v0+s4+$0x0], $0xffff;
	_ =	sdelay $0x4  }
0x1ce: {  	[tilespmem:$0x1C1D0] =	vst v1  }
0x1cf: {  	v0 =	vld.idx.msk [tilespmem:v0+s14+$0x0], $0xffff;
	_ =	sdelay $0x4  }
0x1d0: {  	[tilespmem:$0x1C7D0] =	vst v0  }
0x1d1: {  	v0 =	vld [tilespmem:s26+$0x100];
	_ =	sdelay $0x7  }
0x1d2: {  	v1 =	vld.idx.msk [tilespmem:v0+s4+$0x0], $0xffff;
	_ =	sdelay $0x4  }
0x1d3: {  	[tilespmem:$0x1C1E0] =	vst v1  }
0x1d4: {  	v0 =	vld.idx.msk [tilespmem:v0+s14+$0x0], $0xffff;
	_ =	sdelay $0x4  }
0x1d5: {  	[tilespmem:$0x1C7E0] =	vst v0  }
0x1d6: {  	v0 =	vld [tilespmem:s26+$0x110];
	_ =	sdelay $0x7  }
0x1d7: {  	v1 =	vld.idx.msk [tilespmem:v0+s4+$0x0], $0xffff;
	_ =	sdelay $0x4  }
0x1d8: {  	[tilespmem:$0x1C1F0] =	vst v1  }
0x1d9: {  	v0 =	vld.idx.msk [tilespmem:v0+s14+$0x0], $0xffff;
	_ =	sdelay $0x4  }
0x1da: {  	[tilespmem:$0x1C7F0] =	vst v0  }
0x1db: {  	v0 =	vld [tilespmem:s29+$0x18980];
	_ =	sdelay $0x7  }
0x1dc: {  	v1 =	vld.idx.msk [tilespmem:v0+s4+$0x0], $0xffff;
	_ =	sdelay $0x4  }
0x1dd: {  	[tilespmem:$0x1C200] =	vst v1  }
0x1de: {  	v0 =	vld.idx.msk [tilespmem:v0+s14+$0x0], $0xffff;
	_ =	sdelay $0x4  }
0x1df: {  	[tilespmem:$0x1C800] =	vst v0  }
0x1e0: {  	v0 =	vld [tilespmem:s26+$0x130];
	_ =	sdelay $0x7  }
0x1e1: {  	v1 =	vld.idx.msk [tilespmem:v0+s4+$0x0], $0xffff;
	_ =	sdelay $0x4  }
0x1e2: {  	[tilespmem:$0x1C210] =	vst v1  }
0x1e3: {  	v0 =	vld.idx.msk [tilespmem:v0+s14+$0x0], $0xffff;
	_ =	sdelay $0x4  }
0x1e4: {  	[tilespmem:$0x1C810] =	vst v0  }
0x1e5: {  	v0 =	vld [tilespmem:s26+$0x140];
	_ =	sdelay $0x7  }
0x1e6: {  	v1 =	vld.idx.msk [tilespmem:v0+s4+$0x0], $0xffff;
	_ =	sdelay $0x4  }
0x1e7: {  	[tilespmem:$0x1C220] =	vst v1  }
0x1e8: {  	v0 =	vld.idx.msk [tilespmem:v0+s14+$0x0], $0xffff;
	_ =	sdelay $0x4  }
0x1e9: {  	[tilespmem:$0x1C820] =	vst v0  }
0x1ea: {  	v0 =	vld [tilespmem:s26+$0x150];
	_ =	sdelay $0x7  }
0x1eb: {  	v1 =	vld.idx.msk [tilespmem:v0+s4+$0x0], $0xffff;
	_ =	sdelay $0x4  }
0x1ec: {  	[tilespmem:$0x1C230] =	vst v1  }
0x1ed: {  	v0 =	vld.idx.msk [tilespmem:v0+s14+$0x0], $0xffff;
	_ =	sdelay $0x4  }
0x1ee: {  	[tilespmem:$0x1C830] =	vst v0  }
0x1ef: {  	v0 =	vld [tilespmem:s26+$0x160];
	_ =	sdelay $0x7  }
0x1f0: {  	v1 =	vld.idx.msk [tilespmem:v0+s4+$0x0], $0xffff;
	_ =	sdelay $0x4  }
0x1f1: {  	[tilespmem:$0x1C240] =	vst v1  }
0x1f2: {  	v0 =	vld.idx.msk [tilespmem:v0+s14+$0x0], $0xffff;
	_ =	sdelay $0x3  }
0x1f3: {  	s29 =	sadd.s32 s28, s13  }
0x1f4: {  	s30 =	sadd.s32 $0x5A, s29;
	[tilespmem:$0x1C840] =	vst v0  }
0x1f5: {  	[hbm4b:s30+s4] =	stream.linear.scatter [tilespmem:s19], [sflag:$0x3], $0x2D0, $0x38;
	[tilespmem:$0x1C880] =	vst v63  }
0x1f6: {  	s30 =	sadd.s32 s28, s12  }
0x1f7: {  	s31 =	sadd.s32 $0x5A, s30  }
0x1f8: {  	[hbm4b:s31+s4] =	stream.linear.scatter [tilespmem:s20], [sflag:$0x3], $0x2D0, $0x38;
	[tilespmem:$0x1C880] =	vst v63  }
0x1f9: {  	_ =	swait.ge [sflag:s21], $0x2D0  }
0x1fa: {  	[sflag:s21] =	ssyncset.done $0x0  }
0x1fb: {  	[sflag:s21] =	ssyncadd.s32 $0xFFFFFD30  }
0x1fc: {  	_ =	swait.ge [sflag:s21], $0x2D0  }
0x1fd: {  	[sflag:s21] =	ssyncset.done $0x0  }
0x1fe: {  	[sflag:s21] =	ssyncadd.s32 $0xFFFFFD30  }
0x1ff: {  	v62 =	vld [tilespmem:s26+$0x170];
	_ =	sdelay $0x7  }
0x200: {  	v63 =	vld.idx.msk [tilespmem:v62+s4+$0x0], $0xffff;
	_ =	sdelay $0x4  }
0x201: {  	[tilespmem:$0x1BC80] =	vst v63  }
0x202: {  	v0 =	vld.idx.msk [tilespmem:v62+s14+$0x0], $0xffff;
	_ =	sdelay $0x4  }
0x203: {  	[tilespmem:$0x1C280] =	vst v0  }
0x204: {  	v0 =	vld [tilespmem:s26+$0x180];
	_ =	sdelay $0x7  }
0x205: {  	v1 =	vld.idx.msk [tilespmem:v0+s4+$0x0], $0xffff;
	_ =	sdelay $0x4  }
0x206: {  	[tilespmem:$0x1BC90] =	vst v1  }
0x207: {  	v0 =	vld.idx.msk [tilespmem:v0+s14+$0x0], $0xffff;
	_ =	sdelay $0x4  }
0x208: {  	[tilespmem:$0x1C290] =	vst v0  }
0x209: {  	v0 =	vld [tilespmem:s26+$0x190];
	_ =	sdelay $0x7  }
0x20a: {  	v1 =	vld.idx.msk [tilespmem:v0+s4+$0x0], $0xffff;
	_ =	sdelay $0x4  }
0x20b: {  	[tilespmem:$0x1BCA0] =	vst v1  }
0x20c: {  	v0 =	vld.idx.msk [tilespmem:v0+s14+$0x0], $0xffff;
	_ =	sdelay $0x4  }
0x20d: {  	[tilespmem:$0x1C2A0] =	vst v0  }
0x20e: {  	v0 =	vld [tilespmem:s26+$0x1A0];
	_ =	sdelay $0x7  }
0x20f: {  	v1 =	vld.idx.msk [tilespmem:v0+s4+$0x0], $0xffff;
	_ =	sdelay $0x4  }
0x210: {  	[tilespmem:$0x1BCB0] =	vst v1  }
0x211: {  	v0 =	vld.idx.msk [tilespmem:v0+s14+$0x0], $0xffff;
	_ =	sdelay $0x4  }
0x212: {  	[tilespmem:$0x1C2B0] =	vst v0  }
0x213: {  	v0 =	vld [tilespmem:s26+$0x1B0];
	_ =	sdelay $0x7  }
0x214: {  	v1 =	vld.idx.msk [tilespmem:v0+s4+$0x0], $0xffff;
	_ =	sdelay $0x4  }
0x215: {  	[tilespmem:$0x1BCC0] =	vst v1  }
0x216: {  	v0 =	vld.idx.msk [tilespmem:v0+s14+$0x0], $0xffff;
	_ =	sdelay $0x4  }
0x217: {  	[tilespmem:$0x1C2C0] =	vst v0  }
0x218: {  	v0 =	vld [tilespmem:s26+$0x1C0];
	_ =	sdelay $0x7  }
0x219: {  	v1 =	vld.idx.msk [tilespmem:v0+s4+$0x0], $0xffff;
	_ =	sdelay $0x4  }
0x21a: {  	[tilespmem:$0x1BCD0] =	vst v1  }
0x21b: {  	v0 =	vld.idx.msk [tilespmem:v0+s14+$0x0], $0xffff;
	_ =	sdelay $0x4  }
0x21c: {  	[tilespmem:$0x1C2D0] =	vst v0  }
0x21d: {  	v0 =	vld [tilespmem:s26+$0x1D0];
	_ =	sdelay $0x7  }
0x21e: {  	v1 =	vld.idx.msk [tilespmem:v0+s4+$0x0], $0xffff;
	_ =	sdelay $0x4  }
0x21f: {  	[tilespmem:$0x1BCE0] =	vst v1  }
0x220: {  	v0 =	vld.idx.msk [tilespmem:v0+s14+$0x0], $0xffff;
	_ =	sdelay $0x4  }
0x221: {  	[tilespmem:$0x1C2E0] =	vst v0  }
0x222: {  	v0 =	vld [tilespmem:s26+$0x1E0];
	_ =	sdelay $0x7  }
0x223: {  	v1 =	vld.idx.msk [tilespmem:v0+s4+$0x0], $0xffff;
	_ =	sdelay $0x4  }
0x224: {  	[tilespmem:$0x1BCF0] =	vst v1  }
0x225: {  	v0 =	vld.idx.msk [tilespmem:v0+s14+$0x0], $0xffff;
	_ =	sdelay $0x4  }
0x226: {  	s31 =	sand.u32 $0xFFE0, s25;
	[tilespmem:$0x1C2F0] =	vst v0  }
0x227: {  	v0 =	vld [tilespmem:s31+$0x18780];
	_ =	sdelay $0x7  }
0x228: {  	v1 =	vld.idx.msk [tilespmem:v0+s4+$0x0], $0xffff;
	_ =	sdelay $0x4  }
0x229: {  	[tilespmem:$0x1BD00] =	vst v1  }
0x22a: {  	v0 =	vld.idx.msk [tilespmem:v0+s14+$0x0], $0xffff;
	_ =	sdelay $0x4  }
0x22b: {  	[tilespmem:$0x1C300] =	vst v0  }
0x22c: {  	v0 =	vld [tilespmem:s26+$0x200];
	_ =	sdelay $0x7  }
0x22d: {  	v1 =	vld.idx.msk [tilespmem:v0+s4+$0x0], $0xffff;
	_ =	sdelay $0x4  }
0x22e: {  	[tilespmem:$0x1BD10] =	vst v1  }
0x22f: {  	v0 =	vld.idx.msk [tilespmem:v0+s14+$0x0], $0xffff;
	_ =	sdelay $0x4  }
0x230: {  	[tilespmem:$0x1C310] =	vst v0  }
0x231: {  	v0 =	vld [tilespmem:s26+$0x210];
	_ =	sdelay $0x7  }
0x232: {  	v1 =	vld.idx.msk [tilespmem:v0+s4+$0x0], $0xffff;
	_ =	sdelay $0x4  }
0x233: {  	[tilespmem:$0x1BD20] =	vst v1  }
0x234: {  	v0 =	vld.idx.msk [tilespmem:v0+s14+$0x0], $0xffff;
	_ =	sdelay $0x4  }
0x235: {  	[tilespmem:$0x1C320] =	vst v0  }
0x236: {  	v0 =	vld [tilespmem:s26+$0x220];
	_ =	sdelay $0x7  }
0x237: {  	v1 =	vld.idx.msk [tilespmem:v0+s4+$0x0], $0xffff;
	_ =	sdelay $0x4  }
0x238: {  	[tilespmem:$0x1BD30] =	vst v1  }
0x239: {  	v0 =	vld.idx.msk [tilespmem:v0+s14+$0x0], $0xffff;
	_ =	sdelay $0x4  }
0x23a: {  	[tilespmem:$0x1C330] =	vst v0  }
0x23b: {  	v0 =	vld [tilespmem:s26+$0x230];
	_ =	sdelay $0x7  }
0x23c: {  	v1 =	vld.idx.msk [tilespmem:v0+s4+$0x0], $0xffff;
	_ =	sdelay $0x4  }
0x23d: {  	[tilespmem:$0x1BD40] =	vst v1  }
0x23e: {  	v0 =	vld.idx.msk [tilespmem:v0+s14+$0x0], $0xffff;
	_ =	sdelay $0x4  }
0x23f: {  	[tilespmem:$0x1C340] =	vst v0  }
0x240: {  	v0 =	vld [tilespmem:s26+$0x240];
	_ =	sdelay $0x7  }
0x241: {  	v1 =	vld.idx.msk [tilespmem:v0+s4+$0x0], $0xffff;
	_ =	sdelay $0x4  }
0x242: {  	[tilespmem:$0x1BD50] =	vst v1  }
0x243: {  	v0 =	vld.idx.msk [tilespmem:v0+s14+$0x0], $0xffff;
	_ =	sdelay $0x4  }
0x244: {  	[tilespmem:$0x1C350] =	vst v0  }
0x245: {  	v0 =	vld [tilespmem:s26+$0x250];
	_ =	sdelay $0x7  }
0x246: {  	v1 =	vld.idx.msk [tilespmem:v0+s4+$0x0], $0xffff;
	_ =	sdelay $0x4  }
0x247: {  	[tilespmem:$0x1BD60] =	vst v1  }
0x248: {  	v0 =	vld.idx.msk [tilespmem:v0+s14+$0x0], $0xffff;
	_ =	sdelay $0x4  }
0x249: {  	[tilespmem:$0x1C360] =	vst v0  }
0x24a: {  	v0 =	vld [tilespmem:s26+$0x260];
	_ =	sdelay $0x7  }
0x24b: {  	v1 =	vld.idx.msk [tilespmem:v0+s4+$0x0], $0xffff;
	_ =	sdelay $0x4  }
0x24c: {  	[tilespmem:$0x1BD70] =	vst v1  }
0x24d: {  	v0 =	vld.idx.msk [tilespmem:v0+s14+$0x0], $0xffff;
	_ =	sdelay $0x4  }
0x24e: {  	[tilespmem:$0x1C370] =	vst v0  }
0x24f: {  	v0 =	vld [tilespmem:s31+$0x18800];
	_ =	sdelay $0x7  }
0x250: {  	v1 =	vld.idx.msk [tilespmem:v0+s4+$0x0], $0xffff;
	_ =	sdelay $0x4  }
0x251: {  	[tilespmem:$0x1BD80] =	vst v1  }
0x252: {  	v0 =	vld.idx.msk [tilespmem:v0+s14+$0x0], $0xffff;
	_ =	sdelay $0x4  }
0x253: {  	[tilespmem:$0x1C380] =	vst v0  }
0x254: {  	v0 =	vld [tilespmem:s26+$0x280];
	_ =	sdelay $0x7  }
0x255: {  	v1 =	vld.idx.msk [tilespmem:v0+s4+$0x0], $0xffff;
	_ =	sdelay $0x4  }
0x256: {  	[tilespmem:$0x1BD90] =	vst v1  }
0x257: {  	v0 =	vld.idx.msk [tilespmem:v0+s14+$0x0], $0xffff;
	_ =	sdelay $0x4  }
0x258: {  	[tilespmem:$0x1C390] =	vst v0  }
0x259: {  	v0 =	vld [tilespmem:s26+$0x290];
	_ =	sdelay $0x7  }
0x25a: {  	v1 =	vld.idx.msk [tilespmem:v0+s4+$0x0], $0xffff;
	_ =	sdelay $0x4  }
0x25b: {  	[tilespmem:$0x1BDA0] =	vst v1  }
0x25c: {  	v0 =	vld.idx.msk [tilespmem:v0+s14+$0x0], $0xffff;
	_ =	sdelay $0x4  }
0x25d: {  	[tilespmem:$0x1C3A0] =	vst v0  }
0x25e: {  	v0 =	vld [tilespmem:s26+$0x2A0];
	_ =	sdelay $0x7  }
0x25f: {  	v1 =	vld.idx.msk [tilespmem:v0+s4+$0x0], $0xffff;
	_ =	sdelay $0x4  }
0x260: {  	[tilespmem:$0x1BDB0] =	vst v1  }
0x261: {  	v0 =	vld.idx.msk [tilespmem:v0+s14+$0x0], $0xffff;
	_ =	sdelay $0x4  }
0x262: {  	[tilespmem:$0x1C3B0] =	vst v0  }
0x263: {  	v0 =	vld [tilespmem:s26+$0x2B0];
	_ =	sdelay $0x7  }
0x264: {  	v1 =	vld.idx.msk [tilespmem:v0+s4+$0x0], $0xffff;
	_ =	sdelay $0x4  }
0x265: {  	[tilespmem:$0x1BDC0] =	vst v1  }
0x266: {  	v0 =	vld.idx.msk [tilespmem:v0+s14+$0x0], $0xffff;
	_ =	sdelay $0x4  }
0x267: {  	[tilespmem:$0x1C3C0] =	vst v0  }
0x268: {  	v0 =	vld [tilespmem:s26+$0x2C0];
	_ =	sdelay $0x7  }
0x269: {  	v1 =	vld.idx.msk [tilespmem:v0+s4+$0x0], $0xffff;
	_ =	sdelay $0x4  }
0x26a: {  	[tilespmem:$0x1BDD0] =	vst v1  }
0x26b: {  	v0 =	vld.idx.msk [tilespmem:v0+s14+$0x0], $0xffff;
	_ =	sdelay $0x4  }
0x26c: {  	[tilespmem:$0x1C3D0] =	vst v0  }
0x26d: {  	v0 =	vld [tilespmem:s26+$0x2D0];
	_ =	sdelay $0x7  }
0x26e: {  	v1 =	vld.idx.msk [tilespmem:v0+s4+$0x0], $0xffff;
	_ =	sdelay $0x4  }
0x26f: {  	[tilespmem:$0x1BDE0] =	vst v1  }
0x270: {  	v0 =	vld.idx.msk [tilespmem:v0+s14+$0x0], $0xffff;
	_ =	sdelay $0x4  }
0x271: {  	[tilespmem:$0x1C3E0] =	vst v0  }
0x272: {  	v0 =	vld [tilespmem:s26+$0x2E0];
	_ =	sdelay $0x7  }
0x273: {  	v1 =	vld.idx.msk [tilespmem:v0+s4+$0x0], $0xffff;
	_ =	sdelay $0x4  }
0x274: {  	[tilespmem:$0x1BDF0] =	vst v1  }
0x275: {  	v0 =	vld.idx.msk [tilespmem:v0+s14+$0x0], $0xffff;
	_ =	sdelay $0x4  }
0x276: {  	[tilespmem:$0x1C3F0] =	vst v0  }
0x277: {  	v0 =	vld [tilespmem:s31+$0x18880];
	_ =	sdelay $0x7  }
0x278: {  	v1 =	vld.idx.msk [tilespmem:v0+s4+$0x0], $0xffff;
	_ =	sdelay $0x4  }
0x279: {  	[tilespmem:$0x1BE00] =	vst v1  }
0x27a: {  	v0 =	vld.idx.msk [tilespmem:v0+s14+$0x0], $0xffff;
	_ =	sdelay $0x4  }
0x27b: {  	[tilespmem:$0x1C400] =	vst v0  }
0x27c: {  	v0 =	vld [tilespmem:s26+$0x300];
	_ =	sdelay $0x7  }
0x27d: {  	v1 =	vld.idx.msk [tilespmem:v0+s4+$0x0], $0xffff;
	_ =	sdelay $0x4  }
0x27e: {  	[tilespmem:$0x1BE10] =	vst v1  }
0x27f: {  	v0 =	vld.idx.msk [tilespmem:v0+s14+$0x0], $0xffff;
	_ =	sdelay $0x4  }
0x280: {  	[tilespmem:$0x1C410] =	vst v0  }
0x281: {  	v0 =	vld [tilespmem:s26+$0x310];
	_ =	sdelay $0x7  }
0x282: {  	v1 =	vld.idx.msk [tilespmem:v0+s4+$0x0], $0xffff;
	_ =	sdelay $0x4  }
0x283: {  	[tilespmem:$0x1BE20] =	vst v1  }
0x284: {  	v0 =	vld.idx.msk [tilespmem:v0+s14+$0x0], $0xffff;
	_ =	sdelay $0x4  }
0x285: {  	[tilespmem:$0x1C420] =	vst v0  }
0x286: {  	v0 =	vld [tilespmem:s26+$0x320];
	_ =	sdelay $0x7  }
0x287: {  	v1 =	vld.idx.msk [tilespmem:v0+s4+$0x0], $0xffff;
	_ =	sdelay $0x4  }
0x288: {  	[tilespmem:$0x1BE30] =	vst v1  }
0x289: {  	v0 =	vld.idx.msk [tilespmem:v0+s14+$0x0], $0xffff;
	_ =	sdelay $0x4  }
0x28a: {  	[tilespmem:$0x1C430] =	vst v0  }
0x28b: {  	v0 =	vld [tilespmem:s26+$0x330];
	_ =	sdelay $0x7  }
0x28c: {  	v1 =	vld.idx.msk [tilespmem:v0+s4+$0x0], $0xffff;
	_ =	sdelay $0x4  }
0x28d: {  	[tilespmem:$0x1BE40] =	vst v1  }
0x28e: {  	v0 =	vld.idx.msk [tilespmem:v0+s14+$0x0], $0xffff;
	_ =	sdelay $0x4  }
0x28f: {  	[tilespmem:$0x1C440] =	vst v0  }
0x290: {  	v0 =	vld [tilespmem:s26+$0x340];
	_ =	sdelay $0x7  }
0x291: {  	v1 =	vld.idx.msk [tilespmem:v0+s4+$0x0], $0xffff;
	_ =	sdelay $0x4  }
0x292: {  	[tilespmem:$0x1BE50] =	vst v1  }
0x293: {  	v0 =	vld.idx.msk [tilespmem:v0+s14+$0x0], $0xffff;
	_ =	sdelay $0x4  }
0x294: {  	[tilespmem:$0x1C450] =	vst v0  }
0x295: {  	v0 =	vld [tilespmem:s26+$0x350];
	_ =	sdelay $0x7  }
0x296: {  	v1 =	vld.idx.msk [tilespmem:v0+s4+$0x0], $0xffff;
	_ =	sdelay $0x4  }
0x297: {  	[tilespmem:$0x1BE60] =	vst v1  }
0x298: {  	v0 =	vld.idx.msk [tilespmem:v0+s14+$0x0], $0xffff;
	_ =	sdelay $0x4  }
0x299: {  	[tilespmem:$0x1C460] =	vst v0  }
0x29a: {  	v0 =	vld [tilespmem:s26+$0x360];
	_ =	sdelay $0x7  }
0x29b: {  	v1 =	vld.idx.msk [tilespmem:v0+s4+$0x0], $0xffff;
	_ =	sdelay $0x4  }
0x29c: {  	[tilespmem:$0x1BE70] =	vst v1  }
0x29d: {  	v0 =	vld.idx.msk [tilespmem:v0+s14+$0x0], $0xffff;
	_ =	sdelay $0x4  }
0x29e: {  	[tilespmem:$0x1C470] =	vst v0  }
0x29f: {  	v0 =	vld [tilespmem:s31+$0x18900];
	_ =	sdelay $0x7  }
0x2a0: {  	v1 =	vld.idx.msk [tilespmem:v0+s4+$0x0], $0xffff;
	_ =	sdelay $0x4  }
0x2a1: {  	[tilespmem:$0x1BE80] =	vst v1  }
0x2a2: {  	v0 =	vld.idx.msk [tilespmem:v0+s14+$0x0], $0xffff;
	_ =	sdelay $0x4  }
0x2a3: {  	[tilespmem:$0x1C480] =	vst v0  }
0x2a4: {  	v0 =	vld [tilespmem:s26+$0x380];
	_ =	sdelay $0x7  }
0x2a5: {  	v1 =	vld.idx.msk [tilespmem:v0+s4+$0x0], $0xffff;
	_ =	sdelay $0x4  }
0x2a6: {  	[tilespmem:$0x1BE90] =	vst v1  }
0x2a7: {  	v0 =	vld.idx.msk [tilespmem:v0+s14+$0x0], $0xffff;
	_ =	sdelay $0x4  }
0x2a8: {  	[tilespmem:$0x1C490] =	vst v0  }
0x2a9: {  	v0 =	vld [tilespmem:s26+$0x390];
	_ =	sdelay $0x7  }
0x2aa: {  	v1 =	vld.idx.msk [tilespmem:v0+s4+$0x0], $0xffff;
	_ =	sdelay $0x4  }
0x2ab: {  	[tilespmem:$0x1BEA0] =	vst v1  }
0x2ac: {  	v0 =	vld.idx.msk [tilespmem:v0+s14+$0x0], $0xffff;
	_ =	sdelay $0x4  }
0x2ad: {  	[tilespmem:$0x1C4A0] =	vst v0  }
0x2ae: {  	v0 =	vld [tilespmem:s26+$0x3A0];
	_ =	sdelay $0x7  }
0x2af: {  	v1 =	vld.idx.msk [tilespmem:v0+s4+$0x0], $0xffff;
	_ =	sdelay $0x4  }
0x2b0: {  	[tilespmem:$0x1BEB0] =	vst v1  }
0x2b1: {  	v0 =	vld.idx.msk [tilespmem:v0+s14+$0x0], $0xffff;
	_ =	sdelay $0x4  }
0x2b2: {  	[tilespmem:$0x1C4B0] =	vst v0  }
0x2b3: {  	v0 =	vld [tilespmem:s26+$0x3B0];
	_ =	sdelay $0x7  }
0x2b4: {  	v1 =	vld.idx.msk [tilespmem:v0+s4+$0x0], $0xffff;
	_ =	sdelay $0x4  }
0x2b5: {  	[tilespmem:$0x1BEC0] =	vst v1  }
0x2b6: {  	v0 =	vld.idx.msk [tilespmem:v0+s14+$0x0], $0xffff;
	_ =	sdelay $0x4  }
0x2b7: {  	[tilespmem:$0x1C4C0] =	vst v0  }
0x2b8: {  	v0 =	vld [tilespmem:s26+$0x3C0];
	_ =	sdelay $0x7  }
0x2b9: {  	v1 =	vld.idx.msk [tilespmem:v0+s4+$0x0], $0xffff;
	_ =	sdelay $0x4  }
0x2ba: {  	[tilespmem:$0x1BED0] =	vst v1  }
0x2bb: {  	v0 =	vld.idx.msk [tilespmem:v0+s14+$0x0], $0xffff;
	_ =	sdelay $0x4  }
0x2bc: {  	[tilespmem:$0x1C4D0] =	vst v0  }
0x2bd: {  	v0 =	vld [tilespmem:s26+$0x3D0];
	_ =	sdelay $0x7  }
0x2be: {  	v1 =	vld.idx.msk [tilespmem:v0+s4+$0x0], $0xffff;
	_ =	sdelay $0x4  }
0x2bf: {  	[tilespmem:$0x1BEE0] =	vst v1  }
0x2c0: {  	v0 =	vld.idx.msk [tilespmem:v0+s14+$0x0], $0xffff;
	_ =	sdelay $0x4  }
0x2c1: {  	[tilespmem:$0x1C4E0] =	vst v0  }
0x2c2: {  	v0 =	vld [tilespmem:s26+$0x3E0];
	_ =	sdelay $0x7  }
0x2c3: {  	v1 =	vld.idx.msk [tilespmem:v0+s4+$0x0], $0xffff;
	_ =	sdelay $0x4  }
0x2c4: {  	[tilespmem:$0x1BEF0] =	vst v1  }
0x2c5: {  	v0 =	vld.idx.msk [tilespmem:v0+s14+$0x0], $0xffff;
	_ =	sdelay $0x4  }
0x2c6: {  	[tilespmem:$0x1C4F0] =	vst v0  }
0x2c7: {  	v0 =	vld [tilespmem:s31+$0x18980];
	_ =	sdelay $0x7  }
0x2c8: {  	v1 =	vld.idx.msk [tilespmem:v0+s4+$0x0], $0xffff;
	_ =	sdelay $0x4  }
0x2c9: {  	[tilespmem:$0x1BF00] =	vst v1  }
0x2ca: {  	v0 =	vld.idx.msk [tilespmem:v0+s14+$0x0], $0xffff;
	_ =	sdelay $0x4  }
0x2cb: {  	[tilespmem:$0x1C500] =	vst v0  }
0x2cc: {  	v0 =	vld [tilespmem:s26+$0x400];
	_ =	sdelay $0x7  }
0x2cd: {  	v1 =	vld.idx.msk [tilespmem:v0+s4+$0x0], $0xffff;
	_ =	sdelay $0x4  }
0x2ce: {  	[tilespmem:$0x1BF10] =	vst v1  }
0x2cf: {  	v0 =	vld.idx.msk [tilespmem:v0+s14+$0x0], $0xffff;
	_ =	sdelay $0x4  }
0x2d0: {  	[tilespmem:$0x1C510] =	vst v0  }
0x2d1: {  	v0 =	vld [tilespmem:s26+$0x410];
	_ =	sdelay $0x7  }
0x2d2: {  	v1 =	vld.idx.msk [tilespmem:v0+s4+$0x0], $0xffff;
	_ =	sdelay $0x4  }
0x2d3: {  	[tilespmem:$0x1BF20] =	vst v1  }
0x2d4: {  	v0 =	vld.idx.msk [tilespmem:v0+s14+$0x0], $0xffff;
	_ =	sdelay $0x4  }
0x2d5: {  	[tilespmem:$0x1C520] =	vst v0  }
0x2d6: {  	v0 =	vld [tilespmem:s26+$0x420];
	_ =	sdelay $0x7  }
0x2d7: {  	v1 =	vld.idx.msk [tilespmem:v0+s4+$0x0], $0xffff;
	_ =	sdelay $0x4  }
0x2d8: {  	[tilespmem:$0x1BF30] =	vst v1  }
0x2d9: {  	v0 =	vld.idx.msk [tilespmem:v0+s14+$0x0], $0xffff;
	_ =	sdelay $0x4  }
0x2da: {  	[tilespmem:$0x1C530] =	vst v0  }
0x2db: {  	v0 =	vld [tilespmem:s26+$0x430];
	_ =	sdelay $0x7  }
0x2dc: {  	v1 =	vld.idx.msk [tilespmem:v0+s4+$0x0], $0xffff;
	_ =	sdelay $0x4  }
0x2dd: {  	[tilespmem:$0x1BF40] =	vst v1  }
0x2de: {  	v0 =	vld.idx.msk [tilespmem:v0+s14+$0x0], $0xffff;
	_ =	sdelay $0x1  }
0x2df: {  	s28 =	sadd.s32 $0xB4, s28  }
0x2e0: {  	p1 =	sne.s32 s28, $0x654  }
.Ltmp2:
0x2e1: {  	_ = 	snop;
	(pc) =	sbr.rel @p1 .LBB2_2-.Ltmp2, $4  }
0x2e2: {  	s29 =	sadd.s32 $0xB4, s29;
	[tilespmem:$0x1C540] =	vst v0  }
0x2e3: {  	[hbm4b:s29+s4] =	stream.linear.scatter [tilespmem:s17], [sflag:$0x2], $0x2D0, $0x38;
	[tilespmem:$0x1C880] =	vst v63  }
0x2e4: {  	s25 =	sadd.s32 $0x5A0, s25;
	s31 =	sadd.s32 $0xB4, s30;
	s26 =	sadd.s32 $0x5A0, s26  }
0x2e5: {  	[hbm4b:s31+s4] =	stream.linear.scatter [tilespmem:s18], [sflag:$0x2], $0x2D0, $0x38;
	[tilespmem:$0x1C880] =	vst v63  }
0x2e6: {  	_ =	swait.ge [sflag:s22], $0x2D0  }
0x2e7: {  	[sflag:s22] =	ssyncset.done $0x0  }
0x2e8: {  	[sflag:s22] =	ssyncadd.s32 $0xFFFFFD30  }
0x2e9: {  	_ =	swait.ge [sflag:s22], $0x2D0  }
0x2ea: {  	[sflag:s22] =	ssyncset.done $0x0  }
0x2eb: {  	[sflag:s22] =	ssyncadd.s32 $0xFFFFFD30  }
0x2ec: {  	_ =	swait.ge [sflag:s21], $0x2D0  }
.Ltmp3:
0x2ed: {  	[sflag:s21] =	ssyncset.done $0x0;
	(pc) =	sbr.rel @p0 .LBB2_5-.Ltmp3, $4  }
0x2ee: {  	[sflag:s21] =	ssyncadd.s32 $0xFFFFFD30  }
0x2ef: {  	_ =	swait.ge [sflag:s21], $0x2D0  }
0x2f0: {  	[sflag:s21] =	ssyncset.done $0x0  }
0x2f1: {  	[sflag:s21] =	ssyncadd.s32 $0xFFFFFD30  }
0x2f2: {  	[tilespmem:s15], [sflag:$0x4] =	stream.linear.gather [hbm4b:s8+s4], $0x2D0, $0x38;
	[tilespmem:$0x1C880] =	vst v63  }
0x2f3: {  	_ =	swait.ge [sflag:s23], $0x2D0  }
0x2f4: {  	[sflag:s23] =	ssyncset.done $0x0  }
0x2f5: {  	[sflag:s23] =	ssyncadd.s32 $0xFFFFFD30  }
0x2f6: {  	v0 =	vld [tilespmem:$0x18700];
	_ =	sdelay $0x7  }
0x2f7: {  	v1 =	vld.idx.msk [tilespmem:v0+s4+$0x0], $0xffff;
	_ =	sdelay $0x3  }
0x2f8: {  	v2 =	vld [tilespmem:$0x18710]  }
0x2f9: {  	[tilespmem:$0x1BC80] =	vst v1  }
0x2fa: {  	v0 =	vld.idx.msk [tilespmem:v0+s14+$0x0], $0xffff;
	_ =	sdelay $0x4  }
0x2fb: {  	[tilespmem:$0x1C280] =	vst v0  }
0x2fc: {  	v0 =	vld.idx.msk [tilespmem:v2+s4+$0x0], $0xffff;
	_ =	sdelay $0x3  }
0x2fd: {  	v21 =	vld [tilespmem:$0x18720]  }
0x2fe: {  	[tilespmem:$0x1BC90] =	vst v0  }
0x2ff: {  	v0 =	vld.idx.msk [tilespmem:v2+s14+$0x0], $0xffff;
	_ =	sdelay $0x4  }
0x300: {  	[tilespmem:$0x1C290] =	vst v0  }
0x301: {  	v0 =	vld.idx.msk [tilespmem:v21+s4+$0x0], $0xffff;
	_ =	sdelay $0x3  }
0x302: {  	v22 =	vld [tilespmem:$0x18730]  }
0x303: {  	[tilespmem:$0x1BCA0] =	vst v0  }
0x304: {  	v0 =	vld.idx.msk [tilespmem:v21+s14+$0x0], $0xffff;
	_ =	sdelay $0x4  }
0x305: {  	[tilespmem:$0x1C2A0] =	vst v0  }
0x306: {  	v0 =	vld.idx.msk [tilespmem:v22+s4+$0x0], $0xffff;
	_ =	sdelay $0x3  }
0x307: {  	v23 =	vld [tilespmem:$0x18740]  }
0x308: {  	[tilespmem:$0x1BCB0] =	vst v0  }
0x309: {  	v0 =	vld.idx.msk [tilespmem:v22+s14+$0x0], $0xffff;
	_ =	sdelay $0x4  }
0x30a: {  	[tilespmem:$0x1C2B0] =	vst v0  }
0x30b: {  	v0 =	vld.idx.msk [tilespmem:v23+s4+$0x0], $0xffff;
	_ =	sdelay $0x3  }
0x30c: {  	v24 =	vld [tilespmem:$0x18750]  }
0x30d: {  	[tilespmem:$0x1BCC0] =	vst v0  }
0x30e: {  	v0 =	vld.idx.msk [tilespmem:v23+s14+$0x0], $0xffff;
	_ =	sdelay $0x4  }
0x30f: {  	[tilespmem:$0x1C2C0] =	vst v0  }
0x310: {  	v0 =	vld.idx.msk [tilespmem:v24+s4+$0x0], $0xffff;
	_ =	sdelay $0x3  }
0x311: {  	v25 =	vld [tilespmem:$0x18760]  }
0x312: {  	[tilespmem:$0x1BCD0] =	vst v0  }
0x313: {  	v0 =	vld.idx.msk [tilespmem:v24+s14+$0x0], $0xffff;
	_ =	sdelay $0x4  }
0x314: {  	[tilespmem:$0x1C2D0] =	vst v0  }
0x315: {  	v0 =	vld.idx.msk [tilespmem:v25+s4+$0x0], $0xffff;
	_ =	sdelay $0x3  }
0x316: {  	v26 =	vld [tilespmem:$0x18770]  }
0x317: {  	[tilespmem:$0x1BCE0] =	vst v0  }
0x318: {  	v0 =	vld.idx.msk [tilespmem:v25+s14+$0x0], $0xffff;
	_ =	sdelay $0x4  }
0x319: {  	[tilespmem:$0x1C2E0] =	vst v0  }
0x31a: {  	v0 =	vld.idx.msk [tilespmem:v26+s4+$0x0], $0xffff;
	_ =	sdelay $0x3  }
0x31b: {  	v27 =	vld [tilespmem:$0x18780]  }
0x31c: {  	[tilespmem:$0x1BCF0] =	vst v0  }
0x31d: {  	v0 =	vld.idx.msk [tilespmem:v26+s14+$0x0], $0xffff;
	_ =	sdelay $0x4  }
0x31e: {  	[tilespmem:$0x1C2F0] =	vst v0  }
0x31f: {  	v0 =	vld.idx.msk [tilespmem:v27+s4+$0x0], $0xffff;
	_ =	sdelay $0x3  }
0x320: {  	v28 =	vld [tilespmem:$0x18790]  }
0x321: {  	[tilespmem:$0x1BD00] =	vst v0  }
0x322: {  	v0 =	vld.idx.msk [tilespmem:v27+s14+$0x0], $0xffff;
	_ =	sdelay $0x4  }
0x323: {  	[tilespmem:$0x1C300] =	vst v0  }
0x324: {  	v0 =	vld.idx.msk [tilespmem:v28+s4+$0x0], $0xffff;
	_ =	sdelay $0x3  }
0x325: {  	v29 =	vld [tilespmem:$0x187A0]  }
0x326: {  	[tilespmem:$0x1BD10] =	vst v0  }
0x327: {  	v0 =	vld.idx.msk [tilespmem:v28+s14+$0x0], $0xffff;
	_ =	sdelay $0x4  }
0x328: {  	[tilespmem:$0x1C310] =	vst v0  }
0x329: {  	v0 =	vld.idx.msk [tilespmem:v29+s4+$0x0], $0xffff;
	_ =	sdelay $0x3  }
0x32a: {  	v30 =	vld [tilespmem:$0x187B0]  }
0x32b: {  	[tilespmem:$0x1BD20] =	vst v0  }
0x32c: {  	v0 =	vld.idx.msk [tilespmem:v29+s14+$0x0], $0xffff;
	_ =	sdelay $0x4  }
0x32d: {  	[tilespmem:$0x1C320] =	vst v0  }
0x32e: {  	v0 =	vld.idx.msk [tilespmem:v30+s4+$0x0], $0xffff;
	_ =	sdelay $0x3  }
0x32f: {  	v31 =	vld [tilespmem:$0x187C0]  }
0x330: {  	[tilespmem:$0x1BD30] =	vst v0  }
0x331: {  	v0 =	vld.idx.msk [tilespmem:v30+s14+$0x0], $0xffff;
	_ =	sdelay $0x4  }
0x332: {  	[tilespmem:$0x1C330] =	vst v0  }
0x333: {  	v0 =	vld.idx.msk [tilespmem:v31+s4+$0x0], $0xffff;
	_ =	sdelay $0x3  }
0x334: {  	v32 =	vld [tilespmem:$0x187D0]  }
0x335: {  	[tilespmem:$0x1BD40] =	vst v0  }
0x336: {  	v0 =	vld.idx.msk [tilespmem:v31+s14+$0x0], $0xffff;
	_ =	sdelay $0x4  }
0x337: {  	[tilespmem:$0x1C340] =	vst v0  }
0x338: {  	v0 =	vld.idx.msk [tilespmem:v32+s4+$0x0], $0xffff;
	_ =	sdelay $0x3  }
0x339: {  	v33 =	vld [tilespmem:$0x187E0]  }
0x33a: {  	[tilespmem:$0x1BD50] =	vst v0  }
0x33b: {  	v0 =	vld.idx.msk [tilespmem:v32+s14+$0x0], $0xffff;
	_ =	sdelay $0x4  }
0x33c: {  	[tilespmem:$0x1C350] =	vst v0  }
0x33d: {  	v0 =	vld.idx.msk [tilespmem:v33+s4+$0x0], $0xffff;
	_ =	sdelay $0x3  }
0x33e: {  	v34 =	vld [tilespmem:$0x187F0]  }
0x33f: {  	[tilespmem:$0x1BD60] =	vst v0  }
0x340: {  	v0 =	vld.idx.msk [tilespmem:v33+s14+$0x0], $0xffff;
	_ =	sdelay $0x4  }
0x341: {  	[tilespmem:$0x1C360] =	vst v0  }
0x342: {  	v0 =	vld.idx.msk [tilespmem:v34+s4+$0x0], $0xffff;
	_ =	sdelay $0x3  }
0x343: {  	v35 =	vld [tilespmem:$0x18800]  }
0x344: {  	[tilespmem:$0x1BD70] =	vst v0  }
0x345: {  	v0 =	vld.idx.msk [tilespmem:v34+s14+$0x0], $0xffff;
	_ =	sdelay $0x4  }
0x346: {  	[tilespmem:$0x1C370] =	vst v0  }
0x347: {  	v0 =	vld.idx.msk [tilespmem:v35+s4+$0x0], $0xffff;
	_ =	sdelay $0x3  }
0x348: {  	v36 =	vld [tilespmem:$0x18810]  }
0x349: {  	[tilespmem:$0x1BD80] =	vst v0  }
0x34a: {  	v0 =	vld.idx.msk [tilespmem:v35+s14+$0x0], $0xffff;
	_ =	sdelay $0x4  }
0x34b: {  	[tilespmem:$0x1C380] =	vst v0  }
0x34c: {  	v0 =	vld.idx.msk [tilespmem:v36+s4+$0x0], $0xffff;
	_ =	sdelay $0x3  }
0x34d: {  	v37 =	vld [tilespmem:$0x18820]  }
0x34e: {  	[tilespmem:$0x1BD90] =	vst v0  }
0x34f: {  	v0 =	vld.idx.msk [tilespmem:v36+s14+$0x0], $0xffff;
	_ =	sdelay $0x4  }
0x350: {  	[tilespmem:$0x1C390] =	vst v0  }
0x351: {  	v0 =	vld.idx.msk [tilespmem:v37+s4+$0x0], $0xffff;
	_ =	sdelay $0x3  }
0x352: {  	v38 =	vld [tilespmem:$0x18830]  }
0x353: {  	[tilespmem:$0x1BDA0] =	vst v0  }
0x354: {  	v0 =	vld.idx.msk [tilespmem:v37+s14+$0x0], $0xffff;
	_ =	sdelay $0x4  }
0x355: {  	[tilespmem:$0x1C3A0] =	vst v0  }
0x356: {  	v0 =	vld.idx.msk [tilespmem:v38+s4+$0x0], $0xffff;
	_ =	sdelay $0x3  }
0x357: {  	v39 =	vld [tilespmem:$0x18840]  }
0x358: {  	[tilespmem:$0x1BDB0] =	vst v0  }
0x359: {  	v0 =	vld.idx.msk [tilespmem:v38+s14+$0x0], $0xffff;
	_ =	sdelay $0x4  }
0x35a: {  	[tilespmem:$0x1C3B0] =	vst v0  }
0x35b: {  	v0 =	vld.idx.msk [tilespmem:v39+s4+$0x0], $0xffff;
	_ =	sdelay $0x3  }
0x35c: {  	v40 =	vld [tilespmem:$0x18850]  }
0x35d: {  	[tilespmem:$0x1BDC0] =	vst v0  }
0x35e: {  	v0 =	vld.idx.msk [tilespmem:v39+s14+$0x0], $0xffff;
	_ =	sdelay $0x4  }
0x35f: {  	[tilespmem:$0x1C3C0] =	vst v0  }
0x360: {  	v0 =	vld.idx.msk [tilespmem:v40+s4+$0x0], $0xffff;
	_ =	sdelay $0x3  }
0x361: {  	v41 =	vld [tilespmem:$0x18860]  }
0x362: {  	[tilespmem:$0x1BDD0] =	vst v0  }
0x363: {  	v0 =	vld.idx.msk [tilespmem:v40+s14+$0x0], $0xffff;
	_ =	sdelay $0x4  }
0x364: {  	[tilespmem:$0x1C3D0] =	vst v0  }
0x365: {  	v0 =	vld.idx.msk [tilespmem:v41+s4+$0x0], $0xffff;
	_ =	sdelay $0x3  }
0x366: {  	v42 =	vld [tilespmem:$0x18870]  }
0x367: {  	[tilespmem:$0x1BDE0] =	vst v0  }
0x368: {  	v0 =	vld.idx.msk [tilespmem:v41+s14+$0x0], $0xffff;
	_ =	sdelay $0x4  }
0x369: {  	[tilespmem:$0x1C3E0] =	vst v0  }
0x36a: {  	v0 =	vld.idx.msk [tilespmem:v42+s4+$0x0], $0xffff;
	_ =	sdelay $0x3  }
0x36b: {  	v43 =	vld [tilespmem:$0x18880]  }
0x36c: {  	[tilespmem:$0x1BDF0] =	vst v0  }
0x36d: {  	v0 =	vld.idx.msk [tilespmem:v42+s14+$0x0], $0xffff;
	_ =	sdelay $0x4  }
0x36e: {  	[tilespmem:$0x1C3F0] =	vst v0  }
0x36f: {  	v0 =	vld.idx.msk [tilespmem:v43+s4+$0x0], $0xffff;
	_ =	sdelay $0x3  }
0x370: {  	v44 =	vld [tilespmem:$0x18890]  }
0x371: {  	[tilespmem:$0x1BE00] =	vst v0  }
0x372: {  	v0 =	vld.idx.msk [tilespmem:v43+s14+$0x0], $0xffff;
	_ =	sdelay $0x4  }
0x373: {  	[tilespmem:$0x1C400] =	vst v0  }
0x374: {  	v0 =	vld.idx.msk [tilespmem:v44+s4+$0x0], $0xffff;
	_ =	sdelay $0x3  }
0x375: {  	v45 =	vld [tilespmem:$0x188A0]  }
0x376: {  	[tilespmem:$0x1BE10] =	vst v0  }
0x377: {  	v0 =	vld.idx.msk [tilespmem:v44+s14+$0x0], $0xffff;
	_ =	sdelay $0x4  }
0x378: {  	[tilespmem:$0x1C410] =	vst v0  }
0x379: {  	v0 =	vld.idx.msk [tilespmem:v45+s4+$0x0], $0xffff;
	_ =	sdelay $0x3  }
0x37a: {  	v46 =	vld [tilespmem:$0x188B0]  }
0x37b: {  	[tilespmem:$0x1BE20] =	vst v0  }
0x37c: {  	v0 =	vld.idx.msk [tilespmem:v45+s14+$0x0], $0xffff;
	_ =	sdelay $0x4  }
0x37d: {  	[tilespmem:$0x1C420] =	vst v0  }
0x37e: {  	v0 =	vld.idx.msk [tilespmem:v46+s4+$0x0], $0xffff;
	_ =	sdelay $0x3  }
0x37f: {  	v47 =	vld [tilespmem:$0x188C0]  }
0x380: {  	[tilespmem:$0x1BE30] =	vst v0  }
0x381: {  	v0 =	vld.idx.msk [tilespmem:v46+s14+$0x0], $0xffff;
	_ =	sdelay $0x4  }
0x382: {  	[tilespmem:$0x1C430] =	vst v0  }
0x383: {  	v0 =	vld.idx.msk [tilespmem:v47+s4+$0x0], $0xffff;
	_ =	sdelay $0x3  }
0x384: {  	v48 =	vld [tilespmem:$0x188D0]  }
0x385: {  	[tilespmem:$0x1BE40] =	vst v0  }
0x386: {  	v0 =	vld.idx.msk [tilespmem:v47+s14+$0x0], $0xffff;
	_ =	sdelay $0x4  }
0x387: {  	[tilespmem:$0x1C440] =	vst v0  }
0x388: {  	v0 =	vld.idx.msk [tilespmem:v48+s4+$0x0], $0xffff;
	_ =	sdelay $0x3  }
0x389: {  	v49 =	vld [tilespmem:$0x188E0]  }
0x38a: {  	[tilespmem:$0x1BE50] =	vst v0  }
0x38b: {  	v0 =	vld.idx.msk [tilespmem:v48+s14+$0x0], $0xffff;
	_ =	sdelay $0x4  }
0x38c: {  	[tilespmem:$0x1C450] =	vst v0  }
0x38d: {  	v0 =	vld.idx.msk [tilespmem:v49+s4+$0x0], $0xffff;
	_ =	sdelay $0x3  }
0x38e: {  	v50 =	vld [tilespmem:$0x188F0]  }
0x38f: {  	[tilespmem:$0x1BE60] =	vst v0  }
0x390: {  	v0 =	vld.idx.msk [tilespmem:v49+s14+$0x0], $0xffff;
	_ =	sdelay $0x4  }
0x391: {  	[tilespmem:$0x1C460] =	vst v0  }
0x392: {  	v0 =	vld.idx.msk [tilespmem:v50+s4+$0x0], $0xffff;
	_ =	sdelay $0x3  }
0x393: {  	v51 =	vld [tilespmem:$0x18900]  }
0x394: {  	[tilespmem:$0x1BE70] =	vst v0  }
0x395: {  	v0 =	vld.idx.msk [tilespmem:v50+s14+$0x0], $0xffff;
	_ =	sdelay $0x4  }
0x396: {  	[tilespmem:$0x1C470] =	vst v0  }
0x397: {  	v0 =	vld.idx.msk [tilespmem:v51+s4+$0x0], $0xffff;
	_ =	sdelay $0x3  }
0x398: {  	v52 =	vld [tilespmem:$0x18910]  }
0x399: {  	[tilespmem:$0x1BE80] =	vst v0  }
0x39a: {  	v0 =	vld.idx.msk [tilespmem:v51+s14+$0x0], $0xffff;
	_ =	sdelay $0x4  }
0x39b: {  	[tilespmem:$0x1C480] =	vst v0  }
0x39c: {  	v0 =	vld.idx.msk [tilespmem:v52+s4+$0x0], $0xffff;
	_ =	sdelay $0x3  }
0x39d: {  	v53 =	vld [tilespmem:$0x18920]  }
0x39e: {  	[tilespmem:$0x1BE90] =	vst v0  }
0x39f: {  	v0 =	vld.idx.msk [tilespmem:v52+s14+$0x0], $0xffff;
	_ =	sdelay $0x4  }
0x3a0: {  	[tilespmem:$0x1C490] =	vst v0  }
0x3a1: {  	v0 =	vld.idx.msk [tilespmem:v53+s4+$0x0], $0xffff;
	_ =	sdelay $0x3  }
0x3a2: {  	v54 =	vld [tilespmem:$0x18930]  }
0x3a3: {  	[tilespmem:$0x1BEA0] =	vst v0  }
0x3a4: {  	v0 =	vld.idx.msk [tilespmem:v53+s14+$0x0], $0xffff;
	_ =	sdelay $0x4  }
0x3a5: {  	[tilespmem:$0x1C4A0] =	vst v0  }
0x3a6: {  	v0 =	vld.idx.msk [tilespmem:v54+s4+$0x0], $0xffff;
	_ =	sdelay $0x3  }
0x3a7: {  	v55 =	vld [tilespmem:$0x18940]  }
0x3a8: {  	[tilespmem:$0x1BEB0] =	vst v0  }
0x3a9: {  	v0 =	vld.idx.msk [tilespmem:v54+s14+$0x0], $0xffff;
	_ =	sdelay $0x4  }
0x3aa: {  	[tilespmem:$0x1C4B0] =	vst v0  }
0x3ab: {  	v0 =	vld.idx.msk [tilespmem:v55+s4+$0x0], $0xffff;
	_ =	sdelay $0x3  }
0x3ac: {  	v56 =	vld [tilespmem:$0x18950]  }
0x3ad: {  	[tilespmem:$0x1BEC0] =	vst v0  }
0x3ae: {  	v0 =	vld.idx.msk [tilespmem:v55+s14+$0x0], $0xffff;
	_ =	sdelay $0x4  }
0x3af: {  	[tilespmem:$0x1C4C0] =	vst v0  }
0x3b0: {  	v0 =	vld.idx.msk [tilespmem:v56+s4+$0x0], $0xffff;
	_ =	sdelay $0x3  }
0x3b1: {  	v57 =	vld [tilespmem:$0x18960]  }
0x3b2: {  	[tilespmem:$0x1BED0] =	vst v0  }
0x3b3: {  	v0 =	vld.idx.msk [tilespmem:v56+s14+$0x0], $0xffff;
	_ =	sdelay $0x4  }
0x3b4: {  	[tilespmem:$0x1C4D0] =	vst v0  }
0x3b5: {  	v0 =	vld.idx.msk [tilespmem:v57+s4+$0x0], $0xffff;
	_ =	sdelay $0x3  }
0x3b6: {  	v58 =	vld [tilespmem:$0x18970]  }
0x3b7: {  	[tilespmem:$0x1BEE0] =	vst v0  }
0x3b8: {  	v0 =	vld.idx.msk [tilespmem:v57+s14+$0x0], $0xffff;
	_ =	sdelay $0x4  }
0x3b9: {  	[tilespmem:$0x1C4E0] =	vst v0  }
0x3ba: {  	v0 =	vld.idx.msk [tilespmem:v58+s4+$0x0], $0xffff;
	_ =	sdelay $0x3  }
0x3bb: {  	v59 =	vld [tilespmem:$0x18980]  }
0x3bc: {  	[tilespmem:$0x1BEF0] =	vst v0  }
0x3bd: {  	v0 =	vld.idx.msk [tilespmem:v58+s14+$0x0], $0xffff;
	_ =	sdelay $0x4  }
0x3be: {  	[tilespmem:$0x1C4F0] =	vst v0  }
0x3bf: {  	v0 =	vld.idx.msk [tilespmem:v59+s4+$0x0], $0xffff;
	_ =	sdelay $0x3  }
0x3c0: {  	v60 =	vld [tilespmem:$0x18990]  }
0x3c1: {  	[tilespmem:$0x1BF00] =	vst v0  }
0x3c2: {  	v0 =	vld.idx.msk [tilespmem:v59+s14+$0x0], $0xffff;
	_ =	sdelay $0x4  }
0x3c3: {  	[tilespmem:$0x1C500] =	vst v0  }
0x3c4: {  	v0 =	vld.idx.msk [tilespmem:v60+s4+$0x0], $0xffff;
	_ =	sdelay $0x3  }
0x3c5: {  	v61 =	vld [tilespmem:$0x189A0]  }
0x3c6: {  	[tilespmem:$0x1BF10] =	vst v0  }
0x3c7: {  	v0 =	vld.idx.msk [tilespmem:v60+s14+$0x0], $0xffff;
	_ =	sdelay $0x4  }
0x3c8: {  	[tilespmem:$0x1C510] =	vst v0  }
0x3c9: {  	v0 =	vld.idx.msk [tilespmem:v61+s4+$0x0], $0xffff;
	_ =	sdelay $0x3  }
0x3ca: {  	v62 =	vld [tilespmem:$0x189B0]  }
0x3cb: {  	[tilespmem:$0x1BF20] =	vst v0  }
0x3cc: {  	v0 =	vld.idx.msk [tilespmem:v61+s14+$0x0], $0xffff;
	_ =	sdelay $0x4  }
0x3cd: {  	[tilespmem:$0x1C520] =	vst v0  }
0x3ce: {  	v0 =	vld.idx.msk [tilespmem:v62+s4+$0x0], $0xffff;
	_ =	sdelay $0x3  }
0x3cf: {  	v63 =	vld [tilespmem:$0x189C0]  }
0x3d0: {  	[tilespmem:$0x1BF30] =	vst v0  }
0x3d1: {  	v0 =	vld.idx.msk [tilespmem:v62+s14+$0x0], $0xffff;
	_ =	sdelay $0x4  }
0x3d2: {  	[tilespmem:$0x1C530] =	vst v0  }
0x3d3: {  	v0 =	vld.idx.msk [tilespmem:v63+s4+$0x0], $0xffff;
	_ =	sdelay $0x4  }
0x3d4: {  	[tilespmem:$0x1BF40] =	vst v0  }
0x3d5: {  	v0 =	vld.idx.msk [tilespmem:v63+s14+$0x0], $0xffff;
	_ =	sdelay $0x4  }
0x3d6: {  	[tilespmem:$0x1C540] =	vst v0  }
0x3d7: {  	[hbm4b:s9+s4] =	stream.linear.scatter [tilespmem:s17], [sflag:$0x2], $0x2D0, $0x38;
	[tilespmem:$0x1C880] =	vst v63  }
0x3d8: {  	_ = 	snop  }
0x3d9: {  	[hbm4b:s10+s4] =	stream.linear.scatter [tilespmem:s18], [sflag:$0x2], $0x2D0, $0x38;
	[tilespmem:$0x1C880] =	vst v63  }
0x3da: {  	_ =	swait.ge [sflag:s21], $0x2D0  }
.Ltmp4:
0x3db: {  	[sflag:s21] =	ssyncset.done $0x0;
	(pc) =	sbr.rel .LBB2_5-.Ltmp4, $4  }
0x3dc: {  	[sflag:s21] =	ssyncadd.s32 $0xFFFFFD30  }
0x3dd: {  	_ =	swait.ge [sflag:s21], $0x2D0  }
0x3de: {  	[sflag:s21] =	ssyncset.done $0x0  }
0x3df: {  	[sflag:s21] =	ssyncadd.s32 $0xFFFFFD30  }
.LBB2_6:
0x3e0: {  	_ =	sfence.sel $0x180000  }
0x3e1: {  	[bflag:$0x0] =	sbarrier.arrive $0xFFFF  }
0x3e2: {  	p0 =	sne.s32 s0, $0x0;
	_ =	strace $0x90000047  }
0x3e3: {  	s0 =	sadd.s32 @!p0 $0x100000, s2;
	[bflag:$0x2] =	sbarrier.arrive $0xFFFF  }
0x3e4: {  	[sflag:s0] =	ssyncadd.tile.s32 @!p0 $0x1;
	_ =	shalt  }
.Lfunc_end2:
_tile_overlayer_lowered:
.L_overlay_start_2:
0x3e5: {  	(tag) =	ssettag $0x2  }
0x3e6: {  	s0 =	rddreg [dreg:$0x0];
	s2 =	stileid.u32  }
0x3e7: {  	s1 =	rddreg [dreg:$0x1];
	p0 =	sne.s32 s2, $0x0  }
0x3e8: {  	s3 =	rddreg [dreg:$0x2];
	[bflag:$0x3] =	sbarrier.arrive $0xFFFF;
	s2 =	simm.s32 @!p0 $0x1C04  }
0x3e9: {  	[timem:s3], [sflag:s2] =	dma.local @!p0 [hbm:s0], s1  }
0x3ea: {  	s0 =	simm.s32 @!p0 $0x4  }
0x3eb: {  	_ =	swait.ge @!p0 [sflag:s0], s1  }
0x3ec: {  	s1 =	ssub.s32 @!p0 $0x0, s1;
	[sflag:s0] =	ssyncset.done @!p0 $0x0  }
0x3ed: {  	[sflag:s0] =	ssyncadd.s32 @!p0 s1  }
0x3ee: {  	[bflag:$0x3] =	sbarrier.arrive $0xFFFF  }
0x3ef: {  	_ =	shalt  }

// kernel: kernel.8.cloned.1.call-start
scs
__scs_entry_jumppad:
0x0: {  	(pc) =	sbr.rel $0x88, $3  }
0x1: {  	(tag) =	ssettag $0x0;
	lr =	simm.s32 $0x1  }
0x2: {  	[smem:$0x3F9D] =	sst lr;
	_ =	strace $0xD0000000  }
0x3: {  	_ = 	snop  }
0x4: {  	_ = 	snop  }
0x5: {  	_ = 	snop  }
0x6: {  	_ = 	snop  }
0x7: {  	_ = 	snop  }
__scs_overlays_trampoline_lowered:
0x8: {  	[smem:$0x3FAC] =	sst s0  }
0x9: {  	[smem:$0x3FAD] =	sst s1  }
0xa: {  	[smem:$0x3FAE] =	sst s2  }
0xb: {  	[smem:$0x3FAF] =	sst s3  }
0xc: {  	[smem:$0x3FB0] =	sst s4  }
0xd: {  	[smem:$0x3FB1] =	sst s5  }
0xe: {  	[smem:$0x3FB2] =	sst s6  }
0xf: {  	[smem:$0x3FB3] =	sst s7  }
0x10: {  	[smem:$0x3FB4] =	sst s8  }
0x11: {  	[smem:$0x3FB5] =	sst s9;
	s0 =	simm.s32 @!p0 $0x0  }
0x12: {  	s1 =	sld [smem:$0x3F9B];
	s0 =	simm.s32 @p0 $0x1  }
0x13: {  	[smem:$0x3FB6] =	sst s0;
	s0 =	simm.s32 @!p1 $0x0  }
0x14: {  	s2 =	sld [smem:$0x3F9A];
	s0 =	simm.s32 @p1 $0x1  }
0x15: {  	[smem:$0x3FB7] =	sst s0;
	s0 =	simm.s32 @!p2 $0x0  }
0x16: {  	s3 =	sld [smem:$0x3FDB];
	s0 =	simm.s32 @p2 $0x1  }
0x17: {  	s4 =	simm.s32 $0x1BF5;
	[smem:$0x3FB9] =	sst s0  }
0x18: {  	s0 =	sld [smem:$0x3F9C];
	_ =	swait.ge [sflag:s4], $0x0  }
0x19: {  	s7 =	sld [smem:$0x3F9D]  }
0x1a: {  	s8 =	sadd.s32 $0xFFFFE003, lr  }
0x1b: {  	s9 =	sadd.s32 $0xFFFFFEF7, lr;
	s5 =	simm.s32 $0xFFFFFFFF;
	p2 =	slt.u32 s8, $0xFFFFF086  }
0x1c: {  	p1 =	slt.u32 s9, $0xF7A;
	s5 =	simm.s32 @!p2 $0x0  }
0x1d: {  	s5 =	simm.s32 @p1 $0x1;
	p0 =	seq.s32 s7, s2  }
0x1e: {  	s7 =	smul.u32 @!p0 $0xF7A, s2;
	p2 =	seq.s32 @!p0 s5, $0x0  }
0x1f: {  	s9 =	smul.u32 $0xF7A, s1;
	s8 =	simm.s32 @!p0 $0x1BF5;
	p2 =	por !p2, p0  }
0x20: {  	[sflag:s8] =	ssyncset.s32 @!p0 $0xFFFFF086;
	s6 =	sadd.s32 @!p0 s3, s7;
	s7 =	simm.s32 @!p0 $0x108  }
0x21: {  	s3 =	sadd.s32 s3, s9;
	s6 =	sadd.s32 @!p0 $0x88, s6;
	s7 =	simm.s32 @p2 $0x1082  }
0x22: {  	[simem:s7], [sflag:s8] =	dma.local @!p0 [hbm:s6], $0xF7A  }
0x23: {  	s9 =	sor.u32 $0xD0000000, s2;
	s6 =	simm.s32 $0x108;
	_ =	swait.ge @!p0 [sflag:s8], $0x0  }
0x24: {  	s3 =	sadd.s32 $0x88, s3;
	s6 =	simm.s32 @!p1 $0x1082;
	[sflag:s4] =	ssyncset.s32 $0xFFFFF086  }
0x25: {  	[simem:s6], [sflag:s4] =	dma.local [hbm:s3], $0xF7A  }
0x26: {  	[smem:$0x3F9D] =	sst s1;
	(tag) =	ssettag s2;
	_ =	strace s9  }
0x27: {  	s1 =	sld [smem:$0x3FAD]  }
0x28: {  	s2 =	sld [smem:$0x3FAE]  }
0x29: {  	s4 =	sld [smem:$0x3FB0]  }
0x2a: {  	p0 =	seq.s32 s5, $0x0;
	s5 =	sld [smem:$0x3FB1]  }
0x2b: {  	s6 =	sld [smem:$0x3FB2]  }
0x2c: {  	s7 =	sld [smem:$0x3FB3]  }
0x2d: {  	s3 =	simm.s32 $0x108;
	s8 =	sld [smem:$0x3FB4]  }
0x2e: {  	s3 =	simm.s32 @!p0 $0x1082;
	s9 =	sld [smem:$0x3FB5]  }
0x2f: {  	lr =	sadd.s32 s0, s3;
	s0 =	sld [smem:$0x3FAC]  }
0x30: {  	s3 =	sld [smem:$0x3FAF]  }
0x31: {  	[smem:$0x3FB8] =	sst s10  }
0x32: {  	s10 =	sld [smem:$0x3FB6];
	_ =	sdelay $0x3  }
0x33: {  	p0 =	seq.s32 s10, $0x1;
	s10 =	sld [smem:$0x3FB8];
	_ =	sdelay $0x3  }
0x34: {  	[smem:$0x3FB8] =	sst s10  }
0x35: {  	s10 =	sld [smem:$0x3FB7];
	_ =	sdelay $0x3  }
0x36: {  	p1 =	seq.s32 s10, $0x1;
	s10 =	sld [smem:$0x3FB8];
	_ =	sdelay $0x3  }
0x37: {  	[smem:$0x3FB8] =	sst s10  }
0x38: {  	s10 =	sld [smem:$0x3FB9]  }
0x39: {  	_ = 	snop;
	(pc) =	sbr.ind lr, $3  }
0x3a: {  	_ = 	snop  }
0x3b: {  	_ = 	snop  }
0x3c: {  	p2 =	seq.s32 s10, $0x1;
	s10 =	sld [smem:$0x3FB8]  }
0x3d: {  	_ =	shalt  }
0x3e: {  	_ =	shalt  }
0x3f: {  	_ =	shalt  }
0x40: {  	_ =	shalt  }
0x41: {  	_ =	shalt  }
0x42: {  	_ =	shalt  }
0x43: {  	_ =	shalt  }
0x44: {  	_ =	shalt  }
0x45: {  	_ =	shalt  }
0x46: {  	_ =	shalt  }
0x47: {  	_ =	shalt  }
0x48: {  	_ =	shalt  }
0x49: {  	_ =	shalt  }
0x4a: {  	_ =	shalt  }
0x4b: {  	_ =	shalt  }
0x4c: {  	_ =	shalt  }
0x4d: {  	_ =	shalt  }
0x4e: {  	_ =	shalt  }
0x4f: {  	_ =	shalt  }
0x50: {  	_ =	shalt  }
0x51: {  	_ =	shalt  }
0x52: {  	_ =	shalt  }
0x53: {  	_ =	shalt  }
0x54: {  	_ =	shalt  }
0x55: {  	_ =	shalt  }
0x56: {  	_ =	shalt  }
0x57: {  	_ =	shalt  }
0x58: {  	_ =	shalt  }
0x59: {  	_ =	shalt  }
0x5a: {  	_ =	shalt  }
0x5b: {  	_ =	shalt  }
0x5c: {  	_ =	shalt  }
0x5d: {  	_ =	shalt  }
0x5e: {  	_ =	shalt  }
0x5f: {  	_ =	shalt  }
0x60: {  	_ =	shalt  }
0x61: {  	_ =	shalt  }
0x62: {  	_ =	shalt  }
0x63: {  	_ =	shalt  }
0x64: {  	_ =	shalt  }
0x65: {  	_ =	shalt  }
0x66: {  	_ =	shalt  }
0x67: {  	_ =	shalt  }
0x68: {  	_ =	shalt  }
0x69: {  	_ =	shalt  }
0x6a: {  	_ =	shalt  }
0x6b: {  	_ =	shalt  }
0x6c: {  	_ =	shalt  }
0x6d: {  	_ =	shalt  }
0x6e: {  	_ =	shalt  }
0x6f: {  	_ =	shalt  }
0x70: {  	_ =	shalt  }
0x71: {  	_ =	shalt  }
0x72: {  	_ =	shalt  }
0x73: {  	_ =	shalt  }
0x74: {  	_ =	shalt  }
0x75: {  	_ =	shalt  }
0x76: {  	_ =	shalt  }
0x77: {  	_ =	shalt  }
0x78: {  	_ =	shalt  }
0x79: {  	_ =	shalt  }
0x7a: {  	_ =	shalt  }
0x7b: {  	_ =	shalt  }
0x7c: {  	_ =	shalt  }
0x7d: {  	_ =	shalt  }
0x7e: {  	_ =	shalt  }
0x7f: {  	_ =	shalt  }
0x80: {  	_ =	shalt  }
0x81: {  	_ =	shalt  }
0x82: {  	_ =	shalt  }
0x83: {  	_ =	shalt  }
0x84: {  	_ =	shalt  }
0x85: {  	_ =	shalt  }
0x86: {  	_ =	shalt  }
0x87: {  	_ =	shalt  }
.Lfunc_end0:
.L_simem_size_0:
called_computation.1_lowered:
.L_overlay_start_0:
0x88: {  	s2 =	sld [smem:$0x3FD9]  }
0x89: {  	s3 =	sld [smem:$0x3FFE];
	_ =	sdelay $0x1  }
0x8a: {  	s1 =	srdreg.scid  }
0x8b: {  	s0 =	sand.u32 $0x1, s1  }
0x8c: {  	s15 =	sshll.u32 s0, $0xA;
	s2 =	sadd.s32 s3, s2  }
0x8d: {  	s2 =	sadd.s32 s2, s15  }
0x8e: {  	[smem:$0x3FC4] =	sst s2  }
0x8f: {  	_ = 	snop  }
0x90: {  	s16 =	sld [smem:$0x3FD0];
	_ =	sdelay $0x2  }
0x91: {  	s4 =	simm.s32 $0xB;
	s5 =	simm.s32 $0x10;
	s2 =	sld [smem:$0x3FC9]  }
0x92: {  	[smem:s5], [sflag:s4] =	dma.local [hbm:s16], $0x1  }
0x93: {  	_ =	swait.eq [sflag:s4], $0x1  }
0x94: {  	[sflag:s4] =	ssyncset.done $0x0  }
0x95: {  	[sflag:s4] =	ssyncadd.s32 $0xFFFFFFFF  }
0x96: {  	s17 =	sld [smem:$0x10];
	(tm) =	ssettm $0x1  }
0x97: {  	s18 =	sld [smem:$0x3FFB];
	_ =	sdelay $0x3  }
0x98: {  	_ =	strace s18  }
0x99: {  	s3 =	sld [smem:$0x3FFC];
	_ =	sdelay $0x3  }
0x9a: {  	_ =	strace s3  }
0x9b: {  	s3 =	sld [smem:$0x3FFD];
	_ =	sdelay $0x3  }
0x9c: {  	_ =	strace s3  }
0x9d: {  	_ =	strace $0x8FFFFFFF  }
0x9e: {  	s19 =	sld [smem:$0x3FDB];
	_ =	sdelay $0x1  }
0x9f: {  	s20 =	simm.s32 $_scs_section_size  }
0xa0: {  	s6 =	simm.s32 $_size__tile_overlayer_lowered;
	s7 =	simm.s32 $_tile_overlayer_lowered  }
0xa1: {  	s8 =	simm.s32 $0x1BFF;
	s21 =	sshll.u32 s7, $0x1;
	s5 =	sadd.s32 s20, s19  }
0xa2: {  	s22 =	simm.s32 $0x0;
	s6 =	sshll.u32 s6, $0x1;
	s7 =	sadd.s32 s21, s5  }
0xa3: {  	[timem:s22], [sflag:s8] =	dma.local [hbm:s7], s6  }
0xa4: {  	_ =	swait.ge [sflag:s8], s6  }
0xa5: {  	s6 =	ssub.s32 $0x0, s6;
	[sflag:s8] =	ssyncset.done $0x0  }
0xa6: {  	[sflag:s8] =	ssyncadd.s32 s6;
	_ =	sdelay $0x1  }
0xa7: {  	s23 =	simm.s32 $0x1B8B  }
0xa8: {  	_ =	swait.ge [sflag:s23], $0x1  }
0xa9: {  	[sflag:s23] =	ssyncset.done $0x0  }
0xaa: {  	[sflag:s23] =	ssyncadd.s32 $0xFFFFFFFF  }
0xab: {  	s6 =	sld [smem:$0x0]  }
0xac: {  	s7 =	sand.u32 $0xFFFFFFFE, s1  }
0xad: {  	p0 =	sne.s32 s1, s7  }
0xae: {  	s7 =	sshll.u32 @p0 s7, $0xE  }
0xaf: {  	s7 =	sadd.s32 @p0 $0x11B8D, s7;
	s8 =	sshll.u32 @p0 s6, $0x11  }
0xb0: {  	s7 =	sor.u32 @p0 s8, s7  }
0xb1: {  	[sflag:s7] =	ssyncadd.remote.s32 @p0 $0x1;
	_ =	sdelay $0x1  }
0xb2: {  	s7 =	simm.s32 @p0 $0x1B8D  }
0xb3: {  	_ =	swait.eq @p0 [sflag:s7], $0x1  }
0xb4: {  	[sflag:s7] =	ssyncadd.s32 @p0 $0xFFFFFFFF  }
0xb5: {  	s8 =	sshll.u32 @!p0 s1, $0xE  }
0xb6: {  	s8 =	sor.u32 @!p0 $0x4000, s8;
	s7 =	simm.s32 @!p0 $0x1B8D  }
0xb7: {  	s6 =	sshll.u32 @!p0 s6, $0x11;
	s8 =	sadd.s32 @!p0 $0x11B8D, s8;
	_ =	swait.eq @!p0 [sflag:s7], $0x1  }
0xb8: {  	s6 =	sor.u32 @!p0 s6, s8;
	[sflag:s7] =	ssyncadd.s32 @!p0 $0xFFFFFFFF  }
0xb9: {  	s25 =	simm.s32 $0x1B8E;
	s24 =	sld [smem:$0x3FFE];
	[sflag:s6] =	ssyncadd.remote.s32 @!p0 $0x1  }
0xba: {  	s26 =	simm.s32 $execute0_lowered;
	[smem:$0x3FD2] =	sst s25  }
0xbb: {  	s7 =	sshll.u32 s26, $0x1;
	_ =	strace $0x80000049;
	[dreg:$0x1] =	wrdreg $0xFFFFFFFF  }
0xbc: {  	s28 =	simm.s32 $_size_execute0_lowered;
	s5 =	sadd.s32 s5, s7;
	[dreg:$0x0] =	wrdreg $0x0  }
0xbd: {  	s7 =	sshll.u32 s28, $0x1;
	[dreg:$0x2] =	wrdreg s5  }
0xbe: {  	[dreg:$0x3] =	wrdreg s7  }
0xbf: {  	[dreg:$0x4] =	wrdreg $0xC0  }
0xc0: {  	_ =	task [dreg:s22], $0x5FFFF  }
0xc1: {  	[dreg:$0x1] =	wrdreg $0xFFFFFFFF  }
0xc2: {  	[dreg:$0x0] =	wrdreg $0x60  }
0xc3: {  	[dreg:$0x2] =	wrdreg s2  }
0xc4: {  	[dreg:$0x3] =	wrdreg s24  }
0xc5: {  	[dreg:$0x4] =	wrdreg s17  }
0xc6: {  	[dreg:$0x5] =	wrdreg $0xA  }
0xc7: {  	_ =	task.clear_ibuf [dreg:s22], $0x6FFFF;
	_ =	strace $0x90000049  }
0xc8: {  	s29 =	simm.s32 $0xA;
	_ =	strace $0x8000004B  }
0xc9: {  	_ =	swait.ge [sflag:s29], $0x1  }
0xca: {  	[sflag:s29] =	ssyncadd.s32 $0xFFFFFFFF  }
0xcb: {  	_ =	strace $0x9000004B  }
0xcc: {  	_ =	sfence  }
0xcd: {  	s30 =	sld [smem:$0x0];
	_ =	sdelay $0x2  }
0xce: {  	s31 =	sshll.u32 s1, $0xD;
	s1 =	sshrl.u32 s1, $0x2  }
0xcf: {  	s4 =	sand.u32 $0x4000, s31;
	s1 =	sadd.s32 s1, s30  }
0xd0: {  	s0 =	sor.u32 s4, s0;
	s1 =	sshll.u32 s1, $0x11  }
0xd1: {  	s0 =	sor.u32 s1, s0  }
0xd2: {  	s0 =	sadd.s32 $0x8F2B, s0  }
0xd3: {  	[sflag:s0] =	ssyncadd.remote.s32 $0x1  }
0xd4: {  	_ =	sfence.sel $0xFFFF  }
0xd5: {  	[dreg:$0x0] =	wrdreg $0xFFFFFFFF;
	(pc) =	sbr.abs _section_cstart, $3  }
0xd6: {  	[dreg:$0x1] =	wrdreg $0xFFFFFFFF  }
0xd7: {  	_ =	task.clear_ibuf [dreg:s22], $0x2FFFF;
	_ =	strace $0x9FFFFFFF  }
0xd8: {  	(tm) =	ssettm $0x7FFFFFFF  }
0xd9: {  	_ =	shalt  }
tec
execute0_lowered:
.L_overlay_start_1:
0x0: {  	(tag) =	ssettag $0x1  }
0x1: {  	s2 =	rddreg [dreg:$0x0]  }
0x2: {  	s1 =	srdreg.scid;
	s4 =	rddreg [dreg:$0x1]  }
0x3: {  	s0 =	stileid.u32;
	s9 =	rddreg [dreg:$0x2]  }
0x4: {  	s3 =	simm.s32 $0x0;
	s16 =	simm.s32 $0xAE80;
	s17 =	simm.s32 $0x168  }
0x5: {  	s18 =	simm.s32 $0xEA80;
	s19 =	simm.s32 $0x12680;
	s20 =	simm.s32 $0x16280  }
0x6: {  	s21 =	simm.s32 $0x2;
	s22 =	simm.s32 $0x5;
	s28 =	simm.s32 $0x0  }
0x7: {  	s6 =	sand.u32 $0x1, s1;
	s23 =	sshll.u32 s0, $0x1;
	[smem:$0x7FF] =	sst s3  }
0x8: {  	s12 =	sadd.s32 $0xC00, s4;
	s15 =	smul.u32 $0x6CC00, s0;
	s25 =	sor.u32 s6, s23  }
0x9: {  	_ =	strace $0x8000004A;
	s10 =	ssub.s32 $0x2, s6;
	s5 =	smul.u32 $0x3A, s25  }
0xa: {  	s30 =	smul.u32 $0x36600, s6;
	s23 =	simm.s32 $0x3;
	s7 =	smin.u32 s25, $0x13  }
0xb: {  	s24 =	sshrl.u32 s10, $0x1;
	s14 =	smul.u32 $0xF00, s7;
	s5 =	sadd.s32 s7, s5  }
0xc: {  	p0 =	sgt.u32 s25, $0x12;
	s25 =	simm.s32 $0x4;
	s8 =	smul.u32 $0x1E, s5  }
0xd: {  	s10 =	ssub.s32 s10, s24;
	s24 =	simm.s32 $0x6;
	s11 =	smul.u32 $0xF0, s5  }
0xe: {  	s7 =	smax.u32 s10, $0x1;
	s10 =	sadd.s32 s30, s15;
	s13 =	smul.u32 $0xF00, s5  }
.Ltmp0:
0xf: {  	s11 =	sadd.s32 $0x3660, s11;
	s4 =	sadd.s32 s12, s8;
	(pc) =	sbr.rel .LBB2_1-.Ltmp0, $4  }
0x10: {  	s31 =	sadd.s32 s9, s13;
	s13 =	simm.s32 $0x3680;
	s26 =	sshrl.u32 s11, $0x3  }
0x11: {  	s29 =	sshll.u32 s11, $0x4;
	s8 =	sadd.s32 $0x35700, s31;
	s11 =	simm.s32 $0x1  }
0x12: {  	s5 =	sadd.s32 s12, s26;
	s6 =	sadd.s32 s9, s29;
	s9 =	sadd.s32 s14, s9  }
0x13: {  	s12 =	simm.s32 $0x78;
	s14 =	simm.s32 $0x7280;
	s26 =	simm.s32 $0x7  }
.LBB2_7:
0x14: {  	_ =	swait.ge [sflag:s26], $0x7800  }
0x15: {  	s0 =	sshra.s32 s30, $0x2;
	[sflag:s26] =	ssyncset.done $0x0  }
0x16: {  	s1 =	sadd.s32 $0x1E0, s0;
	[sflag:s26] =	ssyncadd.s32 $0xFFFF8800  }
0x17: {  	[tilespmem:s19], [sflag:$0x4] =	stream.indirect.gather [hbm4b:s2+s12], $0x80, s1, s12, $0xb8;
	[tilespmem:$0x19E80] =	vst v63  }
0x18: {  	s15 =	sadd.s32 $0x258, s0  }
0x19: {  	[tilespmem:s20], [sflag:$0x4] =	stream.indirect.gather [hbm4b:s2+s12], $0x80, s15, s12, $0xb8;
	[tilespmem:$0x19E80] =	vst v63  }
0x1a: {  	_ =	swait.ge [sflag:s21], $0x3C00  }
0x1b: {  	[sflag:s21] =	ssyncset.done $0x0  }
0x1c: {  	[sflag:s21] =	ssyncadd.s32 $0xFFFFC400  }
0x1d: {  	_ =	swait.ge [sflag:s21], $0x3C00  }
0x1e: {  	[sflag:s21] =	ssyncset.done $0x0  }
0x1f: {  	s29 =	sadd.s32 s29, s9;
	[sflag:s21] =	ssyncadd.s32 $0xFFFFC400  }
0x20: {  	[hbm4b:s29+s3] =	stream.linear.scatter [tilespmem:s13], [sflag:$0x5], $0x7800, $0x38;
	[tilespmem:$0x19E80] =	vst v63  }
0x21: {  	_ =	swait.ge [sflag:s22], $0x7800  }
0x22: {  	[sflag:s22] =	ssyncset.done $0x0  }
0x23: {  	s15 =	sadd.s32 $0x2D0, s0;
	[sflag:s22] =	ssyncadd.s32 $0xFFFF8800  }
0x24: {  	[tilespmem:s13], [sflag:$0x2] =	stream.indirect.gather [hbm4b:s2+s12], $0x80, s15, s12, $0xb8;
	[tilespmem:$0x19E80] =	vst v63  }
0x25: {  	s0 =	sadd.s32 $0x348, s0  }
0x26: {  	[tilespmem:s14], [sflag:$0x2] =	stream.indirect.gather [hbm4b:s2+s12], $0x80, s0, s12, $0xb8;
	[tilespmem:$0x19E80] =	vst v63  }
0x27: {  	_ =	swait.ge [sflag:s23], $0x3C00  }
0x28: {  	[sflag:s23] =	ssyncset.done $0x0  }
0x29: {  	[sflag:s23] =	ssyncadd.s32 $0xFFFFC400  }
0x2a: {  	_ =	swait.ge [sflag:s23], $0x3C00  }
0x2b: {  	[sflag:s23] =	ssyncset.done $0x0  }
0x2c: {  	s30 =	sadd.s32 $0xF00, s29;
	[sflag:s23] =	ssyncadd.s32 $0xFFFFC400  }
0x2d: {  	[hbm4b:s30+s3] =	stream.linear.scatter [tilespmem:s16], [sflag:$0x6], $0x7800, $0x38;
	[tilespmem:$0x19E80] =	vst v63  }
0x2e: {  	_ =	swait.ge [sflag:s25], $0x3C00  }
0x2f: {  	[sflag:s25] =	ssyncset.done $0x0  }
0x30: {  	[sflag:s25] =	ssyncadd.s32 $0xFFFFC400  }
0x31: {  	_ =	swait.ge [sflag:s25], $0x3C00  }
0x32: {  	[sflag:s25] =	ssyncset.done $0x0  }
0x33: {  	s31 =	sadd.s32 $0x1E00, s29;
	[sflag:s25] =	ssyncadd.s32 $0xFFFFC400  }
0x34: {  	[hbm4b:s31+s3] =	stream.linear.scatter [tilespmem:s19], [sflag:$0x7], $0x7800, $0x38;
	[tilespmem:$0x19E80] =	vst v63  }
0x35: {  	_ =	swait.ge [sflag:s21], $0x3C00  }
0x36: {  	[sflag:s21] =	ssyncset.done $0x0  }
0x37: {  	[sflag:s21] =	ssyncadd.s32 $0xFFFFC400  }
0x38: {  	_ =	swait.ge [sflag:s21], $0x3C00  }
0x39: {  	[sflag:s21] =	ssyncset.done $0x0  }
0x3a: {  	[sflag:s21] =	ssyncadd.s32 $0xFFFFC400  }
0x3b: {  	[hbm4b:s8+s3] =	stream.linear.scatter [tilespmem:s13], [sflag:$0x5], $0x7800, $0x38;
	[tilespmem:$0x19E80] =	vst v63  }
0x3c: {  	_ =	swait.ge [sflag:s24], $0x7800  }
0x3d: {  	[sflag:s24] =	ssyncset.done $0x0  }
0x3e: {  	[sflag:s24] =	ssyncadd.s32 $0xFFFF8800  }
0x3f: {  	_ =	swait.ge [sflag:s26], $0x7800  }
0x40: {  	[sflag:s26] =	ssyncset.done $0x0  }
0x41: {  	[sflag:s26] =	ssyncadd.s32 $0xFFFF8800  }
0x42: {  	_ =	swait.ge [sflag:s22], $0x7800  }
0x43: {  	[sflag:s22] =	ssyncset.done $0x0  }
0x44: {  	s1 =	simm.s32 @!p0 $0x8;
	s0 =	simm.s32 @!p0 $0x0;
	[sflag:s22] =	ssyncadd.s32 $0xFFFF8800  }
0x45: {  	[tilespmem:s0], [sflag:$0x8] =	stream.linear.gather @!p0 [hbm4b:s5+s0], $0xF0, $0x38;
	[tilespmem:$0x19E80] =	vst v63  }
0x46: {  	_ =	swait.ge @!p0 [sflag:s1], $0xF0  }
0x47: {  	[sflag:s1] =	ssyncset.done @!p0 $0x0  }
0x48: {  	s15 =	simm.s32 @!p0 $0x3680;
	[sflag:s1] =	ssyncadd.s32 @!p0 $0xFFFFFF10;
	s1 =	simm.s32 @!p0 $0x78  }
0x49: {  	[tilespmem:s15], [sflag:$0x2] =	stream.indirect.gather @!p0 [hbm4b:s2+s1], $0x80, s0, s1, $0xb8;
	[tilespmem:$0x19E80] =	vst v63  }
0x4a: {  	s29 =	simm.s32 @!p0 $0x7280  }
0x4b: {  	[tilespmem:s29], [sflag:$0x2] =	stream.indirect.gather @!p0 [hbm4b:s2+s1], $0x80, s1, s1, $0xb8;
	[tilespmem:$0x19E80] =	vst v63  }
0x4c: {  	s1 =	simm.s32 @!p0 $0x2  }
0x4d: {  	_ =	swait.ge @!p0 [sflag:s1], $0x3C00  }
0x4e: {  	[sflag:s1] =	ssyncset.done @!p0 $0x0  }
0x4f: {  	[sflag:s1] =	ssyncadd.s32 @!p0 $0xFFFFC400  }
0x50: {  	_ =	swait.ge @!p0 [sflag:s1], $0x3C00  }
0x51: {  	s28 =	sadd.s32 $0x1, s28;
	[sflag:s1] =	ssyncset.done @!p0 $0x0  }
0x52: {  	p1 =	sne.s32 s28, s7;
	[sflag:s1] =	ssyncadd.s32 @!p0 $0xFFFFC400  }
0x53: {  	[hbm4b:s6+s0] =	stream.linear.scatter @!p0 [tilespmem:s15], [sflag:$0x5], $0x7800, $0x38;
	[tilespmem:$0x19E80] =	vst v63  }
.Ltmp1:
0x54: {  	_ = 	snop;
	(pc) =	sbr.rel @!p1 .LBB2_8-.Ltmp1, $4  }
0x55: {  	s0 =	simm.s32 @!p0 $0x5  }
0x56: {  	_ =	swait.ge @!p0 [sflag:s0], $0x7800  }
0x57: {  	[sflag:s0] =	ssyncset.done @!p0 $0x0  }
0x58: {  	[sflag:s0] =	ssyncadd.s32 @!p0 $0xFFFF8800  }
.LBB2_1:
0x59: {  	[tilespmem:s3], [sflag:$0x1] =	stream.linear.gather [hbm4b:s4+s3], $0x3660, $0x38;
	[tilespmem:$0x19E80] =	vst v63  }
0x5a: {  	_ =	swait.ge [sflag:s11], $0x3660  }
0x5b: {  	[sflag:s11] =	ssyncset.done $0x0  }
0x5c: {  	[sflag:s11] =	ssyncadd.s32 $0xFFFFC9A0  }
0x5d: {  	[tilespmem:s13], [sflag:$0x2] =	stream.indirect.gather [hbm4b:s2+s12], $0x80, s3, s12, $0xb8;
	[tilespmem:$0x19E80] =	vst v63  }
0x5e: {  	_ = 	snop  }
0x5f: {  	[tilespmem:s14], [sflag:$0x2] =	stream.indirect.gather [hbm4b:s2+s12], $0x80, s12, s12, $0xb8;
	[tilespmem:$0x19E80] =	vst v63  }
.Ltmp2:
0x60: {  	_ = 	snop;
	(pc) =	sbr.rel .LBB2_2-.Ltmp2, $4  }
0x61: {  	s0 =	simm.s32 $0xF0  }
0x62: {  	[tilespmem:s16], [sflag:$0x3] =	stream.indirect.gather [hbm4b:s2+s12], $0x80, s0, s12, $0xb8;
	[tilespmem:$0x19E80] =	vst v63  }
0x63: {  	s30 =	simm.s32 $0x0;
	s29 =	smov.u32 s10;
	s31 =	simm.s32 $0x0  }
0x64: {  	[tilespmem:s18], [sflag:$0x3] =	stream.indirect.gather [hbm4b:s2+s12], $0x80, s17, s12, $0xb8;
	[tilespmem:$0x19E80] =	vst v63  }
.LBB2_5:
0x65: {  	s1 =	sshra.s32 s30, $0x2  }
0x66: {  	s0 =	sadd.s32 $0x1E0, s1  }
0x67: {  	[tilespmem:s19], [sflag:$0x4] =	stream.indirect.gather [hbm4b:s2+s12], $0x80, s0, s12, $0xb8;
	[tilespmem:$0x19E80] =	vst v63  }
0x68: {  	s15 =	sadd.s32 $0x258, s1  }
0x69: {  	[tilespmem:s20], [sflag:$0x4] =	stream.indirect.gather [hbm4b:s2+s12], $0x80, s15, s12, $0xb8;
	[tilespmem:$0x19E80] =	vst v63  }
.LBB2_6:
0x6a: {  	_ =	swait.ge [sflag:s21], $0x3C00  }
0x6b: {  	[sflag:s21] =	ssyncset.done $0x0  }
0x6c: {  	[sflag:s21] =	ssyncadd.s32 $0xFFFFC400  }
0x6d: {  	_ =	swait.ge [sflag:s21], $0x3C00  }
0x6e: {  	[sflag:s21] =	ssyncset.done $0x0  }
0x6f: {  	s0 =	sadd.s32 s29, s9;
	[sflag:s21] =	ssyncadd.s32 $0xFFFFC400  }
0x70: {  	[hbm4b:s0+s3] =	stream.linear.scatter [tilespmem:s13], [sflag:$0x5], $0x7800, $0x38;
	[tilespmem:$0x19E80] =	vst v63  }
0x71: {  	_ =	swait.ge [sflag:s22], $0x7800  }
0x72: {  	s1 =	sshra.s32 s30, $0x2;
	[sflag:s22] =	ssyncset.done $0x0  }
0x73: {  	s15 =	sadd.s32 $0x2D0, s1;
	[sflag:s22] =	ssyncadd.s32 $0xFFFF8800  }
0x74: {  	[tilespmem:s13], [sflag:$0x2] =	stream.indirect.gather [hbm4b:s2+s12], $0x80, s15, s12, $0xb8;
	[tilespmem:$0x19E80] =	vst v63  }
0x75: {  	s15 =	sadd.s32 $0x348, s1  }
0x76: {  	[tilespmem:s14], [sflag:$0x2] =	stream.indirect.gather [hbm4b:s2+s12], $0x80, s15, s12, $0xb8;
	[tilespmem:$0x19E80] =	vst v63  }
0x77: {  	_ =	swait.ge [sflag:s23], $0x3C00  }
0x78: {  	[sflag:s23] =	ssyncset.done $0x0  }
0x79: {  	[sflag:s23] =	ssyncadd.s32 $0xFFFFC400  }
0x7a: {  	_ =	swait.ge [sflag:s23], $0x3C00  }
0x7b: {  	[sflag:s23] =	ssyncset.done $0x0  }
0x7c: {  	s15 =	sadd.s32 $0xF00, s0;
	[sflag:s23] =	ssyncadd.s32 $0xFFFFC400  }
0x7d: {  	[hbm4b:s15+s3] =	stream.linear.scatter [tilespmem:s16], [sflag:$0x6], $0x7800, $0x38;
	[tilespmem:$0x19E80] =	vst v63  }
0x7e: {  	_ =	swait.ge [sflag:s24], $0x7800  }
0x7f: {  	[sflag:s24] =	ssyncset.done $0x0  }
0x80: {  	s15 =	sadd.s32 $0x3C0, s1;
	[sflag:s24] =	ssyncadd.s32 $0xFFFF8800  }
0x81: {  	[tilespmem:s16], [sflag:$0x3] =	stream.indirect.gather [hbm4b:s2+s12], $0x80, s15, s12, $0xb8;
	[tilespmem:$0x19E80] =	vst v63  }
0x82: {  	s1 =	sadd.s32 $0x438, s1  }
0x83: {  	[tilespmem:s18], [sflag:$0x3] =	stream.indirect.gather [hbm4b:s2+s12], $0x80, s1, s12, $0xb8;
	[tilespmem:$0x19E80] =	vst v63  }
0x84: {  	s30 =	sadd.s32 $0xB40, s30;
	_ =	swait.ge [sflag:s25], $0x3C00  }
0x85: {  	p1 =	sne.s32 s30, $0xCA80;
	[sflag:s25] =	ssyncset.done $0x0  }
.Ltmp3:
0x86: {  	[sflag:s25] =	ssyncadd.s32 $0xFFFFC400;
	(pc) =	sbr.rel @!p1 .LBB2_7-.Ltmp3, $4  }
0x87: {  	_ =	swait.ge [sflag:s25], $0x3C00  }
0x88: {  	s31 =	sadd.s32 $0x1, s31;
	[sflag:s25] =	ssyncset.done $0x0  }
0x89: {  	s29 =	sadd.s32 $0x2D00, s29;
	s0 =	sadd.s32 $0x1E00, s0;
	[sflag:s25] =	ssyncadd.s32 $0xFFFFC400  }
0x8a: {  	[hbm4b:s0+s3] =	stream.linear.scatter [tilespmem:s19], [sflag:$0x7], $0x7800, $0x38;
	[tilespmem:$0x19E80] =	vst v63  }
.LBB2_2:
0x8b: {  	p1 =	seq.s32 s31, $0x0  }
.Ltmp4:
0x8c: {  	_ = 	snop;
	(pc) =	sbr.rel @p1 .LBB2_5-.Ltmp4, $1  }
0x8d: {  	_ =	sdelay $0x3  }
0x8e: {  	p1 =	seq.s32 s31, $0x13  }
.Ltmp5:
0x8f: {  	_ = 	snop;
	(pc) =	sbr.rel @p1 .LBB2_6-.Ltmp5, $1  }
0x90: {  	_ =	sdelay $0x3  }
.Ltmp6:
0x91: {  	(pc) =	sbr.rel .LBB2_5-.Ltmp6, $4  }
0x92: {  	_ = 	snop  }
0x93: {  	_ =	swait.ge [sflag:s26], $0x7800  }
0x94: {  	[sflag:s26] =	ssyncset.done $0x0  }
0x95: {  	[sflag:s26] =	ssyncadd.s32 $0xFFFF8800  }
.LBB2_8:
0x96: {  	_ =	sfence.sel $0x180000  }
0x97: {  	[bflag:$0x0] =	sbarrier.arrive $0xFFFF  }
0x98: {  	_ =	strace $0x9000004A  }
0x99: {  	s0 =	stileid.u32;
	[bflag:$0x2] =	sbarrier.arrive $0xFFFF  }
0x9a: {  	p0 =	sne.s32 s0, $0x0;
	s0 =	rddreg [dreg:$0x3]  }
0x9b: {  	s0 =	sadd.s32 @!p0 $0x100000, s0  }
0x9c: {  	[sflag:s0] =	ssyncadd.tile.s32 @!p0 $0x1;
	_ =	shalt  }
.Lfunc_end2:
_tile_overlayer_lowered:
.L_overlay_start_2:
0x9d: {  	(tag) =	ssettag $0x2  }
0x9e: {  	s0 =	rddreg [dreg:$0x0];
	s2 =	stileid.u32  }
0x9f: {  	s1 =	rddreg [dreg:$0x1];
	p0 =	sne.s32 s2, $0x0  }
0xa0: {  	s3 =	rddreg [dreg:$0x2];
	[bflag:$0x3] =	sbarrier.arrive $0xFFFF;
	s2 =	simm.s32 @!p0 $0x1C08  }
0xa1: {  	[timem:s3], [sflag:s2] =	dma.local @!p0 [hbm:s0], s1  }
0xa2: {  	s0 =	simm.s32 @!p0 $0x8  }
0xa3: {  	_ =	swait.ge @!p0 [sflag:s0], s1  }
0xa4: {  	s1 =	ssub.s32 @!p0 $0x0, s1;
	[sflag:s0] =	ssyncset.done @!p0 $0x0  }
0xa5: {  	[sflag:s0] =	ssyncadd.s32 @!p0 s1  }
0xa6: {  	[bflag:$0x3] =	sbarrier.arrive $0xFFFF  }
0xa7: {  	_ =	shalt  }

</sc_bundles>
